<compile_context>
chip_gen: v7x
topology: tpu7x:2x2x1
jax: 0.10.2.dev20260603
libtpu: 0.0.44.dev20260713+nightly
codegen_flags: <defaults>
</compile_context>

<pallas_src>
import jax
import jax.numpy as jnp
from jax import lax
from jax.experimental import pallas as pl
from jax.experimental.pallas import tpu as pltpu
from jax.experimental.pallas import tpu_sc as plsc

N = 50000
IN_F = 128
OUT_F = 128
K = 7

NC = 2
NS = 16
NW = NC * NS
L = 16

G = 32
CH = 50
RPW = G * CH
GR = K * G
NV = GR // L
Q = 2
GQ = GR // Q
RU = 4

TB = 2000


def _tc_matmul_body(x_ref, wr_ref, y_ref):
    xb = x_ref[...]
    for k in range(K):
        y_ref[k] = lax.dot_general(
            xb, wr_ref[k],
            (((1,), (0,)), ((), ())),
            preferred_element_type=jnp.float32,
        )


def _tc_matmul(x, wr3):
    return pl.pallas_call(
        _tc_matmul_body,
        grid=(N // TB,),
        in_specs=[
            pl.BlockSpec((TB, IN_F), lambda i: (i, 0)),
            pl.BlockSpec((K, IN_F, OUT_F), lambda i: (0, 0, 0)),
        ],
        out_specs=pl.BlockSpec((K, TB, OUT_F), lambda i: (0, i, 0)),
        out_shape=jax.ShapeDtypeStruct((K, N, OUT_F), jnp.float32),
    )(x, wr3)


def _sc_body(y_hbm, nb_hbm, b_hbm, out_hbm, idxbuf, fidxbuf, gbuf, obuf, bbuf, sem):
    c = lax.axis_index("c")
    s = lax.axis_index("s")
    wid = s * NC + c
    base_row = lax.min(wid * RPW, N - RPW)

    pltpu.sync_copy(nb_hbm.at[pl.ds(base_row * K, K * RPW)], idxbuf)
    pltpu.sync_copy(b_hbm, bbuf)
    bvecs = [bbuf[pl.ds(cc * L, L)] for cc in range(OUT_F // L)]

    def fire(ch, par):
        for v in range(NV):
            lane = lax.iota(jnp.int32, L) + (v * L)
            pat = lax.rem(lane, K)
            nbv = idxbuf[pl.ds(ch * GR + v * L, L)]
            fidxbuf[par, v // K, pl.ds((v % K) * L, L)] = nbv + pat * N
        for q in range(Q):
            pltpu.make_async_copy(
                y_hbm.at[fidxbuf.at[par, q]],
                gbuf.at[pl.ds(par * GR + q * GQ, GQ)],
                sem,
            ).start()

    def drain(par):
        for q in range(Q):
            pltpu.make_async_copy(
                y_hbm.at[fidxbuf.at[par, q]],
                gbuf.at[pl.ds(par * GR + q * GQ, GQ)],
                sem,
            ).wait()

    def sum_chunk(ch, par):
        gb = par * GR

        def row_body(rr, carry2):
            for u in range(RU):
                g = gb + (rr * RU + u) * K
                r = rr * RU + u
                for cc in range(OUT_F // L):
                    v = [gbuf[g + t, pl.ds(cc * L, L)] for t in range(K)]
                    s01 = v[0] + v[1]
                    s23 = v[2] + v[3]
                    s45 = v[4] + v[5]
                    s6b = v[6] + bvecs[cc]
                    obuf[r, pl.ds(cc * L, L)] = (s01 + s23) + (s45 + s6b)
            return carry2

        lax.fori_loop(0, G // RU, row_body, 0)
        pltpu.sync_copy(obuf, out_hbm.at[pl.ds(base_row + ch * G, G)])

    fire(0, 0)

    def pair_body(h, carry):
        ch0 = 2 * h
        ch1 = ch0 + 1
        fire(ch1, 1)
        drain(0)
        sum_chunk(ch0, 0)

        @pl.when(ch1 + 1 < CH)
        def _():
            fire(ch1 + 1, 0)

        drain(1)
        sum_chunk(ch1, 1)
        return carry

    lax.fori_loop(0, CH // 2, pair_body, 0)


def _sc_gather_sum(yf, nb_pad, b):
    mesh = plsc.VectorSubcoreMesh(
        core_axis_name="c", subcore_axis_name="s", num_cores=NC, num_subcores=NS
    )
    return pl.kernel(
        _sc_body,
        out_type=jax.ShapeDtypeStruct((N, OUT_F), jnp.float32),
        mesh=mesh,
        scratch_types=[
            pltpu.VMEM((K * RPW,), jnp.int32),
            pltpu.VMEM((2, Q, GQ), jnp.int32),
            pltpu.VMEM((2 * GR, OUT_F), jnp.float32),
            pltpu.VMEM((G, OUT_F), jnp.float32),
            pltpu.VMEM((OUT_F,), jnp.float32),
            pltpu.SemaphoreType.DMA,
        ],
    )(yf, nb_pad, b)


def kernel(x, neigh_orders, W, b):
    wr3 = W.reshape(OUT_F, K, IN_F).transpose(1, 2, 0)
    y3 = _tc_matmul(x, wr3)
    yf = y3.reshape(K * N, OUT_F)
    nb = neigh_orders.astype(jnp.int32)
    return _sc_gather_sum(yf, nb, b)

# --- scband reference (transcript-rebuilt; emitter-appended) ---
"""Pipeline reference for scband-onering-conv-layer-17557826306182 (READ-ONLY COPY).

The authoritative reference and input builder live on the scoring server;
editing this copy changes nothing except your own understanding.
"""

import jax, jax.numpy as jnp
import numpy as np

N = 50000
IN_F = 128
OUT_F = 128

def setup_inputs(seed: int = 0):
    key = jax.random.key(seed)
    k1, k2, k3 = jax.random.split(key, 3)
    x = jax.random.normal(k1, (N, IN_F), dtype=jnp.float32)
    neigh_orders = jax.random.randint(k2, (7 * N,), 0, N)
    W = jax.random.normal(k3, (OUT_F, 7 * IN_F), dtype=jnp.float32) * 0.02
    b = jnp.zeros((OUT_F,), dtype=jnp.float32)
    return {"x": x, "neigh_orders": neigh_orders, "W": W, "b": b}

def reference(x, neigh_orders, W, b):
    # mat = x[self.neigh_orders]  -> gather of 7*N neighbor rows
    mat = jnp.take(x, neigh_orders, axis=0)
    # mat.view(len(x), 7 * in_features)
    mat = mat.reshape(x.shape[0], 7 * x.shape[1])
    # nn.Linear(7*in_features, out_features): y = mat @ W.T + b
    out = mat @ W.T + b
    return out

if __name__ == "__main__":
    import jax
    _d = setup_inputs()
    print(jax.jit(kernel)(*tuple(_d.values())))

</pallas_src>

<mosaic_0001>
#map = affine_map<(d0, d1) -> (0, 0)>
#map1 = affine_map<(d0, d1) -> (0)>
module attributes {stable_mosaic.version = 14 : i64} {
  func.func @_sc_body(%arg0: i32, %arg1: i32, %arg2: memref<350000x128xf32, #tpu.memory_space<hbm>>, %arg3: memref<350000xi32, #tpu.memory_space<hbm>>, %arg4: memref<128xf32, #tpu.memory_space<hbm>>, %arg5: memref<50000x128xf32, #tpu.memory_space<hbm>>, %arg6: memref<11200xi32, #tpu.memory_space<vmem>>, %arg7: memref<2x2x112xi32, #tpu.memory_space<vmem>>, %arg8: memref<448x128xf32, #tpu.memory_space<vmem>>, %arg9: memref<32x128xf32, #tpu.memory_space<vmem>>, %arg10: memref<128xf32, #tpu.memory_space<vmem>>, %arg11: memref<!tpu.dma_semaphore, #tpu.memory_space<semaphore_mem>>) attributes {dimension_semantics = [#tpu.dimension_semantics<core_parallel>, #tpu.dimension_semantics<subcore_parallel>], iteration_bounds = array<i64: 2, 16>, scalar_prefetch = 0 : i64, scratch_operands = 6 : i64, tpu.core_type = #tpu.core_type<sc_vector_subcore>, window_params = [{transform_indices = #map}, {transform_indices = #map1}, {transform_indices = #map1}, {transform_indices = #map}]} {
    %mul3A = arith.constant 2 : i32
    %mul3A_0 = arith.muli %arg1, %mul3A : i32
    %add3A = arith.addi %mul3A_0, %arg0 : i32
    %mul3A_1 = arith.constant 1600 : i32
    %mul3A_2 = arith.muli %add3A, %mul3A_1 : i32
    %min3A = arith.constant 48400 : i32
    %min3A_3 = arith.minsi %mul3A_2, %min3A : i32
    %mul3A_4 = arith.constant 7 : i32
    %mul3A_5 = arith.muli %min3A_3, %mul3A_4 : i32
    "tpu.region"() ({
      %run_scoped3A = tpu.sem_alloc : memref<!tpu.dma_semaphore, #tpu.memory_space<semaphore_mem>>
      %dma_start3A_360 = tpu.memref_slice %arg3[%mul3A_5] : memref<350000xi32, #tpu.memory_space<hbm>> -> memref<11200xi32, #tpu.memory_space<hbm>>
      %dma_start3A_361 = tpu.memref_slice %arg3[%mul3A_5] : memref<350000xi32, #tpu.memory_space<hbm>> -> memref<11200xi32, #tpu.memory_space<hbm>>
      tpu.enqueue_dma source(%dma_start3A_361 : memref<11200xi32, #tpu.memory_space<hbm>>) target(%arg6 : memref<11200xi32, #tpu.memory_space<vmem>>) target_semaphore(%run_scoped3A : memref<!tpu.dma_semaphore, #tpu.memory_space<semaphore_mem>>)
      %dma_wait3A = tpu.memref_slice %arg3[%mul3A_5] : memref<350000xi32, #tpu.memory_space<hbm>> -> memref<11200xi32, #tpu.memory_space<hbm>>
      %dma_wait3A_362 = tpu.memref_slice %arg3[%mul3A_5] : memref<350000xi32, #tpu.memory_space<hbm>> -> memref<11200xi32, #tpu.memory_space<hbm>>
      tpu.wait_dma2 semaphore(%run_scoped3A : memref<!tpu.dma_semaphore, #tpu.memory_space<semaphore_mem>>) src(%dma_wait3A_362 : memref<11200xi32, #tpu.memory_space<hbm>>) dst(%arg6 : memref<11200xi32, #tpu.memory_space<vmem>>)
      tpu.yield
    }) : () -> ()
    "tpu.region"() ({
      %run_scoped3A = tpu.sem_alloc : memref<!tpu.dma_semaphore, #tpu.memory_space<semaphore_mem>>
      tpu.enqueue_dma source(%arg4 : memref<128xf32, #tpu.memory_space<hbm>>) target(%arg10 : memref<128xf32, #tpu.memory_space<vmem>>) target_semaphore(%run_scoped3A : memref<!tpu.dma_semaphore, #tpu.memory_space<semaphore_mem>>)
      tpu.wait_dma2 semaphore(%run_scoped3A : memref<!tpu.dma_semaphore, #tpu.memory_space<semaphore_mem>>) src(%arg4 : memref<128xf32, #tpu.memory_space<hbm>>) dst(%arg10 : memref<128xf32, #tpu.memory_space<vmem>>)
      tpu.yield
    }) : () -> ()
    %get3A = arith.constant 0 : index
    %get3A_6 = tpu.vector_load %arg10[%get3A] {strides = array<i32>} : memref<128xf32, #tpu.memory_space<vmem>>, vector<16xf32>,
    %get3A_7 = vector.shape_cast %get3A_6 : vector<16xf32> to vector<16xf32>
    %get3A_8 = arith.constant 16 : index
    %get3A_9 = tpu.vector_load %arg10[%get3A_8] {strides = array<i32>} : memref<128xf32, #tpu.memory_space<vmem>>, vector<16xf32>,
    %get3A_10 = vector.shape_cast %get3A_9 : vector<16xf32> to vector<16xf32>
    %get3A_11 = arith.constant 32 : index
    %get3A_12 = tpu.vector_load %arg10[%get3A_11] {strides = array<i32>} : memref<128xf32, #tpu.memory_space<vmem>>, vector<16xf32>,
    %get3A_13 = vector.shape_cast %get3A_12 : vector<16xf32> to vector<16xf32>
    %get3A_14 = arith.constant 48 : index
    %get3A_15 = tpu.vector_load %arg10[%get3A_14] {strides = array<i32>} : memref<128xf32, #tpu.memory_space<vmem>>, vector<16xf32>,
    %get3A_16 = vector.shape_cast %get3A_15 : vector<16xf32> to vector<16xf32>
    %get3A_17 = arith.constant 64 : index
    %get3A_18 = tpu.vector_load %arg10[%get3A_17] {strides = array<i32>} : memref<128xf32, #tpu.memory_space<vmem>>, vector<16xf32>,
    %get3A_19 = vector.shape_cast %get3A_18 : vector<16xf32> to vector<16xf32>
    %get3A_20 = arith.constant 80 : index
    %get3A_21 = tpu.vector_load %arg10[%get3A_20] {strides = array<i32>} : memref<128xf32, #tpu.memory_space<vmem>>, vector<16xf32>,
    %get3A_22 = vector.shape_cast %get3A_21 : vector<16xf32> to vector<16xf32>
    %get3A_23 = arith.constant 96 : index
    %get3A_24 = tpu.vector_load %arg10[%get3A_23] {strides = array<i32>} : memref<128xf32, #tpu.memory_space<vmem>>, vector<16xf32>,
    %get3A_25 = vector.shape_cast %get3A_24 : vector<16xf32> to vector<16xf32>
    %get3A_26 = arith.constant 112 : index
    %get3A_27 = tpu.vector_load %arg10[%get3A_26] {strides = array<i32>} : memref<128xf32, #tpu.memory_space<vmem>>, vector<16xf32>,
    %get3A_28 = vector.shape_cast %get3A_27 : vector<16xf32> to vector<16xf32>
    %iota3A = tpu.iota {dimensions = array<i32: 0>} : vector<16xi32>
    %add3A_29 = arith.constant 0 : i32
    %add3A_30 = vector.broadcast %add3A_29 : i32 to vector<16xi32>
    %add3A_31 = arith.addi %iota3A, %add3A_30 : vector<16xi32>
    %rem3A = arith.constant 7 : i32
    %rem3A_32 = vector.broadcast %rem3A : i32 to vector<16xi32>
    %rem3A_33 = arith.remsi %add3A_31, %rem3A_32 : vector<16xi32>
    %get3A_34 = arith.constant 0 : index
    %get3A_35 = tpu.vector_load %arg6[%get3A_34] {strides = array<i32>} : memref<11200xi32, #tpu.memory_space<vmem>>, vector<16xi32>,
    %get3A_36 = vector.shape_cast %get3A_35 : vector<16xi32> to vector<16xi32>
    %mul3A_37 = arith.constant 50000 : i32
    %mul3A_38 = vector.broadcast %mul3A_37 : i32 to vector<16xi32>
    %mul3A_39 = arith.muli %rem3A_33, %mul3A_38 : vector<16xi32>
    %add3A_40 = arith.addi %get3A_36, %mul3A_39 : vector<16xi32>
    %swap3A = arith.constant 0 : i32
    %swap3A_41 = arith.constant 0 : i32
    %swap3A_42 = arith.index_cast %swap3A : i32 to index
    %swap3A_43 = arith.index_cast %swap3A_41 : i32 to index
    %swap3A_44 = arith.constant 0 : index
    %swap3A_45 = tpu.vector_load %arg7[%swap3A_42, %swap3A_43, %swap3A_44] {strides = array<i32>} : memref<2x2x112xi32, #tpu.memory_space<vmem>>, vector<1x1x16xi32>,
    %swap3A_46 = vector.shape_cast %swap3A_45 : vector<1x1x16xi32> to vector<16xi32>
    %swap3A_47 = vector.shape_cast %add3A_40 : vector<16xi32> to vector<1x1x16xi32>
    tpu.vector_store %arg7[%swap3A_42, %swap3A_43, %swap3A_44], %swap3A_47 {strides = array<i32>} : memref<2x2x112xi32, #tpu.memory_space<vmem>>, vector<1x1x16xi32>,
    %iota3A_48 = tpu.iota {dimensions = array<i32: 0>} : vector<16xi32>
    %add3A_49 = arith.constant 16 : i32
    %add3A_50 = vector.broadcast %add3A_49 : i32 to vector<16xi32>
    %add3A_51 = arith.addi %iota3A_48, %add3A_50 : vector<16xi32>
    %rem3A_52 = arith.constant 7 : i32
    %rem3A_53 = vector.broadcast %rem3A_52 : i32 to vector<16xi32>
    %rem3A_54 = arith.remsi %add3A_51, %rem3A_53 : vector<16xi32>
    %get3A_55 = arith.constant 16 : index
    %get3A_56 = tpu.vector_load %arg6[%get3A_55] {strides = array<i32>} : memref<11200xi32, #tpu.memory_space<vmem>>, vector<16xi32>,
    %get3A_57 = vector.shape_cast %get3A_56 : vector<16xi32> to vector<16xi32>
    %mul3A_58 = arith.constant 50000 : i32
    %mul3A_59 = vector.broadcast %mul3A_58 : i32 to vector<16xi32>
    %mul3A_60 = arith.muli %rem3A_54, %mul3A_59 : vector<16xi32>
    %add3A_61 = arith.addi %get3A_57, %mul3A_60 : vector<16xi32>
    %swap3A_62 = arith.constant 0 : i32
    %swap3A_63 = arith.constant 0 : i32
    %swap3A_64 = arith.index_cast %swap3A_62 : i32 to index
    %swap3A_65 = arith.index_cast %swap3A_63 : i32 to index
    %swap3A_66 = arith.constant 16 : index
    %swap3A_67 = tpu.vector_load %arg7[%swap3A_64, %swap3A_65, %swap3A_66] {strides = array<i32>} : memref<2x2x112xi32, #tpu.memory_space<vmem>>, vector<1x1x16xi32>,
    %swap3A_68 = vector.shape_cast %swap3A_67 : vector<1x1x16xi32> to vector<16xi32>
    %swap3A_69 = vector.shape_cast %add3A_61 : vector<16xi32> to vector<1x1x16xi32>
    tpu.vector_store %arg7[%swap3A_64, %swap3A_65, %swap3A_66], %swap3A_69 {strides = array<i32>} : memref<2x2x112xi32, #tpu.memory_space<vmem>>, vector<1x1x16xi32>,
    %iota3A_70 = tpu.iota {dimensions = array<i32: 0>} : vector<16xi32>
    %add3A_71 = arith.constant 32 : i32
    %add3A_72 = vector.broadcast %add3A_71 : i32 to vector<16xi32>
    %add3A_73 = arith.addi %iota3A_70, %add3A_72 : vector<16xi32>
    %rem3A_74 = arith.constant 7 : i32
    %rem3A_75 = vector.broadcast %rem3A_74 : i32 to vector<16xi32>
    %rem3A_76 = arith.remsi %add3A_73, %rem3A_75 : vector<16xi32>
    %get3A_77 = arith.constant 32 : index
    %get3A_78 = tpu.vector_load %arg6[%get3A_77] {strides = array<i32>} : memref<11200xi32, #tpu.memory_space<vmem>>, vector<16xi32>,
    %get3A_79 = vector.shape_cast %get3A_78 : vector<16xi32> to vector<16xi32>
    %mul3A_80 = arith.constant 50000 : i32
    %mul3A_81 = vector.broadcast %mul3A_80 : i32 to vector<16xi32>
    %mul3A_82 = arith.muli %rem3A_76, %mul3A_81 : vector<16xi32>
    %add3A_83 = arith.addi %get3A_79, %mul3A_82 : vector<16xi32>
    %swap3A_84 = arith.constant 0 : i32
    %swap3A_85 = arith.constant 0 : i32
    %swap3A_86 = arith.index_cast %swap3A_84 : i32 to index
    %swap3A_87 = arith.index_cast %swap3A_85 : i32 to index
    %swap3A_88 = arith.constant 32 : index
    %swap3A_89 = tpu.vector_load %arg7[%swap3A_86, %swap3A_87, %swap3A_88] {strides = array<i32>} : memref<2x2x112xi32, #tpu.memory_space<vmem>>, vector<1x1x16xi32>,
    %swap3A_90 = vector.shape_cast %swap3A_89 : vector<1x1x16xi32> to vector<16xi32>
    %swap3A_91 = vector.shape_cast %add3A_83 : vector<16xi32> to vector<1x1x16xi32>
    tpu.vector_store %arg7[%swap3A_86, %swap3A_87, %swap3A_88], %swap3A_91 {strides = array<i32>} : memref<2x2x112xi32, #tpu.memory_space<vmem>>, vector<1x1x16xi32>,
    %iota3A_92 = tpu.iota {dimensions = array<i32: 0>} : vector<16xi32>
    %add3A_93 = arith.constant 48 : i32
    %add3A_94 = vector.broadcast %add3A_93 : i32 to vector<16xi32>
    %add3A_95 = arith.addi %iota3A_92, %add3A_94 : vector<16xi32>
    %rem3A_96 = arith.constant 7 : i32
    %rem3A_97 = vector.broadcast %rem3A_96 : i32 to vector<16xi32>
    %rem3A_98 = arith.remsi %add3A_95, %rem3A_97 : vector<16xi32>
    %get3A_99 = arith.constant 48 : index
    %get3A_100 = tpu.vector_load %arg6[%get3A_99] {strides = array<i32>} : memref<11200xi32, #tpu.memory_space<vmem>>, vector<16xi32>,
    %get3A_101 = vector.shape_cast %get3A_100 : vector<16xi32> to vector<16xi32>
    %mul3A_102 = arith.constant 50000 : i32
    %mul3A_103 = vector.broadcast %mul3A_102 : i32 to vector<16xi32>
    %mul3A_104 = arith.muli %rem3A_98, %mul3A_103 : vector<16xi32>
    %add3A_105 = arith.addi %get3A_101, %mul3A_104 : vector<16xi32>
    %swap3A_106 = arith.constant 0 : i32
    %swap3A_107 = arith.constant 0 : i32
    %swap3A_108 = arith.index_cast %swap3A_106 : i32 to index
    %swap3A_109 = arith.index_cast %swap3A_107 : i32 to index
    %swap3A_110 = arith.constant 48 : index
    %swap3A_111 = tpu.vector_load %arg7[%swap3A_108, %swap3A_109, %swap3A_110] {strides = array<i32>} : memref<2x2x112xi32, #tpu.memory_space<vmem>>, vector<1x1x16xi32>,
    %swap3A_112 = vector.shape_cast %swap3A_111 : vector<1x1x16xi32> to vector<16xi32>
    %swap3A_113 = vector.shape_cast %add3A_105 : vector<16xi32> to vector<1x1x16xi32>
    tpu.vector_store %arg7[%swap3A_108, %swap3A_109, %swap3A_110], %swap3A_113 {strides = array<i32>} : memref<2x2x112xi32, #tpu.memory_space<vmem>>, vector<1x1x16xi32>,
    %iota3A_114 = tpu.iota {dimensions = array<i32: 0>} : vector<16xi32>
    %add3A_115 = arith.constant 64 : i32
    %add3A_116 = vector.broadcast %add3A_115 : i32 to vector<16xi32>
    %add3A_117 = arith.addi %iota3A_114, %add3A_116 : vector<16xi32>
    %rem3A_118 = arith.constant 7 : i32
    %rem3A_119 = vector.broadcast %rem3A_118 : i32 to vector<16xi32>
    %rem3A_120 = arith.remsi %add3A_117, %rem3A_119 : vector<16xi32>
    %get3A_121 = arith.constant 64 : index
    %get3A_122 = tpu.vector_load %arg6[%get3A_121] {strides = array<i32>} : memref<11200xi32, #tpu.memory_space<vmem>>, vector<16xi32>,
    %get3A_123 = vector.shape_cast %get3A_122 : vector<16xi32> to vector<16xi32>
    %mul3A_124 = arith.constant 50000 : i32
    %mul3A_125 = vector.broadcast %mul3A_124 : i32 to vector<16xi32>
    %mul3A_126 = arith.muli %rem3A_120, %mul3A_125 : vector<16xi32>
    %add3A_127 = arith.addi %get3A_123, %mul3A_126 : vector<16xi32>
    %swap3A_128 = arith.constant 0 : i32
    %swap3A_129 = arith.constant 0 : i32
    %swap3A_130 = arith.index_cast %swap3A_128 : i32 to index
    %swap3A_131 = arith.index_cast %swap3A_129 : i32 to index
    %swap3A_132 = arith.constant 64 : index
    %swap3A_133 = tpu.vector_load %arg7[%swap3A_130, %swap3A_131, %swap3A_132] {strides = array<i32>} : memref<2x2x112xi32, #tpu.memory_space<vmem>>, vector<1x1x16xi32>,
    %swap3A_134 = vector.shape_cast %swap3A_133 : vector<1x1x16xi32> to vector<16xi32>
    %swap3A_135 = vector.shape_cast %add3A_127 : vector<16xi32> to vector<1x1x16xi32>
    tpu.vector_store %arg7[%swap3A_130, %swap3A_131, %swap3A_132], %swap3A_135 {strides = array<i32>} : memref<2x2x112xi32, #tpu.memory_space<vmem>>, vector<1x1x16xi32>,
    %iota3A_136 = tpu.iota {dimensions = array<i32: 0>} : vector<16xi32>
    %add3A_137 = arith.constant 80 : i32
    %add3A_138 = vector.broadcast %add3A_137 : i32 to vector<16xi32>
    %add3A_139 = arith.addi %iota3A_136, %add3A_138 : vector<16xi32>
    %rem3A_140 = arith.constant 7 : i32
    %rem3A_141 = vector.broadcast %rem3A_140 : i32 to vector<16xi32>
    %rem3A_142 = arith.remsi %add3A_139, %rem3A_141 : vector<16xi32>
    %get3A_143 = arith.constant 80 : index
    %get3A_144 = tpu.vector_load %arg6[%get3A_143] {strides = array<i32>} : memref<11200xi32, #tpu.memory_space<vmem>>, vector<16xi32>,
    %get3A_145 = vector.shape_cast %get3A_144 : vector<16xi32> to vector<16xi32>
    %mul3A_146 = arith.constant 50000 : i32
    %mul3A_147 = vector.broadcast %mul3A_146 : i32 to vector<16xi32>
    %mul3A_148 = arith.muli %rem3A_142, %mul3A_147 : vector<16xi32>
    %add3A_149 = arith.addi %get3A_145, %mul3A_148 : vector<16xi32>
    %swap3A_150 = arith.constant 0 : i32
    %swap3A_151 = arith.constant 0 : i32
    %swap3A_152 = arith.index_cast %swap3A_150 : i32 to index
    %swap3A_153 = arith.index_cast %swap3A_151 : i32 to index
    %swap3A_154 = arith.constant 80 : index
    %swap3A_155 = tpu.vector_load %arg7[%swap3A_152, %swap3A_153, %swap3A_154] {strides = array<i32>} : memref<2x2x112xi32, #tpu.memory_space<vmem>>, vector<1x1x16xi32>,
    %swap3A_156 = vector.shape_cast %swap3A_155 : vector<1x1x16xi32> to vector<16xi32>
    %swap3A_157 = vector.shape_cast %add3A_149 : vector<16xi32> to vector<1x1x16xi32>
    tpu.vector_store %arg7[%swap3A_152, %swap3A_153, %swap3A_154], %swap3A_157 {strides = array<i32>} : memref<2x2x112xi32, #tpu.memory_space<vmem>>, vector<1x1x16xi32>,
    %iota3A_158 = tpu.iota {dimensions = array<i32: 0>} : vector<16xi32>
    %add3A_159 = arith.constant 96 : i32
    %add3A_160 = vector.broadcast %add3A_159 : i32 to vector<16xi32>
    %add3A_161 = arith.addi %iota3A_158, %add3A_160 : vector<16xi32>
    %rem3A_162 = arith.constant 7 : i32
    %rem3A_163 = vector.broadcast %rem3A_162 : i32 to vector<16xi32>
    %rem3A_164 = arith.remsi %add3A_161, %rem3A_163 : vector<16xi32>
    %get3A_165 = arith.constant 96 : index
    %get3A_166 = tpu.vector_load %arg6[%get3A_165] {strides = array<i32>} : memref<11200xi32, #tpu.memory_space<vmem>>, vector<16xi32>,
    %get3A_167 = vector.shape_cast %get3A_166 : vector<16xi32> to vector<16xi32>
    %mul3A_168 = arith.constant 50000 : i32
    %mul3A_169 = vector.broadcast %mul3A_168 : i32 to vector<16xi32>
    %mul3A_170 = arith.muli %rem3A_164, %mul3A_169 : vector<16xi32>
    %add3A_171 = arith.addi %get3A_167, %mul3A_170 : vector<16xi32>
    %swap3A_172 = arith.constant 0 : i32
    %swap3A_173 = arith.constant 0 : i32
    %swap3A_174 = arith.index_cast %swap3A_172 : i32 to index
    %swap3A_175 = arith.index_cast %swap3A_173 : i32 to index
    %swap3A_176 = arith.constant 96 : index
    %swap3A_177 = tpu.vector_load %arg7[%swap3A_174, %swap3A_175, %swap3A_176] {strides = array<i32>} : memref<2x2x112xi32, #tpu.memory_space<vmem>>, vector<1x1x16xi32>,
    %swap3A_178 = vector.shape_cast %swap3A_177 : vector<1x1x16xi32> to vector<16xi32>
    %swap3A_179 = vector.shape_cast %add3A_171 : vector<16xi32> to vector<1x1x16xi32>
    tpu.vector_store %arg7[%swap3A_174, %swap3A_175, %swap3A_176], %swap3A_179 {strides = array<i32>} : memref<2x2x112xi32, #tpu.memory_space<vmem>>, vector<1x1x16xi32>,
    %iota3A_180 = tpu.iota {dimensions = array<i32: 0>} : vector<16xi32>
    %add3A_181 = arith.constant 112 : i32
    %add3A_182 = vector.broadcast %add3A_181 : i32 to vector<16xi32>
    %add3A_183 = arith.addi %iota3A_180, %add3A_182 : vector<16xi32>
    %rem3A_184 = arith.constant 7 : i32
    %rem3A_185 = vector.broadcast %rem3A_184 : i32 to vector<16xi32>
    %rem3A_186 = arith.remsi %add3A_183, %rem3A_185 : vector<16xi32>
    %get3A_187 = arith.constant 112 : index
    %get3A_188 = tpu.vector_load %arg6[%get3A_187] {strides = array<i32>} : memref<11200xi32, #tpu.memory_space<vmem>>, vector<16xi32>,
    %get3A_189 = vector.shape_cast %get3A_188 : vector<16xi32> to vector<16xi32>
    %mul3A_190 = arith.constant 50000 : i32
    %mul3A_191 = vector.broadcast %mul3A_190 : i32 to vector<16xi32>
    %mul3A_192 = arith.muli %rem3A_186, %mul3A_191 : vector<16xi32>
    %add3A_193 = arith.addi %get3A_189, %mul3A_192 : vector<16xi32>
    %swap3A_194 = arith.constant 0 : i32
    %swap3A_195 = arith.constant 1 : i32
    %swap3A_196 = arith.index_cast %swap3A_194 : i32 to index
    %swap3A_197 = arith.index_cast %swap3A_195 : i32 to index
    %swap3A_198 = arith.constant 0 : index
    %swap3A_199 = tpu.vector_load %arg7[%swap3A_196, %swap3A_197, %swap3A_198] {strides = array<i32>} : memref<2x2x112xi32, #tpu.memory_space<vmem>>, vector<1x1x16xi32>,
    %swap3A_200 = vector.shape_cast %swap3A_199 : vector<1x1x16xi32> to vector<16xi32>
    %swap3A_201 = vector.shape_cast %add3A_193 : vector<16xi32> to vector<1x1x16xi32>
    tpu.vector_store %arg7[%swap3A_196, %swap3A_197, %swap3A_198], %swap3A_201 {strides = array<i32>} : memref<2x2x112xi32, #tpu.memory_space<vmem>>, vector<1x1x16xi32>,
    %iota3A_202 = tpu.iota {dimensions = array<i32: 0>} : vector<16xi32>
    %add3A_203 = arith.constant 128 : i32
    %add3A_204 = vector.broadcast %add3A_203 : i32 to vector<16xi32>
    %add3A_205 = arith.addi %iota3A_202, %add3A_204 : vector<16xi32>
    %rem3A_206 = arith.constant 7 : i32
    %rem3A_207 = vector.broadcast %rem3A_206 : i32 to vector<16xi32>
    %rem3A_208 = arith.remsi %add3A_205, %rem3A_207 : vector<16xi32>
    %get3A_209 = arith.constant 128 : index
    %get3A_210 = tpu.vector_load %arg6[%get3A_209] {strides = array<i32>} : memref<11200xi32, #tpu.memory_space<vmem>>, vector<16xi32>,
    %get3A_211 = vector.shape_cast %get3A_210 : vector<16xi32> to vector<16xi32>
    %mul3A_212 = arith.constant 50000 : i32
    %mul3A_213 = vector.broadcast %mul3A_212 : i32 to vector<16xi32>
    %mul3A_214 = arith.muli %rem3A_208, %mul3A_213 : vector<16xi32>
    %add3A_215 = arith.addi %get3A_211, %mul3A_214 : vector<16xi32>
    %swap3A_216 = arith.constant 0 : i32
    %swap3A_217 = arith.constant 1 : i32
    %swap3A_218 = arith.index_cast %swap3A_216 : i32 to index
    %swap3A_219 = arith.index_cast %swap3A_217 : i32 to index
    %swap3A_220 = arith.constant 16 : index
    %swap3A_221 = tpu.vector_load %arg7[%swap3A_218, %swap3A_219, %swap3A_220] {strides = array<i32>} : memref<2x2x112xi32, #tpu.memory_space<vmem>>, vector<1x1x16xi32>,
    %swap3A_222 = vector.shape_cast %swap3A_221 : vector<1x1x16xi32> to vector<16xi32>
    %swap3A_223 = vector.shape_cast %add3A_215 : vector<16xi32> to vector<1x1x16xi32>
    tpu.vector_store %arg7[%swap3A_218, %swap3A_219, %swap3A_220], %swap3A_223 {strides = array<i32>} : memref<2x2x112xi32, #tpu.memory_space<vmem>>, vector<1x1x16xi32>,
    %iota3A_224 = tpu.iota {dimensions = array<i32: 0>} : vector<16xi32>
    %add3A_225 = arith.constant 144 : i32
    %add3A_226 = vector.broadcast %add3A_225 : i32 to vector<16xi32>
    %add3A_227 = arith.addi %iota3A_224, %add3A_226 : vector<16xi32>
    %rem3A_228 = arith.constant 7 : i32
    %rem3A_229 = vector.broadcast %rem3A_228 : i32 to vector<16xi32>
    %rem3A_230 = arith.remsi %add3A_227, %rem3A_229 : vector<16xi32>
    %get3A_231 = arith.constant 144 : index
    %get3A_232 = tpu.vector_load %arg6[%get3A_231] {strides = array<i32>} : memref<11200xi32, #tpu.memory_space<vmem>>, vector<16xi32>,
    %get3A_233 = vector.shape_cast %get3A_232 : vector<16xi32> to vector<16xi32>
    %mul3A_234 = arith.constant 50000 : i32
    %mul3A_235 = vector.broadcast %mul3A_234 : i32 to vector<16xi32>
    %mul3A_236 = arith.muli %rem3A_230, %mul3A_235 : vector<16xi32>
    %add3A_237 = arith.addi %get3A_233, %mul3A_236 : vector<16xi32>
    %swap3A_238 = arith.constant 0 : i32
    %swap3A_239 = arith.constant 1 : i32
    %swap3A_240 = arith.index_cast %swap3A_238 : i32 to index
    %swap3A_241 = arith.index_cast %swap3A_239 : i32 to index
    %swap3A_242 = arith.constant 32 : index
    %swap3A_243 = tpu.vector_load %arg7[%swap3A_240, %swap3A_241, %swap3A_242] {strides = array<i32>} : memref<2x2x112xi32, #tpu.memory_space<vmem>>, vector<1x1x16xi32>,
    %swap3A_244 = vector.shape_cast %swap3A_243 : vector<1x1x16xi32> to vector<16xi32>
    %swap3A_245 = vector.shape_cast %add3A_237 : vector<16xi32> to vector<1x1x16xi32>
    tpu.vector_store %arg7[%swap3A_240, %swap3A_241, %swap3A_242], %swap3A_245 {strides = array<i32>} : memref<2x2x112xi32, #tpu.memory_space<vmem>>, vector<1x1x16xi32>,
    %iota3A_246 = tpu.iota {dimensions = array<i32: 0>} : vector<16xi32>
    %add3A_247 = arith.constant 160 : i32
    %add3A_248 = vector.broadcast %add3A_247 : i32 to vector<16xi32>
    %add3A_249 = arith.addi %iota3A_246, %add3A_248 : vector<16xi32>
    %rem3A_250 = arith.constant 7 : i32
    %rem3A_251 = vector.broadcast %rem3A_250 : i32 to vector<16xi32>
    %rem3A_252 = arith.remsi %add3A_249, %rem3A_251 : vector<16xi32>
    %get3A_253 = arith.constant 160 : index
    %get3A_254 = tpu.vector_load %arg6[%get3A_253] {strides = array<i32>} : memref<11200xi32, #tpu.memory_space<vmem>>, vector<16xi32>,
    %get3A_255 = vector.shape_cast %get3A_254 : vector<16xi32> to vector<16xi32>
    %mul3A_256 = arith.constant 50000 : i32
    %mul3A_257 = vector.broadcast %mul3A_256 : i32 to vector<16xi32>
    %mul3A_258 = arith.muli %rem3A_252, %mul3A_257 : vector<16xi32>
    %add3A_259 = arith.addi %get3A_255, %mul3A_258 : vector<16xi32>
    %swap3A_260 = arith.constant 0 : i32
    %swap3A_261 = arith.constant 1 : i32
    %swap3A_262 = arith.index_cast %swap3A_260 : i32 to index
    %swap3A_263 = arith.index_cast %swap3A_261 : i32 to index
    %swap3A_264 = arith.constant 48 : index
    %swap3A_265 = tpu.vector_load %arg7[%swap3A_262, %swap3A_263, %swap3A_264] {strides = array<i32>} : memref<2x2x112xi32, #tpu.memory_space<vmem>>, vector<1x1x16xi32>,
    %swap3A_266 = vector.shape_cast %swap3A_265 : vector<1x1x16xi32> to vector<16xi32>
    %swap3A_267 = vector.shape_cast %add3A_259 : vector<16xi32> to vector<1x1x16xi32>
    tpu.vector_store %arg7[%swap3A_262, %swap3A_263, %swap3A_264], %swap3A_267 {strides = array<i32>} : memref<2x2x112xi32, #tpu.memory_space<vmem>>, vector<1x1x16xi32>,
    %iota3A_268 = tpu.iota {dimensions = array<i32: 0>} : vector<16xi32>
    %add3A_269 = arith.constant 176 : i32
    %add3A_270 = vector.broadcast %add3A_269 : i32 to vector<16xi32>
    %add3A_271 = arith.addi %iota3A_268, %add3A_270 : vector<16xi32>
    %rem3A_272 = arith.constant 7 : i32
    %rem3A_273 = vector.broadcast %rem3A_272 : i32 to vector<16xi32>
    %rem3A_274 = arith.remsi %add3A_271, %rem3A_273 : vector<16xi32>
    %get3A_275 = arith.constant 176 : index
    %get3A_276 = tpu.vector_load %arg6[%get3A_275] {strides = array<i32>} : memref<11200xi32, #tpu.memory_space<vmem>>, vector<16xi32>,
    %get3A_277 = vector.shape_cast %get3A_276 : vector<16xi32> to vector<16xi32>
    %mul3A_278 = arith.constant 50000 : i32
    %mul3A_279 = vector.broadcast %mul3A_278 : i32 to vector<16xi32>
    %mul3A_280 = arith.muli %rem3A_274, %mul3A_279 : vector<16xi32>
    %add3A_281 = arith.addi %get3A_277, %mul3A_280 : vector<16xi32>
    %swap3A_282 = arith.constant 0 : i32
    %swap3A_283 = arith.constant 1 : i32
    %swap3A_284 = arith.index_cast %swap3A_282 : i32 to index
    %swap3A_285 = arith.index_cast %swap3A_283 : i32 to index
    %swap3A_286 = arith.constant 64 : index
    %swap3A_287 = tpu.vector_load %arg7[%swap3A_284, %swap3A_285, %swap3A_286] {strides = array<i32>} : memref<2x2x112xi32, #tpu.memory_space<vmem>>, vector<1x1x16xi32>,
    %swap3A_288 = vector.shape_cast %swap3A_287 : vector<1x1x16xi32> to vector<16xi32>
    %swap3A_289 = vector.shape_cast %add3A_281 : vector<16xi32> to vector<1x1x16xi32>
    tpu.vector_store %arg7[%swap3A_284, %swap3A_285, %swap3A_286], %swap3A_289 {strides = array<i32>} : memref<2x2x112xi32, #tpu.memory_space<vmem>>, vector<1x1x16xi32>,
    %iota3A_290 = tpu.iota {dimensions = array<i32: 0>} : vector<16xi32>
    %add3A_291 = arith.constant 192 : i32
    %add3A_292 = vector.broadcast %add3A_291 : i32 to vector<16xi32>
    %add3A_293 = arith.addi %iota3A_290, %add3A_292 : vector<16xi32>
    %rem3A_294 = arith.constant 7 : i32
    %rem3A_295 = vector.broadcast %rem3A_294 : i32 to vector<16xi32>
    %rem3A_296 = arith.remsi %add3A_293, %rem3A_295 : vector<16xi32>
    %get3A_297 = arith.constant 192 : index
    %get3A_298 = tpu.vector_load %arg6[%get3A_297] {strides = array<i32>} : memref<11200xi32, #tpu.memory_space<vmem>>, vector<16xi32>,
    %get3A_299 = vector.shape_cast %get3A_298 : vector<16xi32> to vector<16xi32>
    %mul3A_300 = arith.constant 50000 : i32
    %mul3A_301 = vector.broadcast %mul3A_300 : i32 to vector<16xi32>
    %mul3A_302 = arith.muli %rem3A_296, %mul3A_301 : vector<16xi32>
    %add3A_303 = arith.addi %get3A_299, %mul3A_302 : vector<16xi32>
    %swap3A_304 = arith.constant 0 : i32
    %swap3A_305 = arith.constant 1 : i32
    %swap3A_306 = arith.index_cast %swap3A_304 : i32 to index
    %swap3A_307 = arith.index_cast %swap3A_305 : i32 to index
    %swap3A_308 = arith.constant 80 : index
    %swap3A_309 = tpu.vector_load %arg7[%swap3A_306, %swap3A_307, %swap3A_308] {strides = array<i32>} : memref<2x2x112xi32, #tpu.memory_space<vmem>>, vector<1x1x16xi32>,
    %swap3A_310 = vector.shape_cast %swap3A_309 : vector<1x1x16xi32> to vector<16xi32>
    %swap3A_311 = vector.shape_cast %add3A_303 : vector<16xi32> to vector<1x1x16xi32>
    tpu.vector_store %arg7[%swap3A_306, %swap3A_307, %swap3A_308], %swap3A_311 {strides = array<i32>} : memref<2x2x112xi32, #tpu.memory_space<vmem>>, vector<1x1x16xi32>,
    %iota3A_312 = tpu.iota {dimensions = array<i32: 0>} : vector<16xi32>
    %add3A_313 = arith.constant 208 : i32
    %add3A_314 = vector.broadcast %add3A_313 : i32 to vector<16xi32>
    %add3A_315 = arith.addi %iota3A_312, %add3A_314 : vector<16xi32>
    %rem3A_316 = arith.constant 7 : i32
    %rem3A_317 = vector.broadcast %rem3A_316 : i32 to vector<16xi32>
    %rem3A_318 = arith.remsi %add3A_315, %rem3A_317 : vector<16xi32>
    %get3A_319 = arith.constant 208 : index
    %get3A_320 = tpu.vector_load %arg6[%get3A_319] {strides = array<i32>} : memref<11200xi32, #tpu.memory_space<vmem>>, vector<16xi32>,
    %get3A_321 = vector.shape_cast %get3A_320 : vector<16xi32> to vector<16xi32>
    %mul3A_322 = arith.constant 50000 : i32
    %mul3A_323 = vector.broadcast %mul3A_322 : i32 to vector<16xi32>
    %mul3A_324 = arith.muli %rem3A_318, %mul3A_323 : vector<16xi32>
    %add3A_325 = arith.addi %get3A_321, %mul3A_324 : vector<16xi32>
    %swap3A_326 = arith.constant 0 : i32
    %swap3A_327 = arith.constant 1 : i32
    %swap3A_328 = arith.index_cast %swap3A_326 : i32 to index
    %swap3A_329 = arith.index_cast %swap3A_327 : i32 to index
    %swap3A_330 = arith.constant 96 : index
    %swap3A_331 = tpu.vector_load %arg7[%swap3A_328, %swap3A_329, %swap3A_330] {strides = array<i32>} : memref<2x2x112xi32, #tpu.memory_space<vmem>>, vector<1x1x16xi32>,
    %swap3A_332 = vector.shape_cast %swap3A_331 : vector<1x1x16xi32> to vector<16xi32>
    %swap3A_333 = vector.shape_cast %add3A_325 : vector<16xi32> to vector<1x1x16xi32>
    tpu.vector_store %arg7[%swap3A_328, %swap3A_329, %swap3A_330], %swap3A_333 {strides = array<i32>} : memref<2x2x112xi32, #tpu.memory_space<vmem>>, vector<1x1x16xi32>,
    %dma_start3A = arith.constant 0 : i32
    %dma_start3A_334 = arith.constant 0 : i32
    %dma_start3A_335 = arith.constant 0 : i32
    %dma_start3A_336 = arith.constant 0 : i32
    %dma_start3A_337 = tpu.memref_slice %arg8[%dma_start3A_335, %dma_start3A_336] : memref<448x128xf32, #tpu.memory_space<vmem>> -> memref<112x128xf32, #tpu.memory_space<vmem>>
    %dma_start3A_338 = arith.constant 0 : i32
    %dma_start3A_339 = tpu.memref_slice %arg7[%dma_start3A, %dma_start3A_334, %dma_start3A_338] : memref<2x2x112xi32, #tpu.memory_space<vmem>> -> memref<1x1x112xi32, #tpu.memory_space<vmem>>
    %dma_start3A_340 = tpu.memref_squeeze %dma_start3A_339 : memref<1x1x112xi32, #tpu.memory_space<vmem>> -> memref<112xi32, #tpu.memory_space<vmem>>
    %dma_start3A_341 = arith.constant 0 : i32
    %dma_start3A_342 = arith.constant 0 : i32
    %dma_start3A_343 = tpu.memref_slice %arg2[%dma_start3A_341, %dma_start3A_342] : memref<350000x128xf32, #tpu.memory_space<hbm>> -> memref<350000x128xf32, #tpu.memory_space<hbm>>
    tpu.enqueue_indirect_dma source(%dma_start3A_343 : memref<350000x128xf32, #tpu.memory_space<hbm>>) target(%dma_start3A_337 : memref<112x128xf32, #tpu.memory_space<vmem>>) offsets(%dma_start3A_340 : memref<112xi32, #tpu.memory_space<vmem>>) semaphore(%arg11 : memref<!tpu.dma_semaphore, #tpu.memory_space<semaphore_mem>>)
    %dma_start3A_344 = arith.constant 0 : i32
    %dma_start3A_345 = arith.constant 1 : i32
    %dma_start3A_346 = arith.constant 112 : i32
    %dma_start3A_347 = arith.constant 0 : i32
    %dma_start3A_348 = tpu.memref_slice %arg8[%dma_start3A_346, %dma_start3A_347] : memref<448x128xf32, #tpu.memory_space<vmem>> -> memref<112x128xf32, #tpu.memory_space<vmem>>
    %dma_start3A_349 = arith.constant 0 : i32
    %dma_start3A_350 = tpu.memref_slice %arg7[%dma_start3A_344, %dma_start3A_345, %dma_start3A_349] : memref<2x2x112xi32, #tpu.memory_space<vmem>> -> memref<1x1x112xi32, #tpu.memory_space<vmem>>
    %dma_start3A_351 = tpu.memref_squeeze %dma_start3A_350 : memref<1x1x112xi32, #tpu.memory_space<vmem>> -> memref<112xi32, #tpu.memory_space<vmem>>
    %dma_start3A_352 = arith.constant 0 : i32
    %dma_start3A_353 = arith.constant 0 : i32
    %dma_start3A_354 = tpu.memref_slice %arg2[%dma_start3A_352, %dma_start3A_353] : memref<350000x128xf32, #tpu.memory_space<hbm>> -> memref<350000x128xf32, #tpu.memory_space<hbm>>
    tpu.enqueue_indirect_dma source(%dma_start3A_354 : memref<350000x128xf32, #tpu.memory_space<hbm>>) target(%dma_start3A_348 : memref<112x128xf32, #tpu.memory_space<vmem>>) offsets(%dma_start3A_351 : memref<112xi32, #tpu.memory_space<vmem>>) semaphore(%arg11 : memref<!tpu.dma_semaphore, #tpu.memory_space<semaphore_mem>>)
    %scan3A = arith.constant 0 : i32
    %scan3A_355 = arith.constant 0 : i32
    %scan3A_356 = arith.constant 25 : i32
    %scan3A_357 = arith.addi %scan3A_355, %scan3A_356 : i32
    %scan3A_358 = arith.constant 1 : i32
    scf.for %scan3A_360 = %scan3A_355 to %scan3A_357 step %scan3A_358  : i32 {
      %mul3A_361 = arith.constant 2 : i32
      %mul3A_362 = arith.muli %mul3A_361, %scan3A_360 : i32
      %add3A_363 = arith.constant 1 : i32
      %add3A_364 = arith.addi %mul3A_362, %add3A_363 : i32
      %iota3A_365 = tpu.iota {dimensions = array<i32: 0>} : vector<16xi32>
      %add3A_366 = arith.constant 0 : i32
      %add3A_367 = vector.broadcast %add3A_366 : i32 to vector<16xi32>
      %add3A_368 = arith.addi %iota3A_365, %add3A_367 : vector<16xi32>
      %rem3A_369 = arith.constant 7 : i32
      %rem3A_370 = vector.broadcast %rem3A_369 : i32 to vector<16xi32>
      %rem3A_371 = arith.remsi %add3A_368, %rem3A_370 : vector<16xi32>
      %mul3A_372 = arith.constant 224 : i32
      %mul3A_373 = arith.muli %add3A_364, %mul3A_372 : i32
      %add3A_374 = arith.constant 0 : i32
      %add3A_375 = arith.addi %mul3A_373, %add3A_374 : i32
      %get3A_376 = arith.index_cast %add3A_375 : i32 to index
      %get3A_377 = tpu.vector_load %arg6[%get3A_376] {strides = array<i32>} : memref<11200xi32, #tpu.memory_space<vmem>>, vector<16xi32>,
      %get3A_378 = vector.shape_cast %get3A_377 : vector<16xi32> to vector<16xi32>
      %mul3A_379 = arith.constant 50000 : i32
      %mul3A_380 = vector.broadcast %mul3A_379 : i32 to vector<16xi32>
      %mul3A_381 = arith.muli %rem3A_371, %mul3A_380 : vector<16xi32>
      %add3A_382 = arith.addi %get3A_378, %mul3A_381 : vector<16xi32>
      %swap3A_383 = arith.constant 1 : i32
      %swap3A_384 = arith.constant 0 : i32
      %swap3A_385 = arith.index_cast %swap3A_383 : i32 to index
      %swap3A_386 = arith.index_cast %swap3A_384 : i32 to index
      %swap3A_387 = arith.constant 0 : index
      %swap3A_388 = tpu.vector_load %arg7[%swap3A_385, %swap3A_386, %swap3A_387] {strides = array<i32>} : memref<2x2x112xi32, #tpu.memory_space<vmem>>, vector<1x1x16xi32>,
      %swap3A_389 = vector.shape_cast %swap3A_388 : vector<1x1x16xi32> to vector<16xi32>
      %swap3A_390 = vector.shape_cast %add3A_382 : vector<16xi32> to vector<1x1x16xi32>
      tpu.vector_store %arg7[%swap3A_385, %swap3A_386, %swap3A_387], %swap3A_390 {strides = array<i32>} : memref<2x2x112xi32, #tpu.memory_space<vmem>>, vector<1x1x16xi32>,
      %iota3A_391 = tpu.iota {dimensions = array<i32: 0>} : vector<16xi32>
      %add3A_392 = arith.constant 16 : i32
      %add3A_393 = vector.broadcast %add3A_392 : i32 to vector<16xi32>
      %add3A_394 = arith.addi %iota3A_391, %add3A_393 : vector<16xi32>
      %rem3A_395 = arith.constant 7 : i32
      %rem3A_396 = vector.broadcast %rem3A_395 : i32 to vector<16xi32>
      %rem3A_397 = arith.remsi %add3A_394, %rem3A_396 : vector<16xi32>
      %mul3A_398 = arith.constant 224 : i32
      %mul3A_399 = arith.muli %add3A_364, %mul3A_398 : i32
      %add3A_400 = arith.constant 16 : i32
      %add3A_401 = arith.addi %mul3A_399, %add3A_400 : i32
      %get3A_402 = arith.index_cast %add3A_401 : i32 to index
      %get3A_403 = tpu.vector_load %arg6[%get3A_402] {strides = array<i32>} : memref<11200xi32, #tpu.memory_space<vmem>>, vector<16xi32>,
      %get3A_404 = vector.shape_cast %get3A_403 : vector<16xi32> to vector<16xi32>
      %mul3A_405 = arith.constant 50000 : i32
      %mul3A_406 = vector.broadcast %mul3A_405 : i32 to vector<16xi32>
      %mul3A_407 = arith.muli %rem3A_397, %mul3A_406 : vector<16xi32>
      %add3A_408 = arith.addi %get3A_404, %mul3A_407 : vector<16xi32>
      %swap3A_409 = arith.constant 1 : i32
      %swap3A_410 = arith.constant 0 : i32
      %swap3A_411 = arith.index_cast %swap3A_409 : i32 to index
      %swap3A_412 = arith.index_cast %swap3A_410 : i32 to index
      %swap3A_413 = arith.constant 16 : index
      %swap3A_414 = tpu.vector_load %arg7[%swap3A_411, %swap3A_412, %swap3A_413] {strides = array<i32>} : memref<2x2x112xi32, #tpu.memory_space<vmem>>, vector<1x1x16xi32>,
      %swap3A_415 = vector.shape_cast %swap3A_414 : vector<1x1x16xi32> to vector<16xi32>
      %swap3A_416 = vector.shape_cast %add3A_408 : vector<16xi32> to vector<1x1x16xi32>
      tpu.vector_store %arg7[%swap3A_411, %swap3A_412, %swap3A_413], %swap3A_416 {strides = array<i32>} : memref<2x2x112xi32, #tpu.memory_space<vmem>>, vector<1x1x16xi32>,
      %iota3A_417 = tpu.iota {dimensions = array<i32: 0>} : vector<16xi32>
      %add3A_418 = arith.constant 32 : i32
      %add3A_419 = vector.broadcast %add3A_418 : i32 to vector<16xi32>
      %add3A_420 = arith.addi %iota3A_417, %add3A_419 : vector<16xi32>
      %rem3A_421 = arith.constant 7 : i32
      %rem3A_422 = vector.broadcast %rem3A_421 : i32 to vector<16xi32>
      %rem3A_423 = arith.remsi %add3A_420, %rem3A_422 : vector<16xi32>
      %mul3A_424 = arith.constant 224 : i32
      %mul3A_425 = arith.muli %add3A_364, %mul3A_424 : i32
      %add3A_426 = arith.constant 32 : i32
      %add3A_427 = arith.addi %mul3A_425, %add3A_426 : i32
      %get3A_428 = arith.index_cast %add3A_427 : i32 to index
      %get3A_429 = tpu.vector_load %arg6[%get3A_428] {strides = array<i32>} : memref<11200xi32, #tpu.memory_space<vmem>>, vector<16xi32>,
      %get3A_430 = vector.shape_cast %get3A_429 : vector<16xi32> to vector<16xi32>
      %mul3A_431 = arith.constant 50000 : i32
      %mul3A_432 = vector.broadcast %mul3A_431 : i32 to vector<16xi32>
      %mul3A_433 = arith.muli %rem3A_423, %mul3A_432 : vector<16xi32>
      %add3A_434 = arith.addi %get3A_430, %mul3A_433 : vector<16xi32>
      %swap3A_435 = arith.constant 1 : i32
      %swap3A_436 = arith.constant 0 : i32
      %swap3A_437 = arith.index_cast %swap3A_435 : i32 to index
      %swap3A_438 = arith.index_cast %swap3A_436 : i32 to index
      %swap3A_439 = arith.constant 32 : index
      %swap3A_440 = tpu.vector_load %arg7[%swap3A_437, %swap3A_438, %swap3A_439] {strides = array<i32>} : memref<2x2x112xi32, #tpu.memory_space<vmem>>, vector<1x1x16xi32>,
      %swap3A_441 = vector.shape_cast %swap3A_440 : vector<1x1x16xi32> to vector<16xi32>
      %swap3A_442 = vector.shape_cast %add3A_434 : vector<16xi32> to vector<1x1x16xi32>
      tpu.vector_store %arg7[%swap3A_437, %swap3A_438, %swap3A_439], %swap3A_442 {strides = array<i32>} : memref<2x2x112xi32, #tpu.memory_space<vmem>>, vector<1x1x16xi32>,
      %iota3A_443 = tpu.iota {dimensions = array<i32: 0>} : vector<16xi32>
      %add3A_444 = arith.constant 48 : i32
      %add3A_445 = vector.broadcast %add3A_444 : i32 to vector<16xi32>
      %add3A_446 = arith.addi %iota3A_443, %add3A_445 : vector<16xi32>
      %rem3A_447 = arith.constant 7 : i32
      %rem3A_448 = vector.broadcast %rem3A_447 : i32 to vector<16xi32>
      %rem3A_449 = arith.remsi %add3A_446, %rem3A_448 : vector<16xi32>
      %mul3A_450 = arith.constant 224 : i32
      %mul3A_451 = arith.muli %add3A_364, %mul3A_450 : i32
      %add3A_452 = arith.constant 48 : i32
      %add3A_453 = arith.addi %mul3A_451, %add3A_452 : i32
      %get3A_454 = arith.index_cast %add3A_453 : i32 to index
      %get3A_455 = tpu.vector_load %arg6[%get3A_454] {strides = array<i32>} : memref<11200xi32, #tpu.memory_space<vmem>>, vector<16xi32>,
      %get3A_456 = vector.shape_cast %get3A_455 : vector<16xi32> to vector<16xi32>
      %mul3A_457 = arith.constant 50000 : i32
      %mul3A_458 = vector.broadcast %mul3A_457 : i32 to vector<16xi32>
      %mul3A_459 = arith.muli %rem3A_449, %mul3A_458 : vector<16xi32>
      %add3A_460 = arith.addi %get3A_456, %mul3A_459 : vector<16xi32>
      %swap3A_461 = arith.constant 1 : i32
      %swap3A_462 = arith.constant 0 : i32
      %swap3A_463 = arith.index_cast %swap3A_461 : i32 to index
      %swap3A_464 = arith.index_cast %swap3A_462 : i32 to index
      %swap3A_465 = arith.constant 48 : index
      %swap3A_466 = tpu.vector_load %arg7[%swap3A_463, %swap3A_464, %swap3A_465] {strides = array<i32>} : memref<2x2x112xi32, #tpu.memory_space<vmem>>, vector<1x1x16xi32>,
      %swap3A_467 = vector.shape_cast %swap3A_466 : vector<1x1x16xi32> to vector<16xi32>
      %swap3A_468 = vector.shape_cast %add3A_460 : vector<16xi32> to vector<1x1x16xi32>
      tpu.vector_store %arg7[%swap3A_463, %swap3A_464, %swap3A_465], %swap3A_468 {strides = array<i32>} : memref<2x2x112xi32, #tpu.memory_space<vmem>>, vector<1x1x16xi32>,
      %iota3A_469 = tpu.iota {dimensions = array<i32: 0>} : vector<16xi32>
      %add3A_470 = arith.constant 64 : i32
      %add3A_471 = vector.broadcast %add3A_470 : i32 to vector<16xi32>
      %add3A_472 = arith.addi %iota3A_469, %add3A_471 : vector<16xi32>
      %rem3A_473 = arith.constant 7 : i32
      %rem3A_474 = vector.broadcast %rem3A_473 : i32 to vector<16xi32>
      %rem3A_475 = arith.remsi %add3A_472, %rem3A_474 : vector<16xi32>
      %mul3A_476 = arith.constant 224 : i32
      %mul3A_477 = arith.muli %add3A_364, %mul3A_476 : i32
      %add3A_478 = arith.constant 64 : i32
      %add3A_479 = arith.addi %mul3A_477, %add3A_478 : i32
      %get3A_480 = arith.index_cast %add3A_479 : i32 to index
      %get3A_481 = tpu.vector_load %arg6[%get3A_480] {strides = array<i32>} : memref<11200xi32, #tpu.memory_space<vmem>>, vector<16xi32>,
      %get3A_482 = vector.shape_cast %get3A_481 : vector<16xi32> to vector<16xi32>
      %mul3A_483 = arith.constant 50000 : i32
      %mul3A_484 = vector.broadcast %mul3A_483 : i32 to vector<16xi32>
      %mul3A_485 = arith.muli %rem3A_475, %mul3A_484 : vector<16xi32>
      %add3A_486 = arith.addi %get3A_482, %mul3A_485 : vector<16xi32>
      %swap3A_487 = arith.constant 1 : i32
      %swap3A_488 = arith.constant 0 : i32
      %swap3A_489 = arith.index_cast %swap3A_487 : i32 to index
      %swap3A_490 = arith.index_cast %swap3A_488 : i32 to index
      %swap3A_491 = arith.constant 64 : index
      %swap3A_492 = tpu.vector_load %arg7[%swap3A_489, %swap3A_490, %swap3A_491] {strides = array<i32>} : memref<2x2x112xi32, #tpu.memory_space<vmem>>, vector<1x1x16xi32>,
      %swap3A_493 = vector.shape_cast %swap3A_492 : vector<1x1x16xi32> to vector<16xi32>
      %swap3A_494 = vector.shape_cast %add3A_486 : vector<16xi32> to vector<1x1x16xi32>
      tpu.vector_store %arg7[%swap3A_489, %swap3A_490, %swap3A_491], %swap3A_494 {strides = array<i32>} : memref<2x2x112xi32, #tpu.memory_space<vmem>>, vector<1x1x16xi32>,
      %iota3A_495 = tpu.iota {dimensions = array<i32: 0>} : vector<16xi32>
      %add3A_496 = arith.constant 80 : i32
      %add3A_497 = vector.broadcast %add3A_496 : i32 to vector<16xi32>
      %add3A_498 = arith.addi %iota3A_495, %add3A_497 : vector<16xi32>
      %rem3A_499 = arith.constant 7 : i32
      %rem3A_500 = vector.broadcast %rem3A_499 : i32 to vector<16xi32>
      %rem3A_501 = arith.remsi %add3A_498, %rem3A_500 : vector<16xi32>
      %mul3A_502 = arith.constant 224 : i32
      %mul3A_503 = arith.muli %add3A_364, %mul3A_502 : i32
      %add3A_504 = arith.constant 80 : i32
      %add3A_505 = arith.addi %mul3A_503, %add3A_504 : i32
      %get3A_506 = arith.index_cast %add3A_505 : i32 to index
      %get3A_507 = tpu.vector_load %arg6[%get3A_506] {strides = array<i32>} : memref<11200xi32, #tpu.memory_space<vmem>>, vector<16xi32>,
      %get3A_508 = vector.shape_cast %get3A_507 : vector<16xi32> to vector<16xi32>
      %mul3A_509 = arith.constant 50000 : i32
      %mul3A_510 = vector.broadcast %mul3A_509 : i32 to vector<16xi32>
      %mul3A_511 = arith.muli %rem3A_501, %mul3A_510 : vector<16xi32>
      %add3A_512 = arith.addi %get3A_508, %mul3A_511 : vector<16xi32>
      %swap3A_513 = arith.constant 1 : i32
      %swap3A_514 = arith.constant 0 : i32
      %swap3A_515 = arith.index_cast %swap3A_513 : i32 to index
      %swap3A_516 = arith.index_cast %swap3A_514 : i32 to index
      %swap3A_517 = arith.constant 80 : index
      %swap3A_518 = tpu.vector_load %arg7[%swap3A_515, %swap3A_516, %swap3A_517] {strides = array<i32>} : memref<2x2x112xi32, #tpu.memory_space<vmem>>, vector<1x1x16xi32>,
      %swap3A_519 = vector.shape_cast %swap3A_518 : vector<1x1x16xi32> to vector<16xi32>
      %swap3A_520 = vector.shape_cast %add3A_512 : vector<16xi32> to vector<1x1x16xi32>
      tpu.vector_store %arg7[%swap3A_515, %swap3A_516, %swap3A_517], %swap3A_520 {strides = array<i32>} : memref<2x2x112xi32, #tpu.memory_space<vmem>>, vector<1x1x16xi32>,
      %iota3A_521 = tpu.iota {dimensions = array<i32: 0>} : vector<16xi32>
      %add3A_522 = arith.constant 96 : i32
      %add3A_523 = vector.broadcast %add3A_522 : i32 to vector<16xi32>
      %add3A_524 = arith.addi %iota3A_521, %add3A_523 : vector<16xi32>
      %rem3A_525 = arith.constant 7 : i32
      %rem3A_526 = vector.broadcast %rem3A_525 : i32 to vector<16xi32>
      %rem3A_527 = arith.remsi %add3A_524, %rem3A_526 : vector<16xi32>
      %mul3A_528 = arith.constant 224 : i32
      %mul3A_529 = arith.muli %add3A_364, %mul3A_528 : i32
      %add3A_530 = arith.constant 96 : i32
      %add3A_531 = arith.addi %mul3A_529, %add3A_530 : i32
      %get3A_532 = arith.index_cast %add3A_531 : i32 to index
      %get3A_533 = tpu.vector_load %arg6[%get3A_532] {strides = array<i32>} : memref<11200xi32, #tpu.memory_space<vmem>>, vector<16xi32>,
      %get3A_534 = vector.shape_cast %get3A_533 : vector<16xi32> to vector<16xi32>
      %mul3A_535 = arith.constant 50000 : i32
      %mul3A_536 = vector.broadcast %mul3A_535 : i32 to vector<16xi32>
      %mul3A_537 = arith.muli %rem3A_527, %mul3A_536 : vector<16xi32>
      %add3A_538 = arith.addi %get3A_534, %mul3A_537 : vector<16xi32>
      %swap3A_539 = arith.constant 1 : i32
      %swap3A_540 = arith.constant 0 : i32
      %swap3A_541 = arith.index_cast %swap3A_539 : i32 to index
      %swap3A_542 = arith.index_cast %swap3A_540 : i32 to index
      %swap3A_543 = arith.constant 96 : index
      %swap3A_544 = tpu.vector_load %arg7[%swap3A_541, %swap3A_542, %swap3A_543] {strides = array<i32>} : memref<2x2x112xi32, #tpu.memory_space<vmem>>, vector<1x1x16xi32>,
      %swap3A_545 = vector.shape_cast %swap3A_544 : vector<1x1x16xi32> to vector<16xi32>
      %swap3A_546 = vector.shape_cast %add3A_538 : vector<16xi32> to vector<1x1x16xi32>
      tpu.vector_store %arg7[%swap3A_541, %swap3A_542, %swap3A_543], %swap3A_546 {strides = array<i32>} : memref<2x2x112xi32, #tpu.memory_space<vmem>>, vector<1x1x16xi32>,
      %iota3A_547 = tpu.iota {dimensions = array<i32: 0>} : vector<16xi32>
      %add3A_548 = arith.constant 112 : i32
      %add3A_549 = vector.broadcast %add3A_548 : i32 to vector<16xi32>
      %add3A_550 = arith.addi %iota3A_547, %add3A_549 : vector<16xi32>
      %rem3A_551 = arith.constant 7 : i32
      %rem3A_552 = vector.broadcast %rem3A_551 : i32 to vector<16xi32>
      %rem3A_553 = arith.remsi %add3A_550, %rem3A_552 : vector<16xi32>
      %mul3A_554 = arith.constant 224 : i32
      %mul3A_555 = arith.muli %add3A_364, %mul3A_554 : i32
      %add3A_556 = arith.constant 112 : i32
      %add3A_557 = arith.addi %mul3A_555, %add3A_556 : i32
      %get3A_558 = arith.index_cast %add3A_557 : i32 to index
      %get3A_559 = tpu.vector_load %arg6[%get3A_558] {strides = array<i32>} : memref<11200xi32, #tpu.memory_space<vmem>>, vector<16xi32>,
      %get3A_560 = vector.shape_cast %get3A_559 : vector<16xi32> to vector<16xi32>
      %mul3A_561 = arith.constant 50000 : i32
      %mul3A_562 = vector.broadcast %mul3A_561 : i32 to vector<16xi32>
      %mul3A_563 = arith.muli %rem3A_553, %mul3A_562 : vector<16xi32>
      %add3A_564 = arith.addi %get3A_560, %mul3A_563 : vector<16xi32>
      %swap3A_565 = arith.constant 1 : i32
      %swap3A_566 = arith.constant 1 : i32
      %swap3A_567 = arith.index_cast %swap3A_565 : i32 to index
      %swap3A_568 = arith.index_cast %swap3A_566 : i32 to index
      %swap3A_569 = arith.constant 0 : index
      %swap3A_570 = tpu.vector_load %arg7[%swap3A_567, %swap3A_568, %swap3A_569] {strides = array<i32>} : memref<2x2x112xi32, #tpu.memory_space<vmem>>, vector<1x1x16xi32>,
      %swap3A_571 = vector.shape_cast %swap3A_570 : vector<1x1x16xi32> to vector<16xi32>
      %swap3A_572 = vector.shape_cast %add3A_564 : vector<16xi32> to vector<1x1x16xi32>
      tpu.vector_store %arg7[%swap3A_567, %swap3A_568, %swap3A_569], %swap3A_572 {strides = array<i32>} : memref<2x2x112xi32, #tpu.memory_space<vmem>>, vector<1x1x16xi32>,
      %iota3A_573 = tpu.iota {dimensions = array<i32: 0>} : vector<16xi32>
      %add3A_574 = arith.constant 128 : i32
      %add3A_575 = vector.broadcast %add3A_574 : i32 to vector<16xi32>
      %add3A_576 = arith.addi %iota3A_573, %add3A_575 : vector<16xi32>
      %rem3A_577 = arith.constant 7 : i32
      %rem3A_578 = vector.broadcast %rem3A_577 : i32 to vector<16xi32>
      %rem3A_579 = arith.remsi %add3A_576, %rem3A_578 : vector<16xi32>
      %mul3A_580 = arith.constant 224 : i32
      %mul3A_581 = arith.muli %add3A_364, %mul3A_580 : i32
      %add3A_582 = arith.constant 128 : i32
      %add3A_583 = arith.addi %mul3A_581, %add3A_582 : i32
      %get3A_584 = arith.index_cast %add3A_583 : i32 to index
      %get3A_585 = tpu.vector_load %arg6[%get3A_584] {strides = array<i32>} : memref<11200xi32, #tpu.memory_space<vmem>>, vector<16xi32>,
      %get3A_586 = vector.shape_cast %get3A_585 : vector<16xi32> to vector<16xi32>
      %mul3A_587 = arith.constant 50000 : i32
      %mul3A_588 = vector.broadcast %mul3A_587 : i32 to vector<16xi32>
      %mul3A_589 = arith.muli %rem3A_579, %mul3A_588 : vector<16xi32>
      %add3A_590 = arith.addi %get3A_586, %mul3A_589 : vector<16xi32>
      %swap3A_591 = arith.constant 1 : i32
      %swap3A_592 = arith.constant 1 : i32
      %swap3A_593 = arith.index_cast %swap3A_591 : i32 to index
      %swap3A_594 = arith.index_cast %swap3A_592 : i32 to index
      %swap3A_595 = arith.constant 16 : index
      %swap3A_596 = tpu.vector_load %arg7[%swap3A_593, %swap3A_594, %swap3A_595] {strides = array<i32>} : memref<2x2x112xi32, #tpu.memory_space<vmem>>, vector<1x1x16xi32>,
      %swap3A_597 = vector.shape_cast %swap3A_596 : vector<1x1x16xi32> to vector<16xi32>
      %swap3A_598 = vector.shape_cast %add3A_590 : vector<16xi32> to vector<1x1x16xi32>
      tpu.vector_store %arg7[%swap3A_593, %swap3A_594, %swap3A_595], %swap3A_598 {strides = array<i32>} : memref<2x2x112xi32, #tpu.memory_space<vmem>>, vector<1x1x16xi32>,
      %iota3A_599 = tpu.iota {dimensions = array<i32: 0>} : vector<16xi32>
      %add3A_600 = arith.constant 144 : i32
      %add3A_601 = vector.broadcast %add3A_600 : i32 to vector<16xi32>
      %add3A_602 = arith.addi %iota3A_599, %add3A_601 : vector<16xi32>
      %rem3A_603 = arith.constant 7 : i32
      %rem3A_604 = vector.broadcast %rem3A_603 : i32 to vector<16xi32>
      %rem3A_605 = arith.remsi %add3A_602, %rem3A_604 : vector<16xi32>
      %mul3A_606 = arith.constant 224 : i32
      %mul3A_607 = arith.muli %add3A_364, %mul3A_606 : i32
      %add3A_608 = arith.constant 144 : i32
      %add3A_609 = arith.addi %mul3A_607, %add3A_608 : i32
      %get3A_610 = arith.index_cast %add3A_609 : i32 to index
      %get3A_611 = tpu.vector_load %arg6[%get3A_610] {strides = array<i32>} : memref<11200xi32, #tpu.memory_space<vmem>>, vector<16xi32>,
      %get3A_612 = vector.shape_cast %get3A_611 : vector<16xi32> to vector<16xi32>
      %mul3A_613 = arith.constant 50000 : i32
      %mul3A_614 = vector.broadcast %mul3A_613 : i32 to vector<16xi32>
      %mul3A_615 = arith.muli %rem3A_605, %mul3A_614 : vector<16xi32>
      %add3A_616 = arith.addi %get3A_612, %mul3A_615 : vector<16xi32>
      %swap3A_617 = arith.constant 1 : i32
      %swap3A_618 = arith.constant 1 : i32
      %swap3A_619 = arith.index_cast %swap3A_617 : i32 to index
      %swap3A_620 = arith.index_cast %swap3A_618 : i32 to index
      %swap3A_621 = arith.constant 32 : index
      %swap3A_622 = tpu.vector_load %arg7[%swap3A_619, %swap3A_620, %swap3A_621] {strides = array<i32>} : memref<2x2x112xi32, #tpu.memory_space<vmem>>, vector<1x1x16xi32>,
      %swap3A_623 = vector.shape_cast %swap3A_622 : vector<1x1x16xi32> to vector<16xi32>
      %swap3A_624 = vector.shape_cast %add3A_616 : vector<16xi32> to vector<1x1x16xi32>
      tpu.vector_store %arg7[%swap3A_619, %swap3A_620, %swap3A_621], %swap3A_624 {strides = array<i32>} : memref<2x2x112xi32, #tpu.memory_space<vmem>>, vector<1x1x16xi32>,
      %iota3A_625 = tpu.iota {dimensions = array<i32: 0>} : vector<16xi32>
      %add3A_626 = arith.constant 160 : i32
      %add3A_627 = vector.broadcast %add3A_626 : i32 to vector<16xi32>
      %add3A_628 = arith.addi %iota3A_625, %add3A_627 : vector<16xi32>
      %rem3A_629 = arith.constant 7 : i32
      %rem3A_630 = vector.broadcast %rem3A_629 : i32 to vector<16xi32>
      %rem3A_631 = arith.remsi %add3A_628, %rem3A_630 : vector<16xi32>
      %mul3A_632 = arith.constant 224 : i32
      %mul3A_633 = arith.muli %add3A_364, %mul3A_632 : i32
      %add3A_634 = arith.constant 160 : i32
      %add3A_635 = arith.addi %mul3A_633, %add3A_634 : i32
      %get3A_636 = arith.index_cast %add3A_635 : i32 to index
      %get3A_637 = tpu.vector_load %arg6[%get3A_636] {strides = array<i32>} : memref<11200xi32, #tpu.memory_space<vmem>>, vector<16xi32>,
      %get3A_638 = vector.shape_cast %get3A_637 : vector<16xi32> to vector<16xi32>
      %mul3A_639 = arith.constant 50000 : i32
      %mul3A_640 = vector.broadcast %mul3A_639 : i32 to vector<16xi32>
      %mul3A_641 = arith.muli %rem3A_631, %mul3A_640 : vector<16xi32>
      %add3A_642 = arith.addi %get3A_638, %mul3A_641 : vector<16xi32>
      %swap3A_643 = arith.constant 1 : i32
      %swap3A_644 = arith.constant 1 : i32
      %swap3A_645 = arith.index_cast %swap3A_643 : i32 to index
      %swap3A_646 = arith.index_cast %swap3A_644 : i32 to index
      %swap3A_647 = arith.constant 48 : index
      %swap3A_648 = tpu.vector_load %arg7[%swap3A_645, %swap3A_646, %swap3A_647] {strides = array<i32>} : memref<2x2x112xi32, #tpu.memory_space<vmem>>, vector<1x1x16xi32>,
      %swap3A_649 = vector.shape_cast %swap3A_648 : vector<1x1x16xi32> to vector<16xi32>
      %swap3A_650 = vector.shape_cast %add3A_642 : vector<16xi32> to vector<1x1x16xi32>
      tpu.vector_store %arg7[%swap3A_645, %swap3A_646, %swap3A_647], %swap3A_650 {strides = array<i32>} : memref<2x2x112xi32, #tpu.memory_space<vmem>>, vector<1x1x16xi32>,
      %iota3A_651 = tpu.iota {dimensions = array<i32: 0>} : vector<16xi32>
      %add3A_652 = arith.constant 176 : i32
      %add3A_653 = vector.broadcast %add3A_652 : i32 to vector<16xi32>
      %add3A_654 = arith.addi %iota3A_651, %add3A_653 : vector<16xi32>
      %rem3A_655 = arith.constant 7 : i32
      %rem3A_656 = vector.broadcast %rem3A_655 : i32 to vector<16xi32>
      %rem3A_657 = arith.remsi %add3A_654, %rem3A_656 : vector<16xi32>
      %mul3A_658 = arith.constant 224 : i32
      %mul3A_659 = arith.muli %add3A_364, %mul3A_658 : i32
      %add3A_660 = arith.constant 176 : i32
      %add3A_661 = arith.addi %mul3A_659, %add3A_660 : i32
      %get3A_662 = arith.index_cast %add3A_661 : i32 to index
      %get3A_663 = tpu.vector_load %arg6[%get3A_662] {strides = array<i32>} : memref<11200xi32, #tpu.memory_space<vmem>>, vector<16xi32>,
      %get3A_664 = vector.shape_cast %get3A_663 : vector<16xi32> to vector<16xi32>
      %mul3A_665 = arith.constant 50000 : i32
      %mul3A_666 = vector.broadcast %mul3A_665 : i32 to vector<16xi32>
      %mul3A_667 = arith.muli %rem3A_657, %mul3A_666 : vector<16xi32>
      %add3A_668 = arith.addi %get3A_664, %mul3A_667 : vector<16xi32>
      %swap3A_669 = arith.constant 1 : i32
      %swap3A_670 = arith.constant 1 : i32
      %swap3A_671 = arith.index_cast %swap3A_669 : i32 to index
      %swap3A_672 = arith.index_cast %swap3A_670 : i32 to index
      %swap3A_673 = arith.constant 64 : index
      %swap3A_674 = tpu.vector_load %arg7[%swap3A_671, %swap3A_672, %swap3A_673] {strides = array<i32>} : memref<2x2x112xi32, #tpu.memory_space<vmem>>, vector<1x1x16xi32>,
      %swap3A_675 = vector.shape_cast %swap3A_674 : vector<1x1x16xi32> to vector<16xi32>
      %swap3A_676 = vector.shape_cast %add3A_668 : vector<16xi32> to vector<1x1x16xi32>
      tpu.vector_store %arg7[%swap3A_671, %swap3A_672, %swap3A_673], %swap3A_676 {strides = array<i32>} : memref<2x2x112xi32, #tpu.memory_space<vmem>>, vector<1x1x16xi32>,
      %iota3A_677 = tpu.iota {dimensions = array<i32: 0>} : vector<16xi32>
      %add3A_678 = arith.constant 192 : i32
      %add3A_679 = vector.broadcast %add3A_678 : i32 to vector<16xi32>
      %add3A_680 = arith.addi %iota3A_677, %add3A_679 : vector<16xi32>
      %rem3A_681 = arith.constant 7 : i32
      %rem3A_682 = vector.broadcast %rem3A_681 : i32 to vector<16xi32>
      %rem3A_683 = arith.remsi %add3A_680, %rem3A_682 : vector<16xi32>
      %mul3A_684 = arith.constant 224 : i32
      %mul3A_685 = arith.muli %add3A_364, %mul3A_684 : i32
      %add3A_686 = arith.constant 192 : i32
      %add3A_687 = arith.addi %mul3A_685, %add3A_686 : i32
      %get3A_688 = arith.index_cast %add3A_687 : i32 to index
      %get3A_689 = tpu.vector_load %arg6[%get3A_688] {strides = array<i32>} : memref<11200xi32, #tpu.memory_space<vmem>>, vector<16xi32>,
      %get3A_690 = vector.shape_cast %get3A_689 : vector<16xi32> to vector<16xi32>
      %mul3A_691 = arith.constant 50000 : i32
      %mul3A_692 = vector.broadcast %mul3A_691 : i32 to vector<16xi32>
      %mul3A_693 = arith.muli %rem3A_683, %mul3A_692 : vector<16xi32>
      %add3A_694 = arith.addi %get3A_690, %mul3A_693 : vector<16xi32>
      %swap3A_695 = arith.constant 1 : i32
      %swap3A_696 = arith.constant 1 : i32
      %swap3A_697 = arith.index_cast %swap3A_695 : i32 to index
      %swap3A_698 = arith.index_cast %swap3A_696 : i32 to index
      %swap3A_699 = arith.constant 80 : index
      %swap3A_700 = tpu.vector_load %arg7[%swap3A_697, %swap3A_698, %swap3A_699] {strides = array<i32>} : memref<2x2x112xi32, #tpu.memory_space<vmem>>, vector<1x1x16xi32>,
      %swap3A_701 = vector.shape_cast %swap3A_700 : vector<1x1x16xi32> to vector<16xi32>
      %swap3A_702 = vector.shape_cast %add3A_694 : vector<16xi32> to vector<1x1x16xi32>
      tpu.vector_store %arg7[%swap3A_697, %swap3A_698, %swap3A_699], %swap3A_702 {strides = array<i32>} : memref<2x2x112xi32, #tpu.memory_space<vmem>>, vector<1x1x16xi32>,
      %iota3A_703 = tpu.iota {dimensions = array<i32: 0>} : vector<16xi32>
      %add3A_704 = arith.constant 208 : i32
      %add3A_705 = vector.broadcast %add3A_704 : i32 to vector<16xi32>
      %add3A_706 = arith.addi %iota3A_703, %add3A_705 : vector<16xi32>
      %rem3A_707 = arith.constant 7 : i32
      %rem3A_708 = vector.broadcast %rem3A_707 : i32 to vector<16xi32>
      %rem3A_709 = arith.remsi %add3A_706, %rem3A_708 : vector<16xi32>
      %mul3A_710 = arith.constant 224 : i32
      %mul3A_711 = arith.muli %add3A_364, %mul3A_710 : i32
      %add3A_712 = arith.constant 208 : i32
      %add3A_713 = arith.addi %mul3A_711, %add3A_712 : i32
      %get3A_714 = arith.index_cast %add3A_713 : i32 to index
      %get3A_715 = tpu.vector_load %arg6[%get3A_714] {strides = array<i32>} : memref<11200xi32, #tpu.memory_space<vmem>>, vector<16xi32>,
      %get3A_716 = vector.shape_cast %get3A_715 : vector<16xi32> to vector<16xi32>
      %mul3A_717 = arith.constant 50000 : i32
      %mul3A_718 = vector.broadcast %mul3A_717 : i32 to vector<16xi32>
      %mul3A_719 = arith.muli %rem3A_709, %mul3A_718 : vector<16xi32>
      %add3A_720 = arith.addi %get3A_716, %mul3A_719 : vector<16xi32>
      %swap3A_721 = arith.constant 1 : i32
      %swap3A_722 = arith.constant 1 : i32
      %swap3A_723 = arith.index_cast %swap3A_721 : i32 to index
      %swap3A_724 = arith.index_cast %swap3A_722 : i32 to index
      %swap3A_725 = arith.constant 96 : index
      %swap3A_726 = tpu.vector_load %arg7[%swap3A_723, %swap3A_724, %swap3A_725] {strides = array<i32>} : memref<2x2x112xi32, #tpu.memory_space<vmem>>, vector<1x1x16xi32>,
      %swap3A_727 = vector.shape_cast %swap3A_726 : vector<1x1x16xi32> to vector<16xi32>
      %swap3A_728 = vector.shape_cast %add3A_720 : vector<16xi32> to vector<1x1x16xi32>
      tpu.vector_store %arg7[%swap3A_723, %swap3A_724, %swap3A_725], %swap3A_728 {strides = array<i32>} : memref<2x2x112xi32, #tpu.memory_space<vmem>>, vector<1x1x16xi32>,
      %dma_start3A_729 = arith.constant 1 : i32
      %dma_start3A_730 = arith.constant 0 : i32
      %dma_start3A_731 = arith.constant 224 : i32
      %dma_start3A_732 = arith.constant 0 : i32
      %dma_start3A_733 = tpu.memref_slice %arg8[%dma_start3A_731, %dma_start3A_732] : memref<448x128xf32, #tpu.memory_space<vmem>> -> memref<112x128xf32, #tpu.memory_space<vmem>>
      %dma_start3A_734 = arith.constant 0 : i32
      %dma_start3A_735 = tpu.memref_slice %arg7[%dma_start3A_729, %dma_start3A_730, %dma_start3A_734] : memref<2x2x112xi32, #tpu.memory_space<vmem>> -> memref<1x1x112xi32, #tpu.memory_space<vmem>>
      %dma_start3A_736 = tpu.memref_squeeze %dma_start3A_735 : memref<1x1x112xi32, #tpu.memory_space<vmem>> -> memref<112xi32, #tpu.memory_space<vmem>>
      %dma_start3A_737 = arith.constant 0 : i32
      %dma_start3A_738 = arith.constant 0 : i32
      %dma_start3A_739 = tpu.memref_slice %arg2[%dma_start3A_737, %dma_start3A_738] : memref<350000x128xf32, #tpu.memory_space<hbm>> -> memref<350000x128xf32, #tpu.memory_space<hbm>>
      tpu.enqueue_indirect_dma source(%dma_start3A_739 : memref<350000x128xf32, #tpu.memory_space<hbm>>) target(%dma_start3A_733 : memref<112x128xf32, #tpu.memory_space<vmem>>) offsets(%dma_start3A_736 : memref<112xi32, #tpu.memory_space<vmem>>) semaphore(%arg11 : memref<!tpu.dma_semaphore, #tpu.memory_space<semaphore_mem>>)
      %dma_start3A_740 = arith.constant 1 : i32
      %dma_start3A_741 = arith.constant 1 : i32
      %dma_start3A_742 = arith.constant 336 : i32
      %dma_start3A_743 = arith.constant 0 : i32
      %dma_start3A_744 = tpu.memref_slice %arg8[%dma_start3A_742, %dma_start3A_743] : memref<448x128xf32, #tpu.memory_space<vmem>> -> memref<112x128xf32, #tpu.memory_space<vmem>>
      %dma_start3A_745 = arith.constant 0 : i32
      %dma_start3A_746 = tpu.memref_slice %arg7[%dma_start3A_740, %dma_start3A_741, %dma_start3A_745] : memref<2x2x112xi32, #tpu.memory_space<vmem>> -> memref<1x1x112xi32, #tpu.memory_space<vmem>>
      %dma_start3A_747 = tpu.memref_squeeze %dma_start3A_746 : memref<1x1x112xi32, #tpu.memory_space<vmem>> -> memref<112xi32, #tpu.memory_space<vmem>>
      %dma_start3A_748 = arith.constant 0 : i32
      %dma_start3A_749 = arith.constant 0 : i32
      %dma_start3A_750 = tpu.memref_slice %arg2[%dma_start3A_748, %dma_start3A_749] : memref<350000x128xf32, #tpu.memory_space<hbm>> -> memref<350000x128xf32, #tpu.memory_space<hbm>>
      tpu.enqueue_indirect_dma source(%dma_start3A_750 : memref<350000x128xf32, #tpu.memory_space<hbm>>) target(%dma_start3A_744 : memref<112x128xf32, #tpu.memory_space<vmem>>) offsets(%dma_start3A_747 : memref<112xi32, #tpu.memory_space<vmem>>) semaphore(%arg11 : memref<!tpu.dma_semaphore, #tpu.memory_space<semaphore_mem>>)
      %dma_wait3A = arith.constant 0 : i32
      %dma_wait3A_751 = arith.constant 0 : i32
      %dma_wait3A_752 = arith.constant 0 : i32
      %dma_wait3A_753 = arith.constant 0 : i32
      %dma_wait3A_754 = tpu.memref_slice %arg8[%dma_wait3A_752, %dma_wait3A_753] : memref<448x128xf32, #tpu.memory_space<vmem>> -> memref<112x128xf32, #tpu.memory_space<vmem>>
      %dma_wait3A_755 = arith.constant 0 : i32
      %dma_wait3A_756 = tpu.memref_slice %arg7[%dma_wait3A, %dma_wait3A_751, %dma_wait3A_755] : memref<2x2x112xi32, #tpu.memory_space<vmem>> -> memref<1x1x112xi32, #tpu.memory_space<vmem>>
      %dma_wait3A_757 = tpu.memref_squeeze %dma_wait3A_756 : memref<1x1x112xi32, #tpu.memory_space<vmem>> -> memref<112xi32, #tpu.memory_space<vmem>>
      %dma_wait3A_758 = arith.constant 0 : i32
      %dma_wait3A_759 = arith.constant 0 : i32
      %dma_wait3A_760 = tpu.memref_slice %arg2[%dma_wait3A_758, %dma_wait3A_759] : memref<350000x128xf32, #tpu.memory_space<hbm>> -> memref<350000x128xf32, #tpu.memory_space<hbm>>
      tpu.wait_indirect_dma semaphore(%arg11 : memref<!tpu.dma_semaphore, #tpu.memory_space<semaphore_mem>>) src(%dma_wait3A_760 : memref<350000x128xf32, #tpu.memory_space<hbm>>) dst(%dma_wait3A_754 : memref<112x128xf32, #tpu.memory_space<vmem>>)
      %dma_wait3A_761 = arith.constant 0 : i32
      %dma_wait3A_762 = arith.constant 1 : i32
      %dma_wait3A_763 = arith.constant 112 : i32
      %dma_wait3A_764 = arith.constant 0 : i32
      %dma_wait3A_765 = tpu.memref_slice %arg8[%dma_wait3A_763, %dma_wait3A_764] : memref<448x128xf32, #tpu.memory_space<vmem>> -> memref<112x128xf32, #tpu.memory_space<vmem>>
      %dma_wait3A_766 = arith.constant 0 : i32
      %dma_wait3A_767 = tpu.memref_slice %arg7[%dma_wait3A_761, %dma_wait3A_762, %dma_wait3A_766] : memref<2x2x112xi32, #tpu.memory_space<vmem>> -> memref<1x1x112xi32, #tpu.memory_space<vmem>>
      %dma_wait3A_768 = tpu.memref_squeeze %dma_wait3A_767 : memref<1x1x112xi32, #tpu.memory_space<vmem>> -> memref<112xi32, #tpu.memory_space<vmem>>
      %dma_wait3A_769 = arith.constant 0 : i32
      %dma_wait3A_770 = arith.constant 0 : i32
      %dma_wait3A_771 = tpu.memref_slice %arg2[%dma_wait3A_769, %dma_wait3A_770] : memref<350000x128xf32, #tpu.memory_space<hbm>> -> memref<350000x128xf32, #tpu.memory_space<hbm>>
      tpu.wait_indirect_dma semaphore(%arg11 : memref<!tpu.dma_semaphore, #tpu.memory_space<semaphore_mem>>) src(%dma_wait3A_771 : memref<350000x128xf32, #tpu.memory_space<hbm>>) dst(%dma_wait3A_765 : memref<112x128xf32, #tpu.memory_space<vmem>>)
      %scan3A_772 = arith.constant 0 : i32
      %scan3A_773 = arith.constant 0 : i32
      %scan3A_774 = arith.constant 8 : i32
      %scan3A_775 = arith.addi %scan3A_773, %scan3A_774 : i32
      %scan3A_776 = arith.constant 1 : i32
      scf.for %scan3A_816 = %scan3A_773 to %scan3A_775 step %scan3A_776  : i32 {
        %mul3A_817 = arith.constant 4 : i32
        %mul3A_818 = arith.muli %scan3A_816, %mul3A_817 : i32
        %add3A_819 = arith.constant 0 : i32
        %add3A_820 = arith.addi %mul3A_818, %add3A_819 : i32
        %mul3A_821 = arith.constant 7 : i32
        %mul3A_822 = arith.muli %add3A_820, %mul3A_821 : i32
        %add3A_823 = arith.constant 0 : i32
        %add3A_824 = arith.addi %add3A_823, %mul3A_822 : i32
        %mul3A_825 = arith.constant 4 : i32
        %mul3A_826 = arith.muli %scan3A_816, %mul3A_825 : i32
        %add3A_827 = arith.constant 0 : i32
        %add3A_828 = arith.addi %mul3A_826, %add3A_827 : i32
        %add3A_829 = arith.constant 0 : i32
        %add3A_830 = arith.addi %add3A_824, %add3A_829 : i32
        %get3A_831 = arith.index_cast %add3A_830 : i32 to index
        %get3A_832 = arith.constant 0 : index
        %get3A_833 = tpu.vector_load %arg8[%get3A_831, %get3A_832] {strides = array<i32>} : memref<448x128xf32, #tpu.memory_space<vmem>>, vector<1x16xf32>,
        %get3A_834 = vector.shape_cast %get3A_833 : vector<1x16xf32> to vector<16xf32>
        %add3A_835 = arith.constant 1 : i32
        %add3A_836 = arith.addi %add3A_824, %add3A_835 : i32
        %get3A_837 = arith.index_cast %add3A_836 : i32 to index
        %get3A_838 = arith.constant 0 : index
        %get3A_839 = tpu.vector_load %arg8[%get3A_837, %get3A_838] {strides = array<i32>} : memref<448x128xf32, #tpu.memory_space<vmem>>, vector<1x16xf32>,
        %get3A_840 = vector.shape_cast %get3A_839 : vector<1x16xf32> to vector<16xf32>
        %add3A_841 = arith.constant 2 : i32
        %add3A_842 = arith.addi %add3A_824, %add3A_841 : i32
        %get3A_843 = arith.index_cast %add3A_842 : i32 to index
        %get3A_844 = arith.constant 0 : index
        %get3A_845 = tpu.vector_load %arg8[%get3A_843, %get3A_844] {strides = array<i32>} : memref<448x128xf32, #tpu.memory_space<vmem>>, vector<1x16xf32>,
        %get3A_846 = vector.shape_cast %get3A_845 : vector<1x16xf32> to vector<16xf32>
        %add3A_847 = arith.constant 3 : i32
        %add3A_848 = arith.addi %add3A_824, %add3A_847 : i32
        %get3A_849 = arith.index_cast %add3A_848 : i32 to index
        %get3A_850 = arith.constant 0 : index
        %get3A_851 = tpu.vector_load %arg8[%get3A_849, %get3A_850] {strides = array<i32>} : memref<448x128xf32, #tpu.memory_space<vmem>>, vector<1x16xf32>,
        %get3A_852 = vector.shape_cast %get3A_851 : vector<1x16xf32> to vector<16xf32>
        %add3A_853 = arith.constant 4 : i32
        %add3A_854 = arith.addi %add3A_824, %add3A_853 : i32
        %get3A_855 = arith.index_cast %add3A_854 : i32 to index
        %get3A_856 = arith.constant 0 : index
        %get3A_857 = tpu.vector_load %arg8[%get3A_855, %get3A_856] {strides = array<i32>} : memref<448x128xf32, #tpu.memory_space<vmem>>, vector<1x16xf32>,
        %get3A_858 = vector.shape_cast %get3A_857 : vector<1x16xf32> to vector<16xf32>
        %add3A_859 = arith.constant 5 : i32
        %add3A_860 = arith.addi %add3A_824, %add3A_859 : i32
        %get3A_861 = arith.index_cast %add3A_860 : i32 to index
        %get3A_862 = arith.constant 0 : index
        %get3A_863 = tpu.vector_load %arg8[%get3A_861, %get3A_862] {strides = array<i32>} : memref<448x128xf32, #tpu.memory_space<vmem>>, vector<1x16xf32>,
        %get3A_864 = vector.shape_cast %get3A_863 : vector<1x16xf32> to vector<16xf32>
        %add3A_865 = arith.constant 6 : i32
        %add3A_866 = arith.addi %add3A_824, %add3A_865 : i32
        %get3A_867 = arith.index_cast %add3A_866 : i32 to index
        %get3A_868 = arith.constant 0 : index
        %get3A_869 = tpu.vector_load %arg8[%get3A_867, %get3A_868] {strides = array<i32>} : memref<448x128xf32, #tpu.memory_space<vmem>>, vector<1x16xf32>,
        %get3A_870 = vector.shape_cast %get3A_869 : vector<1x16xf32> to vector<16xf32>
        %add3A_871 = arith.addf %get3A_834, %get3A_840 : vector<16xf32>
        %add3A_872 = arith.addf %get3A_846, %get3A_852 : vector<16xf32>
        %add3A_873 = arith.addf %get3A_858, %get3A_864 : vector<16xf32>
        %add3A_874 = arith.addf %get3A_870, %get3A_7 : vector<16xf32>
        %add3A_875 = arith.addf %add3A_871, %add3A_872 : vector<16xf32>
        %add3A_876 = arith.addf %add3A_873, %add3A_874 : vector<16xf32>
        %add3A_877 = arith.addf %add3A_875, %add3A_876 : vector<16xf32>
        %swap3A_878 = arith.index_cast %add3A_828 : i32 to index
        %swap3A_879 = arith.constant 0 : index
        %swap3A_880 = tpu.vector_load %arg9[%swap3A_878, %swap3A_879] {strides = array<i32>} : memref<32x128xf32, #tpu.memory_space<vmem>>, vector<1x16xf32>,
        %swap3A_881 = vector.shape_cast %swap3A_880 : vector<1x16xf32> to vector<16xf32>
        %swap3A_882 = vector.shape_cast %add3A_877 : vector<16xf32> to vector<1x16xf32>
        tpu.vector_store %arg9[%swap3A_878, %swap3A_879], %swap3A_882 {strides = array<i32>} : memref<32x128xf32, #tpu.memory_space<vmem>>, vector<1x16xf32>,
        %add3A_883 = arith.constant 0 : i32
        %add3A_884 = arith.addi %add3A_824, %add3A_883 : i32
        %get3A_885 = arith.index_cast %add3A_884 : i32 to index
        %get3A_886 = arith.constant 16 : index
        %get3A_887 = tpu.vector_load %arg8[%get3A_885, %get3A_886] {strides = array<i32>} : memref<448x128xf32, #tpu.memory_space<vmem>>, vector<1x16xf32>,
        %get3A_888 = vector.shape_cast %get3A_887 : vector<1x16xf32> to vector<16xf32>
        %add3A_889 = arith.constant 1 : i32
        %add3A_890 = arith.addi %add3A_824, %add3A_889 : i32
        %get3A_891 = arith.index_cast %add3A_890 : i32 to index
        %get3A_892 = arith.constant 16 : index
        %get3A_893 = tpu.vector_load %arg8[%get3A_891, %get3A_892] {strides = array<i32>} : memref<448x128xf32, #tpu.memory_space<vmem>>, vector<1x16xf32>,
        %get3A_894 = vector.shape_cast %get3A_893 : vector<1x16xf32> to vector<16xf32>
        %add3A_895 = arith.constant 2 : i32
        %add3A_896 = arith.addi %add3A_824, %add3A_895 : i32
        %get3A_897 = arith.index_cast %add3A_896 : i32 to index
        %get3A_898 = arith.constant 16 : index
        %get3A_899 = tpu.vector_load %arg8[%get3A_897, %get3A_898] {strides = array<i32>} : memref<448x128xf32, #tpu.memory_space<vmem>>, vector<1x16xf32>,
        %get3A_900 = vector.shape_cast %get3A_899 : vector<1x16xf32> to vector<16xf32>
        %add3A_901 = arith.constant 3 : i32
        %add3A_902 = arith.addi %add3A_824, %add3A_901 : i32
        %get3A_903 = arith.index_cast %add3A_902 : i32 to index
        %get3A_904 = arith.constant 16 : index
        %get3A_905 = tpu.vector_load %arg8[%get3A_903, %get3A_904] {strides = array<i32>} : memref<448x128xf32, #tpu.memory_space<vmem>>, vector<1x16xf32>,
        %get3A_906 = vector.shape_cast %get3A_905 : vector<1x16xf32> to vector<16xf32>
        %add3A_907 = arith.constant 4 : i32
        %add3A_908 = arith.addi %add3A_824, %add3A_907 : i32
        %get3A_909 = arith.index_cast %add3A_908 : i32 to index
        %get3A_910 = arith.constant 16 : index
        %get3A_911 = tpu.vector_load %arg8[%get3A_909, %get3A_910] {strides = array<i32>} : memref<448x128xf32, #tpu.memory_space<vmem>>, vector<1x16xf32>,
        %get3A_912 = vector.shape_cast %get3A_911 : vector<1x16xf32> to vector<16xf32>
        %add3A_913 = arith.constant 5 : i32
        %add3A_914 = arith.addi %add3A_824, %add3A_913 : i32
        %get3A_915 = arith.index_cast %add3A_914 : i32 to index
        %get3A_916 = arith.constant 16 : index
        %get3A_917 = tpu.vector_load %arg8[%get3A_915, %get3A_916] {strides = array<i32>} : memref<448x128xf32, #tpu.memory_space<vmem>>, vector<1x16xf32>,
        %get3A_918 = vector.shape_cast %get3A_917 : vector<1x16xf32> to vector<16xf32>
        %add3A_919 = arith.constant 6 : i32
        %add3A_920 = arith.addi %add3A_824, %add3A_919 : i32
        %get3A_921 = arith.index_cast %add3A_920 : i32 to index
        %get3A_922 = arith.constant 16 : index
        %get3A_923 = tpu.vector_load %arg8[%get3A_921, %get3A_922] {strides = array<i32>} : memref<448x128xf32, #tpu.memory_space<vmem>>, vector<1x16xf32>,
        %get3A_924 = vector.shape_cast %get3A_923 : vector<1x16xf32> to vector<16xf32>
        %add3A_925 = arith.addf %get3A_888, %get3A_894 : vector<16xf32>
        %add3A_926 = arith.addf %get3A_900, %get3A_906 : vector<16xf32>
        %add3A_927 = arith.addf %get3A_912, %get3A_918 : vector<16xf32>
        %add3A_928 = arith.addf %get3A_924, %get3A_10 : vector<16xf32>
        %add3A_929 = arith.addf %add3A_925, %add3A_926 : vector<16xf32>
        %add3A_930 = arith.addf %add3A_927, %add3A_928 : vector<16xf32>
        %add3A_931 = arith.addf %add3A_929, %add3A_930 : vector<16xf32>
        %swap3A_932 = arith.index_cast %add3A_828 : i32 to index
        %swap3A_933 = arith.constant 16 : index
        %swap3A_934 = tpu.vector_load %arg9[%swap3A_932, %swap3A_933] {strides = array<i32>} : memref<32x128xf32, #tpu.memory_space<vmem>>, vector<1x16xf32>,
        %swap3A_935 = vector.shape_cast %swap3A_934 : vector<1x16xf32> to vector<16xf32>
        %swap3A_936 = vector.shape_cast %add3A_931 : vector<16xf32> to vector<1x16xf32>
        tpu.vector_store %arg9[%swap3A_932, %swap3A_933], %swap3A_936 {strides = array<i32>} : memref<32x128xf32, #tpu.memory_space<vmem>>, vector<1x16xf32>,
        %add3A_937 = arith.constant 0 : i32
        %add3A_938 = arith.addi %add3A_824, %add3A_937 : i32
        %get3A_939 = arith.index_cast %add3A_938 : i32 to index
        %get3A_940 = arith.constant 32 : index
        %get3A_941 = tpu.vector_load %arg8[%get3A_939, %get3A_940] {strides = array<i32>} : memref<448x128xf32, #tpu.memory_space<vmem>>, vector<1x16xf32>,
        %get3A_942 = vector.shape_cast %get3A_941 : vector<1x16xf32> to vector<16xf32>
        %add3A_943 = arith.constant 1 : i32
        %add3A_944 = arith.addi %add3A_824, %add3A_943 : i32
        %get3A_945 = arith.index_cast %add3A_944 : i32 to index
        %get3A_946 = arith.constant 32 : index
        %get3A_947 = tpu.vector_load %arg8[%get3A_945, %get3A_946] {strides = array<i32>} : memref<448x128xf32, #tpu.memory_space<vmem>>, vector<1x16xf32>,
        %get3A_948 = vector.shape_cast %get3A_947 : vector<1x16xf32> to vector<16xf32>
        %add3A_949 = arith.constant 2 : i32
        %add3A_950 = arith.addi %add3A_824, %add3A_949 : i32
        %get3A_951 = arith.index_cast %add3A_950 : i32 to index
        %get3A_952 = arith.constant 32 : index
        %get3A_953 = tpu.vector_load %arg8[%get3A_951, %get3A_952] {strides = array<i32>} : memref<448x128xf32, #tpu.memory_space<vmem>>, vector<1x16xf32>,
        %get3A_954 = vector.shape_cast %get3A_953 : vector<1x16xf32> to vector<16xf32>
        %add3A_955 = arith.constant 3 : i32
        %add3A_956 = arith.addi %add3A_824, %add3A_955 : i32
        %get3A_957 = arith.index_cast %add3A_956 : i32 to index
        %get3A_958 = arith.constant 32 : index
        %get3A_959 = tpu.vector_load %arg8[%get3A_957, %get3A_958] {strides = array<i32>} : memref<448x128xf32, #tpu.memory_space<vmem>>, vector<1x16xf32>,
        %get3A_960 = vector.shape_cast %get3A_959 : vector<1x16xf32> to vector<16xf32>
        %add3A_961 = arith.constant 4 : i32
        %add3A_962 = arith.addi %add3A_824, %add3A_961 : i32
        %get3A_963 = arith.index_cast %add3A_962 : i32 to index
        %get3A_964 = arith.constant 32 : index
        %get3A_965 = tpu.vector_load %arg8[%get3A_963, %get3A_964] {strides = array<i32>} : memref<448x128xf32, #tpu.memory_space<vmem>>, vector<1x16xf32>,
        %get3A_966 = vector.shape_cast %get3A_965 : vector<1x16xf32> to vector<16xf32>
        %add3A_967 = arith.constant 5 : i32
        %add3A_968 = arith.addi %add3A_824, %add3A_967 : i32
        %get3A_969 = arith.index_cast %add3A_968 : i32 to index
        %get3A_970 = arith.constant 32 : index
        %get3A_971 = tpu.vector_load %arg8[%get3A_969, %get3A_970] {strides = array<i32>} : memref<448x128xf32, #tpu.memory_space<vmem>>, vector<1x16xf32>,
        %get3A_972 = vector.shape_cast %get3A_971 : vector<1x16xf32> to vector<16xf32>
        %add3A_973 = arith.constant 6 : i32
        %add3A_974 = arith.addi %add3A_824, %add3A_973 : i32
        %get3A_975 = arith.index_cast %add3A_974 : i32 to index
        %get3A_976 = arith.constant 32 : index
        %get3A_977 = tpu.vector_load %arg8[%get3A_975, %get3A_976] {strides = array<i32>} : memref<448x128xf32, #tpu.memory_space<vmem>>, vector<1x16xf32>,
        %get3A_978 = vector.shape_cast %get3A_977 : vector<1x16xf32> to vector<16xf32>
        %add3A_979 = arith.addf %get3A_942, %get3A_948 : vector<16xf32>
        %add3A_980 = arith.addf %get3A_954, %get3A_960 : vector<16xf32>
        %add3A_981 = arith.addf %get3A_966, %get3A_972 : vector<16xf32>
        %add3A_982 = arith.addf %get3A_978, %get3A_13 : vector<16xf32>
        %add3A_983 = arith.addf %add3A_979, %add3A_980 : vector<16xf32>
        %add3A_984 = arith.addf %add3A_981, %add3A_982 : vector<16xf32>
        %add3A_985 = arith.addf %add3A_983, %add3A_984 : vector<16xf32>
        %swap3A_986 = arith.index_cast %add3A_828 : i32 to index
        %swap3A_987 = arith.constant 32 : index
        %swap3A_988 = tpu.vector_load %arg9[%swap3A_986, %swap3A_987] {strides = array<i32>} : memref<32x128xf32, #tpu.memory_space<vmem>>, vector<1x16xf32>,
        %swap3A_989 = vector.shape_cast %swap3A_988 : vector<1x16xf32> to vector<16xf32>
        %swap3A_990 = vector.shape_cast %add3A_985 : vector<16xf32> to vector<1x16xf32>
        tpu.vector_store %arg9[%swap3A_986, %swap3A_987], %swap3A_990 {strides = array<i32>} : memref<32x128xf32, #tpu.memory_space<vmem>>, vector<1x16xf32>,
        %add3A_991 = arith.constant 0 : i32
        %add3A_992 = arith.addi %add3A_824, %add3A_991 : i32
        %get3A_993 = arith.index_cast %add3A_992 : i32 to index
        %get3A_994 = arith.constant 48 : index
        %get3A_995 = tpu.vector_load %arg8[%get3A_993, %get3A_994] {strides = array<i32>} : memref<448x128xf32, #tpu.memory_space<vmem>>, vector<1x16xf32>,
        %get3A_996 = vector.shape_cast %get3A_995 : vector<1x16xf32> to vector<16xf32>
        %add3A_997 = arith.constant 1 : i32
        %add3A_998 = arith.addi %add3A_824, %add3A_997 : i32
        %get3A_999 = arith.index_cast %add3A_998 : i32 to index
        %get3A_1000 = arith.constant 48 : index
        %get3A_1001 = tpu.vector_load %arg8[%get3A_999, %get3A_1000] {strides = array<i32>} : memref<448x128xf32, #tpu.memory_space<vmem>>, vector<1x16xf32>,
        %get3A_1002 = vector.shape_cast %get3A_1001 : vector<1x16xf32> to vector<16xf32>
        %add3A_1003 = arith.constant 2 : i32
        %add3A_1004 = arith.addi %add3A_824, %add3A_1003 : i32
        %get3A_1005 = arith.index_cast %add3A_1004 : i32 to index
        %get3A_1006 = arith.constant 48 : index
        %get3A_1007 = tpu.vector_load %arg8[%get3A_1005, %get3A_1006] {strides = array<i32>} : memref<448x128xf32, #tpu.memory_space<vmem>>, vector<1x16xf32>,
        %get3A_1008 = vector.shape_cast %get3A_1007 : vector<1x16xf32> to vector<16xf32>
        %add3A_1009 = arith.constant 3 : i32
        %add3A_1010 = arith.addi %add3A_824, %add3A_1009 : i32
        %get3A_1011 = arith.index_cast %add3A_1010 : i32 to index
        %get3A_1012 = arith.constant 48 : index
        %get3A_1013 = tpu.vector_load %arg8[%get3A_1011, %get3A_1012] {strides = array<i32>} : memref<448x128xf32, #tpu.memory_space<vmem>>, vector<1x16xf32>,
        %get3A_1014 = vector.shape_cast %get3A_1013 : vector<1x16xf32> to vector<16xf32>
        %add3A_1015 = arith.constant 4 : i32
        %add3A_1016 = arith.addi %add3A_824, %add3A_1015 : i32
        %get3A_1017 = arith.index_cast %add3A_1016 : i32 to index
        %get3A_1018 = arith.constant 48 : index
        %get3A_1019 = tpu.vector_load %arg8[%get3A_1017, %get3A_1018] {strides = array<i32>} : memref<448x128xf32, #tpu.memory_space<vmem>>, vector<1x16xf32>,
        %get3A_1020 = vector.shape_cast %get3A_1019 : vector<1x16xf32> to vector<16xf32>
        %add3A_1021 = arith.constant 5 : i32
        %add3A_1022 = arith.addi %add3A_824, %add3A_1021 : i32
        %get3A_1023 = arith.index_cast %add3A_1022 : i32 to index
        %get3A_1024 = arith.constant 48 : index
        %get3A_1025 = tpu.vector_load %arg8[%get3A_1023, %get3A_1024] {strides = array<i32>} : memref<448x128xf32, #tpu.memory_space<vmem>>, vector<1x16xf32>,
        %get3A_1026 = vector.shape_cast %get3A_1025 : vector<1x16xf32> to vector<16xf32>
        %add3A_1027 = arith.constant 6 : i32
        %add3A_1028 = arith.addi %add3A_824, %add3A_1027 : i32
        %get3A_1029 = arith.index_cast %add3A_1028 : i32 to index
        %get3A_1030 = arith.constant 48 : index
        %get3A_1031 = tpu.vector_load %arg8[%get3A_1029, %get3A_1030] {strides = array<i32>} : memref<448x128xf32, #tpu.memory_space<vmem>>, vector<1x16xf32>,
        %get3A_1032 = vector.shape_cast %get3A_1031 : vector<1x16xf32> to vector<16xf32>
        %add3A_1033 = arith.addf %get3A_996, %get3A_1002 : vector<16xf32>
        %add3A_1034 = arith.addf %get3A_1008, %get3A_1014 : vector<16xf32>
        %add3A_1035 = arith.addf %get3A_1020, %get3A_1026 : vector<16xf32>
        %add3A_1036 = arith.addf %get3A_1032, %get3A_16 : vector<16xf32>
        %add3A_1037 = arith.addf %add3A_1033, %add3A_1034 : vector<16xf32>
        %add3A_1038 = arith.addf %add3A_1035, %add3A_1036 : vector<16xf32>
        %add3A_1039 = arith.addf %add3A_1037, %add3A_1038 : vector<16xf32>
        %swap3A_1040 = arith.index_cast %add3A_828 : i32 to index
        %swap3A_1041 = arith.constant 48 : index
        %swap3A_1042 = tpu.vector_load %arg9[%swap3A_1040, %swap3A_1041] {strides = array<i32>} : memref<32x128xf32, #tpu.memory_space<vmem>>, vector<1x16xf32>,
        %swap3A_1043 = vector.shape_cast %swap3A_1042 : vector<1x16xf32> to vector<16xf32>
        %swap3A_1044 = vector.shape_cast %add3A_1039 : vector<16xf32> to vector<1x16xf32>
        tpu.vector_store %arg9[%swap3A_1040, %swap3A_1041], %swap3A_1044 {strides = array<i32>} : memref<32x128xf32, #tpu.memory_space<vmem>>, vector<1x16xf32>,
        %add3A_1045 = arith.constant 0 : i32
        %add3A_1046 = arith.addi %add3A_824, %add3A_1045 : i32
        %get3A_1047 = arith.index_cast %add3A_1046 : i32 to index
        %get3A_1048 = arith.constant 64 : index
        %get3A_1049 = tpu.vector_load %arg8[%get3A_1047, %get3A_1048] {strides = array<i32>} : memref<448x128xf32, #tpu.memory_space<vmem>>, vector<1x16xf32>,
        %get3A_1050 = vector.shape_cast %get3A_1049 : vector<1x16xf32> to vector<16xf32>
        %add3A_1051 = arith.constant 1 : i32
        %add3A_1052 = arith.addi %add3A_824, %add3A_1051 : i32
        %get3A_1053 = arith.index_cast %add3A_1052 : i32 to index
        %get3A_1054 = arith.constant 64 : index
        %get3A_1055 = tpu.vector_load %arg8[%get3A_1053, %get3A_1054] {strides = array<i32>} : memref<448x128xf32, #tpu.memory_space<vmem>>, vector<1x16xf32>,
        %get3A_1056 = vector.shape_cast %get3A_1055 : vector<1x16xf32> to vector<16xf32>
        %add3A_1057 = arith.constant 2 : i32
        %add3A_1058 = arith.addi %add3A_824, %add3A_1057 : i32
        %get3A_1059 = arith.index_cast %add3A_1058 : i32 to index
        %get3A_1060 = arith.constant 64 : index
        %get3A_1061 = tpu.vector_load %arg8[%get3A_1059, %get3A_1060] {strides = array<i32>} : memref<448x128xf32, #tpu.memory_space<vmem>>, vector<1x16xf32>,
        %get3A_1062 = vector.shape_cast %get3A_1061 : vector<1x16xf32> to vector<16xf32>
        %add3A_1063 = arith.constant 3 : i32
        %add3A_1064 = arith.addi %add3A_824, %add3A_1063 : i32
        %get3A_1065 = arith.index_cast %add3A_1064 : i32 to index
        %get3A_1066 = arith.constant 64 : index
        %get3A_1067 = tpu.vector_load %arg8[%get3A_1065, %get3A_1066] {strides = array<i32>} : memref<448x128xf32, #tpu.memory_space<vmem>>, vector<1x16xf32>,
        %get3A_1068 = vector.shape_cast %get3A_1067 : vector<1x16xf32> to vector<16xf32>
        %add3A_1069 = arith.constant 4 : i32
        %add3A_1070 = arith.addi %add3A_824, %add3A_1069 : i32
        %get3A_1071 = arith.index_cast %add3A_1070 : i32 to index
        %get3A_1072 = arith.constant 64 : index
        %get3A_1073 = tpu.vector_load %arg8[%get3A_1071, %get3A_1072] {strides = array<i32>} : memref<448x128xf32, #tpu.memory_space<vmem>>, vector<1x16xf32>,
        %get3A_1074 = vector.shape_cast %get3A_1073 : vector<1x16xf32> to vector<16xf32>
        %add3A_1075 = arith.constant 5 : i32
        %add3A_1076 = arith.addi %add3A_824, %add3A_1075 : i32
        %get3A_1077 = arith.index_cast %add3A_1076 : i32 to index
        %get3A_1078 = arith.constant 64 : index
        %get3A_1079 = tpu.vector_load %arg8[%get3A_1077, %get3A_1078] {strides = array<i32>} : memref<448x128xf32, #tpu.memory_space<vmem>>, vector<1x16xf32>,
        %get3A_1080 = vector.shape_cast %get3A_1079 : vector<1x16xf32> to vector<16xf32>
        %add3A_1081 = arith.constant 6 : i32
        %add3A_1082 = arith.addi %add3A_824, %add3A_1081 : i32
        %get3A_1083 = arith.index_cast %add3A_1082 : i32 to index
        %get3A_1084 = arith.constant 64 : index
        %get3A_1085 = tpu.vector_load %arg8[%get3A_1083, %get3A_1084] {strides = array<i32>} : memref<448x128xf32, #tpu.memory_space<vmem>>, vector<1x16xf32>,
        %get3A_1086 = vector.shape_cast %get3A_1085 : vector<1x16xf32> to vector<16xf32>
        %add3A_1087 = arith.addf %get3A_1050, %get3A_1056 : vector<16xf32>
        %add3A_1088 = arith.addf %get3A_1062, %get3A_1068 : vector<16xf32>
        %add3A_1089 = arith.addf %get3A_1074, %get3A_1080 : vector<16xf32>
        %add3A_1090 = arith.addf %get3A_1086, %get3A_19 : vector<16xf32>
        %add3A_1091 = arith.addf %add3A_1087, %add3A_1088 : vector<16xf32>
        %add3A_1092 = arith.addf %add3A_1089, %add3A_1090 : vector<16xf32>
        %add3A_1093 = arith.addf %add3A_1091, %add3A_1092 : vector<16xf32>
        %swap3A_1094 = arith.index_cast %add3A_828 : i32 to index
        %swap3A_1095 = arith.constant 64 : index
        %swap3A_1096 = tpu.vector_load %arg9[%swap3A_1094, %swap3A_1095] {strides = array<i32>} : memref<32x128xf32, #tpu.memory_space<vmem>>, vector<1x16xf32>,
        %swap3A_1097 = vector.shape_cast %swap3A_1096 : vector<1x16xf32> to vector<16xf32>
        %swap3A_1098 = vector.shape_cast %add3A_1093 : vector<16xf32> to vector<1x16xf32>
        tpu.vector_store %arg9[%swap3A_1094, %swap3A_1095], %swap3A_1098 {strides = array<i32>} : memref<32x128xf32, #tpu.memory_space<vmem>>, vector<1x16xf32>,
        %add3A_1099 = arith.constant 0 : i32
        %add3A_1100 = arith.addi %add3A_824, %add3A_1099 : i32
        %get3A_1101 = arith.index_cast %add3A_1100 : i32 to index
        %get3A_1102 = arith.constant 80 : index
        %get3A_1103 = tpu.vector_load %arg8[%get3A_1101, %get3A_1102] {strides = array<i32>} : memref<448x128xf32, #tpu.memory_space<vmem>>, vector<1x16xf32>,
        %get3A_1104 = vector.shape_cast %get3A_1103 : vector<1x16xf32> to vector<16xf32>
        %add3A_1105 = arith.constant 1 : i32
        %add3A_1106 = arith.addi %add3A_824, %add3A_1105 : i32
        %get3A_1107 = arith.index_cast %add3A_1106 : i32 to index
        %get3A_1108 = arith.constant 80 : index
        %get3A_1109 = tpu.vector_load %arg8[%get3A_1107, %get3A_1108] {strides = array<i32>} : memref<448x128xf32, #tpu.memory_space<vmem>>, vector<1x16xf32>,
        %get3A_1110 = vector.shape_cast %get3A_1109 : vector<1x16xf32> to vector<16xf32>
        %add3A_1111 = arith.constant 2 : i32
        %add3A_1112 = arith.addi %add3A_824, %add3A_1111 : i32
        %get3A_1113 = arith.index_cast %add3A_1112 : i32 to index
        %get3A_1114 = arith.constant 80 : index
        %get3A_1115 = tpu.vector_load %arg8[%get3A_1113, %get3A_1114] {strides = array<i32>} : memref<448x128xf32, #tpu.memory_space<vmem>>, vector<1x16xf32>,
        %get3A_1116 = vector.shape_cast %get3A_1115 : vector<1x16xf32> to vector<16xf32>
        %add3A_1117 = arith.constant 3 : i32
        %add3A_1118 = arith.addi %add3A_824, %add3A_1117 : i32
        %get3A_1119 = arith.index_cast %add3A_1118 : i32 to index
        %get3A_1120 = arith.constant 80 : index
        %get3A_1121 = tpu.vector_load %arg8[%get3A_1119, %get3A_1120] {strides = array<i32>} : memref<448x128xf32, #tpu.memory_space<vmem>>, vector<1x16xf32>,
        %get3A_1122 = vector.shape_cast %get3A_1121 : vector<1x16xf32> to vector<16xf32>
        %add3A_1123 = arith.constant 4 : i32
        %add3A_1124 = arith.addi %add3A_824, %add3A_1123 : i32
        %get3A_1125 = arith.index_cast %add3A_1124 : i32 to index
        %get3A_1126 = arith.constant 80 : index
        %get3A_1127 = tpu.vector_load %arg8[%get3A_1125, %get3A_1126] {strides = array<i32>} : memref<448x128xf32, #tpu.memory_space<vmem>>, vector<1x16xf32>,
        %get3A_1128 = vector.shape_cast %get3A_1127 : vector<1x16xf32> to vector<16xf32>
        %add3A_1129 = arith.constant 5 : i32
        %add3A_1130 = arith.addi %add3A_824, %add3A_1129 : i32
        %get3A_1131 = arith.index_cast %add3A_1130 : i32 to index
        %get3A_1132 = arith.constant 80 : index
        %get3A_1133 = tpu.vector_load %arg8[%get3A_1131, %get3A_1132] {strides = array<i32>} : memref<448x128xf32, #tpu.memory_space<vmem>>, vector<1x16xf32>,
        %get3A_1134 = vector.shape_cast %get3A_1133 : vector<1x16xf32> to vector<16xf32>
        %add3A_1135 = arith.constant 6 : i32
        %add3A_1136 = arith.addi %add3A_824, %add3A_1135 : i32
        %get3A_1137 = arith.index_cast %add3A_1136 : i32 to index
        %get3A_1138 = arith.constant 80 : index
        %get3A_1139 = tpu.vector_load %arg8[%get3A_1137, %get3A_1138] {strides = array<i32>} : memref<448x128xf32, #tpu.memory_space<vmem>>, vector<1x16xf32>,
        %get3A_1140 = vector.shape_cast %get3A_1139 : vector<1x16xf32> to vector<16xf32>
        %add3A_1141 = arith.addf %get3A_1104, %get3A_1110 : vector<16xf32>
        %add3A_1142 = arith.addf %get3A_1116, %get3A_1122 : vector<16xf32>
        %add3A_1143 = arith.addf %get3A_1128, %get3A_1134 : vector<16xf32>
        %add3A_1144 = arith.addf %get3A_1140, %get3A_22 : vector<16xf32>
        %add3A_1145 = arith.addf %add3A_1141, %add3A_1142 : vector<16xf32>
        %add3A_1146 = arith.addf %add3A_1143, %add3A_1144 : vector<16xf32>
        %add3A_1147 = arith.addf %add3A_1145, %add3A_1146 : vector<16xf32>
        %swap3A_1148 = arith.index_cast %add3A_828 : i32 to index
        %swap3A_1149 = arith.constant 80 : index
        %swap3A_1150 = tpu.vector_load %arg9[%swap3A_1148, %swap3A_1149] {strides = array<i32>} : memref<32x128xf32, #tpu.memory_space<vmem>>, vector<1x16xf32>,
        %swap3A_1151 = vector.shape_cast %swap3A_1150 : vector<1x16xf32> to vector<16xf32>
        %swap3A_1152 = vector.shape_cast %add3A_1147 : vector<16xf32> to vector<1x16xf32>
        tpu.vector_store %arg9[%swap3A_1148, %swap3A_1149], %swap3A_1152 {strides = array<i32>} : memref<32x128xf32, #tpu.memory_space<vmem>>, vector<1x16xf32>,
        %add3A_1153 = arith.constant 0 : i32
        %add3A_1154 = arith.addi %add3A_824, %add3A_1153 : i32
        %get3A_1155 = arith.index_cast %add3A_1154 : i32 to index
        %get3A_1156 = arith.constant 96 : index
        %get3A_1157 = tpu.vector_load %arg8[%get3A_1155, %get3A_1156] {strides = array<i32>} : memref<448x128xf32, #tpu.memory_space<vmem>>, vector<1x16xf32>,
        %get3A_1158 = vector.shape_cast %get3A_1157 : vector<1x16xf32> to vector<16xf32>
        %add3A_1159 = arith.constant 1 : i32
        %add3A_1160 = arith.addi %add3A_824, %add3A_1159 : i32
        %get3A_1161 = arith.index_cast %add3A_1160 : i32 to index
        %get3A_1162 = arith.constant 96 : index
        %get3A_1163 = tpu.vector_load %arg8[%get3A_1161, %get3A_1162] {strides = array<i32>} : memref<448x128xf32, #tpu.memory_space<vmem>>, vector<1x16xf32>,
        %get3A_1164 = vector.shape_cast %get3A_1163 : vector<1x16xf32> to vector<16xf32>
        %add3A_1165 = arith.constant 2 : i32
        %add3A_1166 = arith.addi %add3A_824, %add3A_1165 : i32
        %get3A_1167 = arith.index_cast %add3A_1166 : i32 to index
        %get3A_1168 = arith.constant 96 : index
        %get3A_1169 = tpu.vector_load %arg8[%get3A_1167, %get3A_1168] {strides = array<i32>} : memref<448x128xf32, #tpu.memory_space<vmem>>, vector<1x16xf32>,
        %get3A_1170 = vector.shape_cast %get3A_1169 : vector<1x16xf32> to vector<16xf32>
        %add3A_1171 = arith.constant 3 : i32
        %add3A_1172 = arith.addi %add3A_824, %add3A_1171 : i32
        %get3A_1173 = arith.index_cast %add3A_1172 : i32 to index
        %get3A_1174 = arith.constant 96 : index
        %get3A_1175 = tpu.vector_load %arg8[%get3A_1173, %get3A_1174] {strides = array<i32>} : memref<448x128xf32, #tpu.memory_space<vmem>>, vector<1x16xf32>,
        %get3A_1176 = vector.shape_cast %get3A_1175 : vector<1x16xf32> to vector<16xf32>
        %add3A_1177 = arith.constant 4 : i32
        %add3A_1178 = arith.addi %add3A_824, %add3A_1177 : i32
        %get3A_1179 = arith.index_cast %add3A_1178 : i32 to index
        %get3A_1180 = arith.constant 96 : index
        %get3A_1181 = tpu.vector_load %arg8[%get3A_1179, %get3A_1180] {strides = array<i32>} : memref<448x128xf32, #tpu.memory_space<vmem>>, vector<1x16xf32>,
        %get3A_1182 = vector.shape_cast %get3A_1181 : vector<1x16xf32> to vector<16xf32>
        %add3A_1183 = arith.constant 5 : i32
        %add3A_1184 = arith.addi %add3A_824, %add3A_1183 : i32
        %get3A_1185 = arith.index_cast %add3A_1184 : i32 to index
        %get3A_1186 = arith.constant 96 : index
        %get3A_1187 = tpu.vector_load %arg8[%get3A_1185, %get3A_1186] {strides = array<i32>} : memref<448x128xf32, #tpu.memory_space<vmem>>, vector<1x16xf32>,
        %get3A_1188 = vector.shape_cast %get3A_1187 : vector<1x16xf32> to vector<16xf32>
        %add3A_1189 = arith.constant 6 : i32
        %add3A_1190 = arith.addi %add3A_824, %add3A_1189 : i32
        %get3A_1191 = arith.index_cast %add3A_1190 : i32 to index
        %get3A_1192 = arith.constant 96 : index
        %get3A_1193 = tpu.vector_load %arg8[%get3A_1191, %get3A_1192] {strides = array<i32>} : memref<448x128xf32, #tpu.memory_space<vmem>>, vector<1x16xf32>,
        %get3A_1194 = vector.shape_cast %get3A_1193 : vector<1x16xf32> to vector<16xf32>
        %add3A_1195 = arith.addf %get3A_1158, %get3A_1164 : vector<16xf32>
        %add3A_1196 = arith.addf %get3A_1170, %get3A_1176 : vector<16xf32>
        %add3A_1197 = arith.addf %get3A_1182, %get3A_1188 : vector<16xf32>
        %add3A_1198 = arith.addf %get3A_1194, %get3A_25 : vector<16xf32>
        %add3A_1199 = arith.addf %add3A_1195, %add3A_1196 : vector<16xf32>
        %add3A_1200 = arith.addf %add3A_1197, %add3A_1198 : vector<16xf32>
        %add3A_1201 = arith.addf %add3A_1199, %add3A_1200 : vector<16xf32>
        %swap3A_1202 = arith.index_cast %add3A_828 : i32 to index
        %swap3A_1203 = arith.constant 96 : index
        %swap3A_1204 = tpu.vector_load %arg9[%swap3A_1202, %swap3A_1203] {strides = array<i32>} : memref<32x128xf32, #tpu.memory_space<vmem>>, vector<1x16xf32>,
        %swap3A_1205 = vector.shape_cast %swap3A_1204 : vector<1x16xf32> to vector<16xf32>
        %swap3A_1206 = vector.shape_cast %add3A_1201 : vector<16xf32> to vector<1x16xf32>
        tpu.vector_store %arg9[%swap3A_1202, %swap3A_1203], %swap3A_1206 {strides = array<i32>} : memref<32x128xf32, #tpu.memory_space<vmem>>, vector<1x16xf32>,
        %add3A_1207 = arith.constant 0 : i32
        %add3A_1208 = arith.addi %add3A_824, %add3A_1207 : i32
        %get3A_1209 = arith.index_cast %add3A_1208 : i32 to index
        %get3A_1210 = arith.constant 112 : index
        %get3A_1211 = tpu.vector_load %arg8[%get3A_1209, %get3A_1210] {strides = array<i32>} : memref<448x128xf32, #tpu.memory_space<vmem>>, vector<1x16xf32>,
        %get3A_1212 = vector.shape_cast %get3A_1211 : vector<1x16xf32> to vector<16xf32>
        %add3A_1213 = arith.constant 1 : i32
        %add3A_1214 = arith.addi %add3A_824, %add3A_1213 : i32
        %get3A_1215 = arith.index_cast %add3A_1214 : i32 to index
        %get3A_1216 = arith.constant 112 : index
        %get3A_1217 = tpu.vector_load %arg8[%get3A_1215, %get3A_1216] {strides = array<i32>} : memref<448x128xf32, #tpu.memory_space<vmem>>, vector<1x16xf32>,
        %get3A_1218 = vector.shape_cast %get3A_1217 : vector<1x16xf32> to vector<16xf32>
        %add3A_1219 = arith.constant 2 : i32
        %add3A_1220 = arith.addi %add3A_824, %add3A_1219 : i32
        %get3A_1221 = arith.index_cast %add3A_1220 : i32 to index
        %get3A_1222 = arith.constant 112 : index
        %get3A_1223 = tpu.vector_load %arg8[%get3A_1221, %get3A_1222] {strides = array<i32>} : memref<448x128xf32, #tpu.memory_space<vmem>>, vector<1x16xf32>,
        %get3A_1224 = vector.shape_cast %get3A_1223 : vector<1x16xf32> to vector<16xf32>
        %add3A_1225 = arith.constant 3 : i32
        %add3A_1226 = arith.addi %add3A_824, %add3A_1225 : i32
        %get3A_1227 = arith.index_cast %add3A_1226 : i32 to index
        %get3A_1228 = arith.constant 112 : index
        %get3A_1229 = tpu.vector_load %arg8[%get3A_1227, %get3A_1228] {strides = array<i32>} : memref<448x128xf32, #tpu.memory_space<vmem>>, vector<1x16xf32>,
        %get3A_1230 = vector.shape_cast %get3A_1229 : vector<1x16xf32> to vector<16xf32>
        %add3A_1231 = arith.constant 4 : i32
        %add3A_1232 = arith.addi %add3A_824, %add3A_1231 : i32
        %get3A_1233 = arith.index_cast %add3A_1232 : i32 to index
        %get3A_1234 = arith.constant 112 : index
        %get3A_1235 = tpu.vector_load %arg8[%get3A_1233, %get3A_1234] {strides = array<i32>} : memref<448x128xf32, #tpu.memory_space<vmem>>, vector<1x16xf32>,
        %get3A_1236 = vector.shape_cast %get3A_1235 : vector<1x16xf32> to vector<16xf32>
        %add3A_1237 = arith.constant 5 : i32
        %add3A_1238 = arith.addi %add3A_824, %add3A_1237 : i32
        %get3A_1239 = arith.index_cast %add3A_1238 : i32 to index
        %get3A_1240 = arith.constant 112 : index
        %get3A_1241 = tpu.vector_load %arg8[%get3A_1239, %get3A_1240] {strides = array<i32>} : memref<448x128xf32, #tpu.memory_space<vmem>>, vector<1x16xf32>,
        %get3A_1242 = vector.shape_cast %get3A_1241 : vector<1x16xf32> to vector<16xf32>
        %add3A_1243 = arith.constant 6 : i32
        %add3A_1244 = arith.addi %add3A_824, %add3A_1243 : i32
        %get3A_1245 = arith.index_cast %add3A_1244 : i32 to index
        %get3A_1246 = arith.constant 112 : index
        %get3A_1247 = tpu.vector_load %arg8[%get3A_1245, %get3A_1246] {strides = array<i32>} : memref<448x128xf32, #tpu.memory_space<vmem>>, vector<1x16xf32>,
        %get3A_1248 = vector.shape_cast %get3A_1247 : vector<1x16xf32> to vector<16xf32>
        %add3A_1249 = arith.addf %get3A_1212, %get3A_1218 : vector<16xf32>
        %add3A_1250 = arith.addf %get3A_1224, %get3A_1230 : vector<16xf32>
        %add3A_1251 = arith.addf %get3A_1236, %get3A_1242 : vector<16xf32>
        %add3A_1252 = arith.addf %get3A_1248, %get3A_28 : vector<16xf32>
        %add3A_1253 = arith.addf %add3A_1249, %add3A_1250 : vector<16xf32>
        %add3A_1254 = arith.addf %add3A_1251, %add3A_1252 : vector<16xf32>
        %add3A_1255 = arith.addf %add3A_1253, %add3A_1254 : vector<16xf32>
        %swap3A_1256 = arith.index_cast %add3A_828 : i32 to index
        %swap3A_1257 = arith.constant 112 : index
        %swap3A_1258 = tpu.vector_load %arg9[%swap3A_1256, %swap3A_1257] {strides = array<i32>} : memref<32x128xf32, #tpu.memory_space<vmem>>, vector<1x16xf32>,
        %swap3A_1259 = vector.shape_cast %swap3A_1258 : vector<1x16xf32> to vector<16xf32>
        %swap3A_1260 = vector.shape_cast %add3A_1255 : vector<16xf32> to vector<1x16xf32>
        tpu.vector_store %arg9[%swap3A_1256, %swap3A_1257], %swap3A_1260 {strides = array<i32>} : memref<32x128xf32, #tpu.memory_space<vmem>>, vector<1x16xf32>,
        %mul3A_1261 = arith.constant 4 : i32
        %mul3A_1262 = arith.muli %scan3A_816, %mul3A_1261 : i32
        %add3A_1263 = arith.constant 1 : i32
        %add3A_1264 = arith.addi %mul3A_1262, %add3A_1263 : i32
        %mul3A_1265 = arith.constant 7 : i32
        %mul3A_1266 = arith.muli %add3A_1264, %mul3A_1265 : i32
        %add3A_1267 = arith.constant 0 : i32
        %add3A_1268 = arith.addi %add3A_1267, %mul3A_1266 : i32
        %mul3A_1269 = arith.constant 4 : i32
        %mul3A_1270 = arith.muli %scan3A_816, %mul3A_1269 : i32
        %add3A_1271 = arith.constant 1 : i32
        %add3A_1272 = arith.addi %mul3A_1270, %add3A_1271 : i32
        %add3A_1273 = arith.constant 0 : i32
        %add3A_1274 = arith.addi %add3A_1268, %add3A_1273 : i32
        %get3A_1275 = arith.index_cast %add3A_1274 : i32 to index
        %get3A_1276 = arith.constant 0 : index
        %get3A_1277 = tpu.vector_load %arg8[%get3A_1275, %get3A_1276] {strides = array<i32>} : memref<448x128xf32, #tpu.memory_space<vmem>>, vector<1x16xf32>,
        %get3A_1278 = vector.shape_cast %get3A_1277 : vector<1x16xf32> to vector<16xf32>
        %add3A_1279 = arith.constant 1 : i32
        %add3A_1280 = arith.addi %add3A_1268, %add3A_1279 : i32
        %get3A_1281 = arith.index_cast %add3A_1280 : i32 to index
        %get3A_1282 = arith.constant 0 : index
        %get3A_1283 = tpu.vector_load %arg8[%get3A_1281, %get3A_1282] {strides = array<i32>} : memref<448x128xf32, #tpu.memory_space<vmem>>, vector<1x16xf32>,
        %get3A_1284 = vector.shape_cast %get3A_1283 : vector<1x16xf32> to vector<16xf32>
        %add3A_1285 = arith.constant 2 : i32
        %add3A_1286 = arith.addi %add3A_1268, %add3A_1285 : i32
        %get3A_1287 = arith.index_cast %add3A_1286 : i32 to index
        %get3A_1288 = arith.constant 0 : index
        %get3A_1289 = tpu.vector_load %arg8[%get3A_1287, %get3A_1288] {strides = array<i32>} : memref<448x128xf32, #tpu.memory_space<vmem>>, vector<1x16xf32>,
        %get3A_1290 = vector.shape_cast %get3A_1289 : vector<1x16xf32> to vector<16xf32>
        %add3A_1291 = arith.constant 3 : i32
        %add3A_1292 = arith.addi %add3A_1268, %add3A_1291 : i32
        %get3A_1293 = arith.index_cast %add3A_1292 : i32 to index
        %get3A_1294 = arith.constant 0 : index
        %get3A_1295 = tpu.vector_load %arg8[%get3A_1293, %get3A_1294] {strides = array<i32>} : memref<448x128xf32, #tpu.memory_space<vmem>>, vector<1x16xf32>,
        %get3A_1296 = vector.shape_cast %get3A_1295 : vector<1x16xf32> to vector<16xf32>
        %add3A_1297 = arith.constant 4 : i32
        %add3A_1298 = arith.addi %add3A_1268, %add3A_1297 : i32
        %get3A_1299 = arith.index_cast %add3A_1298 : i32 to index
        %get3A_1300 = arith.constant 0 : index
        %get3A_1301 = tpu.vector_load %arg8[%get3A_1299, %get3A_1300] {strides = array<i32>} : memref<448x128xf32, #tpu.memory_space<vmem>>, vector<1x16xf32>,
        %get3A_1302 = vector.shape_cast %get3A_1301 : vector<1x16xf32> to vector<16xf32>
        %add3A_1303 = arith.constant 5 : i32
        %add3A_1304 = arith.addi %add3A_1268, %add3A_1303 : i32
        %get3A_1305 = arith.index_cast %add3A_1304 : i32 to index
        %get3A_1306 = arith.constant 0 : index
        %get3A_1307 = tpu.vector_load %arg8[%get3A_1305, %get3A_1306] {strides = array<i32>} : memref<448x128xf32, #tpu.memory_space<vmem>>, vector<1x16xf32>,
        %get3A_1308 = vector.shape_cast %get3A_1307 : vector<1x16xf32> to vector<16xf32>
        %add3A_1309 = arith.constant 6 : i32
        %add3A_1310 = arith.addi %add3A_1268, %add3A_1309 : i32
        %get3A_1311 = arith.index_cast %add3A_1310 : i32 to index
        %get3A_1312 = arith.constant 0 : index
        %get3A_1313 = tpu.vector_load %arg8[%get3A_1311, %get3A_1312] {strides = array<i32>} : memref<448x128xf32, #tpu.memory_space<vmem>>, vector<1x16xf32>,
        %get3A_1314 = vector.shape_cast %get3A_1313 : vector<1x16xf32> to vector<16xf32>
        %add3A_1315 = arith.addf %get3A_1278, %get3A_1284 : vector<16xf32>
        %add3A_1316 = arith.addf %get3A_1290, %get3A_1296 : vector<16xf32>
        %add3A_1317 = arith.addf %get3A_1302, %get3A_1308 : vector<16xf32>
        %add3A_1318 = arith.addf %get3A_1314, %get3A_7 : vector<16xf32>
        %add3A_1319 = arith.addf %add3A_1315, %add3A_1316 : vector<16xf32>
        %add3A_1320 = arith.addf %add3A_1317, %add3A_1318 : vector<16xf32>
        %add3A_1321 = arith.addf %add3A_1319, %add3A_1320 : vector<16xf32>
        %swap3A_1322 = arith.index_cast %add3A_1272 : i32 to index
        %swap3A_1323 = arith.constant 0 : index
        %swap3A_1324 = tpu.vector_load %arg9[%swap3A_1322, %swap3A_1323] {strides = array<i32>} : memref<32x128xf32, #tpu.memory_space<vmem>>, vector<1x16xf32>,
        %swap3A_1325 = vector.shape_cast %swap3A_1324 : vector<1x16xf32> to vector<16xf32>
        %swap3A_1326 = vector.shape_cast %add3A_1321 : vector<16xf32> to vector<1x16xf32>
        tpu.vector_store %arg9[%swap3A_1322, %swap3A_1323], %swap3A_1326 {strides = array<i32>} : memref<32x128xf32, #tpu.memory_space<vmem>>, vector<1x16xf32>,
        %add3A_1327 = arith.constant 0 : i32
        %add3A_1328 = arith.addi %add3A_1268, %add3A_1327 : i32
        %get3A_1329 = arith.index_cast %add3A_1328 : i32 to index
        %get3A_1330 = arith.constant 16 : index
        %get3A_1331 = tpu.vector_load %arg8[%get3A_1329, %get3A_1330] {strides = array<i32>} : memref<448x128xf32, #tpu.memory_space<vmem>>, vector<1x16xf32>,
        %get3A_1332 = vector.shape_cast %get3A_1331 : vector<1x16xf32> to vector<16xf32>
        %add3A_1333 = arith.constant 1 : i32
        %add3A_1334 = arith.addi %add3A_1268, %add3A_1333 : i32
        %get3A_1335 = arith.index_cast %add3A_1334 : i32 to index
        %get3A_1336 = arith.constant 16 : index
        %get3A_1337 = tpu.vector_load %arg8[%get3A_1335, %get3A_1336] {strides = array<i32>} : memref<448x128xf32, #tpu.memory_space<vmem>>, vector<1x16xf32>,
        %get3A_1338 = vector.shape_cast %get3A_1337 : vector<1x16xf32> to vector<16xf32>
        %add3A_1339 = arith.constant 2 : i32
        %add3A_1340 = arith.addi %add3A_1268, %add3A_1339 : i32
        %get3A_1341 = arith.index_cast %add3A_1340 : i32 to index
        %get3A_1342 = arith.constant 16 : index
        %get3A_1343 = tpu.vector_load %arg8[%get3A_1341, %get3A_1342] {strides = array<i32>} : memref<448x128xf32, #tpu.memory_space<vmem>>, vector<1x16xf32>,
        %get3A_1344 = vector.shape_cast %get3A_1343 : vector<1x16xf32> to vector<16xf32>
        %add3A_1345 = arith.constant 3 : i32
        %add3A_1346 = arith.addi %add3A_1268, %add3A_1345 : i32
        %get3A_1347 = arith.index_cast %add3A_1346 : i32 to index
        %get3A_1348 = arith.constant 16 : index
        %get3A_1349 = tpu.vector_load %arg8[%get3A_1347, %get3A_1348] {strides = array<i32>} : memref<448x128xf32, #tpu.memory_space<vmem>>, vector<1x16xf32>,
        %get3A_1350 = vector.shape_cast %get3A_1349 : vector<1x16xf32> to vector<16xf32>
        %add3A_1351 = arith.constant 4 : i32
        %add3A_1352 = arith.addi %add3A_1268, %add3A_1351 : i32
        %get3A_1353 = arith.index_cast %add3A_1352 : i32 to index
        %get3A_1354 = arith.constant 16 : index
        %get3A_1355 = tpu.vector_load %arg8[%get3A_1353, %get3A_1354] {strides = array<i32>} : memref<448x128xf32, #tpu.memory_space<vmem>>, vector<1x16xf32>,
        %get3A_1356 = vector.shape_cast %get3A_1355 : vector<1x16xf32> to vector<16xf32>
        %add3A_1357 = arith.constant 5 : i32
        %add3A_1358 = arith.addi %add3A_1268, %add3A_1357 : i32
        %get3A_1359 = arith.index_cast %add3A_1358 : i32 to index
        %get3A_1360 = arith.constant 16 : index
        %get3A_1361 = tpu.vector_load %arg8[%get3A_1359, %get3A_1360] {strides = array<i32>} : memref<448x128xf32, #tpu.memory_space<vmem>>, vector<1x16xf32>,
        %get3A_1362 = vector.shape_cast %get3A_1361 : vector<1x16xf32> to vector<16xf32>
        %add3A_1363 = arith.constant 6 : i32
        %add3A_1364 = arith.addi %add3A_1268, %add3A_1363 : i32
        %get3A_1365 = arith.index_cast %add3A_1364 : i32 to index
        %get3A_1366 = arith.constant 16 : index
        %get3A_1367 = tpu.vector_load %arg8[%get3A_1365, %get3A_1366] {strides = array<i32>} : memref<448x128xf32, #tpu.memory_space<vmem>>, vector<1x16xf32>,
        %get3A_1368 = vector.shape_cast %get3A_1367 : vector<1x16xf32> to vector<16xf32>
        %add3A_1369 = arith.addf %get3A_1332, %get3A_1338 : vector<16xf32>
        %add3A_1370 = arith.addf %get3A_1344, %get3A_1350 : vector<16xf32>
        %add3A_1371 = arith.addf %get3A_1356, %get3A_1362 : vector<16xf32>
        %add3A_1372 = arith.addf %get3A_1368, %get3A_10 : vector<16xf32>
        %add3A_1373 = arith.addf %add3A_1369, %add3A_1370 : vector<16xf32>
        %add3A_1374 = arith.addf %add3A_1371, %add3A_1372 : vector<16xf32>
        %add3A_1375 = arith.addf %add3A_1373, %add3A_1374 : vector<16xf32>
        %swap3A_1376 = arith.index_cast %add3A_1272 : i32 to index
        %swap3A_1377 = arith.constant 16 : index
        %swap3A_1378 = tpu.vector_load %arg9[%swap3A_1376, %swap3A_1377] {strides = array<i32>} : memref<32x128xf32, #tpu.memory_space<vmem>>, vector<1x16xf32>,
        %swap3A_1379 = vector.shape_cast %swap3A_1378 : vector<1x16xf32> to vector<16xf32>
        %swap3A_1380 = vector.shape_cast %add3A_1375 : vector<16xf32> to vector<1x16xf32>
        tpu.vector_store %arg9[%swap3A_1376, %swap3A_1377], %swap3A_1380 {strides = array<i32>} : memref<32x128xf32, #tpu.memory_space<vmem>>, vector<1x16xf32>,
        %add3A_1381 = arith.constant 0 : i32
        %add3A_1382 = arith.addi %add3A_1268, %add3A_1381 : i32
        %get3A_1383 = arith.index_cast %add3A_1382 : i32 to index
        %get3A_1384 = arith.constant 32 : index
        %get3A_1385 = tpu.vector_load %arg8[%get3A_1383, %get3A_1384] {strides = array<i32>} : memref<448x128xf32, #tpu.memory_space<vmem>>, vector<1x16xf32>,
        %get3A_1386 = vector.shape_cast %get3A_1385 : vector<1x16xf32> to vector<16xf32>
        %add3A_1387 = arith.constant 1 : i32
        %add3A_1388 = arith.addi %add3A_1268, %add3A_1387 : i32
        %get3A_1389 = arith.index_cast %add3A_1388 : i32 to index
        %get3A_1390 = arith.constant 32 : index
        %get3A_1391 = tpu.vector_load %arg8[%get3A_1389, %get3A_1390] {strides = array<i32>} : memref<448x128xf32, #tpu.memory_space<vmem>>, vector<1x16xf32>,
        %get3A_1392 = vector.shape_cast %get3A_1391 : vector<1x16xf32> to vector<16xf32>
        %add3A_1393 = arith.constant 2 : i32
        %add3A_1394 = arith.addi %add3A_1268, %add3A_1393 : i32
        %get3A_1395 = arith.index_cast %add3A_1394 : i32 to index
        %get3A_1396 = arith.constant 32 : index
        %get3A_1397 = tpu.vector_load %arg8[%get3A_1395, %get3A_1396] {strides = array<i32>} : memref<448x128xf32, #tpu.memory_space<vmem>>, vector<1x16xf32>,
        %get3A_1398 = vector.shape_cast %get3A_1397 : vector<1x16xf32> to vector<16xf32>
        %add3A_1399 = arith.constant 3 : i32
        %add3A_1400 = arith.addi %add3A_1268, %add3A_1399 : i32
        %get3A_1401 = arith.index_cast %add3A_1400 : i32 to index
        %get3A_1402 = arith.constant 32 : index
        %get3A_1403 = tpu.vector_load %arg8[%get3A_1401, %get3A_1402] {strides = array<i32>} : memref<448x128xf32, #tpu.memory_space<vmem>>, vector<1x16xf32>,
        %get3A_1404 = vector.shape_cast %get3A_1403 : vector<1x16xf32> to vector<16xf32>
        %add3A_1405 = arith.constant 4 : i32
        %add3A_1406 = arith.addi %add3A_1268, %add3A_1405 : i32
        %get3A_1407 = arith.index_cast %add3A_1406 : i32 to index
        %get3A_1408 = arith.constant 32 : index
        %get3A_1409 = tpu.vector_load %arg8[%get3A_1407, %get3A_1408] {strides = array<i32>} : memref<448x128xf32, #tpu.memory_space<vmem>>, vector<1x16xf32>,
        %get3A_1410 = vector.shape_cast %get3A_1409 : vector<1x16xf32> to vector<16xf32>
        %add3A_1411 = arith.constant 5 : i32
        %add3A_1412 = arith.addi %add3A_1268, %add3A_1411 : i32
        %get3A_1413 = arith.index_cast %add3A_1412 : i32 to index
        %get3A_1414 = arith.constant 32 : index
        %get3A_1415 = tpu.vector_load %arg8[%get3A_1413, %get3A_1414] {strides = array<i32>} : memref<448x128xf32, #tpu.memory_space<vmem>>, vector<1x16xf32>,
        %get3A_1416 = vector.shape_cast %get3A_1415 : vector<1x16xf32> to vector<16xf32>
        %add3A_1417 = arith.constant 6 : i32
        %add3A_1418 = arith.addi %add3A_1268, %add3A_1417 : i32
        %get3A_1419 = arith.index_cast %add3A_1418 : i32 to index
        %get3A_1420 = arith.constant 32 : index
        %get3A_1421 = tpu.vector_load %arg8[%get3A_1419, %get3A_1420] {strides = array<i32>} : memref<448x128xf32, #tpu.memory_space<vmem>>, vector<1x16xf32>,
        %get3A_1422 = vector.shape_cast %get3A_1421 : vector<1x16xf32> to vector<16xf32>
        %add3A_1423 = arith.addf %get3A_1386, %get3A_1392 : vector<16xf32>
        %add3A_1424 = arith.addf %get3A_1398, %get3A_1404 : vector<16xf32>
        %add3A_1425 = arith.addf %get3A_1410, %get3A_1416 : vector<16xf32>
        %add3A_1426 = arith.addf %get3A_1422, %get3A_13 : vector<16xf32>
        %add3A_1427 = arith.addf %add3A_1423, %add3A_1424 : vector<16xf32>
        %add3A_1428 = arith.addf %add3A_1425, %add3A_1426 : vector<16xf32>
        %add3A_1429 = arith.addf %add3A_1427, %add3A_1428 : vector<16xf32>
        %swap3A_1430 = arith.index_cast %add3A_1272 : i32 to index
        %swap3A_1431 = arith.constant 32 : index
        %swap3A_1432 = tpu.vector_load %arg9[%swap3A_1430, %swap3A_1431] {strides = array<i32>} : memref<32x128xf32, #tpu.memory_space<vmem>>, vector<1x16xf32>,
        %swap3A_1433 = vector.shape_cast %swap3A_1432 : vector<1x16xf32> to vector<16xf32>
        %swap3A_1434 = vector.shape_cast %add3A_1429 : vector<16xf32> to vector<1x16xf32>
        tpu.vector_store %arg9[%swap3A_1430, %swap3A_1431], %swap3A_1434 {strides = array<i32>} : memref<32x128xf32, #tpu.memory_space<vmem>>, vector<1x16xf32>,
        %add3A_1435 = arith.constant 0 : i32
        %add3A_1436 = arith.addi %add3A_1268, %add3A_1435 : i32
        %get3A_1437 = arith.index_cast %add3A_1436 : i32 to index
        %get3A_1438 = arith.constant 48 : index
        %get3A_1439 = tpu.vector_load %arg8[%get3A_1437, %get3A_1438] {strides = array<i32>} : memref<448x128xf32, #tpu.memory_space<vmem>>, vector<1x16xf32>,
        %get3A_1440 = vector.shape_cast %get3A_1439 : vector<1x16xf32> to vector<16xf32>
        %add3A_1441 = arith.constant 1 : i32
        %add3A_1442 = arith.addi %add3A_1268, %add3A_1441 : i32
        %get3A_1443 = arith.index_cast %add3A_1442 : i32 to index
        %get3A_1444 = arith.constant 48 : index
        %get3A_1445 = tpu.vector_load %arg8[%get3A_1443, %get3A_1444] {strides = array<i32>} : memref<448x128xf32, #tpu.memory_space<vmem>>, vector<1x16xf32>,
        %get3A_1446 = vector.shape_cast %get3A_1445 : vector<1x16xf32> to vector<16xf32>
        %add3A_1447 = arith.constant 2 : i32
        %add3A_1448 = arith.addi %add3A_1268, %add3A_1447 : i32
        %get3A_1449 = arith.index_cast %add3A_1448 : i32 to index
        %get3A_1450 = arith.constant 48 : index
        %get3A_1451 = tpu.vector_load %arg8[%get3A_1449, %get3A_1450] {strides = array<i32>} : memref<448x128xf32, #tpu.memory_space<vmem>>, vector<1x16xf32>,
        %get3A_1452 = vector.shape_cast %get3A_1451 : vector<1x16xf32> to vector<16xf32>
        %add3A_1453 = arith.constant 3 : i32
        %add3A_1454 = arith.addi %add3A_1268, %add3A_1453 : i32
        %get3A_1455 = arith.index_cast %add3A_1454 : i32 to index
        %get3A_1456 = arith.constant 48 : index
        %get3A_1457 = tpu.vector_load %arg8[%get3A_1455, %get3A_1456] {strides = array<i32>} : memref<448x128xf32, #tpu.memory_space<vmem>>, vector<1x16xf32>,
        %get3A_1458 = vector.shape_cast %get3A_1457 : vector<1x16xf32> to vector<16xf32>
        %add3A_1459 = arith.constant 4 : i32
        %add3A_1460 = arith.addi %add3A_1268, %add3A_1459 : i32
        %get3A_1461 = arith.index_cast %add3A_1460 : i32 to index
        %get3A_1462 = arith.constant 48 : index
        %get3A_1463 = tpu.vector_load %arg8[%get3A_1461, %get3A_1462] {strides = array<i32>} : memref<448x128xf32, #tpu.memory_space<vmem>>, vector<1x16xf32>,
        %get3A_1464 = vector.shape_cast %get3A_1463 : vector<1x16xf32> to vector<16xf32>
        %add3A_1465 = arith.constant 5 : i32
        %add3A_1466 = arith.addi %add3A_1268, %add3A_1465 : i32
        %get3A_1467 = arith.index_cast %add3A_1466 : i32 to index
        %get3A_1468 = arith.constant 48 : index
        %get3A_1469 = tpu.vector_load %arg8[%get3A_1467, %get3A_1468] {strides = array<i32>} : memref<448x128xf32, #tpu.memory_space<vmem>>, vector<1x16xf32>,
        %get3A_1470 = vector.shape_cast %get3A_1469 : vector<1x16xf32> to vector<16xf32>
        %add3A_1471 = arith.constant 6 : i32
        %add3A_1472 = arith.addi %add3A_1268, %add3A_1471 : i32
        %get3A_1473 = arith.index_cast %add3A_1472 : i32 to index
        %get3A_1474 = arith.constant 48 : index
        %get3A_1475 = tpu.vector_load %arg8[%get3A_1473, %get3A_1474] {strides = array<i32>} : memref<448x128xf32, #tpu.memory_space<vmem>>, vector<1x16xf32>,
        %get3A_1476 = vector.shape_cast %get3A_1475 : vector<1x16xf32> to vector<16xf32>
        %add3A_1477 = arith.addf %get3A_1440, %get3A_1446 : vector<16xf32>
        %add3A_1478 = arith.addf %get3A_1452, %get3A_1458 : vector<16xf32>
        %add3A_1479 = arith.addf %get3A_1464, %get3A_1470 : vector<16xf32>
        %add3A_1480 = arith.addf %get3A_1476, %get3A_16 : vector<16xf32>
        %add3A_1481 = arith.addf %add3A_1477, %add3A_1478 : vector<16xf32>
        %add3A_1482 = arith.addf %add3A_1479, %add3A_1480 : vector<16xf32>
        %add3A_1483 = arith.addf %add3A_1481, %add3A_1482 : vector<16xf32>
        %swap3A_1484 = arith.index_cast %add3A_1272 : i32 to index
        %swap3A_1485 = arith.constant 48 : index
        %swap3A_1486 = tpu.vector_load %arg9[%swap3A_1484, %swap3A_1485] {strides = array<i32>} : memref<32x128xf32, #tpu.memory_space<vmem>>, vector<1x16xf32>,
        %swap3A_1487 = vector.shape_cast %swap3A_1486 : vector<1x16xf32> to vector<16xf32>
        %swap3A_1488 = vector.shape_cast %add3A_1483 : vector<16xf32> to vector<1x16xf32>
        tpu.vector_store %arg9[%swap3A_1484, %swap3A_1485], %swap3A_1488 {strides = array<i32>} : memref<32x128xf32, #tpu.memory_space<vmem>>, vector<1x16xf32>,
        %add3A_1489 = arith.constant 0 : i32
        %add3A_1490 = arith.addi %add3A_1268, %add3A_1489 : i32
        %get3A_1491 = arith.index_cast %add3A_1490 : i32 to index
        %get3A_1492 = arith.constant 64 : index
        %get3A_1493 = tpu.vector_load %arg8[%get3A_1491, %get3A_1492] {strides = array<i32>} : memref<448x128xf32, #tpu.memory_space<vmem>>, vector<1x16xf32>,
        %get3A_1494 = vector.shape_cast %get3A_1493 : vector<1x16xf32> to vector<16xf32>
        %add3A_1495 = arith.constant 1 : i32
        %add3A_1496 = arith.addi %add3A_1268, %add3A_1495 : i32
        %get3A_1497 = arith.index_cast %add3A_1496 : i32 to index
        %get3A_1498 = arith.constant 64 : index
        %get3A_1499 = tpu.vector_load %arg8[%get3A_1497, %get3A_1498] {strides = array<i32>} : memref<448x128xf32, #tpu.memory_space<vmem>>, vector<1x16xf32>,
        %get3A_1500 = vector.shape_cast %get3A_1499 : vector<1x16xf32> to vector<16xf32>
        %add3A_1501 = arith.constant 2 : i32
        %add3A_1502 = arith.addi %add3A_1268, %add3A_1501 : i32
        %get3A_1503 = arith.index_cast %add3A_1502 : i32 to index
        %get3A_1504 = arith.constant 64 : index
        %get3A_1505 = tpu.vector_load %arg8[%get3A_1503, %get3A_1504] {strides = array<i32>} : memref<448x128xf32, #tpu.memory_space<vmem>>, vector<1x16xf32>,
        %get3A_1506 = vector.shape_cast %get3A_1505 : vector<1x16xf32> to vector<16xf32>
        %add3A_1507 = arith.constant 3 : i32
        %add3A_1508 = arith.addi %add3A_1268, %add3A_1507 : i32
        %get3A_1509 = arith.index_cast %add3A_1508 : i32 to index
        %get3A_1510 = arith.constant 64 : index
        %get3A_1511 = tpu.vector_load %arg8[%get3A_1509, %get3A_1510] {strides = array<i32>} : memref<448x128xf32, #tpu.memory_space<vmem>>, vector<1x16xf32>,
        %get3A_1512 = vector.shape_cast %get3A_1511 : vector<1x16xf32> to vector<16xf32>
        %add3A_1513 = arith.constant 4 : i32
        %add3A_1514 = arith.addi %add3A_1268, %add3A_1513 : i32
        %get3A_1515 = arith.index_cast %add3A_1514 : i32 to index
        %get3A_1516 = arith.constant 64 : index
        %get3A_1517 = tpu.vector_load %arg8[%get3A_1515, %get3A_1516] {strides = array<i32>} : memref<448x128xf32, #tpu.memory_space<vmem>>, vector<1x16xf32>,
        %get3A_1518 = vector.shape_cast %get3A_1517 : vector<1x16xf32> to vector<16xf32>
        %add3A_1519 = arith.constant 5 : i32
        %add3A_1520 = arith.addi %add3A_1268, %add3A_1519 : i32
        %get3A_1521 = arith.index_cast %add3A_1520 : i32 to index
        %get3A_1522 = arith.constant 64 : index
        %get3A_1523 = tpu.vector_load %arg8[%get3A_1521, %get3A_1522] {strides = array<i32>} : memref<448x128xf32, #tpu.memory_space<vmem>>, vector<1x16xf32>,
        %get3A_1524 = vector.shape_cast %get3A_1523 : vector<1x16xf32> to vector<16xf32>
        %add3A_1525 = arith.constant 6 : i32
        %add3A_1526 = arith.addi %add3A_1268, %add3A_1525 : i32
        %get3A_1527 = arith.index_cast %add3A_1526 : i32 to index
        %get3A_1528 = arith.constant 64 : index
        %get3A_1529 = tpu.vector_load %arg8[%get3A_1527, %get3A_1528] {strides = array<i32>} : memref<448x128xf32, #tpu.memory_space<vmem>>, vector<1x16xf32>,
        %get3A_1530 = vector.shape_cast %get3A_1529 : vector<1x16xf32> to vector<16xf32>
        %add3A_1531 = arith.addf %get3A_1494, %get3A_1500 : vector<16xf32>
        %add3A_1532 = arith.addf %get3A_1506, %get3A_1512 : vector<16xf32>
        %add3A_1533 = arith.addf %get3A_1518, %get3A_1524 : vector<16xf32>
        %add3A_1534 = arith.addf %get3A_1530, %get3A_19 : vector<16xf32>
        %add3A_1535 = arith.addf %add3A_1531, %add3A_1532 : vector<16xf32>
        %add3A_1536 = arith.addf %add3A_1533, %add3A_1534 : vector<16xf32>
        %add3A_1537 = arith.addf %add3A_1535, %add3A_1536 : vector<16xf32>
        %swap3A_1538 = arith.index_cast %add3A_1272 : i32 to index
        %swap3A_1539 = arith.constant 64 : index
        %swap3A_1540 = tpu.vector_load %arg9[%swap3A_1538, %swap3A_1539] {strides = array<i32>} : memref<32x128xf32, #tpu.memory_space<vmem>>, vector<1x16xf32>,
        %swap3A_1541 = vector.shape_cast %swap3A_1540 : vector<1x16xf32> to vector<16xf32>
        %swap3A_1542 = vector.shape_cast %add3A_1537 : vector<16xf32> to vector<1x16xf32>
        tpu.vector_store %arg9[%swap3A_1538, %swap3A_1539], %swap3A_1542 {strides = array<i32>} : memref<32x128xf32, #tpu.memory_space<vmem>>, vector<1x16xf32>,
        %add3A_1543 = arith.constant 0 : i32
        %add3A_1544 = arith.addi %add3A_1268, %add3A_1543 : i32
        %get3A_1545 = arith.index_cast %add3A_1544 : i32 to index
        %get3A_1546 = arith.constant 80 : index
        %get3A_1547 = tpu.vector_load %arg8[%get3A_1545, %get3A_1546] {strides = array<i32>} : memref<448x128xf32, #tpu.memory_space<vmem>>, vector<1x16xf32>,
        %get3A_1548 = vector.shape_cast %get3A_1547 : vector<1x16xf32> to vector<16xf32>
        %add3A_1549 = arith.constant 1 : i32
        %add3A_1550 = arith.addi %add3A_1268, %add3A_1549 : i32
        %get3A_1551 = arith.index_cast %add3A_1550 : i32 to index
        %get3A_1552 = arith.constant 80 : index
        %get3A_1553 = tpu.vector_load %arg8[%get3A_1551, %get3A_1552] {strides = array<i32>} : memref<448x128xf32, #tpu.memory_space<vmem>>, vector<1x16xf32>,
        %get3A_1554 = vector.shape_cast %get3A_1553 : vector<1x16xf32> to vector<16xf32>
        %add3A_1555 = arith.constant 2 : i32
        %add3A_1556 = arith.addi %add3A_1268, %add3A_1555 : i32
        %get3A_1557 = arith.index_cast %add3A_1556 : i32 to index
        %get3A_1558 = arith.constant 80 : index
        %get3A_1559 = tpu.vector_load %arg8[%get3A_1557, %get3A_1558] {strides = array<i32>} : memref<448x128xf32, #tpu.memory_space<vmem>>, vector<1x16xf32>,
        %get3A_1560 = vector.shape_cast %get3A_1559 : vector<1x16xf32> to vector<16xf32>
        %add3A_1561 = arith.constant 3 : i32
        %add3A_1562 = arith.addi %add3A_1268, %add3A_1561 : i32
        %get3A_1563 = arith.index_cast %add3A_1562 : i32 to index
        %get3A_1564 = arith.constant 80 : index
        %get3A_1565 = tpu.vector_load %arg8[%get3A_1563, %get3A_1564] {strides = array<i32>} : memref<448x128xf32, #tpu.memory_space<vmem>>, vector<1x16xf32>,
        %get3A_1566 = vector.shape_cast %get3A_1565 : vector<1x16xf32> to vector<16xf32>
        %add3A_1567 = arith.constant 4 : i32
        %add3A_1568 = arith.addi %add3A_1268, %add3A_1567 : i32
        %get3A_1569 = arith.index_cast %add3A_1568 : i32 to index
        %get3A_1570 = arith.constant 80 : index
        %get3A_1571 = tpu.vector_load %arg8[%get3A_1569, %get3A_1570] {strides = array<i32>} : memref<448x128xf32, #tpu.memory_space<vmem>>, vector<1x16xf32>,
        %get3A_1572 = vector.shape_cast %get3A_1571 : vector<1x16xf32> to vector<16xf32>
        %add3A_1573 = arith.constant 5 : i32
        %add3A_1574 = arith.addi %add3A_1268, %add3A_1573 : i32
        %get3A_1575 = arith.index_cast %add3A_1574 : i32 to index
        %get3A_1576 = arith.constant 80 : index
        %get3A_1577 = tpu.vector_load %arg8[%get3A_1575, %get3A_1576] {strides = array<i32>} : memref<448x128xf32, #tpu.memory_space<vmem>>, vector<1x16xf32>,
        %get3A_1578 = vector.shape_cast %get3A_1577 : vector<1x16xf32> to vector<16xf32>
        %add3A_1579 = arith.constant 6 : i32
        %add3A_1580 = arith.addi %add3A_1268, %add3A_1579 : i32
        %get3A_1581 = arith.index_cast %add3A_1580 : i32 to index
        %get3A_1582 = arith.constant 80 : index
        %get3A_1583 = tpu.vector_load %arg8[%get3A_1581, %get3A_1582] {strides = array<i32>} : memref<448x128xf32, #tpu.memory_space<vmem>>, vector<1x16xf32>,
        %get3A_1584 = vector.shape_cast %get3A_1583 : vector<1x16xf32> to vector<16xf32>
        %add3A_1585 = arith.addf %get3A_1548, %get3A_1554 : vector<16xf32>
        %add3A_1586 = arith.addf %get3A_1560, %get3A_1566 : vector<16xf32>
        %add3A_1587 = arith.addf %get3A_1572, %get3A_1578 : vector<16xf32>
        %add3A_1588 = arith.addf %get3A_1584, %get3A_22 : vector<16xf32>
        %add3A_1589 = arith.addf %add3A_1585, %add3A_1586 : vector<16xf32>
        %add3A_1590 = arith.addf %add3A_1587, %add3A_1588 : vector<16xf32>
        %add3A_1591 = arith.addf %add3A_1589, %add3A_1590 : vector<16xf32>
        %swap3A_1592 = arith.index_cast %add3A_1272 : i32 to index
        %swap3A_1593 = arith.constant 80 : index
        %swap3A_1594 = tpu.vector_load %arg9[%swap3A_1592, %swap3A_1593] {strides = array<i32>} : memref<32x128xf32, #tpu.memory_space<vmem>>, vector<1x16xf32>,
        %swap3A_1595 = vector.shape_cast %swap3A_1594 : vector<1x16xf32> to vector<16xf32>
        %swap3A_1596 = vector.shape_cast %add3A_1591 : vector<16xf32> to vector<1x16xf32>
        tpu.vector_store %arg9[%swap3A_1592, %swap3A_1593], %swap3A_1596 {strides = array<i32>} : memref<32x128xf32, #tpu.memory_space<vmem>>, vector<1x16xf32>,
        %add3A_1597 = arith.constant 0 : i32
        %add3A_1598 = arith.addi %add3A_1268, %add3A_1597 : i32
        %get3A_1599 = arith.index_cast %add3A_1598 : i32 to index
        %get3A_1600 = arith.constant 96 : index
        %get3A_1601 = tpu.vector_load %arg8[%get3A_1599, %get3A_1600] {strides = array<i32>} : memref<448x128xf32, #tpu.memory_space<vmem>>, vector<1x16xf32>,
        %get3A_1602 = vector.shape_cast %get3A_1601 : vector<1x16xf32> to vector<16xf32>
        %add3A_1603 = arith.constant 1 : i32
        %add3A_1604 = arith.addi %add3A_1268, %add3A_1603 : i32
        %get3A_1605 = arith.index_cast %add3A_1604 : i32 to index
        %get3A_1606 = arith.constant 96 : index
        %get3A_1607 = tpu.vector_load %arg8[%get3A_1605, %get3A_1606] {strides = array<i32>} : memref<448x128xf32, #tpu.memory_space<vmem>>, vector<1x16xf32>,
        %get3A_1608 = vector.shape_cast %get3A_1607 : vector<1x16xf32> to vector<16xf32>
        %add3A_1609 = arith.constant 2 : i32
        %add3A_1610 = arith.addi %add3A_1268, %add3A_1609 : i32
        %get3A_1611 = arith.index_cast %add3A_1610 : i32 to index
        %get3A_1612 = arith.constant 96 : index
        %get3A_1613 = tpu.vector_load %arg8[%get3A_1611, %get3A_1612] {strides = array<i32>} : memref<448x128xf32, #tpu.memory_space<vmem>>, vector<1x16xf32>,
        %get3A_1614 = vector.shape_cast %get3A_1613 : vector<1x16xf32> to vector<16xf32>
        %add3A_1615 = arith.constant 3 : i32
        %add3A_1616 = arith.addi %add3A_1268, %add3A_1615 : i32
        %get3A_1617 = arith.index_cast %add3A_1616 : i32 to index
        %get3A_1618 = arith.constant 96 : index
        %get3A_1619 = tpu.vector_load %arg8[%get3A_1617, %get3A_1618] {strides = array<i32>} : memref<448x128xf32, #tpu.memory_space<vmem>>, vector<1x16xf32>,
        %get3A_1620 = vector.shape_cast %get3A_1619 : vector<1x16xf32> to vector<16xf32>
        %add3A_1621 = arith.constant 4 : i32
        %add3A_1622 = arith.addi %add3A_1268, %add3A_1621 : i32
        %get3A_1623 = arith.index_cast %add3A_1622 : i32 to index
        %get3A_1624 = arith.constant 96 : index
        %get3A_1625 = tpu.vector_load %arg8[%get3A_1623, %get3A_1624] {strides = array<i32>} : memref<448x128xf32, #tpu.memory_space<vmem>>, vector<1x16xf32>,
        %get3A_1626 = vector.shape_cast %get3A_1625 : vector<1x16xf32> to vector<16xf32>
        %add3A_1627 = arith.constant 5 : i32
        %add3A_1628 = arith.addi %add3A_1268, %add3A_1627 : i32
        %get3A_1629 = arith.index_cast %add3A_1628 : i32 to index
        %get3A_1630 = arith.constant 96 : index
        %get3A_1631 = tpu.vector_load %arg8[%get3A_1629, %get3A_1630] {strides = array<i32>} : memref<448x128xf32, #tpu.memory_space<vmem>>, vector<1x16xf32>,
        %get3A_1632 = vector.shape_cast %get3A_1631 : vector<1x16xf32> to vector<16xf32>
        %add3A_1633 = arith.constant 6 : i32
        %add3A_1634 = arith.addi %add3A_1268, %add3A_1633 : i32
        %get3A_1635 = arith.index_cast %add3A_1634 : i32 to index
        %get3A_1636 = arith.constant 96 : index
        %get3A_1637 = tpu.vector_load %arg8[%get3A_1635, %get3A_1636] {strides = array<i32>} : memref<448x128xf32, #tpu.memory_space<vmem>>, vector<1x16xf32>,
        %get3A_1638 = vector.shape_cast %get3A_1637 : vector<1x16xf32> to vector<16xf32>
        %add3A_1639 = arith.addf %get3A_1602, %get3A_1608 : vector<16xf32>
        %add3A_1640 = arith.addf %get3A_1614, %get3A_1620 : vector<16xf32>
        %add3A_1641 = arith.addf %get3A_1626, %get3A_1632 : vector<16xf32>
        %add3A_1642 = arith.addf %get3A_1638, %get3A_25 : vector<16xf32>
        %add3A_1643 = arith.addf %add3A_1639, %add3A_1640 : vector<16xf32>
        %add3A_1644 = arith.addf %add3A_1641, %add3A_1642 : vector<16xf32>
        %add3A_1645 = arith.addf %add3A_1643, %add3A_1644 : vector<16xf32>
        %swap3A_1646 = arith.index_cast %add3A_1272 : i32 to index
        %swap3A_1647 = arith.constant 96 : index
        %swap3A_1648 = tpu.vector_load %arg9[%swap3A_1646, %swap3A_1647] {strides = array<i32>} : memref<32x128xf32, #tpu.memory_space<vmem>>, vector<1x16xf32>,
        %swap3A_1649 = vector.shape_cast %swap3A_1648 : vector<1x16xf32> to vector<16xf32>
        %swap3A_1650 = vector.shape_cast %add3A_1645 : vector<16xf32> to vector<1x16xf32>
        tpu.vector_store %arg9[%swap3A_1646, %swap3A_1647], %swap3A_1650 {strides = array<i32>} : memref<32x128xf32, #tpu.memory_space<vmem>>, vector<1x16xf32>,
        %add3A_1651 = arith.constant 0 : i32
        %add3A_1652 = arith.addi %add3A_1268, %add3A_1651 : i32
        %get3A_1653 = arith.index_cast %add3A_1652 : i32 to index
        %get3A_1654 = arith.constant 112 : index
        %get3A_1655 = tpu.vector_load %arg8[%get3A_1653, %get3A_1654] {strides = array<i32>} : memref<448x128xf32, #tpu.memory_space<vmem>>, vector<1x16xf32>,
        %get3A_1656 = vector.shape_cast %get3A_1655 : vector<1x16xf32> to vector<16xf32>
        %add3A_1657 = arith.constant 1 : i32
        %add3A_1658 = arith.addi %add3A_1268, %add3A_1657 : i32
        %get3A_1659 = arith.index_cast %add3A_1658 : i32 to index
        %get3A_1660 = arith.constant 112 : index
        %get3A_1661 = tpu.vector_load %arg8[%get3A_1659, %get3A_1660] {strides = array<i32>} : memref<448x128xf32, #tpu.memory_space<vmem>>, vector<1x16xf32>,
        %get3A_1662 = vector.shape_cast %get3A_1661 : vector<1x16xf32> to vector<16xf32>
        %add3A_1663 = arith.constant 2 : i32
        %add3A_1664 = arith.addi %add3A_1268, %add3A_1663 : i32
        %get3A_1665 = arith.index_cast %add3A_1664 : i32 to index
        %get3A_1666 = arith.constant 112 : index
        %get3A_1667 = tpu.vector_load %arg8[%get3A_1665, %get3A_1666] {strides = array<i32>} : memref<448x128xf32, #tpu.memory_space<vmem>>, vector<1x16xf32>,
        %get3A_1668 = vector.shape_cast %get3A_1667 : vector<1x16xf32> to vector<16xf32>
        %add3A_1669 = arith.constant 3 : i32
        %add3A_1670 = arith.addi %add3A_1268, %add3A_1669 : i32
        %get3A_1671 = arith.index_cast %add3A_1670 : i32 to index
        %get3A_1672 = arith.constant 112 : index
        %get3A_1673 = tpu.vector_load %arg8[%get3A_1671, %get3A_1672] {strides = array<i32>} : memref<448x128xf32, #tpu.memory_space<vmem>>, vector<1x16xf32>,
        %get3A_1674 = vector.shape_cast %get3A_1673 : vector<1x16xf32> to vector<16xf32>
        %add3A_1675 = arith.constant 4 : i32
        %add3A_1676 = arith.addi %add3A_1268, %add3A_1675 : i32
        %get3A_1677 = arith.index_cast %add3A_1676 : i32 to index
        %get3A_1678 = arith.constant 112 : index
        %get3A_1679 = tpu.vector_load %arg8[%get3A_1677, %get3A_1678] {strides = array<i32>} : memref<448x128xf32, #tpu.memory_space<vmem>>, vector<1x16xf32>,
        %get3A_1680 = vector.shape_cast %get3A_1679 : vector<1x16xf32> to vector<16xf32>
        %add3A_1681 = arith.constant 5 : i32
        %add3A_1682 = arith.addi %add3A_1268, %add3A_1681 : i32
        %get3A_1683 = arith.index_cast %add3A_1682 : i32 to index
        %get3A_1684 = arith.constant 112 : index
        %get3A_1685 = tpu.vector_load %arg8[%get3A_1683, %get3A_1684] {strides = array<i32>} : memref<448x128xf32, #tpu.memory_space<vmem>>, vector<1x16xf32>,
        %get3A_1686 = vector.shape_cast %get3A_1685 : vector<1x16xf32> to vector<16xf32>
        %add3A_1687 = arith.constant 6 : i32
        %add3A_1688 = arith.addi %add3A_1268, %add3A_1687 : i32
        %get3A_1689 = arith.index_cast %add3A_1688 : i32 to index
        %get3A_1690 = arith.constant 112 : index
        %get3A_1691 = tpu.vector_load %arg8[%get3A_1689, %get3A_1690] {strides = array<i32>} : memref<448x128xf32, #tpu.memory_space<vmem>>, vector<1x16xf32>,
        %get3A_1692 = vector.shape_cast %get3A_1691 : vector<1x16xf32> to vector<16xf32>
        %add3A_1693 = arith.addf %get3A_1656, %get3A_1662 : vector<16xf32>
        %add3A_1694 = arith.addf %get3A_1668, %get3A_1674 : vector<16xf32>
        %add3A_1695 = arith.addf %get3A_1680, %get3A_1686 : vector<16xf32>
        %add3A_1696 = arith.addf %get3A_1692, %get3A_28 : vector<16xf32>
        %add3A_1697 = arith.addf %add3A_1693, %add3A_1694 : vector<16xf32>
        %add3A_1698 = arith.addf %add3A_1695, %add3A_1696 : vector<16xf32>
        %add3A_1699 = arith.addf %add3A_1697, %add3A_1698 : vector<16xf32>
        %swap3A_1700 = arith.index_cast %add3A_1272 : i32 to index
        %swap3A_1701 = arith.constant 112 : index
        %swap3A_1702 = tpu.vector_load %arg9[%swap3A_1700, %swap3A_1701] {strides = array<i32>} : memref<32x128xf32, #tpu.memory_space<vmem>>, vector<1x16xf32>,
        %swap3A_1703 = vector.shape_cast %swap3A_1702 : vector<1x16xf32> to vector<16xf32>
        %swap3A_1704 = vector.shape_cast %add3A_1699 : vector<16xf32> to vector<1x16xf32>
        tpu.vector_store %arg9[%swap3A_1700, %swap3A_1701], %swap3A_1704 {strides = array<i32>} : memref<32x128xf32, #tpu.memory_space<vmem>>, vector<1x16xf32>,
        %mul3A_1705 = arith.constant 4 : i32
        %mul3A_1706 = arith.muli %scan3A_816, %mul3A_1705 : i32
        %add3A_1707 = arith.constant 2 : i32
        %add3A_1708 = arith.addi %mul3A_1706, %add3A_1707 : i32
        %mul3A_1709 = arith.constant 7 : i32
        %mul3A_1710 = arith.muli %add3A_1708, %mul3A_1709 : i32
        %add3A_1711 = arith.constant 0 : i32
        %add3A_1712 = arith.addi %add3A_1711, %mul3A_1710 : i32
        %mul3A_1713 = arith.constant 4 : i32
        %mul3A_1714 = arith.muli %scan3A_816, %mul3A_1713 : i32
        %add3A_1715 = arith.constant 2 : i32
        %add3A_1716 = arith.addi %mul3A_1714, %add3A_1715 : i32
        %add3A_1717 = arith.constant 0 : i32
        %add3A_1718 = arith.addi %add3A_1712, %add3A_1717 : i32
        %get3A_1719 = arith.index_cast %add3A_1718 : i32 to index
        %get3A_1720 = arith.constant 0 : index
        %get3A_1721 = tpu.vector_load %arg8[%get3A_1719, %get3A_1720] {strides = array<i32>} : memref<448x128xf32, #tpu.memory_space<vmem>>, vector<1x16xf32>,
        %get3A_1722 = vector.shape_cast %get3A_1721 : vector<1x16xf32> to vector<16xf32>
        %add3A_1723 = arith.constant 1 : i32
        %add3A_1724 = arith.addi %add3A_1712, %add3A_1723 : i32
        %get3A_1725 = arith.index_cast %add3A_1724 : i32 to index
        %get3A_1726 = arith.constant 0 : index
        %get3A_1727 = tpu.vector_load %arg8[%get3A_1725, %get3A_1726] {strides = array<i32>} : memref<448x128xf32, #tpu.memory_space<vmem>>, vector<1x16xf32>,
        %get3A_1728 = vector.shape_cast %get3A_1727 : vector<1x16xf32> to vector<16xf32>
        %add3A_1729 = arith.constant 2 : i32
        %add3A_1730 = arith.addi %add3A_1712, %add3A_1729 : i32
        %get3A_1731 = arith.index_cast %add3A_1730 : i32 to index
        %get3A_1732 = arith.constant 0 : index
        %get3A_1733 = tpu.vector_load %arg8[%get3A_1731, %get3A_1732] {strides = array<i32>} : memref<448x128xf32, #tpu.memory_space<vmem>>, vector<1x16xf32>,
        %get3A_1734 = vector.shape_cast %get3A_1733 : vector<1x16xf32> to vector<16xf32>
        %add3A_1735 = arith.constant 3 : i32
        %add3A_1736 = arith.addi %add3A_1712, %add3A_1735 : i32
        %get3A_1737 = arith.index_cast %add3A_1736 : i32 to index
        %get3A_1738 = arith.constant 0 : index
        %get3A_1739 = tpu.vector_load %arg8[%get3A_1737, %get3A_1738] {strides = array<i32>} : memref<448x128xf32, #tpu.memory_space<vmem>>, vector<1x16xf32>,
        %get3A_1740 = vector.shape_cast %get3A_1739 : vector<1x16xf32> to vector<16xf32>
        %add3A_1741 = arith.constant 4 : i32
        %add3A_1742 = arith.addi %add3A_1712, %add3A_1741 : i32
        %get3A_1743 = arith.index_cast %add3A_1742 : i32 to index
        %get3A_1744 = arith.constant 0 : index
        %get3A_1745 = tpu.vector_load %arg8[%get3A_1743, %get3A_1744] {strides = array<i32>} : memref<448x128xf32, #tpu.memory_space<vmem>>, vector<1x16xf32>,
        %get3A_1746 = vector.shape_cast %get3A_1745 : vector<1x16xf32> to vector<16xf32>
        %add3A_1747 = arith.constant 5 : i32
        %add3A_1748 = arith.addi %add3A_1712, %add3A_1747 : i32
        %get3A_1749 = arith.index_cast %add3A_1748 : i32 to index
        %get3A_1750 = arith.constant 0 : index
        %get3A_1751 = tpu.vector_load %arg8[%get3A_1749, %get3A_1750] {strides = array<i32>} : memref<448x128xf32, #tpu.memory_space<vmem>>, vector<1x16xf32>,
        %get3A_1752 = vector.shape_cast %get3A_1751 : vector<1x16xf32> to vector<16xf32>
        %add3A_1753 = arith.constant 6 : i32
        %add3A_1754 = arith.addi %add3A_1712, %add3A_1753 : i32
        %get3A_1755 = arith.index_cast %add3A_1754 : i32 to index
        %get3A_1756 = arith.constant 0 : index
        %get3A_1757 = tpu.vector_load %arg8[%get3A_1755, %get3A_1756] {strides = array<i32>} : memref<448x128xf32, #tpu.memory_space<vmem>>, vector<1x16xf32>,
        %get3A_1758 = vector.shape_cast %get3A_1757 : vector<1x16xf32> to vector<16xf32>
        %add3A_1759 = arith.addf %get3A_1722, %get3A_1728 : vector<16xf32>
        %add3A_1760 = arith.addf %get3A_1734, %get3A_1740 : vector<16xf32>
        %add3A_1761 = arith.addf %get3A_1746, %get3A_1752 : vector<16xf32>
        %add3A_1762 = arith.addf %get3A_1758, %get3A_7 : vector<16xf32>
        %add3A_1763 = arith.addf %add3A_1759, %add3A_1760 : vector<16xf32>
        %add3A_1764 = arith.addf %add3A_1761, %add3A_1762 : vector<16xf32>
        %add3A_1765 = arith.addf %add3A_1763, %add3A_1764 : vector<16xf32>
        %swap3A_1766 = arith.index_cast %add3A_1716 : i32 to index
        %swap3A_1767 = arith.constant 0 : index
        %swap3A_1768 = tpu.vector_load %arg9[%swap3A_1766, %swap3A_1767] {strides = array<i32>} : memref<32x128xf32, #tpu.memory_space<vmem>>, vector<1x16xf32>,
        %swap3A_1769 = vector.shape_cast %swap3A_1768 : vector<1x16xf32> to vector<16xf32>
        %swap3A_1770 = vector.shape_cast %add3A_1765 : vector<16xf32> to vector<1x16xf32>
        tpu.vector_store %arg9[%swap3A_1766, %swap3A_1767], %swap3A_1770 {strides = array<i32>} : memref<32x128xf32, #tpu.memory_space<vmem>>, vector<1x16xf32>,
        %add3A_1771 = arith.constant 0 : i32
        %add3A_1772 = arith.addi %add3A_1712, %add3A_1771 : i32
        %get3A_1773 = arith.index_cast %add3A_1772 : i32 to index
        %get3A_1774 = arith.constant 16 : index
        %get3A_1775 = tpu.vector_load %arg8[%get3A_1773, %get3A_1774] {strides = array<i32>} : memref<448x128xf32, #tpu.memory_space<vmem>>, vector<1x16xf32>,
        %get3A_1776 = vector.shape_cast %get3A_1775 : vector<1x16xf32> to vector<16xf32>
        %add3A_1777 = arith.constant 1 : i32
        %add3A_1778 = arith.addi %add3A_1712, %add3A_1777 : i32
        %get3A_1779 = arith.index_cast %add3A_1778 : i32 to index
        %get3A_1780 = arith.constant 16 : index
        %get3A_1781 = tpu.vector_load %arg8[%get3A_1779, %get3A_1780] {strides = array<i32>} : memref<448x128xf32, #tpu.memory_space<vmem>>, vector<1x16xf32>,
        %get3A_1782 = vector.shape_cast %get3A_1781 : vector<1x16xf32> to vector<16xf32>
        %add3A_1783 = arith.constant 2 : i32
        %add3A_1784 = arith.addi %add3A_1712, %add3A_1783 : i32
        %get3A_1785 = arith.index_cast %add3A_1784 : i32 to index
        %get3A_1786 = arith.constant 16 : index
        %get3A_1787 = tpu.vector_load %arg8[%get3A_1785, %get3A_1786] {strides = array<i32>} : memref<448x128xf32, #tpu.memory_space<vmem>>, vector<1x16xf32>,
        %get3A_1788 = vector.shape_cast %get3A_1787 : vector<1x16xf32> to vector<16xf32>
        %add3A_1789 = arith.constant 3 : i32
        %add3A_1790 = arith.addi %add3A_1712, %add3A_1789 : i32
        %get3A_1791 = arith.index_cast %add3A_1790 : i32 to index
        %get3A_1792 = arith.constant 16 : index
        %get3A_1793 = tpu.vector_load %arg8[%get3A_1791, %get3A_1792] {strides = array<i32>} : memref<448x128xf32, #tpu.memory_space<vmem>>, vector<1x16xf32>,
        %get3A_1794 = vector.shape_cast %get3A_1793 : vector<1x16xf32> to vector<16xf32>
        %add3A_1795 = arith.constant 4 : i32
        %add3A_1796 = arith.addi %add3A_1712, %add3A_1795 : i32
        %get3A_1797 = arith.index_cast %add3A_1796 : i32 to index
        %get3A_1798 = arith.constant 16 : index
        %get3A_1799 = tpu.vector_load %arg8[%get3A_1797, %get3A_1798] {strides = array<i32>} : memref<448x128xf32, #tpu.memory_space<vmem>>, vector<1x16xf32>,
        %get3A_1800 = vector.shape_cast %get3A_1799 : vector<1x16xf32> to vector<16xf32>
        %add3A_1801 = arith.constant 5 : i32
        %add3A_1802 = arith.addi %add3A_1712, %add3A_1801 : i32
        %get3A_1803 = arith.index_cast %add3A_1802 : i32 to index
        %get3A_1804 = arith.constant 16 : index
        %get3A_1805 = tpu.vector_load %arg8[%get3A_1803, %get3A_1804] {strides = array<i32>} : memref<448x128xf32, #tpu.memory_space<vmem>>, vector<1x16xf32>,
        %get3A_1806 = vector.shape_cast %get3A_1805 : vector<1x16xf32> to vector<16xf32>
        %add3A_1807 = arith.constant 6 : i32
        %add3A_1808 = arith.addi %add3A_1712, %add3A_1807 : i32
        %get3A_1809 = arith.index_cast %add3A_1808 : i32 to index
        %get3A_1810 = arith.constant 16 : index
        %get3A_1811 = tpu.vector_load %arg8[%get3A_1809, %get3A_1810] {strides = array<i32>} : memref<448x128xf32, #tpu.memory_space<vmem>>, vector<1x16xf32>,
        %get3A_1812 = vector.shape_cast %get3A_1811 : vector<1x16xf32> to vector<16xf32>
        %add3A_1813 = arith.addf %get3A_1776, %get3A_1782 : vector<16xf32>
        %add3A_1814 = arith.addf %get3A_1788, %get3A_1794 : vector<16xf32>
        %add3A_1815 = arith.addf %get3A_1800, %get3A_1806 : vector<16xf32>
        %add3A_1816 = arith.addf %get3A_1812, %get3A_10 : vector<16xf32>
        %add3A_1817 = arith.addf %add3A_1813, %add3A_1814 : vector<16xf32>
        %add3A_1818 = arith.addf %add3A_1815, %add3A_1816 : vector<16xf32>
        %add3A_1819 = arith.addf %add3A_1817, %add3A_1818 : vector<16xf32>
        %swap3A_1820 = arith.index_cast %add3A_1716 : i32 to index
        %swap3A_1821 = arith.constant 16 : index
        %swap3A_1822 = tpu.vector_load %arg9[%swap3A_1820, %swap3A_1821] {strides = array<i32>} : memref<32x128xf32, #tpu.memory_space<vmem>>, vector<1x16xf32>,
        %swap3A_1823 = vector.shape_cast %swap3A_1822 : vector<1x16xf32> to vector<16xf32>
        %swap3A_1824 = vector.shape_cast %add3A_1819 : vector<16xf32> to vector<1x16xf32>
        tpu.vector_store %arg9[%swap3A_1820, %swap3A_1821], %swap3A_1824 {strides = array<i32>} : memref<32x128xf32, #tpu.memory_space<vmem>>, vector<1x16xf32>,
        %add3A_1825 = arith.constant 0 : i32
        %add3A_1826 = arith.addi %add3A_1712, %add3A_1825 : i32
        %get3A_1827 = arith.index_cast %add3A_1826 : i32 to index
        %get3A_1828 = arith.constant 32 : index
        %get3A_1829 = tpu.vector_load %arg8[%get3A_1827, %get3A_1828] {strides = array<i32>} : memref<448x128xf32, #tpu.memory_space<vmem>>, vector<1x16xf32>,
        %get3A_1830 = vector.shape_cast %get3A_1829 : vector<1x16xf32> to vector<16xf32>
        %add3A_1831 = arith.constant 1 : i32
        %add3A_1832 = arith.addi %add3A_1712, %add3A_1831 : i32
        %get3A_1833 = arith.index_cast %add3A_1832 : i32 to index
        %get3A_1834 = arith.constant 32 : index
        %get3A_1835 = tpu.vector_load %arg8[%get3A_1833, %get3A_1834] {strides = array<i32>} : memref<448x128xf32, #tpu.memory_space<vmem>>, vector<1x16xf32>,
        %get3A_1836 = vector.shape_cast %get3A_1835 : vector<1x16xf32> to vector<16xf32>
        %add3A_1837 = arith.constant 2 : i32
        %add3A_1838 = arith.addi %add3A_1712, %add3A_1837 : i32
        %get3A_1839 = arith.index_cast %add3A_1838 : i32 to index
        %get3A_1840 = arith.constant 32 : index
        %get3A_1841 = tpu.vector_load %arg8[%get3A_1839, %get3A_1840] {strides = array<i32>} : memref<448x128xf32, #tpu.memory_space<vmem>>, vector<1x16xf32>,
        %get3A_1842 = vector.shape_cast %get3A_1841 : vector<1x16xf32> to vector<16xf32>
        %add3A_1843 = arith.constant 3 : i32
        %add3A_1844 = arith.addi %add3A_1712, %add3A_1843 : i32
        %get3A_1845 = arith.index_cast %add3A_1844 : i32 to index
        %get3A_1846 = arith.constant 32 : index
        %get3A_1847 = tpu.vector_load %arg8[%get3A_1845, %get3A_1846] {strides = array<i32>} : memref<448x128xf32, #tpu.memory_space<vmem>>, vector<1x16xf32>,
        %get3A_1848 = vector.shape_cast %get3A_1847 : vector<1x16xf32> to vector<16xf32>
        %add3A_1849 = arith.constant 4 : i32
        %add3A_1850 = arith.addi %add3A_1712, %add3A_1849 : i32
        %get3A_1851 = arith.index_cast %add3A_1850 : i32 to index
        %get3A_1852 = arith.constant 32 : index
        %get3A_1853 = tpu.vector_load %arg8[%get3A_1851, %get3A_1852] {strides = array<i32>} : memref<448x128xf32, #tpu.memory_space<vmem>>, vector<1x16xf32>,
        %get3A_1854 = vector.shape_cast %get3A_1853 : vector<1x16xf32> to vector<16xf32>
        %add3A_1855 = arith.constant 5 : i32
        %add3A_1856 = arith.addi %add3A_1712, %add3A_1855 : i32
        %get3A_1857 = arith.index_cast %add3A_1856 : i32 to index
        %get3A_1858 = arith.constant 32 : index
        %get3A_1859 = tpu.vector_load %arg8[%get3A_1857, %get3A_1858] {strides = array<i32>} : memref<448x128xf32, #tpu.memory_space<vmem>>, vector<1x16xf32>,
        %get3A_1860 = vector.shape_cast %get3A_1859 : vector<1x16xf32> to vector<16xf32>
        %add3A_1861 = arith.constant 6 : i32
        %add3A_1862 = arith.addi %add3A_1712, %add3A_1861 : i32
        %get3A_1863 = arith.index_cast %add3A_1862 : i32 to index
        %get3A_1864 = arith.constant 32 : index
        %get3A_1865 = tpu.vector_load %arg8[%get3A_1863, %get3A_1864] {strides = array<i32>} : memref<448x128xf32, #tpu.memory_space<vmem>>, vector<1x16xf32>,
        %get3A_1866 = vector.shape_cast %get3A_1865 : vector<1x16xf32> to vector<16xf32>
        %add3A_1867 = arith.addf %get3A_1830, %get3A_1836 : vector<16xf32>
        %add3A_1868 = arith.addf %get3A_1842, %get3A_1848 : vector<16xf32>
        %add3A_1869 = arith.addf %get3A_1854, %get3A_1860 : vector<16xf32>
        %add3A_1870 = arith.addf %get3A_1866, %get3A_13 : vector<16xf32>
        %add3A_1871 = arith.addf %add3A_1867, %add3A_1868 : vector<16xf32>
        %add3A_1872 = arith.addf %add3A_1869, %add3A_1870 : vector<16xf32>
        %add3A_1873 = arith.addf %add3A_1871, %add3A_1872 : vector<16xf32>
        %swap3A_1874 = arith.index_cast %add3A_1716 : i32 to index
        %swap3A_1875 = arith.constant 32 : index
        %swap3A_1876 = tpu.vector_load %arg9[%swap3A_1874, %swap3A_1875] {strides = array<i32>} : memref<32x128xf32, #tpu.memory_space<vmem>>, vector<1x16xf32>,
        %swap3A_1877 = vector.shape_cast %swap3A_1876 : vector<1x16xf32> to vector<16xf32>
        %swap3A_1878 = vector.shape_cast %add3A_1873 : vector<16xf32> to vector<1x16xf32>
        tpu.vector_store %arg9[%swap3A_1874, %swap3A_1875], %swap3A_1878 {strides = array<i32>} : memref<32x128xf32, #tpu.memory_space<vmem>>, vector<1x16xf32>,
        %add3A_1879 = arith.constant 0 : i32
        %add3A_1880 = arith.addi %add3A_1712, %add3A_1879 : i32
        %get3A_1881 = arith.index_cast %add3A_1880 : i32 to index
        %get3A_1882 = arith.constant 48 : index
        %get3A_1883 = tpu.vector_load %arg8[%get3A_1881, %get3A_1882] {strides = array<i32>} : memref<448x128xf32, #tpu.memory_space<vmem>>, vector<1x16xf32>,
        %get3A_1884 = vector.shape_cast %get3A_1883 : vector<1x16xf32> to vector<16xf32>
        %add3A_1885 = arith.constant 1 : i32
        %add3A_1886 = arith.addi %add3A_1712, %add3A_1885 : i32
        %get3A_1887 = arith.index_cast %add3A_1886 : i32 to index
        %get3A_1888 = arith.constant 48 : index
        %get3A_1889 = tpu.vector_load %arg8[%get3A_1887, %get3A_1888] {strides = array<i32>} : memref<448x128xf32, #tpu.memory_space<vmem>>, vector<1x16xf32>,
        %get3A_1890 = vector.shape_cast %get3A_1889 : vector<1x16xf32> to vector<16xf32>
        %add3A_1891 = arith.constant 2 : i32
        %add3A_1892 = arith.addi %add3A_1712, %add3A_1891 : i32
        %get3A_1893 = arith.index_cast %add3A_1892 : i32 to index
        %get3A_1894 = arith.constant 48 : index
        %get3A_1895 = tpu.vector_load %arg8[%get3A_1893, %get3A_1894] {strides = array<i32>} : memref<448x128xf32, #tpu.memory_space<vmem>>, vector<1x16xf32>,
        %get3A_1896 = vector.shape_cast %get3A_1895 : vector<1x16xf32> to vector<16xf32>
        %add3A_1897 = arith.constant 3 : i32
        %add3A_1898 = arith.addi %add3A_1712, %add3A_1897 : i32
        %get3A_1899 = arith.index_cast %add3A_1898 : i32 to index
        %get3A_1900 = arith.constant 48 : index
        %get3A_1901 = tpu.vector_load %arg8[%get3A_1899, %get3A_1900] {strides = array<i32>} : memref<448x128xf32, #tpu.memory_space<vmem>>, vector<1x16xf32>,
        %get3A_1902 = vector.shape_cast %get3A_1901 : vector<1x16xf32> to vector<16xf32>
        %add3A_1903 = arith.constant 4 : i32
        %add3A_1904 = arith.addi %add3A_1712, %add3A_1903 : i32
        %get3A_1905 = arith.index_cast %add3A_1904 : i32 to index
        %get3A_1906 = arith.constant 48 : index
        %get3A_1907 = tpu.vector_load %arg8[%get3A_1905, %get3A_1906] {strides = array<i32>} : memref<448x128xf32, #tpu.memory_space<vmem>>, vector<1x16xf32>,
        %get3A_1908 = vector.shape_cast %get3A_1907 : vector<1x16xf32> to vector<16xf32>
        %add3A_1909 = arith.constant 5 : i32
        %add3A_1910 = arith.addi %add3A_1712, %add3A_1909 : i32
        %get3A_1911 = arith.index_cast %add3A_1910 : i32 to index
        %get3A_1912 = arith.constant 48 : index
        %get3A_1913 = tpu.vector_load %arg8[%get3A_1911, %get3A_1912] {strides = array<i32>} : memref<448x128xf32, #tpu.memory_space<vmem>>, vector<1x16xf32>,
        %get3A_1914 = vector.shape_cast %get3A_1913 : vector<1x16xf32> to vector<16xf32>
        %add3A_1915 = arith.constant 6 : i32
        %add3A_1916 = arith.addi %add3A_1712, %add3A_1915 : i32
        %get3A_1917 = arith.index_cast %add3A_1916 : i32 to index
        %get3A_1918 = arith.constant 48 : index
        %get3A_1919 = tpu.vector_load %arg8[%get3A_1917, %get3A_1918] {strides = array<i32>} : memref<448x128xf32, #tpu.memory_space<vmem>>, vector<1x16xf32>,
        %get3A_1920 = vector.shape_cast %get3A_1919 : vector<1x16xf32> to vector<16xf32>
        %add3A_1921 = arith.addf %get3A_1884, %get3A_1890 : vector<16xf32>
        %add3A_1922 = arith.addf %get3A_1896, %get3A_1902 : vector<16xf32>
        %add3A_1923 = arith.addf %get3A_1908, %get3A_1914 : vector<16xf32>
        %add3A_1924 = arith.addf %get3A_1920, %get3A_16 : vector<16xf32>
        %add3A_1925 = arith.addf %add3A_1921, %add3A_1922 : vector<16xf32>
        %add3A_1926 = arith.addf %add3A_1923, %add3A_1924 : vector<16xf32>
        %add3A_1927 = arith.addf %add3A_1925, %add3A_1926 : vector<16xf32>
        %swap3A_1928 = arith.index_cast %add3A_1716 : i32 to index
        %swap3A_1929 = arith.constant 48 : index
        %swap3A_1930 = tpu.vector_load %arg9[%swap3A_1928, %swap3A_1929] {strides = array<i32>} : memref<32x128xf32, #tpu.memory_space<vmem>>, vector<1x16xf32>,
        %swap3A_1931 = vector.shape_cast %swap3A_1930 : vector<1x16xf32> to vector<16xf32>
        %swap3A_1932 = vector.shape_cast %add3A_1927 : vector<16xf32> to vector<1x16xf32>
        tpu.vector_store %arg9[%swap3A_1928, %swap3A_1929], %swap3A_1932 {strides = array<i32>} : memref<32x128xf32, #tpu.memory_space<vmem>>, vector<1x16xf32>,
        %add3A_1933 = arith.constant 0 : i32
        %add3A_1934 = arith.addi %add3A_1712, %add3A_1933 : i32
        %get3A_1935 = arith.index_cast %add3A_1934 : i32 to index
        %get3A_1936 = arith.constant 64 : index
        %get3A_1937 = tpu.vector_load %arg8[%get3A_1935, %get3A_1936] {strides = array<i32>} : memref<448x128xf32, #tpu.memory_space<vmem>>, vector<1x16xf32>,
        %get3A_1938 = vector.shape_cast %get3A_1937 : vector<1x16xf32> to vector<16xf32>
        %add3A_1939 = arith.constant 1 : i32
        %add3A_1940 = arith.addi %add3A_1712, %add3A_1939 : i32
        %get3A_1941 = arith.index_cast %add3A_1940 : i32 to index
        %get3A_1942 = arith.constant 64 : index
        %get3A_1943 = tpu.vector_load %arg8[%get3A_1941, %get3A_1942] {strides = array<i32>} : memref<448x128xf32, #tpu.memory_space<vmem>>, vector<1x16xf32>,
        %get3A_1944 = vector.shape_cast %get3A_1943 : vector<1x16xf32> to vector<16xf32>
        %add3A_1945 = arith.constant 2 : i32
        %add3A_1946 = arith.addi %add3A_1712, %add3A_1945 : i32
        %get3A_1947 = arith.index_cast %add3A_1946 : i32 to index
        %get3A_1948 = arith.constant 64 : index
        %get3A_1949 = tpu.vector_load %arg8[%get3A_1947, %get3A_1948] {strides = array<i32>} : memref<448x128xf32, #tpu.memory_space<vmem>>, vector<1x16xf32>,
        %get3A_1950 = vector.shape_cast %get3A_1949 : vector<1x16xf32> to vector<16xf32>
        %add3A_1951 = arith.constant 3 : i32
        %add3A_1952 = arith.addi %add3A_1712, %add3A_1951 : i32
        %get3A_1953 = arith.index_cast %add3A_1952 : i32 to index
        %get3A_1954 = arith.constant 64 : index
        %get3A_1955 = tpu.vector_load %arg8[%get3A_1953, %get3A_1954] {strides = array<i32>} : memref<448x128xf32, #tpu.memory_space<vmem>>, vector<1x16xf32>,
        %get3A_1956 = vector.shape_cast %get3A_1955 : vector<1x16xf32> to vector<16xf32>
        %add3A_1957 = arith.constant 4 : i32
        %add3A_1958 = arith.addi %add3A_1712, %add3A_1957 : i32
        %get3A_1959 = arith.index_cast %add3A_1958 : i32 to index
        %get3A_1960 = arith.constant 64 : index
        %get3A_1961 = tpu.vector_load %arg8[%get3A_1959, %get3A_1960] {strides = array<i32>} : memref<448x128xf32, #tpu.memory_space<vmem>>, vector<1x16xf32>,
        %get3A_1962 = vector.shape_cast %get3A_1961 : vector<1x16xf32> to vector<16xf32>
        %add3A_1963 = arith.constant 5 : i32
        %add3A_1964 = arith.addi %add3A_1712, %add3A_1963 : i32
        %get3A_1965 = arith.index_cast %add3A_1964 : i32 to index
        %get3A_1966 = arith.constant 64 : index
        %get3A_1967 = tpu.vector_load %arg8[%get3A_1965, %get3A_1966] {strides = array<i32>} : memref<448x128xf32, #tpu.memory_space<vmem>>, vector<1x16xf32>,
        %get3A_1968 = vector.shape_cast %get3A_1967 : vector<1x16xf32> to vector<16xf32>
        %add3A_1969 = arith.constant 6 : i32
        %add3A_1970 = arith.addi %add3A_1712, %add3A_1969 : i32
        %get3A_1971 = arith.index_cast %add3A_1970 : i32 to index
        %get3A_1972 = arith.constant 64 : index
        %get3A_1973 = tpu.vector_load %arg8[%get3A_1971, %get3A_1972] {strides = array<i32>} : memref<448x128xf32, #tpu.memory_space<vmem>>, vector<1x16xf32>,
        %get3A_1974 = vector.shape_cast %get3A_1973 : vector<1x16xf32> to vector<16xf32>
        %add3A_1975 = arith.addf %get3A_1938, %get3A_1944 : vector<16xf32>
        %add3A_1976 = arith.addf %get3A_1950, %get3A_1956 : vector<16xf32>
        %add3A_1977 = arith.addf %get3A_1962, %get3A_1968 : vector<16xf32>
        %add3A_1978 = arith.addf %get3A_1974, %get3A_19 : vector<16xf32>
        %add3A_1979 = arith.addf %add3A_1975, %add3A_1976 : vector<16xf32>
        %add3A_1980 = arith.addf %add3A_1977, %add3A_1978 : vector<16xf32>
        %add3A_1981 = arith.addf %add3A_1979, %add3A_1980 : vector<16xf32>
        %swap3A_1982 = arith.index_cast %add3A_1716 : i32 to index
        %swap3A_1983 = arith.constant 64 : index
        %swap3A_1984 = tpu.vector_load %arg9[%swap3A_1982, %swap3A_1983] {strides = array<i32>} : memref<32x128xf32, #tpu.memory_space<vmem>>, vector<1x16xf32>,
        %swap3A_1985 = vector.shape_cast %swap3A_1984 : vector<1x16xf32> to vector<16xf32>
        %swap3A_1986 = vector.shape_cast %add3A_1981 : vector<16xf32> to vector<1x16xf32>
        tpu.vector_store %arg9[%swap3A_1982, %swap3A_1983], %swap3A_1986 {strides = array<i32>} : memref<32x128xf32, #tpu.memory_space<vmem>>, vector<1x16xf32>,
        %add3A_1987 = arith.constant 0 : i32
        %add3A_1988 = arith.addi %add3A_1712, %add3A_1987 : i32
        %get3A_1989 = arith.index_cast %add3A_1988 : i32 to index
        %get3A_1990 = arith.constant 80 : index
        %get3A_1991 = tpu.vector_load %arg8[%get3A_1989, %get3A_1990] {strides = array<i32>} : memref<448x128xf32, #tpu.memory_space<vmem>>, vector<1x16xf32>,
        %get3A_1992 = vector.shape_cast %get3A_1991 : vector<1x16xf32> to vector<16xf32>
        %add3A_1993 = arith.constant 1 : i32
        %add3A_1994 = arith.addi %add3A_1712, %add3A_1993 : i32
        %get3A_1995 = arith.index_cast %add3A_1994 : i32 to index
        %get3A_1996 = arith.constant 80 : index
        %get3A_1997 = tpu.vector_load %arg8[%get3A_1995, %get3A_1996] {strides = array<i32>} : memref<448x128xf32, #tpu.memory_space<vmem>>, vector<1x16xf32>,
        %get3A_1998 = vector.shape_cast %get3A_1997 : vector<1x16xf32> to vector<16xf32>
        %add3A_1999 = arith.constant 2 : i32
        %add3A_2000 = arith.addi %add3A_1712, %add3A_1999 : i32
        %get3A_2001 = arith.index_cast %add3A_2000 : i32 to index
        %get3A_2002 = arith.constant 80 : index
        %get3A_2003 = tpu.vector_load %arg8[%get3A_2001, %get3A_2002] {strides = array<i32>} : memref<448x128xf32, #tpu.memory_space<vmem>>, vector<1x16xf32>,
        %get3A_2004 = vector.shape_cast %get3A_2003 : vector<1x16xf32> to vector<16xf32>
        %add3A_2005 = arith.constant 3 : i32
        %add3A_2006 = arith.addi %add3A_1712, %add3A_2005 : i32
        %get3A_2007 = arith.index_cast %add3A_2006 : i32 to index
        %get3A_2008 = arith.constant 80 : index
        %get3A_2009 = tpu.vector_load %arg8[%get3A_2007, %get3A_2008] {strides = array<i32>} : memref<448x128xf32, #tpu.memory_space<vmem>>, vector<1x16xf32>,
        %get3A_2010 = vector.shape_cast %get3A_2009 : vector<1x16xf32> to vector<16xf32>
        %add3A_2011 = arith.constant 4 : i32
        %add3A_2012 = arith.addi %add3A_1712, %add3A_2011 : i32
        %get3A_2013 = arith.index_cast %add3A_2012 : i32 to index
        %get3A_2014 = arith.constant 80 : index
        %get3A_2015 = tpu.vector_load %arg8[%get3A_2013, %get3A_2014] {strides = array<i32>} : memref<448x128xf32, #tpu.memory_space<vmem>>, vector<1x16xf32>,
        %get3A_2016 = vector.shape_cast %get3A_2015 : vector<1x16xf32> to vector<16xf32>
        %add3A_2017 = arith.constant 5 : i32
        %add3A_2018 = arith.addi %add3A_1712, %add3A_2017 : i32
        %get3A_2019 = arith.index_cast %add3A_2018 : i32 to index
        %get3A_2020 = arith.constant 80 : index
        %get3A_2021 = tpu.vector_load %arg8[%get3A_2019, %get3A_2020] {strides = array<i32>} : memref<448x128xf32, #tpu.memory_space<vmem>>, vector<1x16xf32>,
        %get3A_2022 = vector.shape_cast %get3A_2021 : vector<1x16xf32> to vector<16xf32>
        %add3A_2023 = arith.constant 6 : i32
        %add3A_2024 = arith.addi %add3A_1712, %add3A_2023 : i32
        %get3A_2025 = arith.index_cast %add3A_2024 : i32 to index
        %get3A_2026 = arith.constant 80 : index
        %get3A_2027 = tpu.vector_load %arg8[%get3A_2025, %get3A_2026] {strides = array<i32>} : memref<448x128xf32, #tpu.memory_space<vmem>>, vector<1x16xf32>,
        %get3A_2028 = vector.shape_cast %get3A_2027 : vector<1x16xf32> to vector<16xf32>
        %add3A_2029 = arith.addf %get3A_1992, %get3A_1998 : vector<16xf32>
        %add3A_2030 = arith.addf %get3A_2004, %get3A_2010 : vector<16xf32>
        %add3A_2031 = arith.addf %get3A_2016, %get3A_2022 : vector<16xf32>
        %add3A_2032 = arith.addf %get3A_2028, %get3A_22 : vector<16xf32>
        %add3A_2033 = arith.addf %add3A_2029, %add3A_2030 : vector<16xf32>
        %add3A_2034 = arith.addf %add3A_2031, %add3A_2032 : vector<16xf32>
        %add3A_2035 = arith.addf %add3A_2033, %add3A_2034 : vector<16xf32>
        %swap3A_2036 = arith.index_cast %add3A_1716 : i32 to index
        %swap3A_2037 = arith.constant 80 : index
        %swap3A_2038 = tpu.vector_load %arg9[%swap3A_2036, %swap3A_2037] {strides = array<i32>} : memref<32x128xf32, #tpu.memory_space<vmem>>, vector<1x16xf32>,
        %swap3A_2039 = vector.shape_cast %swap3A_2038 : vector<1x16xf32> to vector<16xf32>
        %swap3A_2040 = vector.shape_cast %add3A_2035 : vector<16xf32> to vector<1x16xf32>
        tpu.vector_store %arg9[%swap3A_2036, %swap3A_2037], %swap3A_2040 {strides = array<i32>} : memref<32x128xf32, #tpu.memory_space<vmem>>, vector<1x16xf32>,
        %add3A_2041 = arith.constant 0 : i32
        %add3A_2042 = arith.addi %add3A_1712, %add3A_2041 : i32
        %get3A_2043 = arith.index_cast %add3A_2042 : i32 to index
        %get3A_2044 = arith.constant 96 : index
        %get3A_2045 = tpu.vector_load %arg8[%get3A_2043, %get3A_2044] {strides = array<i32>} : memref<448x128xf32, #tpu.memory_space<vmem>>, vector<1x16xf32>,
        %get3A_2046 = vector.shape_cast %get3A_2045 : vector<1x16xf32> to vector<16xf32>
        %add3A_2047 = arith.constant 1 : i32
        %add3A_2048 = arith.addi %add3A_1712, %add3A_2047 : i32
        %get3A_2049 = arith.index_cast %add3A_2048 : i32 to index
        %get3A_2050 = arith.constant 96 : index
        %get3A_2051 = tpu.vector_load %arg8[%get3A_2049, %get3A_2050] {strides = array<i32>} : memref<448x128xf32, #tpu.memory_space<vmem>>, vector<1x16xf32>,
        %get3A_2052 = vector.shape_cast %get3A_2051 : vector<1x16xf32> to vector<16xf32>
        %add3A_2053 = arith.constant 2 : i32
        %add3A_2054 = arith.addi %add3A_1712, %add3A_2053 : i32
        %get3A_2055 = arith.index_cast %add3A_2054 : i32 to index
        %get3A_2056 = arith.constant 96 : index
        %get3A_2057 = tpu.vector_load %arg8[%get3A_2055, %get3A_2056] {strides = array<i32>} : memref<448x128xf32, #tpu.memory_space<vmem>>, vector<1x16xf32>,
        %get3A_2058 = vector.shape_cast %get3A_2057 : vector<1x16xf32> to vector<16xf32>
        %add3A_2059 = arith.constant 3 : i32
        %add3A_2060 = arith.addi %add3A_1712, %add3A_2059 : i32
        %get3A_2061 = arith.index_cast %add3A_2060 : i32 to index
        %get3A_2062 = arith.constant 96 : index
        %get3A_2063 = tpu.vector_load %arg8[%get3A_2061, %get3A_2062] {strides = array<i32>} : memref<448x128xf32, #tpu.memory_space<vmem>>, vector<1x16xf32>,
        %get3A_2064 = vector.shape_cast %get3A_2063 : vector<1x16xf32> to vector<16xf32>
        %add3A_2065 = arith.constant 4 : i32
        %add3A_2066 = arith.addi %add3A_1712, %add3A_2065 : i32
        %get3A_2067 = arith.index_cast %add3A_2066 : i32 to index
        %get3A_2068 = arith.constant 96 : index
        %get3A_2069 = tpu.vector_load %arg8[%get3A_2067, %get3A_2068] {strides = array<i32>} : memref<448x128xf32, #tpu.memory_space<vmem>>, vector<1x16xf32>,
        %get3A_2070 = vector.shape_cast %get3A_2069 : vector<1x16xf32> to vector<16xf32>
        %add3A_2071 = arith.constant 5 : i32
        %add3A_2072 = arith.addi %add3A_1712, %add3A_2071 : i32
        %get3A_2073 = arith.index_cast %add3A_2072 : i32 to index
        %get3A_2074 = arith.constant 96 : index
        %get3A_2075 = tpu.vector_load %arg8[%get3A_2073, %get3A_2074] {strides = array<i32>} : memref<448x128xf32, #tpu.memory_space<vmem>>, vector<1x16xf32>,
        %get3A_2076 = vector.shape_cast %get3A_2075 : vector<1x16xf32> to vector<16xf32>
        %add3A_2077 = arith.constant 6 : i32
        %add3A_2078 = arith.addi %add3A_1712, %add3A_2077 : i32
        %get3A_2079 = arith.index_cast %add3A_2078 : i32 to index
        %get3A_2080 = arith.constant 96 : index
        %get3A_2081 = tpu.vector_load %arg8[%get3A_2079, %get3A_2080] {strides = array<i32>} : memref<448x128xf32, #tpu.memory_space<vmem>>, vector<1x16xf32>,
        %get3A_2082 = vector.shape_cast %get3A_2081 : vector<1x16xf32> to vector<16xf32>
        %add3A_2083 = arith.addf %get3A_2046, %get3A_2052 : vector<16xf32>
        %add3A_2084 = arith.addf %get3A_2058, %get3A_2064 : vector<16xf32>
        %add3A_2085 = arith.addf %get3A_2070, %get3A_2076 : vector<16xf32>
        %add3A_2086 = arith.addf %get3A_2082, %get3A_25 : vector<16xf32>
        %add3A_2087 = arith.addf %add3A_2083, %add3A_2084 : vector<16xf32>
        %add3A_2088 = arith.addf %add3A_2085, %add3A_2086 : vector<16xf32>
        %add3A_2089 = arith.addf %add3A_2087, %add3A_2088 : vector<16xf32>
        %swap3A_2090 = arith.index_cast %add3A_1716 : i32 to index
        %swap3A_2091 = arith.constant 96 : index
        %swap3A_2092 = tpu.vector_load %arg9[%swap3A_2090, %swap3A_2091] {strides = array<i32>} : memref<32x128xf32, #tpu.memory_space<vmem>>, vector<1x16xf32>,
        %swap3A_2093 = vector.shape_cast %swap3A_2092 : vector<1x16xf32> to vector<16xf32>
        %swap3A_2094 = vector.shape_cast %add3A_2089 : vector<16xf32> to vector<1x16xf32>
        tpu.vector_store %arg9[%swap3A_2090, %swap3A_2091], %swap3A_2094 {strides = array<i32>} : memref<32x128xf32, #tpu.memory_space<vmem>>, vector<1x16xf32>,
        %add3A_2095 = arith.constant 0 : i32
        %add3A_2096 = arith.addi %add3A_1712, %add3A_2095 : i32
        %get3A_2097 = arith.index_cast %add3A_2096 : i32 to index
        %get3A_2098 = arith.constant 112 : index
        %get3A_2099 = tpu.vector_load %arg8[%get3A_2097, %get3A_2098] {strides = array<i32>} : memref<448x128xf32, #tpu.memory_space<vmem>>, vector<1x16xf32>,
        %get3A_2100 = vector.shape_cast %get3A_2099 : vector<1x16xf32> to vector<16xf32>
        %add3A_2101 = arith.constant 1 : i32
        %add3A_2102 = arith.addi %add3A_1712, %add3A_2101 : i32
        %get3A_2103 = arith.index_cast %add3A_2102 : i32 to index
        %get3A_2104 = arith.constant 112 : index
        %get3A_2105 = tpu.vector_load %arg8[%get3A_2103, %get3A_2104] {strides = array<i32>} : memref<448x128xf32, #tpu.memory_space<vmem>>, vector<1x16xf32>,
        %get3A_2106 = vector.shape_cast %get3A_2105 : vector<1x16xf32> to vector<16xf32>
        %add3A_2107 = arith.constant 2 : i32
        %add3A_2108 = arith.addi %add3A_1712, %add3A_2107 : i32
        %get3A_2109 = arith.index_cast %add3A_2108 : i32 to index
        %get3A_2110 = arith.constant 112 : index
        %get3A_2111 = tpu.vector_load %arg8[%get3A_2109, %get3A_2110] {strides = array<i32>} : memref<448x128xf32, #tpu.memory_space<vmem>>, vector<1x16xf32>,
        %get3A_2112 = vector.shape_cast %get3A_2111 : vector<1x16xf32> to vector<16xf32>
        %add3A_2113 = arith.constant 3 : i32
        %add3A_2114 = arith.addi %add3A_1712, %add3A_2113 : i32
        %get3A_2115 = arith.index_cast %add3A_2114 : i32 to index
        %get3A_2116 = arith.constant 112 : index
        %get3A_2117 = tpu.vector_load %arg8[%get3A_2115, %get3A_2116] {strides = array<i32>} : memref<448x128xf32, #tpu.memory_space<vmem>>, vector<1x16xf32>,
        %get3A_2118 = vector.shape_cast %get3A_2117 : vector<1x16xf32> to vector<16xf32>
        %add3A_2119 = arith.constant 4 : i32
        %add3A_2120 = arith.addi %add3A_1712, %add3A_2119 : i32
        %get3A_2121 = arith.index_cast %add3A_2120 : i32 to index
        %get3A_2122 = arith.constant 112 : index
        %get3A_2123 = tpu.vector_load %arg8[%get3A_2121, %get3A_2122] {strides = array<i32>} : memref<448x128xf32, #tpu.memory_space<vmem>>, vector<1x16xf32>,
        %get3A_2124 = vector.shape_cast %get3A_2123 : vector<1x16xf32> to vector<16xf32>
        %add3A_2125 = arith.constant 5 : i32
        %add3A_2126 = arith.addi %add3A_1712, %add3A_2125 : i32
        %get3A_2127 = arith.index_cast %add3A_2126 : i32 to index
        %get3A_2128 = arith.constant 112 : index
        %get3A_2129 = tpu.vector_load %arg8[%get3A_2127, %get3A_2128] {strides = array<i32>} : memref<448x128xf32, #tpu.memory_space<vmem>>, vector<1x16xf32>,
        %get3A_2130 = vector.shape_cast %get3A_2129 : vector<1x16xf32> to vector<16xf32>
        %add3A_2131 = arith.constant 6 : i32
        %add3A_2132 = arith.addi %add3A_1712, %add3A_2131 : i32
        %get3A_2133 = arith.index_cast %add3A_2132 : i32 to index
        %get3A_2134 = arith.constant 112 : index
        %get3A_2135 = tpu.vector_load %arg8[%get3A_2133, %get3A_2134] {strides = array<i32>} : memref<448x128xf32, #tpu.memory_space<vmem>>, vector<1x16xf32>,
        %get3A_2136 = vector.shape_cast %get3A_2135 : vector<1x16xf32> to vector<16xf32>
        %add3A_2137 = arith.addf %get3A_2100, %get3A_2106 : vector<16xf32>
        %add3A_2138 = arith.addf %get3A_2112, %get3A_2118 : vector<16xf32>
        %add3A_2139 = arith.addf %get3A_2124, %get3A_2130 : vector<16xf32>
        %add3A_2140 = arith.addf %get3A_2136, %get3A_28 : vector<16xf32>
        %add3A_2141 = arith.addf %add3A_2137, %add3A_2138 : vector<16xf32>
        %add3A_2142 = arith.addf %add3A_2139, %add3A_2140 : vector<16xf32>
        %add3A_2143 = arith.addf %add3A_2141, %add3A_2142 : vector<16xf32>
        %swap3A_2144 = arith.index_cast %add3A_1716 : i32 to index
        %swap3A_2145 = arith.constant 112 : index
        %swap3A_2146 = tpu.vector_load %arg9[%swap3A_2144, %swap3A_2145] {strides = array<i32>} : memref<32x128xf32, #tpu.memory_space<vmem>>, vector<1x16xf32>,
        %swap3A_2147 = vector.shape_cast %swap3A_2146 : vector<1x16xf32> to vector<16xf32>
        %swap3A_2148 = vector.shape_cast %add3A_2143 : vector<16xf32> to vector<1x16xf32>
        tpu.vector_store %arg9[%swap3A_2144, %swap3A_2145], %swap3A_2148 {strides = array<i32>} : memref<32x128xf32, #tpu.memory_space<vmem>>, vector<1x16xf32>,
        %mul3A_2149 = arith.constant 4 : i32
        %mul3A_2150 = arith.muli %scan3A_816, %mul3A_2149 : i32
        %add3A_2151 = arith.constant 3 : i32
        %add3A_2152 = arith.addi %mul3A_2150, %add3A_2151 : i32
        %mul3A_2153 = arith.constant 7 : i32
        %mul3A_2154 = arith.muli %add3A_2152, %mul3A_2153 : i32
        %add3A_2155 = arith.constant 0 : i32
        %add3A_2156 = arith.addi %add3A_2155, %mul3A_2154 : i32
        %mul3A_2157 = arith.constant 4 : i32
        %mul3A_2158 = arith.muli %scan3A_816, %mul3A_2157 : i32
        %add3A_2159 = arith.constant 3 : i32
        %add3A_2160 = arith.addi %mul3A_2158, %add3A_2159 : i32
        %add3A_2161 = arith.constant 0 : i32
        %add3A_2162 = arith.addi %add3A_2156, %add3A_2161 : i32
        %get3A_2163 = arith.index_cast %add3A_2162 : i32 to index
        %get3A_2164 = arith.constant 0 : index
        %get3A_2165 = tpu.vector_load %arg8[%get3A_2163, %get3A_2164] {strides = array<i32>} : memref<448x128xf32, #tpu.memory_space<vmem>>, vector<1x16xf32>,
        %get3A_2166 = vector.shape_cast %get3A_2165 : vector<1x16xf32> to vector<16xf32>
        %add3A_2167 = arith.constant 1 : i32
        %add3A_2168 = arith.addi %add3A_2156, %add3A_2167 : i32
        %get3A_2169 = arith.index_cast %add3A_2168 : i32 to index
        %get3A_2170 = arith.constant 0 : index
        %get3A_2171 = tpu.vector_load %arg8[%get3A_2169, %get3A_2170] {strides = array<i32>} : memref<448x128xf32, #tpu.memory_space<vmem>>, vector<1x16xf32>,
        %get3A_2172 = vector.shape_cast %get3A_2171 : vector<1x16xf32> to vector<16xf32>
        %add3A_2173 = arith.constant 2 : i32
        %add3A_2174 = arith.addi %add3A_2156, %add3A_2173 : i32
        %get3A_2175 = arith.index_cast %add3A_2174 : i32 to index
        %get3A_2176 = arith.constant 0 : index
        %get3A_2177 = tpu.vector_load %arg8[%get3A_2175, %get3A_2176] {strides = array<i32>} : memref<448x128xf32, #tpu.memory_space<vmem>>, vector<1x16xf32>,
        %get3A_2178 = vector.shape_cast %get3A_2177 : vector<1x16xf32> to vector<16xf32>
        %add3A_2179 = arith.constant 3 : i32
        %add3A_2180 = arith.addi %add3A_2156, %add3A_2179 : i32
        %get3A_2181 = arith.index_cast %add3A_2180 : i32 to index
        %get3A_2182 = arith.constant 0 : index
        %get3A_2183 = tpu.vector_load %arg8[%get3A_2181, %get3A_2182] {strides = array<i32>} : memref<448x128xf32, #tpu.memory_space<vmem>>, vector<1x16xf32>,
        %get3A_2184 = vector.shape_cast %get3A_2183 : vector<1x16xf32> to vector<16xf32>
        %add3A_2185 = arith.constant 4 : i32
        %add3A_2186 = arith.addi %add3A_2156, %add3A_2185 : i32
        %get3A_2187 = arith.index_cast %add3A_2186 : i32 to index
        %get3A_2188 = arith.constant 0 : index
        %get3A_2189 = tpu.vector_load %arg8[%get3A_2187, %get3A_2188] {strides = array<i32>} : memref<448x128xf32, #tpu.memory_space<vmem>>, vector<1x16xf32>,
        %get3A_2190 = vector.shape_cast %get3A_2189 : vector<1x16xf32> to vector<16xf32>
        %add3A_2191 = arith.constant 5 : i32
        %add3A_2192 = arith.addi %add3A_2156, %add3A_2191 : i32
        %get3A_2193 = arith.index_cast %add3A_2192 : i32 to index
        %get3A_2194 = arith.constant 0 : index
        %get3A_2195 = tpu.vector_load %arg8[%get3A_2193, %get3A_2194] {strides = array<i32>} : memref<448x128xf32, #tpu.memory_space<vmem>>, vector<1x16xf32>,
        %get3A_2196 = vector.shape_cast %get3A_2195 : vector<1x16xf32> to vector<16xf32>
        %add3A_2197 = arith.constant 6 : i32
        %add3A_2198 = arith.addi %add3A_2156, %add3A_2197 : i32
        %get3A_2199 = arith.index_cast %add3A_2198 : i32 to index
        %get3A_2200 = arith.constant 0 : index
        %get3A_2201 = tpu.vector_load %arg8[%get3A_2199, %get3A_2200] {strides = array<i32>} : memref<448x128xf32, #tpu.memory_space<vmem>>, vector<1x16xf32>,
        %get3A_2202 = vector.shape_cast %get3A_2201 : vector<1x16xf32> to vector<16xf32>
        %add3A_2203 = arith.addf %get3A_2166, %get3A_2172 : vector<16xf32>
        %add3A_2204 = arith.addf %get3A_2178, %get3A_2184 : vector<16xf32>
        %add3A_2205 = arith.addf %get3A_2190, %get3A_2196 : vector<16xf32>
        %add3A_2206 = arith.addf %get3A_2202, %get3A_7 : vector<16xf32>
        %add3A_2207 = arith.addf %add3A_2203, %add3A_2204 : vector<16xf32>
        %add3A_2208 = arith.addf %add3A_2205, %add3A_2206 : vector<16xf32>
        %add3A_2209 = arith.addf %add3A_2207, %add3A_2208 : vector<16xf32>
        %swap3A_2210 = arith.index_cast %add3A_2160 : i32 to index
        %swap3A_2211 = arith.constant 0 : index
        %swap3A_2212 = tpu.vector_load %arg9[%swap3A_2210, %swap3A_2211] {strides = array<i32>} : memref<32x128xf32, #tpu.memory_space<vmem>>, vector<1x16xf32>,
        %swap3A_2213 = vector.shape_cast %swap3A_2212 : vector<1x16xf32> to vector<16xf32>
        %swap3A_2214 = vector.shape_cast %add3A_2209 : vector<16xf32> to vector<1x16xf32>
        tpu.vector_store %arg9[%swap3A_2210, %swap3A_2211], %swap3A_2214 {strides = array<i32>} : memref<32x128xf32, #tpu.memory_space<vmem>>, vector<1x16xf32>,
        %add3A_2215 = arith.constant 0 : i32
        %add3A_2216 = arith.addi %add3A_2156, %add3A_2215 : i32
        %get3A_2217 = arith.index_cast %add3A_2216 : i32 to index
        %get3A_2218 = arith.constant 16 : index
        %get3A_2219 = tpu.vector_load %arg8[%get3A_2217, %get3A_2218] {strides = array<i32>} : memref<448x128xf32, #tpu.memory_space<vmem>>, vector<1x16xf32>,
        %get3A_2220 = vector.shape_cast %get3A_2219 : vector<1x16xf32> to vector<16xf32>
        %add3A_2221 = arith.constant 1 : i32
        %add3A_2222 = arith.addi %add3A_2156, %add3A_2221 : i32
        %get3A_2223 = arith.index_cast %add3A_2222 : i32 to index
        %get3A_2224 = arith.constant 16 : index
        %get3A_2225 = tpu.vector_load %arg8[%get3A_2223, %get3A_2224] {strides = array<i32>} : memref<448x128xf32, #tpu.memory_space<vmem>>, vector<1x16xf32>,
        %get3A_2226 = vector.shape_cast %get3A_2225 : vector<1x16xf32> to vector<16xf32>
        %add3A_2227 = arith.constant 2 : i32
        %add3A_2228 = arith.addi %add3A_2156, %add3A_2227 : i32
        %get3A_2229 = arith.index_cast %add3A_2228 : i32 to index
        %get3A_2230 = arith.constant 16 : index
        %get3A_2231 = tpu.vector_load %arg8[%get3A_2229, %get3A_2230] {strides = array<i32>} : memref<448x128xf32, #tpu.memory_space<vmem>>, vector<1x16xf32>,
        %get3A_2232 = vector.shape_cast %get3A_2231 : vector<1x16xf32> to vector<16xf32>
        %add3A_2233 = arith.constant 3 : i32
        %add3A_2234 = arith.addi %add3A_2156, %add3A_2233 : i32
        %get3A_2235 = arith.index_cast %add3A_2234 : i32 to index
        %get3A_2236 = arith.constant 16 : index
        %get3A_2237 = tpu.vector_load %arg8[%get3A_2235, %get3A_2236] {strides = array<i32>} : memref<448x128xf32, #tpu.memory_space<vmem>>, vector<1x16xf32>,
        %get3A_2238 = vector.shape_cast %get3A_2237 : vector<1x16xf32> to vector<16xf32>
        %add3A_2239 = arith.constant 4 : i32
        %add3A_2240 = arith.addi %add3A_2156, %add3A_2239 : i32
        %get3A_2241 = arith.index_cast %add3A_2240 : i32 to index
        %get3A_2242 = arith.constant 16 : index
        %get3A_2243 = tpu.vector_load %arg8[%get3A_2241, %get3A_2242] {strides = array<i32>} : memref<448x128xf32, #tpu.memory_space<vmem>>, vector<1x16xf32>,
        %get3A_2244 = vector.shape_cast %get3A_2243 : vector<1x16xf32> to vector<16xf32>
        %add3A_2245 = arith.constant 5 : i32
        %add3A_2246 = arith.addi %add3A_2156, %add3A_2245 : i32
        %get3A_2247 = arith.index_cast %add3A_2246 : i32 to index
        %get3A_2248 = arith.constant 16 : index
        %get3A_2249 = tpu.vector_load %arg8[%get3A_2247, %get3A_2248] {strides = array<i32>} : memref<448x128xf32, #tpu.memory_space<vmem>>, vector<1x16xf32>,
        %get3A_2250 = vector.shape_cast %get3A_2249 : vector<1x16xf32> to vector<16xf32>
        %add3A_2251 = arith.constant 6 : i32
        %add3A_2252 = arith.addi %add3A_2156, %add3A_2251 : i32
        %get3A_2253 = arith.index_cast %add3A_2252 : i32 to index
        %get3A_2254 = arith.constant 16 : index
        %get3A_2255 = tpu.vector_load %arg8[%get3A_2253, %get3A_2254] {strides = array<i32>} : memref<448x128xf32, #tpu.memory_space<vmem>>, vector<1x16xf32>,
        %get3A_2256 = vector.shape_cast %get3A_2255 : vector<1x16xf32> to vector<16xf32>
        %add3A_2257 = arith.addf %get3A_2220, %get3A_2226 : vector<16xf32>
        %add3A_2258 = arith.addf %get3A_2232, %get3A_2238 : vector<16xf32>
        %add3A_2259 = arith.addf %get3A_2244, %get3A_2250 : vector<16xf32>
        %add3A_2260 = arith.addf %get3A_2256, %get3A_10 : vector<16xf32>
        %add3A_2261 = arith.addf %add3A_2257, %add3A_2258 : vector<16xf32>
        %add3A_2262 = arith.addf %add3A_2259, %add3A_2260 : vector<16xf32>
        %add3A_2263 = arith.addf %add3A_2261, %add3A_2262 : vector<16xf32>
        %swap3A_2264 = arith.index_cast %add3A_2160 : i32 to index
        %swap3A_2265 = arith.constant 16 : index
        %swap3A_2266 = tpu.vector_load %arg9[%swap3A_2264, %swap3A_2265] {strides = array<i32>} : memref<32x128xf32, #tpu.memory_space<vmem>>, vector<1x16xf32>,
        %swap3A_2267 = vector.shape_cast %swap3A_2266 : vector<1x16xf32> to vector<16xf32>
        %swap3A_2268 = vector.shape_cast %add3A_2263 : vector<16xf32> to vector<1x16xf32>
        tpu.vector_store %arg9[%swap3A_2264, %swap3A_2265], %swap3A_2268 {strides = array<i32>} : memref<32x128xf32, #tpu.memory_space<vmem>>, vector<1x16xf32>,
        %add3A_2269 = arith.constant 0 : i32
        %add3A_2270 = arith.addi %add3A_2156, %add3A_2269 : i32
        %get3A_2271 = arith.index_cast %add3A_2270 : i32 to index
        %get3A_2272 = arith.constant 32 : index
        %get3A_2273 = tpu.vector_load %arg8[%get3A_2271, %get3A_2272] {strides = array<i32>} : memref<448x128xf32, #tpu.memory_space<vmem>>, vector<1x16xf32>,
        %get3A_2274 = vector.shape_cast %get3A_2273 : vector<1x16xf32> to vector<16xf32>
        %add3A_2275 = arith.constant 1 : i32
        %add3A_2276 = arith.addi %add3A_2156, %add3A_2275 : i32
        %get3A_2277 = arith.index_cast %add3A_2276 : i32 to index
        %get3A_2278 = arith.constant 32 : index
        %get3A_2279 = tpu.vector_load %arg8[%get3A_2277, %get3A_2278] {strides = array<i32>} : memref<448x128xf32, #tpu.memory_space<vmem>>, vector<1x16xf32>,
        %get3A_2280 = vector.shape_cast %get3A_2279 : vector<1x16xf32> to vector<16xf32>
        %add3A_2281 = arith.constant 2 : i32
        %add3A_2282 = arith.addi %add3A_2156, %add3A_2281 : i32
        %get3A_2283 = arith.index_cast %add3A_2282 : i32 to index
        %get3A_2284 = arith.constant 32 : index
        %get3A_2285 = tpu.vector_load %arg8[%get3A_2283, %get3A_2284] {strides = array<i32>} : memref<448x128xf32, #tpu.memory_space<vmem>>, vector<1x16xf32>,
        %get3A_2286 = vector.shape_cast %get3A_2285 : vector<1x16xf32> to vector<16xf32>
        %add3A_2287 = arith.constant 3 : i32
        %add3A_2288 = arith.addi %add3A_2156, %add3A_2287 : i32
        %get3A_2289 = arith.index_cast %add3A_2288 : i32 to index
        %get3A_2290 = arith.constant 32 : index
        %get3A_2291 = tpu.vector_load %arg8[%get3A_2289, %get3A_2290] {strides = array<i32>} : memref<448x128xf32, #tpu.memory_space<vmem>>, vector<1x16xf32>,
        %get3A_2292 = vector.shape_cast %get3A_2291 : vector<1x16xf32> to vector<16xf32>
        %add3A_2293 = arith.constant 4 : i32
        %add3A_2294 = arith.addi %add3A_2156, %add3A_2293 : i32
        %get3A_2295 = arith.index_cast %add3A_2294 : i32 to index
        %get3A_2296 = arith.constant 32 : index
        %get3A_2297 = tpu.vector_load %arg8[%get3A_2295, %get3A_2296] {strides = array<i32>} : memref<448x128xf32, #tpu.memory_space<vmem>>, vector<1x16xf32>,
        %get3A_2298 = vector.shape_cast %get3A_2297 : vector<1x16xf32> to vector<16xf32>
        %add3A_2299 = arith.constant 5 : i32
        %add3A_2300 = arith.addi %add3A_2156, %add3A_2299 : i32
        %get3A_2301 = arith.index_cast %add3A_2300 : i32 to index
        %get3A_2302 = arith.constant 32 : index
        %get3A_2303 = tpu.vector_load %arg8[%get3A_2301, %get3A_2302] {strides = array<i32>} : memref<448x128xf32, #tpu.memory_space<vmem>>, vector<1x16xf32>,
        %get3A_2304 = vector.shape_cast %get3A_2303 : vector<1x16xf32> to vector<16xf32>
        %add3A_2305 = arith.constant 6 : i32
        %add3A_2306 = arith.addi %add3A_2156, %add3A_2305 : i32
        %get3A_2307 = arith.index_cast %add3A_2306 : i32 to index
        %get3A_2308 = arith.constant 32 : index
        %get3A_2309 = tpu.vector_load %arg8[%get3A_2307, %get3A_2308] {strides = array<i32>} : memref<448x128xf32, #tpu.memory_space<vmem>>, vector<1x16xf32>,
        %get3A_2310 = vector.shape_cast %get3A_2309 : vector<1x16xf32> to vector<16xf32>
        %add3A_2311 = arith.addf %get3A_2274, %get3A_2280 : vector<16xf32>
        %add3A_2312 = arith.addf %get3A_2286, %get3A_2292 : vector<16xf32>
        %add3A_2313 = arith.addf %get3A_2298, %get3A_2304 : vector<16xf32>
        %add3A_2314 = arith.addf %get3A_2310, %get3A_13 : vector<16xf32>
        %add3A_2315 = arith.addf %add3A_2311, %add3A_2312 : vector<16xf32>
        %add3A_2316 = arith.addf %add3A_2313, %add3A_2314 : vector<16xf32>
        %add3A_2317 = arith.addf %add3A_2315, %add3A_2316 : vector<16xf32>
        %swap3A_2318 = arith.index_cast %add3A_2160 : i32 to index
        %swap3A_2319 = arith.constant 32 : index
        %swap3A_2320 = tpu.vector_load %arg9[%swap3A_2318, %swap3A_2319] {strides = array<i32>} : memref<32x128xf32, #tpu.memory_space<vmem>>, vector<1x16xf32>,
        %swap3A_2321 = vector.shape_cast %swap3A_2320 : vector<1x16xf32> to vector<16xf32>
        %swap3A_2322 = vector.shape_cast %add3A_2317 : vector<16xf32> to vector<1x16xf32>
        tpu.vector_store %arg9[%swap3A_2318, %swap3A_2319], %swap3A_2322 {strides = array<i32>} : memref<32x128xf32, #tpu.memory_space<vmem>>, vector<1x16xf32>,
        %add3A_2323 = arith.constant 0 : i32
        %add3A_2324 = arith.addi %add3A_2156, %add3A_2323 : i32
        %get3A_2325 = arith.index_cast %add3A_2324 : i32 to index
        %get3A_2326 = arith.constant 48 : index
        %get3A_2327 = tpu.vector_load %arg8[%get3A_2325, %get3A_2326] {strides = array<i32>} : memref<448x128xf32, #tpu.memory_space<vmem>>, vector<1x16xf32>,
        %get3A_2328 = vector.shape_cast %get3A_2327 : vector<1x16xf32> to vector<16xf32>
        %add3A_2329 = arith.constant 1 : i32
        %add3A_2330 = arith.addi %add3A_2156, %add3A_2329 : i32
        %get3A_2331 = arith.index_cast %add3A_2330 : i32 to index
        %get3A_2332 = arith.constant 48 : index
        %get3A_2333 = tpu.vector_load %arg8[%get3A_2331, %get3A_2332] {strides = array<i32>} : memref<448x128xf32, #tpu.memory_space<vmem>>, vector<1x16xf32>,
        %get3A_2334 = vector.shape_cast %get3A_2333 : vector<1x16xf32> to vector<16xf32>
        %add3A_2335 = arith.constant 2 : i32
        %add3A_2336 = arith.addi %add3A_2156, %add3A_2335 : i32
        %get3A_2337 = arith.index_cast %add3A_2336 : i32 to index
        %get3A_2338 = arith.constant 48 : index
        %get3A_2339 = tpu.vector_load %arg8[%get3A_2337, %get3A_2338] {strides = array<i32>} : memref<448x128xf32, #tpu.memory_space<vmem>>, vector<1x16xf32>,
        %get3A_2340 = vector.shape_cast %get3A_2339 : vector<1x16xf32> to vector<16xf32>
        %add3A_2341 = arith.constant 3 : i32
        %add3A_2342 = arith.addi %add3A_2156, %add3A_2341 : i32
        %get3A_2343 = arith.index_cast %add3A_2342 : i32 to index
        %get3A_2344 = arith.constant 48 : index
        %get3A_2345 = tpu.vector_load %arg8[%get3A_2343, %get3A_2344] {strides = array<i32>} : memref<448x128xf32, #tpu.memory_space<vmem>>, vector<1x16xf32>,
        %get3A_2346 = vector.shape_cast %get3A_2345 : vector<1x16xf32> to vector<16xf32>
        %add3A_2347 = arith.constant 4 : i32
        %add3A_2348 = arith.addi %add3A_2156, %add3A_2347 : i32
        %get3A_2349 = arith.index_cast %add3A_2348 : i32 to index
        %get3A_2350 = arith.constant 48 : index
        %get3A_2351 = tpu.vector_load %arg8[%get3A_2349, %get3A_2350] {strides = array<i32>} : memref<448x128xf32, #tpu.memory_space<vmem>>, vector<1x16xf32>,
        %get3A_2352 = vector.shape_cast %get3A_2351 : vector<1x16xf32> to vector<16xf32>
        %add3A_2353 = arith.constant 5 : i32
        %add3A_2354 = arith.addi %add3A_2156, %add3A_2353 : i32
        %get3A_2355 = arith.index_cast %add3A_2354 : i32 to index
        %get3A_2356 = arith.constant 48 : index
        %get3A_2357 = tpu.vector_load %arg8[%get3A_2355, %get3A_2356] {strides = array<i32>} : memref<448x128xf32, #tpu.memory_space<vmem>>, vector<1x16xf32>,
        %get3A_2358 = vector.shape_cast %get3A_2357 : vector<1x16xf32> to vector<16xf32>
        %add3A_2359 = arith.constant 6 : i32
        %add3A_2360 = arith.addi %add3A_2156, %add3A_2359 : i32
        %get3A_2361 = arith.index_cast %add3A_2360 : i32 to index
        %get3A_2362 = arith.constant 48 : index
        %get3A_2363 = tpu.vector_load %arg8[%get3A_2361, %get3A_2362] {strides = array<i32>} : memref<448x128xf32, #tpu.memory_space<vmem>>, vector<1x16xf32>,
        %get3A_2364 = vector.shape_cast %get3A_2363 : vector<1x16xf32> to vector<16xf32>
        %add3A_2365 = arith.addf %get3A_2328, %get3A_2334 : vector<16xf32>
        %add3A_2366 = arith.addf %get3A_2340, %get3A_2346 : vector<16xf32>
        %add3A_2367 = arith.addf %get3A_2352, %get3A_2358 : vector<16xf32>
        %add3A_2368 = arith.addf %get3A_2364, %get3A_16 : vector<16xf32>
        %add3A_2369 = arith.addf %add3A_2365, %add3A_2366 : vector<16xf32>
        %add3A_2370 = arith.addf %add3A_2367, %add3A_2368 : vector<16xf32>
        %add3A_2371 = arith.addf %add3A_2369, %add3A_2370 : vector<16xf32>
        %swap3A_2372 = arith.index_cast %add3A_2160 : i32 to index
        %swap3A_2373 = arith.constant 48 : index
        %swap3A_2374 = tpu.vector_load %arg9[%swap3A_2372, %swap3A_2373] {strides = array<i32>} : memref<32x128xf32, #tpu.memory_space<vmem>>, vector<1x16xf32>,
        %swap3A_2375 = vector.shape_cast %swap3A_2374 : vector<1x16xf32> to vector<16xf32>
        %swap3A_2376 = vector.shape_cast %add3A_2371 : vector<16xf32> to vector<1x16xf32>
        tpu.vector_store %arg9[%swap3A_2372, %swap3A_2373], %swap3A_2376 {strides = array<i32>} : memref<32x128xf32, #tpu.memory_space<vmem>>, vector<1x16xf32>,
        %add3A_2377 = arith.constant 0 : i32
        %add3A_2378 = arith.addi %add3A_2156, %add3A_2377 : i32
        %get3A_2379 = arith.index_cast %add3A_2378 : i32 to index
        %get3A_2380 = arith.constant 64 : index
        %get3A_2381 = tpu.vector_load %arg8[%get3A_2379, %get3A_2380] {strides = array<i32>} : memref<448x128xf32, #tpu.memory_space<vmem>>, vector<1x16xf32>,
        %get3A_2382 = vector.shape_cast %get3A_2381 : vector<1x16xf32> to vector<16xf32>
        %add3A_2383 = arith.constant 1 : i32
        %add3A_2384 = arith.addi %add3A_2156, %add3A_2383 : i32
        %get3A_2385 = arith.index_cast %add3A_2384 : i32 to index
        %get3A_2386 = arith.constant 64 : index
        %get3A_2387 = tpu.vector_load %arg8[%get3A_2385, %get3A_2386] {strides = array<i32>} : memref<448x128xf32, #tpu.memory_space<vmem>>, vector<1x16xf32>,
        %get3A_2388 = vector.shape_cast %get3A_2387 : vector<1x16xf32> to vector<16xf32>
        %add3A_2389 = arith.constant 2 : i32
        %add3A_2390 = arith.addi %add3A_2156, %add3A_2389 : i32
        %get3A_2391 = arith.index_cast %add3A_2390 : i32 to index
        %get3A_2392 = arith.constant 64 : index
        %get3A_2393 = tpu.vector_load %arg8[%get3A_2391, %get3A_2392] {strides = array<i32>} : memref<448x128xf32, #tpu.memory_space<vmem>>, vector<1x16xf32>,
        %get3A_2394 = vector.shape_cast %get3A_2393 : vector<1x16xf32> to vector<16xf32>
        %add3A_2395 = arith.constant 3 : i32
        %add3A_2396 = arith.addi %add3A_2156, %add3A_2395 : i32
        %get3A_2397 = arith.index_cast %add3A_2396 : i32 to index
        %get3A_2398 = arith.constant 64 : index
        %get3A_2399 = tpu.vector_load %arg8[%get3A_2397, %get3A_2398] {strides = array<i32>} : memref<448x128xf32, #tpu.memory_space<vmem>>, vector<1x16xf32>,
        %get3A_2400 = vector.shape_cast %get3A_2399 : vector<1x16xf32> to vector<16xf32>
        %add3A_2401 = arith.constant 4 : i32
        %add3A_2402 = arith.addi %add3A_2156, %add3A_2401 : i32
        %get3A_2403 = arith.index_cast %add3A_2402 : i32 to index
        %get3A_2404 = arith.constant 64 : index
        %get3A_2405 = tpu.vector_load %arg8[%get3A_2403, %get3A_2404] {strides = array<i32>} : memref<448x128xf32, #tpu.memory_space<vmem>>, vector<1x16xf32>,
        %get3A_2406 = vector.shape_cast %get3A_2405 : vector<1x16xf32> to vector<16xf32>
        %add3A_2407 = arith.constant 5 : i32
        %add3A_2408 = arith.addi %add3A_2156, %add3A_2407 : i32
        %get3A_2409 = arith.index_cast %add3A_2408 : i32 to index
        %get3A_2410 = arith.constant 64 : index
        %get3A_2411 = tpu.vector_load %arg8[%get3A_2409, %get3A_2410] {strides = array<i32>} : memref<448x128xf32, #tpu.memory_space<vmem>>, vector<1x16xf32>,
        %get3A_2412 = vector.shape_cast %get3A_2411 : vector<1x16xf32> to vector<16xf32>
        %add3A_2413 = arith.constant 6 : i32
        %add3A_2414 = arith.addi %add3A_2156, %add3A_2413 : i32
        %get3A_2415 = arith.index_cast %add3A_2414 : i32 to index
        %get3A_2416 = arith.constant 64 : index
        %get3A_2417 = tpu.vector_load %arg8[%get3A_2415, %get3A_2416] {strides = array<i32>} : memref<448x128xf32, #tpu.memory_space<vmem>>, vector<1x16xf32>,
        %get3A_2418 = vector.shape_cast %get3A_2417 : vector<1x16xf32> to vector<16xf32>
        %add3A_2419 = arith.addf %get3A_2382, %get3A_2388 : vector<16xf32>
        %add3A_2420 = arith.addf %get3A_2394, %get3A_2400 : vector<16xf32>
        %add3A_2421 = arith.addf %get3A_2406, %get3A_2412 : vector<16xf32>
        %add3A_2422 = arith.addf %get3A_2418, %get3A_19 : vector<16xf32>
        %add3A_2423 = arith.addf %add3A_2419, %add3A_2420 : vector<16xf32>
        %add3A_2424 = arith.addf %add3A_2421, %add3A_2422 : vector<16xf32>
        %add3A_2425 = arith.addf %add3A_2423, %add3A_2424 : vector<16xf32>
        %swap3A_2426 = arith.index_cast %add3A_2160 : i32 to index
        %swap3A_2427 = arith.constant 64 : index
        %swap3A_2428 = tpu.vector_load %arg9[%swap3A_2426, %swap3A_2427] {strides = array<i32>} : memref<32x128xf32, #tpu.memory_space<vmem>>, vector<1x16xf32>,
        %swap3A_2429 = vector.shape_cast %swap3A_2428 : vector<1x16xf32> to vector<16xf32>
        %swap3A_2430 = vector.shape_cast %add3A_2425 : vector<16xf32> to vector<1x16xf32>
        tpu.vector_store %arg9[%swap3A_2426, %swap3A_2427], %swap3A_2430 {strides = array<i32>} : memref<32x128xf32, #tpu.memory_space<vmem>>, vector<1x16xf32>,
        %add3A_2431 = arith.constant 0 : i32
        %add3A_2432 = arith.addi %add3A_2156, %add3A_2431 : i32
        %get3A_2433 = arith.index_cast %add3A_2432 : i32 to index
        %get3A_2434 = arith.constant 80 : index
        %get3A_2435 = tpu.vector_load %arg8[%get3A_2433, %get3A_2434] {strides = array<i32>} : memref<448x128xf32, #tpu.memory_space<vmem>>, vector<1x16xf32>,
        %get3A_2436 = vector.shape_cast %get3A_2435 : vector<1x16xf32> to vector<16xf32>
        %add3A_2437 = arith.constant 1 : i32
        %add3A_2438 = arith.addi %add3A_2156, %add3A_2437 : i32
        %get3A_2439 = arith.index_cast %add3A_2438 : i32 to index
        %get3A_2440 = arith.constant 80 : index
        %get3A_2441 = tpu.vector_load %arg8[%get3A_2439, %get3A_2440] {strides = array<i32>} : memref<448x128xf32, #tpu.memory_space<vmem>>, vector<1x16xf32>,
        %get3A_2442 = vector.shape_cast %get3A_2441 : vector<1x16xf32> to vector<16xf32>
        %add3A_2443 = arith.constant 2 : i32
        %add3A_2444 = arith.addi %add3A_2156, %add3A_2443 : i32
        %get3A_2445 = arith.index_cast %add3A_2444 : i32 to index
        %get3A_2446 = arith.constant 80 : index
        %get3A_2447 = tpu.vector_load %arg8[%get3A_2445, %get3A_2446] {strides = array<i32>} : memref<448x128xf32, #tpu.memory_space<vmem>>, vector<1x16xf32>,
        %get3A_2448 = vector.shape_cast %get3A_2447 : vector<1x16xf32> to vector<16xf32>
        %add3A_2449 = arith.constant 3 : i32
        %add3A_2450 = arith.addi %add3A_2156, %add3A_2449 : i32
        %get3A_2451 = arith.index_cast %add3A_2450 : i32 to index
        %get3A_2452 = arith.constant 80 : index
        %get3A_2453 = tpu.vector_load %arg8[%get3A_2451, %get3A_2452] {strides = array<i32>} : memref<448x128xf32, #tpu.memory_space<vmem>>, vector<1x16xf32>,
        %get3A_2454 = vector.shape_cast %get3A_2453 : vector<1x16xf32> to vector<16xf32>
        %add3A_2455 = arith.constant 4 : i32
        %add3A_2456 = arith.addi %add3A_2156, %add3A_2455 : i32
        %get3A_2457 = arith.index_cast %add3A_2456 : i32 to index
        %get3A_2458 = arith.constant 80 : index
        %get3A_2459 = tpu.vector_load %arg8[%get3A_2457, %get3A_2458] {strides = array<i32>} : memref<448x128xf32, #tpu.memory_space<vmem>>, vector<1x16xf32>,
        %get3A_2460 = vector.shape_cast %get3A_2459 : vector<1x16xf32> to vector<16xf32>
        %add3A_2461 = arith.constant 5 : i32
        %add3A_2462 = arith.addi %add3A_2156, %add3A_2461 : i32
        %get3A_2463 = arith.index_cast %add3A_2462 : i32 to index
        %get3A_2464 = arith.constant 80 : index
        %get3A_2465 = tpu.vector_load %arg8[%get3A_2463, %get3A_2464] {strides = array<i32>} : memref<448x128xf32, #tpu.memory_space<vmem>>, vector<1x16xf32>,
        %get3A_2466 = vector.shape_cast %get3A_2465 : vector<1x16xf32> to vector<16xf32>
        %add3A_2467 = arith.constant 6 : i32
        %add3A_2468 = arith.addi %add3A_2156, %add3A_2467 : i32
        %get3A_2469 = arith.index_cast %add3A_2468 : i32 to index
        %get3A_2470 = arith.constant 80 : index
        %get3A_2471 = tpu.vector_load %arg8[%get3A_2469, %get3A_2470] {strides = array<i32>} : memref<448x128xf32, #tpu.memory_space<vmem>>, vector<1x16xf32>,
        %get3A_2472 = vector.shape_cast %get3A_2471 : vector<1x16xf32> to vector<16xf32>
        %add3A_2473 = arith.addf %get3A_2436, %get3A_2442 : vector<16xf32>
        %add3A_2474 = arith.addf %get3A_2448, %get3A_2454 : vector<16xf32>
        %add3A_2475 = arith.addf %get3A_2460, %get3A_2466 : vector<16xf32>
        %add3A_2476 = arith.addf %get3A_2472, %get3A_22 : vector<16xf32>
        %add3A_2477 = arith.addf %add3A_2473, %add3A_2474 : vector<16xf32>
        %add3A_2478 = arith.addf %add3A_2475, %add3A_2476 : vector<16xf32>
        %add3A_2479 = arith.addf %add3A_2477, %add3A_2478 : vector<16xf32>
        %swap3A_2480 = arith.index_cast %add3A_2160 : i32 to index
        %swap3A_2481 = arith.constant 80 : index
        %swap3A_2482 = tpu.vector_load %arg9[%swap3A_2480, %swap3A_2481] {strides = array<i32>} : memref<32x128xf32, #tpu.memory_space<vmem>>, vector<1x16xf32>,
        %swap3A_2483 = vector.shape_cast %swap3A_2482 : vector<1x16xf32> to vector<16xf32>
        %swap3A_2484 = vector.shape_cast %add3A_2479 : vector<16xf32> to vector<1x16xf32>
        tpu.vector_store %arg9[%swap3A_2480, %swap3A_2481], %swap3A_2484 {strides = array<i32>} : memref<32x128xf32, #tpu.memory_space<vmem>>, vector<1x16xf32>,
        %add3A_2485 = arith.constant 0 : i32
        %add3A_2486 = arith.addi %add3A_2156, %add3A_2485 : i32
        %get3A_2487 = arith.index_cast %add3A_2486 : i32 to index
        %get3A_2488 = arith.constant 96 : index
        %get3A_2489 = tpu.vector_load %arg8[%get3A_2487, %get3A_2488] {strides = array<i32>} : memref<448x128xf32, #tpu.memory_space<vmem>>, vector<1x16xf32>,
        %get3A_2490 = vector.shape_cast %get3A_2489 : vector<1x16xf32> to vector<16xf32>
        %add3A_2491 = arith.constant 1 : i32
        %add3A_2492 = arith.addi %add3A_2156, %add3A_2491 : i32
        %get3A_2493 = arith.index_cast %add3A_2492 : i32 to index
        %get3A_2494 = arith.constant 96 : index
        %get3A_2495 = tpu.vector_load %arg8[%get3A_2493, %get3A_2494] {strides = array<i32>} : memref<448x128xf32, #tpu.memory_space<vmem>>, vector<1x16xf32>,
        %get3A_2496 = vector.shape_cast %get3A_2495 : vector<1x16xf32> to vector<16xf32>
        %add3A_2497 = arith.constant 2 : i32
        %add3A_2498 = arith.addi %add3A_2156, %add3A_2497 : i32
        %get3A_2499 = arith.index_cast %add3A_2498 : i32 to index
        %get3A_2500 = arith.constant 96 : index
        %get3A_2501 = tpu.vector_load %arg8[%get3A_2499, %get3A_2500] {strides = array<i32>} : memref<448x128xf32, #tpu.memory_space<vmem>>, vector<1x16xf32>,
        %get3A_2502 = vector.shape_cast %get3A_2501 : vector<1x16xf32> to vector<16xf32>
        %add3A_2503 = arith.constant 3 : i32
        %add3A_2504 = arith.addi %add3A_2156, %add3A_2503 : i32
        %get3A_2505 = arith.index_cast %add3A_2504 : i32 to index
        %get3A_2506 = arith.constant 96 : index
        %get3A_2507 = tpu.vector_load %arg8[%get3A_2505, %get3A_2506] {strides = array<i32>} : memref<448x128xf32, #tpu.memory_space<vmem>>, vector<1x16xf32>,
        %get3A_2508 = vector.shape_cast %get3A_2507 : vector<1x16xf32> to vector<16xf32>
        %add3A_2509 = arith.constant 4 : i32
        %add3A_2510 = arith.addi %add3A_2156, %add3A_2509 : i32
        %get3A_2511 = arith.index_cast %add3A_2510 : i32 to index
        %get3A_2512 = arith.constant 96 : index
        %get3A_2513 = tpu.vector_load %arg8[%get3A_2511, %get3A_2512] {strides = array<i32>} : memref<448x128xf32, #tpu.memory_space<vmem>>, vector<1x16xf32>,
        %get3A_2514 = vector.shape_cast %get3A_2513 : vector<1x16xf32> to vector<16xf32>
        %add3A_2515 = arith.constant 5 : i32
        %add3A_2516 = arith.addi %add3A_2156, %add3A_2515 : i32
        %get3A_2517 = arith.index_cast %add3A_2516 : i32 to index
        %get3A_2518 = arith.constant 96 : index
        %get3A_2519 = tpu.vector_load %arg8[%get3A_2517, %get3A_2518] {strides = array<i32>} : memref<448x128xf32, #tpu.memory_space<vmem>>, vector<1x16xf32>,
        %get3A_2520 = vector.shape_cast %get3A_2519 : vector<1x16xf32> to vector<16xf32>
        %add3A_2521 = arith.constant 6 : i32
        %add3A_2522 = arith.addi %add3A_2156, %add3A_2521 : i32
        %get3A_2523 = arith.index_cast %add3A_2522 : i32 to index
        %get3A_2524 = arith.constant 96 : index
        %get3A_2525 = tpu.vector_load %arg8[%get3A_2523, %get3A_2524] {strides = array<i32>} : memref<448x128xf32, #tpu.memory_space<vmem>>, vector<1x16xf32>,
        %get3A_2526 = vector.shape_cast %get3A_2525 : vector<1x16xf32> to vector<16xf32>
        %add3A_2527 = arith.addf %get3A_2490, %get3A_2496 : vector<16xf32>
        %add3A_2528 = arith.addf %get3A_2502, %get3A_2508 : vector<16xf32>
        %add3A_2529 = arith.addf %get3A_2514, %get3A_2520 : vector<16xf32>
        %add3A_2530 = arith.addf %get3A_2526, %get3A_25 : vector<16xf32>
        %add3A_2531 = arith.addf %add3A_2527, %add3A_2528 : vector<16xf32>
        %add3A_2532 = arith.addf %add3A_2529, %add3A_2530 : vector<16xf32>
        %add3A_2533 = arith.addf %add3A_2531, %add3A_2532 : vector<16xf32>
        %swap3A_2534 = arith.index_cast %add3A_2160 : i32 to index
        %swap3A_2535 = arith.constant 96 : index
        %swap3A_2536 = tpu.vector_load %arg9[%swap3A_2534, %swap3A_2535] {strides = array<i32>} : memref<32x128xf32, #tpu.memory_space<vmem>>, vector<1x16xf32>,
        %swap3A_2537 = vector.shape_cast %swap3A_2536 : vector<1x16xf32> to vector<16xf32>
        %swap3A_2538 = vector.shape_cast %add3A_2533 : vector<16xf32> to vector<1x16xf32>
        tpu.vector_store %arg9[%swap3A_2534, %swap3A_2535], %swap3A_2538 {strides = array<i32>} : memref<32x128xf32, #tpu.memory_space<vmem>>, vector<1x16xf32>,
        %add3A_2539 = arith.constant 0 : i32
        %add3A_2540 = arith.addi %add3A_2156, %add3A_2539 : i32
        %get3A_2541 = arith.index_cast %add3A_2540 : i32 to index
        %get3A_2542 = arith.constant 112 : index
        %get3A_2543 = tpu.vector_load %arg8[%get3A_2541, %get3A_2542] {strides = array<i32>} : memref<448x128xf32, #tpu.memory_space<vmem>>, vector<1x16xf32>,
        %get3A_2544 = vector.shape_cast %get3A_2543 : vector<1x16xf32> to vector<16xf32>
        %add3A_2545 = arith.constant 1 : i32
        %add3A_2546 = arith.addi %add3A_2156, %add3A_2545 : i32
        %get3A_2547 = arith.index_cast %add3A_2546 : i32 to index
        %get3A_2548 = arith.constant 112 : index
        %get3A_2549 = tpu.vector_load %arg8[%get3A_2547, %get3A_2548] {strides = array<i32>} : memref<448x128xf32, #tpu.memory_space<vmem>>, vector<1x16xf32>,
        %get3A_2550 = vector.shape_cast %get3A_2549 : vector<1x16xf32> to vector<16xf32>
        %add3A_2551 = arith.constant 2 : i32
        %add3A_2552 = arith.addi %add3A_2156, %add3A_2551 : i32
        %get3A_2553 = arith.index_cast %add3A_2552 : i32 to index
        %get3A_2554 = arith.constant 112 : index
        %get3A_2555 = tpu.vector_load %arg8[%get3A_2553, %get3A_2554] {strides = array<i32>} : memref<448x128xf32, #tpu.memory_space<vmem>>, vector<1x16xf32>,
        %get3A_2556 = vector.shape_cast %get3A_2555 : vector<1x16xf32> to vector<16xf32>
        %add3A_2557 = arith.constant 3 : i32
        %add3A_2558 = arith.addi %add3A_2156, %add3A_2557 : i32
        %get3A_2559 = arith.index_cast %add3A_2558 : i32 to index
        %get3A_2560 = arith.constant 112 : index
        %get3A_2561 = tpu.vector_load %arg8[%get3A_2559, %get3A_2560] {strides = array<i32>} : memref<448x128xf32, #tpu.memory_space<vmem>>, vector<1x16xf32>,
        %get3A_2562 = vector.shape_cast %get3A_2561 : vector<1x16xf32> to vector<16xf32>
        %add3A_2563 = arith.constant 4 : i32
        %add3A_2564 = arith.addi %add3A_2156, %add3A_2563 : i32
        %get3A_2565 = arith.index_cast %add3A_2564 : i32 to index
        %get3A_2566 = arith.constant 112 : index
        %get3A_2567 = tpu.vector_load %arg8[%get3A_2565, %get3A_2566] {strides = array<i32>} : memref<448x128xf32, #tpu.memory_space<vmem>>, vector<1x16xf32>,
        %get3A_2568 = vector.shape_cast %get3A_2567 : vector<1x16xf32> to vector<16xf32>
        %add3A_2569 = arith.constant 5 : i32
        %add3A_2570 = arith.addi %add3A_2156, %add3A_2569 : i32
        %get3A_2571 = arith.index_cast %add3A_2570 : i32 to index
        %get3A_2572 = arith.constant 112 : index
        %get3A_2573 = tpu.vector_load %arg8[%get3A_2571, %get3A_2572] {strides = array<i32>} : memref<448x128xf32, #tpu.memory_space<vmem>>, vector<1x16xf32>,
        %get3A_2574 = vector.shape_cast %get3A_2573 : vector<1x16xf32> to vector<16xf32>
        %add3A_2575 = arith.constant 6 : i32
        %add3A_2576 = arith.addi %add3A_2156, %add3A_2575 : i32
        %get3A_2577 = arith.index_cast %add3A_2576 : i32 to index
        %get3A_2578 = arith.constant 112 : index
        %get3A_2579 = tpu.vector_load %arg8[%get3A_2577, %get3A_2578] {strides = array<i32>} : memref<448x128xf32, #tpu.memory_space<vmem>>, vector<1x16xf32>,
        %get3A_2580 = vector.shape_cast %get3A_2579 : vector<1x16xf32> to vector<16xf32>
        %add3A_2581 = arith.addf %get3A_2544, %get3A_2550 : vector<16xf32>
        %add3A_2582 = arith.addf %get3A_2556, %get3A_2562 : vector<16xf32>
        %add3A_2583 = arith.addf %get3A_2568, %get3A_2574 : vector<16xf32>
        %add3A_2584 = arith.addf %get3A_2580, %get3A_28 : vector<16xf32>
        %add3A_2585 = arith.addf %add3A_2581, %add3A_2582 : vector<16xf32>
        %add3A_2586 = arith.addf %add3A_2583, %add3A_2584 : vector<16xf32>
        %add3A_2587 = arith.addf %add3A_2585, %add3A_2586 : vector<16xf32>
        %swap3A_2588 = arith.index_cast %add3A_2160 : i32 to index
        %swap3A_2589 = arith.constant 112 : index
        %swap3A_2590 = tpu.vector_load %arg9[%swap3A_2588, %swap3A_2589] {strides = array<i32>} : memref<32x128xf32, #tpu.memory_space<vmem>>, vector<1x16xf32>,
        %swap3A_2591 = vector.shape_cast %swap3A_2590 : vector<1x16xf32> to vector<16xf32>
        %swap3A_2592 = vector.shape_cast %add3A_2587 : vector<16xf32> to vector<1x16xf32>
        tpu.vector_store %arg9[%swap3A_2588, %swap3A_2589], %swap3A_2592 {strides = array<i32>} : memref<32x128xf32, #tpu.memory_space<vmem>>, vector<1x16xf32>,
      }
      %scan3A_777 = arith.constant 8 : i32
      %mul3A_778 = arith.constant 32 : i32
      %mul3A_779 = arith.muli %mul3A_362, %mul3A_778 : i32
      %add3A_780 = arith.addi %min3A_3, %mul3A_779 : i32
      "tpu.region"() ({
        %run_scoped3A = tpu.sem_alloc : memref<!tpu.dma_semaphore, #tpu.memory_space<semaphore_mem>>
        %dma_start3A_816 = arith.constant 0 : i32
        %dma_start3A_817 = tpu.memref_slice %arg5[%add3A_780, %dma_start3A_816] : memref<50000x128xf32, #tpu.memory_space<hbm>> -> memref<32x128xf32, #tpu.memory_space<hbm>>
        %dma_start3A_818 = arith.constant 0 : i32
        %dma_start3A_819 = tpu.memref_slice %arg5[%add3A_780, %dma_start3A_818] : memref<50000x128xf32, #tpu.memory_space<hbm>> -> memref<32x128xf32, #tpu.memory_space<hbm>>
        tpu.enqueue_dma source(%arg9 : memref<32x128xf32, #tpu.memory_space<vmem>>) target(%dma_start3A_819 : memref<32x128xf32, #tpu.memory_space<hbm>>) target_semaphore(%run_scoped3A : memref<!tpu.dma_semaphore, #tpu.memory_space<semaphore_mem>>)
        %dma_wait3A_820 = arith.constant 0 : i32
        %dma_wait3A_821 = tpu.memref_slice %arg5[%add3A_780, %dma_wait3A_820] : memref<50000x128xf32, #tpu.memory_space<hbm>> -> memref<32x128xf32, #tpu.memory_space<hbm>>
        %dma_wait3A_822 = arith.constant 0 : i32
        %dma_wait3A_823 = tpu.memref_slice %arg5[%add3A_780, %dma_wait3A_822] : memref<50000x128xf32, #tpu.memory_space<hbm>> -> memref<32x128xf32, #tpu.memory_space<hbm>>
        tpu.wait_dma2 semaphore(%run_scoped3A : memref<!tpu.dma_semaphore, #tpu.memory_space<semaphore_mem>>) src(%arg9 : memref<32x128xf32, #tpu.memory_space<vmem>>) dst(%dma_wait3A_823 : memref<32x128xf32, #tpu.memory_space<hbm>>)
        tpu.yield
      }) : () -> ()
      %add3A_781 = arith.constant 1 : i32
      %add3A_782 = arith.addi %add3A_364, %add3A_781 : i32
      %lt3A = arith.constant 50 : i32
      %lt3A_783 = arith.cmpi slt, %add3A_782, %lt3A : i32
      %convert_element_type3A = arith.extui %lt3A_783 : i1 to i32
      %cond3A = arith.constant 0 : i32
      %cond3A_784 = arith.cmpi ne, %convert_element_type3A, %cond3A : i32
      scf.if %cond3A_784 {
        %add3A_816 = arith.constant 1 : i32
        %add3A_817 = arith.addi %add3A_364, %add3A_816 : i32
        %iota3A_818 = tpu.iota {dimensions = array<i32: 0>} : vector<16xi32>
        %add3A_819 = arith.constant 0 : i32
        %add3A_820 = vector.broadcast %add3A_819 : i32 to vector<16xi32>
        %add3A_821 = arith.addi %iota3A_818, %add3A_820 : vector<16xi32>
        %rem3A_822 = arith.constant 7 : i32
        %rem3A_823 = vector.broadcast %rem3A_822 : i32 to vector<16xi32>
        %rem3A_824 = arith.remsi %add3A_821, %rem3A_823 : vector<16xi32>
        %mul3A_825 = arith.constant 224 : i32
        %mul3A_826 = arith.muli %add3A_817, %mul3A_825 : i32
        %add3A_827 = arith.constant 0 : i32
        %add3A_828 = arith.addi %mul3A_826, %add3A_827 : i32
        %get3A_829 = arith.index_cast %add3A_828 : i32 to index
        %get3A_830 = tpu.vector_load %arg6[%get3A_829] {strides = array<i32>} : memref<11200xi32, #tpu.memory_space<vmem>>, vector<16xi32>,
        %get3A_831 = vector.shape_cast %get3A_830 : vector<16xi32> to vector<16xi32>
        %mul3A_832 = arith.constant 50000 : i32
        %mul3A_833 = vector.broadcast %mul3A_832 : i32 to vector<16xi32>
        %mul3A_834 = arith.muli %rem3A_824, %mul3A_833 : vector<16xi32>
        %add3A_835 = arith.addi %get3A_831, %mul3A_834 : vector<16xi32>
        %swap3A_836 = arith.constant 0 : i32
        %swap3A_837 = arith.constant 0 : i32
        %swap3A_838 = arith.index_cast %swap3A_836 : i32 to index
        %swap3A_839 = arith.index_cast %swap3A_837 : i32 to index
        %swap3A_840 = arith.constant 0 : index
        %swap3A_841 = tpu.vector_load %arg7[%swap3A_838, %swap3A_839, %swap3A_840] {strides = array<i32>} : memref<2x2x112xi32, #tpu.memory_space<vmem>>, vector<1x1x16xi32>,
        %swap3A_842 = vector.shape_cast %swap3A_841 : vector<1x1x16xi32> to vector<16xi32>
        %swap3A_843 = vector.shape_cast %add3A_835 : vector<16xi32> to vector<1x1x16xi32>
        tpu.vector_store %arg7[%swap3A_838, %swap3A_839, %swap3A_840], %swap3A_843 {strides = array<i32>} : memref<2x2x112xi32, #tpu.memory_space<vmem>>, vector<1x1x16xi32>,
        %iota3A_844 = tpu.iota {dimensions = array<i32: 0>} : vector<16xi32>
        %add3A_845 = arith.constant 16 : i32
        %add3A_846 = vector.broadcast %add3A_845 : i32 to vector<16xi32>
        %add3A_847 = arith.addi %iota3A_844, %add3A_846 : vector<16xi32>
        %rem3A_848 = arith.constant 7 : i32
        %rem3A_849 = vector.broadcast %rem3A_848 : i32 to vector<16xi32>
        %rem3A_850 = arith.remsi %add3A_847, %rem3A_849 : vector<16xi32>
        %mul3A_851 = arith.constant 224 : i32
        %mul3A_852 = arith.muli %add3A_817, %mul3A_851 : i32
        %add3A_853 = arith.constant 16 : i32
        %add3A_854 = arith.addi %mul3A_852, %add3A_853 : i32
        %get3A_855 = arith.index_cast %add3A_854 : i32 to index
        %get3A_856 = tpu.vector_load %arg6[%get3A_855] {strides = array<i32>} : memref<11200xi32, #tpu.memory_space<vmem>>, vector<16xi32>,
        %get3A_857 = vector.shape_cast %get3A_856 : vector<16xi32> to vector<16xi32>
        %mul3A_858 = arith.constant 50000 : i32
        %mul3A_859 = vector.broadcast %mul3A_858 : i32 to vector<16xi32>
        %mul3A_860 = arith.muli %rem3A_850, %mul3A_859 : vector<16xi32>
        %add3A_861 = arith.addi %get3A_857, %mul3A_860 : vector<16xi32>
        %swap3A_862 = arith.constant 0 : i32
        %swap3A_863 = arith.constant 0 : i32
        %swap3A_864 = arith.index_cast %swap3A_862 : i32 to index
        %swap3A_865 = arith.index_cast %swap3A_863 : i32 to index
        %swap3A_866 = arith.constant 16 : index
        %swap3A_867 = tpu.vector_load %arg7[%swap3A_864, %swap3A_865, %swap3A_866] {strides = array<i32>} : memref<2x2x112xi32, #tpu.memory_space<vmem>>, vector<1x1x16xi32>,
        %swap3A_868 = vector.shape_cast %swap3A_867 : vector<1x1x16xi32> to vector<16xi32>
        %swap3A_869 = vector.shape_cast %add3A_861 : vector<16xi32> to vector<1x1x16xi32>
        tpu.vector_store %arg7[%swap3A_864, %swap3A_865, %swap3A_866], %swap3A_869 {strides = array<i32>} : memref<2x2x112xi32, #tpu.memory_space<vmem>>, vector<1x1x16xi32>,
        %iota3A_870 = tpu.iota {dimensions = array<i32: 0>} : vector<16xi32>
        %add3A_871 = arith.constant 32 : i32
        %add3A_872 = vector.broadcast %add3A_871 : i32 to vector<16xi32>
        %add3A_873 = arith.addi %iota3A_870, %add3A_872 : vector<16xi32>
        %rem3A_874 = arith.constant 7 : i32
        %rem3A_875 = vector.broadcast %rem3A_874 : i32 to vector<16xi32>
        %rem3A_876 = arith.remsi %add3A_873, %rem3A_875 : vector<16xi32>
        %mul3A_877 = arith.constant 224 : i32
        %mul3A_878 = arith.muli %add3A_817, %mul3A_877 : i32
        %add3A_879 = arith.constant 32 : i32
        %add3A_880 = arith.addi %mul3A_878, %add3A_879 : i32
        %get3A_881 = arith.index_cast %add3A_880 : i32 to index
        %get3A_882 = tpu.vector_load %arg6[%get3A_881] {strides = array<i32>} : memref<11200xi32, #tpu.memory_space<vmem>>, vector<16xi32>,
        %get3A_883 = vector.shape_cast %get3A_882 : vector<16xi32> to vector<16xi32>
        %mul3A_884 = arith.constant 50000 : i32
        %mul3A_885 = vector.broadcast %mul3A_884 : i32 to vector<16xi32>
        %mul3A_886 = arith.muli %rem3A_876, %mul3A_885 : vector<16xi32>
        %add3A_887 = arith.addi %get3A_883, %mul3A_886 : vector<16xi32>
        %swap3A_888 = arith.constant 0 : i32
        %swap3A_889 = arith.constant 0 : i32
        %swap3A_890 = arith.index_cast %swap3A_888 : i32 to index
        %swap3A_891 = arith.index_cast %swap3A_889 : i32 to index
        %swap3A_892 = arith.constant 32 : index
        %swap3A_893 = tpu.vector_load %arg7[%swap3A_890, %swap3A_891, %swap3A_892] {strides = array<i32>} : memref<2x2x112xi32, #tpu.memory_space<vmem>>, vector<1x1x16xi32>,
        %swap3A_894 = vector.shape_cast %swap3A_893 : vector<1x1x16xi32> to vector<16xi32>
        %swap3A_895 = vector.shape_cast %add3A_887 : vector<16xi32> to vector<1x1x16xi32>
        tpu.vector_store %arg7[%swap3A_890, %swap3A_891, %swap3A_892], %swap3A_895 {strides = array<i32>} : memref<2x2x112xi32, #tpu.memory_space<vmem>>, vector<1x1x16xi32>,
        %iota3A_896 = tpu.iota {dimensions = array<i32: 0>} : vector<16xi32>
        %add3A_897 = arith.constant 48 : i32
        %add3A_898 = vector.broadcast %add3A_897 : i32 to vector<16xi32>
        %add3A_899 = arith.addi %iota3A_896, %add3A_898 : vector<16xi32>
        %rem3A_900 = arith.constant 7 : i32
        %rem3A_901 = vector.broadcast %rem3A_900 : i32 to vector<16xi32>
        %rem3A_902 = arith.remsi %add3A_899, %rem3A_901 : vector<16xi32>
        %mul3A_903 = arith.constant 224 : i32
        %mul3A_904 = arith.muli %add3A_817, %mul3A_903 : i32
        %add3A_905 = arith.constant 48 : i32
        %add3A_906 = arith.addi %mul3A_904, %add3A_905 : i32
        %get3A_907 = arith.index_cast %add3A_906 : i32 to index
        %get3A_908 = tpu.vector_load %arg6[%get3A_907] {strides = array<i32>} : memref<11200xi32, #tpu.memory_space<vmem>>, vector<16xi32>,
        %get3A_909 = vector.shape_cast %get3A_908 : vector<16xi32> to vector<16xi32>
        %mul3A_910 = arith.constant 50000 : i32
        %mul3A_911 = vector.broadcast %mul3A_910 : i32 to vector<16xi32>
        %mul3A_912 = arith.muli %rem3A_902, %mul3A_911 : vector<16xi32>
        %add3A_913 = arith.addi %get3A_909, %mul3A_912 : vector<16xi32>
        %swap3A_914 = arith.constant 0 : i32
        %swap3A_915 = arith.constant 0 : i32
        %swap3A_916 = arith.index_cast %swap3A_914 : i32 to index
        %swap3A_917 = arith.index_cast %swap3A_915 : i32 to index
        %swap3A_918 = arith.constant 48 : index
        %swap3A_919 = tpu.vector_load %arg7[%swap3A_916, %swap3A_917, %swap3A_918] {strides = array<i32>} : memref<2x2x112xi32, #tpu.memory_space<vmem>>, vector<1x1x16xi32>,
        %swap3A_920 = vector.shape_cast %swap3A_919 : vector<1x1x16xi32> to vector<16xi32>
        %swap3A_921 = vector.shape_cast %add3A_913 : vector<16xi32> to vector<1x1x16xi32>
        tpu.vector_store %arg7[%swap3A_916, %swap3A_917, %swap3A_918], %swap3A_921 {strides = array<i32>} : memref<2x2x112xi32, #tpu.memory_space<vmem>>, vector<1x1x16xi32>,
        %iota3A_922 = tpu.iota {dimensions = array<i32: 0>} : vector<16xi32>
        %add3A_923 = arith.constant 64 : i32
        %add3A_924 = vector.broadcast %add3A_923 : i32 to vector<16xi32>
        %add3A_925 = arith.addi %iota3A_922, %add3A_924 : vector<16xi32>
        %rem3A_926 = arith.constant 7 : i32
        %rem3A_927 = vector.broadcast %rem3A_926 : i32 to vector<16xi32>
        %rem3A_928 = arith.remsi %add3A_925, %rem3A_927 : vector<16xi32>
        %mul3A_929 = arith.constant 224 : i32
        %mul3A_930 = arith.muli %add3A_817, %mul3A_929 : i32
        %add3A_931 = arith.constant 64 : i32
        %add3A_932 = arith.addi %mul3A_930, %add3A_931 : i32
        %get3A_933 = arith.index_cast %add3A_932 : i32 to index
        %get3A_934 = tpu.vector_load %arg6[%get3A_933] {strides = array<i32>} : memref<11200xi32, #tpu.memory_space<vmem>>, vector<16xi32>,
        %get3A_935 = vector.shape_cast %get3A_934 : vector<16xi32> to vector<16xi32>
        %mul3A_936 = arith.constant 50000 : i32
        %mul3A_937 = vector.broadcast %mul3A_936 : i32 to vector<16xi32>
        %mul3A_938 = arith.muli %rem3A_928, %mul3A_937 : vector<16xi32>
        %add3A_939 = arith.addi %get3A_935, %mul3A_938 : vector<16xi32>
        %swap3A_940 = arith.constant 0 : i32
        %swap3A_941 = arith.constant 0 : i32
        %swap3A_942 = arith.index_cast %swap3A_940 : i32 to index
        %swap3A_943 = arith.index_cast %swap3A_941 : i32 to index
        %swap3A_944 = arith.constant 64 : index
        %swap3A_945 = tpu.vector_load %arg7[%swap3A_942, %swap3A_943, %swap3A_944] {strides = array<i32>} : memref<2x2x112xi32, #tpu.memory_space<vmem>>, vector<1x1x16xi32>,
        %swap3A_946 = vector.shape_cast %swap3A_945 : vector<1x1x16xi32> to vector<16xi32>
        %swap3A_947 = vector.shape_cast %add3A_939 : vector<16xi32> to vector<1x1x16xi32>
        tpu.vector_store %arg7[%swap3A_942, %swap3A_943, %swap3A_944], %swap3A_947 {strides = array<i32>} : memref<2x2x112xi32, #tpu.memory_space<vmem>>, vector<1x1x16xi32>,
        %iota3A_948 = tpu.iota {dimensions = array<i32: 0>} : vector<16xi32>
        %add3A_949 = arith.constant 80 : i32
        %add3A_950 = vector.broadcast %add3A_949 : i32 to vector<16xi32>
        %add3A_951 = arith.addi %iota3A_948, %add3A_950 : vector<16xi32>
        %rem3A_952 = arith.constant 7 : i32
        %rem3A_953 = vector.broadcast %rem3A_952 : i32 to vector<16xi32>
        %rem3A_954 = arith.remsi %add3A_951, %rem3A_953 : vector<16xi32>
        %mul3A_955 = arith.constant 224 : i32
        %mul3A_956 = arith.muli %add3A_817, %mul3A_955 : i32
        %add3A_957 = arith.constant 80 : i32
        %add3A_958 = arith.addi %mul3A_956, %add3A_957 : i32
        %get3A_959 = arith.index_cast %add3A_958 : i32 to index
        %get3A_960 = tpu.vector_load %arg6[%get3A_959] {strides = array<i32>} : memref<11200xi32, #tpu.memory_space<vmem>>, vector<16xi32>,
        %get3A_961 = vector.shape_cast %get3A_960 : vector<16xi32> to vector<16xi32>
        %mul3A_962 = arith.constant 50000 : i32
        %mul3A_963 = vector.broadcast %mul3A_962 : i32 to vector<16xi32>
        %mul3A_964 = arith.muli %rem3A_954, %mul3A_963 : vector<16xi32>
        %add3A_965 = arith.addi %get3A_961, %mul3A_964 : vector<16xi32>
        %swap3A_966 = arith.constant 0 : i32
        %swap3A_967 = arith.constant 0 : i32
        %swap3A_968 = arith.index_cast %swap3A_966 : i32 to index
        %swap3A_969 = arith.index_cast %swap3A_967 : i32 to index
        %swap3A_970 = arith.constant 80 : index
        %swap3A_971 = tpu.vector_load %arg7[%swap3A_968, %swap3A_969, %swap3A_970] {strides = array<i32>} : memref<2x2x112xi32, #tpu.memory_space<vmem>>, vector<1x1x16xi32>,
        %swap3A_972 = vector.shape_cast %swap3A_971 : vector<1x1x16xi32> to vector<16xi32>
        %swap3A_973 = vector.shape_cast %add3A_965 : vector<16xi32> to vector<1x1x16xi32>
        tpu.vector_store %arg7[%swap3A_968, %swap3A_969, %swap3A_970], %swap3A_973 {strides = array<i32>} : memref<2x2x112xi32, #tpu.memory_space<vmem>>, vector<1x1x16xi32>,
        %iota3A_974 = tpu.iota {dimensions = array<i32: 0>} : vector<16xi32>
        %add3A_975 = arith.constant 96 : i32
        %add3A_976 = vector.broadcast %add3A_975 : i32 to vector<16xi32>
        %add3A_977 = arith.addi %iota3A_974, %add3A_976 : vector<16xi32>
        %rem3A_978 = arith.constant 7 : i32
        %rem3A_979 = vector.broadcast %rem3A_978 : i32 to vector<16xi32>
        %rem3A_980 = arith.remsi %add3A_977, %rem3A_979 : vector<16xi32>
        %mul3A_981 = arith.constant 224 : i32
        %mul3A_982 = arith.muli %add3A_817, %mul3A_981 : i32
        %add3A_983 = arith.constant 96 : i32
        %add3A_984 = arith.addi %mul3A_982, %add3A_983 : i32
        %get3A_985 = arith.index_cast %add3A_984 : i32 to index
        %get3A_986 = tpu.vector_load %arg6[%get3A_985] {strides = array<i32>} : memref<11200xi32, #tpu.memory_space<vmem>>, vector<16xi32>,
        %get3A_987 = vector.shape_cast %get3A_986 : vector<16xi32> to vector<16xi32>
        %mul3A_988 = arith.constant 50000 : i32
        %mul3A_989 = vector.broadcast %mul3A_988 : i32 to vector<16xi32>
        %mul3A_990 = arith.muli %rem3A_980, %mul3A_989 : vector<16xi32>
        %add3A_991 = arith.addi %get3A_987, %mul3A_990 : vector<16xi32>
        %swap3A_992 = arith.constant 0 : i32
        %swap3A_993 = arith.constant 0 : i32
        %swap3A_994 = arith.index_cast %swap3A_992 : i32 to index
        %swap3A_995 = arith.index_cast %swap3A_993 : i32 to index
        %swap3A_996 = arith.constant 96 : index
        %swap3A_997 = tpu.vector_load %arg7[%swap3A_994, %swap3A_995, %swap3A_996] {strides = array<i32>} : memref<2x2x112xi32, #tpu.memory_space<vmem>>, vector<1x1x16xi32>,
        %swap3A_998 = vector.shape_cast %swap3A_997 : vector<1x1x16xi32> to vector<16xi32>
        %swap3A_999 = vector.shape_cast %add3A_991 : vector<16xi32> to vector<1x1x16xi32>
        tpu.vector_store %arg7[%swap3A_994, %swap3A_995, %swap3A_996], %swap3A_999 {strides = array<i32>} : memref<2x2x112xi32, #tpu.memory_space<vmem>>, vector<1x1x16xi32>,
        %iota3A_1000 = tpu.iota {dimensions = array<i32: 0>} : vector<16xi32>
        %add3A_1001 = arith.constant 112 : i32
        %add3A_1002 = vector.broadcast %add3A_1001 : i32 to vector<16xi32>
        %add3A_1003 = arith.addi %iota3A_1000, %add3A_1002 : vector<16xi32>
        %rem3A_1004 = arith.constant 7 : i32
        %rem3A_1005 = vector.broadcast %rem3A_1004 : i32 to vector<16xi32>
        %rem3A_1006 = arith.remsi %add3A_1003, %rem3A_1005 : vector<16xi32>
        %mul3A_1007 = arith.constant 224 : i32
        %mul3A_1008 = arith.muli %add3A_817, %mul3A_1007 : i32
        %add3A_1009 = arith.constant 112 : i32
        %add3A_1010 = arith.addi %mul3A_1008, %add3A_1009 : i32
        %get3A_1011 = arith.index_cast %add3A_1010 : i32 to index
        %get3A_1012 = tpu.vector_load %arg6[%get3A_1011] {strides = array<i32>} : memref<11200xi32, #tpu.memory_space<vmem>>, vector<16xi32>,
        %get3A_1013 = vector.shape_cast %get3A_1012 : vector<16xi32> to vector<16xi32>
        %mul3A_1014 = arith.constant 50000 : i32
        %mul3A_1015 = vector.broadcast %mul3A_1014 : i32 to vector<16xi32>
        %mul3A_1016 = arith.muli %rem3A_1006, %mul3A_1015 : vector<16xi32>
        %add3A_1017 = arith.addi %get3A_1013, %mul3A_1016 : vector<16xi32>
        %swap3A_1018 = arith.constant 0 : i32
        %swap3A_1019 = arith.constant 1 : i32
        %swap3A_1020 = arith.index_cast %swap3A_1018 : i32 to index
        %swap3A_1021 = arith.index_cast %swap3A_1019 : i32 to index
        %swap3A_1022 = arith.constant 0 : index
        %swap3A_1023 = tpu.vector_load %arg7[%swap3A_1020, %swap3A_1021, %swap3A_1022] {strides = array<i32>} : memref<2x2x112xi32, #tpu.memory_space<vmem>>, vector<1x1x16xi32>,
        %swap3A_1024 = vector.shape_cast %swap3A_1023 : vector<1x1x16xi32> to vector<16xi32>
        %swap3A_1025 = vector.shape_cast %add3A_1017 : vector<16xi32> to vector<1x1x16xi32>
        tpu.vector_store %arg7[%swap3A_1020, %swap3A_1021, %swap3A_1022], %swap3A_1025 {strides = array<i32>} : memref<2x2x112xi32, #tpu.memory_space<vmem>>, vector<1x1x16xi32>,
        %iota3A_1026 = tpu.iota {dimensions = array<i32: 0>} : vector<16xi32>
        %add3A_1027 = arith.constant 128 : i32
        %add3A_1028 = vector.broadcast %add3A_1027 : i32 to vector<16xi32>
        %add3A_1029 = arith.addi %iota3A_1026, %add3A_1028 : vector<16xi32>
        %rem3A_1030 = arith.constant 7 : i32
        %rem3A_1031 = vector.broadcast %rem3A_1030 : i32 to vector<16xi32>
        %rem3A_1032 = arith.remsi %add3A_1029, %rem3A_1031 : vector<16xi32>
        %mul3A_1033 = arith.constant 224 : i32
        %mul3A_1034 = arith.muli %add3A_817, %mul3A_1033 : i32
        %add3A_1035 = arith.constant 128 : i32
        %add3A_1036 = arith.addi %mul3A_1034, %add3A_1035 : i32
        %get3A_1037 = arith.index_cast %add3A_1036 : i32 to index
        %get3A_1038 = tpu.vector_load %arg6[%get3A_1037] {strides = array<i32>} : memref<11200xi32, #tpu.memory_space<vmem>>, vector<16xi32>,
        %get3A_1039 = vector.shape_cast %get3A_1038 : vector<16xi32> to vector<16xi32>
        %mul3A_1040 = arith.constant 50000 : i32
        %mul3A_1041 = vector.broadcast %mul3A_1040 : i32 to vector<16xi32>
        %mul3A_1042 = arith.muli %rem3A_1032, %mul3A_1041 : vector<16xi32>
        %add3A_1043 = arith.addi %get3A_1039, %mul3A_1042 : vector<16xi32>
        %swap3A_1044 = arith.constant 0 : i32
        %swap3A_1045 = arith.constant 1 : i32
        %swap3A_1046 = arith.index_cast %swap3A_1044 : i32 to index
        %swap3A_1047 = arith.index_cast %swap3A_1045 : i32 to index
        %swap3A_1048 = arith.constant 16 : index
        %swap3A_1049 = tpu.vector_load %arg7[%swap3A_1046, %swap3A_1047, %swap3A_1048] {strides = array<i32>} : memref<2x2x112xi32, #tpu.memory_space<vmem>>, vector<1x1x16xi32>,
        %swap3A_1050 = vector.shape_cast %swap3A_1049 : vector<1x1x16xi32> to vector<16xi32>
        %swap3A_1051 = vector.shape_cast %add3A_1043 : vector<16xi32> to vector<1x1x16xi32>
        tpu.vector_store %arg7[%swap3A_1046, %swap3A_1047, %swap3A_1048], %swap3A_1051 {strides = array<i32>} : memref<2x2x112xi32, #tpu.memory_space<vmem>>, vector<1x1x16xi32>,
        %iota3A_1052 = tpu.iota {dimensions = array<i32: 0>} : vector<16xi32>
        %add3A_1053 = arith.constant 144 : i32
        %add3A_1054 = vector.broadcast %add3A_1053 : i32 to vector<16xi32>
        %add3A_1055 = arith.addi %iota3A_1052, %add3A_1054 : vector<16xi32>
        %rem3A_1056 = arith.constant 7 : i32
        %rem3A_1057 = vector.broadcast %rem3A_1056 : i32 to vector<16xi32>
        %rem3A_1058 = arith.remsi %add3A_1055, %rem3A_1057 : vector<16xi32>
        %mul3A_1059 = arith.constant 224 : i32
        %mul3A_1060 = arith.muli %add3A_817, %mul3A_1059 : i32
        %add3A_1061 = arith.constant 144 : i32
        %add3A_1062 = arith.addi %mul3A_1060, %add3A_1061 : i32
        %get3A_1063 = arith.index_cast %add3A_1062 : i32 to index
        %get3A_1064 = tpu.vector_load %arg6[%get3A_1063] {strides = array<i32>} : memref<11200xi32, #tpu.memory_space<vmem>>, vector<16xi32>,
        %get3A_1065 = vector.shape_cast %get3A_1064 : vector<16xi32> to vector<16xi32>
        %mul3A_1066 = arith.constant 50000 : i32
        %mul3A_1067 = vector.broadcast %mul3A_1066 : i32 to vector<16xi32>
        %mul3A_1068 = arith.muli %rem3A_1058, %mul3A_1067 : vector<16xi32>
        %add3A_1069 = arith.addi %get3A_1065, %mul3A_1068 : vector<16xi32>
        %swap3A_1070 = arith.constant 0 : i32
        %swap3A_1071 = arith.constant 1 : i32
        %swap3A_1072 = arith.index_cast %swap3A_1070 : i32 to index
        %swap3A_1073 = arith.index_cast %swap3A_1071 : i32 to index
        %swap3A_1074 = arith.constant 32 : index
        %swap3A_1075 = tpu.vector_load %arg7[%swap3A_1072, %swap3A_1073, %swap3A_1074] {strides = array<i32>} : memref<2x2x112xi32, #tpu.memory_space<vmem>>, vector<1x1x16xi32>,
        %swap3A_1076 = vector.shape_cast %swap3A_1075 : vector<1x1x16xi32> to vector<16xi32>
        %swap3A_1077 = vector.shape_cast %add3A_1069 : vector<16xi32> to vector<1x1x16xi32>
        tpu.vector_store %arg7[%swap3A_1072, %swap3A_1073, %swap3A_1074], %swap3A_1077 {strides = array<i32>} : memref<2x2x112xi32, #tpu.memory_space<vmem>>, vector<1x1x16xi32>,
        %iota3A_1078 = tpu.iota {dimensions = array<i32: 0>} : vector<16xi32>
        %add3A_1079 = arith.constant 160 : i32
        %add3A_1080 = vector.broadcast %add3A_1079 : i32 to vector<16xi32>
        %add3A_1081 = arith.addi %iota3A_1078, %add3A_1080 : vector<16xi32>
        %rem3A_1082 = arith.constant 7 : i32
        %rem3A_1083 = vector.broadcast %rem3A_1082 : i32 to vector<16xi32>
        %rem3A_1084 = arith.remsi %add3A_1081, %rem3A_1083 : vector<16xi32>
        %mul3A_1085 = arith.constant 224 : i32
        %mul3A_1086 = arith.muli %add3A_817, %mul3A_1085 : i32
        %add3A_1087 = arith.constant 160 : i32
        %add3A_1088 = arith.addi %mul3A_1086, %add3A_1087 : i32
        %get3A_1089 = arith.index_cast %add3A_1088 : i32 to index
        %get3A_1090 = tpu.vector_load %arg6[%get3A_1089] {strides = array<i32>} : memref<11200xi32, #tpu.memory_space<vmem>>, vector<16xi32>,
        %get3A_1091 = vector.shape_cast %get3A_1090 : vector<16xi32> to vector<16xi32>
        %mul3A_1092 = arith.constant 50000 : i32
        %mul3A_1093 = vector.broadcast %mul3A_1092 : i32 to vector<16xi32>
        %mul3A_1094 = arith.muli %rem3A_1084, %mul3A_1093 : vector<16xi32>
        %add3A_1095 = arith.addi %get3A_1091, %mul3A_1094 : vector<16xi32>
        %swap3A_1096 = arith.constant 0 : i32
        %swap3A_1097 = arith.constant 1 : i32
        %swap3A_1098 = arith.index_cast %swap3A_1096 : i32 to index
        %swap3A_1099 = arith.index_cast %swap3A_1097 : i32 to index
        %swap3A_1100 = arith.constant 48 : index
        %swap3A_1101 = tpu.vector_load %arg7[%swap3A_1098, %swap3A_1099, %swap3A_1100] {strides = array<i32>} : memref<2x2x112xi32, #tpu.memory_space<vmem>>, vector<1x1x16xi32>,
        %swap3A_1102 = vector.shape_cast %swap3A_1101 : vector<1x1x16xi32> to vector<16xi32>
        %swap3A_1103 = vector.shape_cast %add3A_1095 : vector<16xi32> to vector<1x1x16xi32>
        tpu.vector_store %arg7[%swap3A_1098, %swap3A_1099, %swap3A_1100], %swap3A_1103 {strides = array<i32>} : memref<2x2x112xi32, #tpu.memory_space<vmem>>, vector<1x1x16xi32>,
        %iota3A_1104 = tpu.iota {dimensions = array<i32: 0>} : vector<16xi32>
        %add3A_1105 = arith.constant 176 : i32
        %add3A_1106 = vector.broadcast %add3A_1105 : i32 to vector<16xi32>
        %add3A_1107 = arith.addi %iota3A_1104, %add3A_1106 : vector<16xi32>
        %rem3A_1108 = arith.constant 7 : i32
        %rem3A_1109 = vector.broadcast %rem3A_1108 : i32 to vector<16xi32>
        %rem3A_1110 = arith.remsi %add3A_1107, %rem3A_1109 : vector<16xi32>
        %mul3A_1111 = arith.constant 224 : i32
        %mul3A_1112 = arith.muli %add3A_817, %mul3A_1111 : i32
        %add3A_1113 = arith.constant 176 : i32
        %add3A_1114 = arith.addi %mul3A_1112, %add3A_1113 : i32
        %get3A_1115 = arith.index_cast %add3A_1114 : i32 to index
        %get3A_1116 = tpu.vector_load %arg6[%get3A_1115] {strides = array<i32>} : memref<11200xi32, #tpu.memory_space<vmem>>, vector<16xi32>,
        %get3A_1117 = vector.shape_cast %get3A_1116 : vector<16xi32> to vector<16xi32>
        %mul3A_1118 = arith.constant 50000 : i32
        %mul3A_1119 = vector.broadcast %mul3A_1118 : i32 to vector<16xi32>
        %mul3A_1120 = arith.muli %rem3A_1110, %mul3A_1119 : vector<16xi32>
        %add3A_1121 = arith.addi %get3A_1117, %mul3A_1120 : vector<16xi32>
        %swap3A_1122 = arith.constant 0 : i32
        %swap3A_1123 = arith.constant 1 : i32
        %swap3A_1124 = arith.index_cast %swap3A_1122 : i32 to index
        %swap3A_1125 = arith.index_cast %swap3A_1123 : i32 to index
        %swap3A_1126 = arith.constant 64 : index
        %swap3A_1127 = tpu.vector_load %arg7[%swap3A_1124, %swap3A_1125, %swap3A_1126] {strides = array<i32>} : memref<2x2x112xi32, #tpu.memory_space<vmem>>, vector<1x1x16xi32>,
        %swap3A_1128 = vector.shape_cast %swap3A_1127 : vector<1x1x16xi32> to vector<16xi32>
        %swap3A_1129 = vector.shape_cast %add3A_1121 : vector<16xi32> to vector<1x1x16xi32>
        tpu.vector_store %arg7[%swap3A_1124, %swap3A_1125, %swap3A_1126], %swap3A_1129 {strides = array<i32>} : memref<2x2x112xi32, #tpu.memory_space<vmem>>, vector<1x1x16xi32>,
        %iota3A_1130 = tpu.iota {dimensions = array<i32: 0>} : vector<16xi32>
        %add3A_1131 = arith.constant 192 : i32
        %add3A_1132 = vector.broadcast %add3A_1131 : i32 to vector<16xi32>
        %add3A_1133 = arith.addi %iota3A_1130, %add3A_1132 : vector<16xi32>
        %rem3A_1134 = arith.constant 7 : i32
        %rem3A_1135 = vector.broadcast %rem3A_1134 : i32 to vector<16xi32>
        %rem3A_1136 = arith.remsi %add3A_1133, %rem3A_1135 : vector<16xi32>
        %mul3A_1137 = arith.constant 224 : i32
        %mul3A_1138 = arith.muli %add3A_817, %mul3A_1137 : i32
        %add3A_1139 = arith.constant 192 : i32
        %add3A_1140 = arith.addi %mul3A_1138, %add3A_1139 : i32
        %get3A_1141 = arith.index_cast %add3A_1140 : i32 to index
        %get3A_1142 = tpu.vector_load %arg6[%get3A_1141] {strides = array<i32>} : memref<11200xi32, #tpu.memory_space<vmem>>, vector<16xi32>,
        %get3A_1143 = vector.shape_cast %get3A_1142 : vector<16xi32> to vector<16xi32>
        %mul3A_1144 = arith.constant 50000 : i32
        %mul3A_1145 = vector.broadcast %mul3A_1144 : i32 to vector<16xi32>
        %mul3A_1146 = arith.muli %rem3A_1136, %mul3A_1145 : vector<16xi32>
        %add3A_1147 = arith.addi %get3A_1143, %mul3A_1146 : vector<16xi32>
        %swap3A_1148 = arith.constant 0 : i32
        %swap3A_1149 = arith.constant 1 : i32
        %swap3A_1150 = arith.index_cast %swap3A_1148 : i32 to index
        %swap3A_1151 = arith.index_cast %swap3A_1149 : i32 to index
        %swap3A_1152 = arith.constant 80 : index
        %swap3A_1153 = tpu.vector_load %arg7[%swap3A_1150, %swap3A_1151, %swap3A_1152] {strides = array<i32>} : memref<2x2x112xi32, #tpu.memory_space<vmem>>, vector<1x1x16xi32>,
        %swap3A_1154 = vector.shape_cast %swap3A_1153 : vector<1x1x16xi32> to vector<16xi32>
        %swap3A_1155 = vector.shape_cast %add3A_1147 : vector<16xi32> to vector<1x1x16xi32>
        tpu.vector_store %arg7[%swap3A_1150, %swap3A_1151, %swap3A_1152], %swap3A_1155 {strides = array<i32>} : memref<2x2x112xi32, #tpu.memory_space<vmem>>, vector<1x1x16xi32>,
        %iota3A_1156 = tpu.iota {dimensions = array<i32: 0>} : vector<16xi32>
        %add3A_1157 = arith.constant 208 : i32
        %add3A_1158 = vector.broadcast %add3A_1157 : i32 to vector<16xi32>
        %add3A_1159 = arith.addi %iota3A_1156, %add3A_1158 : vector<16xi32>
        %rem3A_1160 = arith.constant 7 : i32
        %rem3A_1161 = vector.broadcast %rem3A_1160 : i32 to vector<16xi32>
        %rem3A_1162 = arith.remsi %add3A_1159, %rem3A_1161 : vector<16xi32>
        %mul3A_1163 = arith.constant 224 : i32
        %mul3A_1164 = arith.muli %add3A_817, %mul3A_1163 : i32
        %add3A_1165 = arith.constant 208 : i32
        %add3A_1166 = arith.addi %mul3A_1164, %add3A_1165 : i32
        %get3A_1167 = arith.index_cast %add3A_1166 : i32 to index
        %get3A_1168 = tpu.vector_load %arg6[%get3A_1167] {strides = array<i32>} : memref<11200xi32, #tpu.memory_space<vmem>>, vector<16xi32>,
        %get3A_1169 = vector.shape_cast %get3A_1168 : vector<16xi32> to vector<16xi32>
        %mul3A_1170 = arith.constant 50000 : i32
        %mul3A_1171 = vector.broadcast %mul3A_1170 : i32 to vector<16xi32>
        %mul3A_1172 = arith.muli %rem3A_1162, %mul3A_1171 : vector<16xi32>
        %add3A_1173 = arith.addi %get3A_1169, %mul3A_1172 : vector<16xi32>
        %swap3A_1174 = arith.constant 0 : i32
        %swap3A_1175 = arith.constant 1 : i32
        %swap3A_1176 = arith.index_cast %swap3A_1174 : i32 to index
        %swap3A_1177 = arith.index_cast %swap3A_1175 : i32 to index
        %swap3A_1178 = arith.constant 96 : index
        %swap3A_1179 = tpu.vector_load %arg7[%swap3A_1176, %swap3A_1177, %swap3A_1178] {strides = array<i32>} : memref<2x2x112xi32, #tpu.memory_space<vmem>>, vector<1x1x16xi32>,
        %swap3A_1180 = vector.shape_cast %swap3A_1179 : vector<1x1x16xi32> to vector<16xi32>
        %swap3A_1181 = vector.shape_cast %add3A_1173 : vector<16xi32> to vector<1x1x16xi32>
        tpu.vector_store %arg7[%swap3A_1176, %swap3A_1177, %swap3A_1178], %swap3A_1181 {strides = array<i32>} : memref<2x2x112xi32, #tpu.memory_space<vmem>>, vector<1x1x16xi32>,
        %dma_start3A_1182 = arith.constant 0 : i32
        %dma_start3A_1183 = arith.constant 0 : i32
        %dma_start3A_1184 = arith.constant 0 : i32
        %dma_start3A_1185 = arith.constant 0 : i32
        %dma_start3A_1186 = tpu.memref_slice %arg8[%dma_start3A_1184, %dma_start3A_1185] : memref<448x128xf32, #tpu.memory_space<vmem>> -> memref<112x128xf32, #tpu.memory_space<vmem>>
        %dma_start3A_1187 = arith.constant 0 : i32
        %dma_start3A_1188 = tpu.memref_slice %arg7[%dma_start3A_1182, %dma_start3A_1183, %dma_start3A_1187] : memref<2x2x112xi32, #tpu.memory_space<vmem>> -> memref<1x1x112xi32, #tpu.memory_space<vmem>>
        %dma_start3A_1189 = tpu.memref_squeeze %dma_start3A_1188 : memref<1x1x112xi32, #tpu.memory_space<vmem>> -> memref<112xi32, #tpu.memory_space<vmem>>
        %dma_start3A_1190 = arith.constant 0 : i32
        %dma_start3A_1191 = arith.constant 0 : i32
        %dma_start3A_1192 = tpu.memref_slice %arg2[%dma_start3A_1190, %dma_start3A_1191] : memref<350000x128xf32, #tpu.memory_space<hbm>> -> memref<350000x128xf32, #tpu.memory_space<hbm>>
        tpu.enqueue_indirect_dma source(%dma_start3A_1192 : memref<350000x128xf32, #tpu.memory_space<hbm>>) target(%dma_start3A_1186 : memref<112x128xf32, #tpu.memory_space<vmem>>) offsets(%dma_start3A_1189 : memref<112xi32, #tpu.memory_space<vmem>>) semaphore(%arg11 : memref<!tpu.dma_semaphore, #tpu.memory_space<semaphore_mem>>)
        %dma_start3A_1193 = arith.constant 0 : i32
        %dma_start3A_1194 = arith.constant 1 : i32
        %dma_start3A_1195 = arith.constant 112 : i32
        %dma_start3A_1196 = arith.constant 0 : i32
        %dma_start3A_1197 = tpu.memref_slice %arg8[%dma_start3A_1195, %dma_start3A_1196] : memref<448x128xf32, #tpu.memory_space<vmem>> -> memref<112x128xf32, #tpu.memory_space<vmem>>
        %dma_start3A_1198 = arith.constant 0 : i32
        %dma_start3A_1199 = tpu.memref_slice %arg7[%dma_start3A_1193, %dma_start3A_1194, %dma_start3A_1198] : memref<2x2x112xi32, #tpu.memory_space<vmem>> -> memref<1x1x112xi32, #tpu.memory_space<vmem>>
        %dma_start3A_1200 = tpu.memref_squeeze %dma_start3A_1199 : memref<1x1x112xi32, #tpu.memory_space<vmem>> -> memref<112xi32, #tpu.memory_space<vmem>>
        %dma_start3A_1201 = arith.constant 0 : i32
        %dma_start3A_1202 = arith.constant 0 : i32
        %dma_start3A_1203 = tpu.memref_slice %arg2[%dma_start3A_1201, %dma_start3A_1202] : memref<350000x128xf32, #tpu.memory_space<hbm>> -> memref<350000x128xf32, #tpu.memory_space<hbm>>
        tpu.enqueue_indirect_dma source(%dma_start3A_1203 : memref<350000x128xf32, #tpu.memory_space<hbm>>) target(%dma_start3A_1197 : memref<112x128xf32, #tpu.memory_space<vmem>>) offsets(%dma_start3A_1200 : memref<112xi32, #tpu.memory_space<vmem>>) semaphore(%arg11 : memref<!tpu.dma_semaphore, #tpu.memory_space<semaphore_mem>>)
      } else {
      }
      %dma_wait3A_785 = arith.constant 1 : i32
      %dma_wait3A_786 = arith.constant 0 : i32
      %dma_wait3A_787 = arith.constant 224 : i32
      %dma_wait3A_788 = arith.constant 0 : i32
      %dma_wait3A_789 = tpu.memref_slice %arg8[%dma_wait3A_787, %dma_wait3A_788] : memref<448x128xf32, #tpu.memory_space<vmem>> -> memref<112x128xf32, #tpu.memory_space<vmem>>
      %dma_wait3A_790 = arith.constant 0 : i32
      %dma_wait3A_791 = tpu.memref_slice %arg7[%dma_wait3A_785, %dma_wait3A_786, %dma_wait3A_790] : memref<2x2x112xi32, #tpu.memory_space<vmem>> -> memref<1x1x112xi32, #tpu.memory_space<vmem>>
      %dma_wait3A_792 = tpu.memref_squeeze %dma_wait3A_791 : memref<1x1x112xi32, #tpu.memory_space<vmem>> -> memref<112xi32, #tpu.memory_space<vmem>>
      %dma_wait3A_793 = arith.constant 0 : i32
      %dma_wait3A_794 = arith.constant 0 : i32
      %dma_wait3A_795 = tpu.memref_slice %arg2[%dma_wait3A_793, %dma_wait3A_794] : memref<350000x128xf32, #tpu.memory_space<hbm>> -> memref<350000x128xf32, #tpu.memory_space<hbm>>
      tpu.wait_indirect_dma semaphore(%arg11 : memref<!tpu.dma_semaphore, #tpu.memory_space<semaphore_mem>>) src(%dma_wait3A_795 : memref<350000x128xf32, #tpu.memory_space<hbm>>) dst(%dma_wait3A_789 : memref<112x128xf32, #tpu.memory_space<vmem>>)
      %dma_wait3A_796 = arith.constant 1 : i32
      %dma_wait3A_797 = arith.constant 1 : i32
      %dma_wait3A_798 = arith.constant 336 : i32
      %dma_wait3A_799 = arith.constant 0 : i32
      %dma_wait3A_800 = tpu.memref_slice %arg8[%dma_wait3A_798, %dma_wait3A_799] : memref<448x128xf32, #tpu.memory_space<vmem>> -> memref<112x128xf32, #tpu.memory_space<vmem>>
      %dma_wait3A_801 = arith.constant 0 : i32
      %dma_wait3A_802 = tpu.memref_slice %arg7[%dma_wait3A_796, %dma_wait3A_797, %dma_wait3A_801] : memref<2x2x112xi32, #tpu.memory_space<vmem>> -> memref<1x1x112xi32, #tpu.memory_space<vmem>>
      %dma_wait3A_803 = tpu.memref_squeeze %dma_wait3A_802 : memref<1x1x112xi32, #tpu.memory_space<vmem>> -> memref<112xi32, #tpu.memory_space<vmem>>
      %dma_wait3A_804 = arith.constant 0 : i32
      %dma_wait3A_805 = arith.constant 0 : i32
      %dma_wait3A_806 = tpu.memref_slice %arg2[%dma_wait3A_804, %dma_wait3A_805] : memref<350000x128xf32, #tpu.memory_space<hbm>> -> memref<350000x128xf32, #tpu.memory_space<hbm>>
      tpu.wait_indirect_dma semaphore(%arg11 : memref<!tpu.dma_semaphore, #tpu.memory_space<semaphore_mem>>) src(%dma_wait3A_806 : memref<350000x128xf32, #tpu.memory_space<hbm>>) dst(%dma_wait3A_800 : memref<112x128xf32, #tpu.memory_space<vmem>>)
      %scan3A_807 = arith.constant 0 : i32
      %scan3A_808 = arith.constant 0 : i32
      %scan3A_809 = arith.constant 8 : i32
      %scan3A_810 = arith.addi %scan3A_808, %scan3A_809 : i32
      %scan3A_811 = arith.constant 1 : i32
      scf.for %scan3A_816 = %scan3A_808 to %scan3A_810 step %scan3A_811  : i32 {
        %mul3A_817 = arith.constant 4 : i32
        %mul3A_818 = arith.muli %scan3A_816, %mul3A_817 : i32
        %add3A_819 = arith.constant 0 : i32
        %add3A_820 = arith.addi %mul3A_818, %add3A_819 : i32
        %mul3A_821 = arith.constant 7 : i32
        %mul3A_822 = arith.muli %add3A_820, %mul3A_821 : i32
        %add3A_823 = arith.constant 224 : i32
        %add3A_824 = arith.addi %add3A_823, %mul3A_822 : i32
        %mul3A_825 = arith.constant 4 : i32
        %mul3A_826 = arith.muli %scan3A_816, %mul3A_825 : i32
        %add3A_827 = arith.constant 0 : i32
        %add3A_828 = arith.addi %mul3A_826, %add3A_827 : i32
        %add3A_829 = arith.constant 0 : i32
        %add3A_830 = arith.addi %add3A_824, %add3A_829 : i32
        %get3A_831 = arith.index_cast %add3A_830 : i32 to index
        %get3A_832 = arith.constant 0 : index
        %get3A_833 = tpu.vector_load %arg8[%get3A_831, %get3A_832] {strides = array<i32>} : memref<448x128xf32, #tpu.memory_space<vmem>>, vector<1x16xf32>,
        %get3A_834 = vector.shape_cast %get3A_833 : vector<1x16xf32> to vector<16xf32>
        %add3A_835 = arith.constant 1 : i32
        %add3A_836 = arith.addi %add3A_824, %add3A_835 : i32
        %get3A_837 = arith.index_cast %add3A_836 : i32 to index
        %get3A_838 = arith.constant 0 : index
        %get3A_839 = tpu.vector_load %arg8[%get3A_837, %get3A_838] {strides = array<i32>} : memref<448x128xf32, #tpu.memory_space<vmem>>, vector<1x16xf32>,
        %get3A_840 = vector.shape_cast %get3A_839 : vector<1x16xf32> to vector<16xf32>
        %add3A_841 = arith.constant 2 : i32
        %add3A_842 = arith.addi %add3A_824, %add3A_841 : i32
        %get3A_843 = arith.index_cast %add3A_842 : i32 to index
        %get3A_844 = arith.constant 0 : index
        %get3A_845 = tpu.vector_load %arg8[%get3A_843, %get3A_844] {strides = array<i32>} : memref<448x128xf32, #tpu.memory_space<vmem>>, vector<1x16xf32>,
        %get3A_846 = vector.shape_cast %get3A_845 : vector<1x16xf32> to vector<16xf32>
        %add3A_847 = arith.constant 3 : i32
        %add3A_848 = arith.addi %add3A_824, %add3A_847 : i32
        %get3A_849 = arith.index_cast %add3A_848 : i32 to index
        %get3A_850 = arith.constant 0 : index
        %get3A_851 = tpu.vector_load %arg8[%get3A_849, %get3A_850] {strides = array<i32>} : memref<448x128xf32, #tpu.memory_space<vmem>>, vector<1x16xf32>,
        %get3A_852 = vector.shape_cast %get3A_851 : vector<1x16xf32> to vector<16xf32>
        %add3A_853 = arith.constant 4 : i32
        %add3A_854 = arith.addi %add3A_824, %add3A_853 : i32
        %get3A_855 = arith.index_cast %add3A_854 : i32 to index
        %get3A_856 = arith.constant 0 : index
        %get3A_857 = tpu.vector_load %arg8[%get3A_855, %get3A_856] {strides = array<i32>} : memref<448x128xf32, #tpu.memory_space<vmem>>, vector<1x16xf32>,
        %get3A_858 = vector.shape_cast %get3A_857 : vector<1x16xf32> to vector<16xf32>
        %add3A_859 = arith.constant 5 : i32
        %add3A_860 = arith.addi %add3A_824, %add3A_859 : i32
        %get3A_861 = arith.index_cast %add3A_860 : i32 to index
        %get3A_862 = arith.constant 0 : index
        %get3A_863 = tpu.vector_load %arg8[%get3A_861, %get3A_862] {strides = array<i32>} : memref<448x128xf32, #tpu.memory_space<vmem>>, vector<1x16xf32>,
        %get3A_864 = vector.shape_cast %get3A_863 : vector<1x16xf32> to vector<16xf32>
        %add3A_865 = arith.constant 6 : i32
        %add3A_866 = arith.addi %add3A_824, %add3A_865 : i32
        %get3A_867 = arith.index_cast %add3A_866 : i32 to index
        %get3A_868 = arith.constant 0 : index
        %get3A_869 = tpu.vector_load %arg8[%get3A_867, %get3A_868] {strides = array<i32>} : memref<448x128xf32, #tpu.memory_space<vmem>>, vector<1x16xf32>,
        %get3A_870 = vector.shape_cast %get3A_869 : vector<1x16xf32> to vector<16xf32>
        %add3A_871 = arith.addf %get3A_834, %get3A_840 : vector<16xf32>
        %add3A_872 = arith.addf %get3A_846, %get3A_852 : vector<16xf32>
        %add3A_873 = arith.addf %get3A_858, %get3A_864 : vector<16xf32>
        %add3A_874 = arith.addf %get3A_870, %get3A_7 : vector<16xf32>
        %add3A_875 = arith.addf %add3A_871, %add3A_872 : vector<16xf32>
        %add3A_876 = arith.addf %add3A_873, %add3A_874 : vector<16xf32>
        %add3A_877 = arith.addf %add3A_875, %add3A_876 : vector<16xf32>
        %swap3A_878 = arith.index_cast %add3A_828 : i32 to index
        %swap3A_879 = arith.constant 0 : index
        %swap3A_880 = tpu.vector_load %arg9[%swap3A_878, %swap3A_879] {strides = array<i32>} : memref<32x128xf32, #tpu.memory_space<vmem>>, vector<1x16xf32>,
        %swap3A_881 = vector.shape_cast %swap3A_880 : vector<1x16xf32> to vector<16xf32>
        %swap3A_882 = vector.shape_cast %add3A_877 : vector<16xf32> to vector<1x16xf32>
        tpu.vector_store %arg9[%swap3A_878, %swap3A_879], %swap3A_882 {strides = array<i32>} : memref<32x128xf32, #tpu.memory_space<vmem>>, vector<1x16xf32>,
        %add3A_883 = arith.constant 0 : i32
        %add3A_884 = arith.addi %add3A_824, %add3A_883 : i32
        %get3A_885 = arith.index_cast %add3A_884 : i32 to index
        %get3A_886 = arith.constant 16 : index
        %get3A_887 = tpu.vector_load %arg8[%get3A_885, %get3A_886] {strides = array<i32>} : memref<448x128xf32, #tpu.memory_space<vmem>>, vector<1x16xf32>,
        %get3A_888 = vector.shape_cast %get3A_887 : vector<1x16xf32> to vector<16xf32>
        %add3A_889 = arith.constant 1 : i32
        %add3A_890 = arith.addi %add3A_824, %add3A_889 : i32
        %get3A_891 = arith.index_cast %add3A_890 : i32 to index
        %get3A_892 = arith.constant 16 : index
        %get3A_893 = tpu.vector_load %arg8[%get3A_891, %get3A_892] {strides = array<i32>} : memref<448x128xf32, #tpu.memory_space<vmem>>, vector<1x16xf32>,
        %get3A_894 = vector.shape_cast %get3A_893 : vector<1x16xf32> to vector<16xf32>
        %add3A_895 = arith.constant 2 : i32
        %add3A_896 = arith.addi %add3A_824, %add3A_895 : i32
        %get3A_897 = arith.index_cast %add3A_896 : i32 to index
        %get3A_898 = arith.constant 16 : index
        %get3A_899 = tpu.vector_load %arg8[%get3A_897, %get3A_898] {strides = array<i32>} : memref<448x128xf32, #tpu.memory_space<vmem>>, vector<1x16xf32>,
        %get3A_900 = vector.shape_cast %get3A_899 : vector<1x16xf32> to vector<16xf32>
        %add3A_901 = arith.constant 3 : i32
        %add3A_902 = arith.addi %add3A_824, %add3A_901 : i32
        %get3A_903 = arith.index_cast %add3A_902 : i32 to index
        %get3A_904 = arith.constant 16 : index
        %get3A_905 = tpu.vector_load %arg8[%get3A_903, %get3A_904] {strides = array<i32>} : memref<448x128xf32, #tpu.memory_space<vmem>>, vector<1x16xf32>,
        %get3A_906 = vector.shape_cast %get3A_905 : vector<1x16xf32> to vector<16xf32>
        %add3A_907 = arith.constant 4 : i32
        %add3A_908 = arith.addi %add3A_824, %add3A_907 : i32
        %get3A_909 = arith.index_cast %add3A_908 : i32 to index
        %get3A_910 = arith.constant 16 : index
        %get3A_911 = tpu.vector_load %arg8[%get3A_909, %get3A_910] {strides = array<i32>} : memref<448x128xf32, #tpu.memory_space<vmem>>, vector<1x16xf32>,
        %get3A_912 = vector.shape_cast %get3A_911 : vector<1x16xf32> to vector<16xf32>
        %add3A_913 = arith.constant 5 : i32
        %add3A_914 = arith.addi %add3A_824, %add3A_913 : i32
        %get3A_915 = arith.index_cast %add3A_914 : i32 to index
        %get3A_916 = arith.constant 16 : index
        %get3A_917 = tpu.vector_load %arg8[%get3A_915, %get3A_916] {strides = array<i32>} : memref<448x128xf32, #tpu.memory_space<vmem>>, vector<1x16xf32>,
        %get3A_918 = vector.shape_cast %get3A_917 : vector<1x16xf32> to vector<16xf32>
        %add3A_919 = arith.constant 6 : i32
        %add3A_920 = arith.addi %add3A_824, %add3A_919 : i32
        %get3A_921 = arith.index_cast %add3A_920 : i32 to index
        %get3A_922 = arith.constant 16 : index
        %get3A_923 = tpu.vector_load %arg8[%get3A_921, %get3A_922] {strides = array<i32>} : memref<448x128xf32, #tpu.memory_space<vmem>>, vector<1x16xf32>,
        %get3A_924 = vector.shape_cast %get3A_923 : vector<1x16xf32> to vector<16xf32>
        %add3A_925 = arith.addf %get3A_888, %get3A_894 : vector<16xf32>
        %add3A_926 = arith.addf %get3A_900, %get3A_906 : vector<16xf32>
        %add3A_927 = arith.addf %get3A_912, %get3A_918 : vector<16xf32>
        %add3A_928 = arith.addf %get3A_924, %get3A_10 : vector<16xf32>
        %add3A_929 = arith.addf %add3A_925, %add3A_926 : vector<16xf32>
        %add3A_930 = arith.addf %add3A_927, %add3A_928 : vector<16xf32>
        %add3A_931 = arith.addf %add3A_929, %add3A_930 : vector<16xf32>
        %swap3A_932 = arith.index_cast %add3A_828 : i32 to index
        %swap3A_933 = arith.constant 16 : index
        %swap3A_934 = tpu.vector_load %arg9[%swap3A_932, %swap3A_933] {strides = array<i32>} : memref<32x128xf32, #tpu.memory_space<vmem>>, vector<1x16xf32>,
        %swap3A_935 = vector.shape_cast %swap3A_934 : vector<1x16xf32> to vector<16xf32>
        %swap3A_936 = vector.shape_cast %add3A_931 : vector<16xf32> to vector<1x16xf32>
        tpu.vector_store %arg9[%swap3A_932, %swap3A_933], %swap3A_936 {strides = array<i32>} : memref<32x128xf32, #tpu.memory_space<vmem>>, vector<1x16xf32>,
        %add3A_937 = arith.constant 0 : i32
        %add3A_938 = arith.addi %add3A_824, %add3A_937 : i32
        %get3A_939 = arith.index_cast %add3A_938 : i32 to index
        %get3A_940 = arith.constant 32 : index
        %get3A_941 = tpu.vector_load %arg8[%get3A_939, %get3A_940] {strides = array<i32>} : memref<448x128xf32, #tpu.memory_space<vmem>>, vector<1x16xf32>,
        %get3A_942 = vector.shape_cast %get3A_941 : vector<1x16xf32> to vector<16xf32>
        %add3A_943 = arith.constant 1 : i32
        %add3A_944 = arith.addi %add3A_824, %add3A_943 : i32
        %get3A_945 = arith.index_cast %add3A_944 : i32 to index
        %get3A_946 = arith.constant 32 : index
        %get3A_947 = tpu.vector_load %arg8[%get3A_945, %get3A_946] {strides = array<i32>} : memref<448x128xf32, #tpu.memory_space<vmem>>, vector<1x16xf32>,
        %get3A_948 = vector.shape_cast %get3A_947 : vector<1x16xf32> to vector<16xf32>
        %add3A_949 = arith.constant 2 : i32
        %add3A_950 = arith.addi %add3A_824, %add3A_949 : i32
        %get3A_951 = arith.index_cast %add3A_950 : i32 to index
        %get3A_952 = arith.constant 32 : index
        %get3A_953 = tpu.vector_load %arg8[%get3A_951, %get3A_952] {strides = array<i32>} : memref<448x128xf32, #tpu.memory_space<vmem>>, vector<1x16xf32>,
        %get3A_954 = vector.shape_cast %get3A_953 : vector<1x16xf32> to vector<16xf32>
        %add3A_955 = arith.constant 3 : i32
        %add3A_956 = arith.addi %add3A_824, %add3A_955 : i32
        %get3A_957 = arith.index_cast %add3A_956 : i32 to index
        %get3A_958 = arith.constant 32 : index
        %get3A_959 = tpu.vector_load %arg8[%get3A_957, %get3A_958] {strides = array<i32>} : memref<448x128xf32, #tpu.memory_space<vmem>>, vector<1x16xf32>,
        %get3A_960 = vector.shape_cast %get3A_959 : vector<1x16xf32> to vector<16xf32>
        %add3A_961 = arith.constant 4 : i32
        %add3A_962 = arith.addi %add3A_824, %add3A_961 : i32
        %get3A_963 = arith.index_cast %add3A_962 : i32 to index
        %get3A_964 = arith.constant 32 : index
        %get3A_965 = tpu.vector_load %arg8[%get3A_963, %get3A_964] {strides = array<i32>} : memref<448x128xf32, #tpu.memory_space<vmem>>, vector<1x16xf32>,
        %get3A_966 = vector.shape_cast %get3A_965 : vector<1x16xf32> to vector<16xf32>
        %add3A_967 = arith.constant 5 : i32
        %add3A_968 = arith.addi %add3A_824, %add3A_967 : i32
        %get3A_969 = arith.index_cast %add3A_968 : i32 to index
        %get3A_970 = arith.constant 32 : index
        %get3A_971 = tpu.vector_load %arg8[%get3A_969, %get3A_970] {strides = array<i32>} : memref<448x128xf32, #tpu.memory_space<vmem>>, vector<1x16xf32>,
        %get3A_972 = vector.shape_cast %get3A_971 : vector<1x16xf32> to vector<16xf32>
        %add3A_973 = arith.constant 6 : i32
        %add3A_974 = arith.addi %add3A_824, %add3A_973 : i32
        %get3A_975 = arith.index_cast %add3A_974 : i32 to index
        %get3A_976 = arith.constant 32 : index
        %get3A_977 = tpu.vector_load %arg8[%get3A_975, %get3A_976] {strides = array<i32>} : memref<448x128xf32, #tpu.memory_space<vmem>>, vector<1x16xf32>,
        %get3A_978 = vector.shape_cast %get3A_977 : vector<1x16xf32> to vector<16xf32>
        %add3A_979 = arith.addf %get3A_942, %get3A_948 : vector<16xf32>
        %add3A_980 = arith.addf %get3A_954, %get3A_960 : vector<16xf32>
        %add3A_981 = arith.addf %get3A_966, %get3A_972 : vector<16xf32>
        %add3A_982 = arith.addf %get3A_978, %get3A_13 : vector<16xf32>
        %add3A_983 = arith.addf %add3A_979, %add3A_980 : vector<16xf32>
        %add3A_984 = arith.addf %add3A_981, %add3A_982 : vector<16xf32>
        %add3A_985 = arith.addf %add3A_983, %add3A_984 : vector<16xf32>
        %swap3A_986 = arith.index_cast %add3A_828 : i32 to index
        %swap3A_987 = arith.constant 32 : index
        %swap3A_988 = tpu.vector_load %arg9[%swap3A_986, %swap3A_987] {strides = array<i32>} : memref<32x128xf32, #tpu.memory_space<vmem>>, vector<1x16xf32>,
        %swap3A_989 = vector.shape_cast %swap3A_988 : vector<1x16xf32> to vector<16xf32>
        %swap3A_990 = vector.shape_cast %add3A_985 : vector<16xf32> to vector<1x16xf32>
        tpu.vector_store %arg9[%swap3A_986, %swap3A_987], %swap3A_990 {strides = array<i32>} : memref<32x128xf32, #tpu.memory_space<vmem>>, vector<1x16xf32>,
        %add3A_991 = arith.constant 0 : i32
        %add3A_992 = arith.addi %add3A_824, %add3A_991 : i32
        %get3A_993 = arith.index_cast %add3A_992 : i32 to index
        %get3A_994 = arith.constant 48 : index
        %get3A_995 = tpu.vector_load %arg8[%get3A_993, %get3A_994] {strides = array<i32>} : memref<448x128xf32, #tpu.memory_space<vmem>>, vector<1x16xf32>,
        %get3A_996 = vector.shape_cast %get3A_995 : vector<1x16xf32> to vector<16xf32>
        %add3A_997 = arith.constant 1 : i32
        %add3A_998 = arith.addi %add3A_824, %add3A_997 : i32
        %get3A_999 = arith.index_cast %add3A_998 : i32 to index
        %get3A_1000 = arith.constant 48 : index
        %get3A_1001 = tpu.vector_load %arg8[%get3A_999, %get3A_1000] {strides = array<i32>} : memref<448x128xf32, #tpu.memory_space<vmem>>, vector<1x16xf32>,
        %get3A_1002 = vector.shape_cast %get3A_1001 : vector<1x16xf32> to vector<16xf32>
        %add3A_1003 = arith.constant 2 : i32
        %add3A_1004 = arith.addi %add3A_824, %add3A_1003 : i32
        %get3A_1005 = arith.index_cast %add3A_1004 : i32 to index
        %get3A_1006 = arith.constant 48 : index
        %get3A_1007 = tpu.vector_load %arg8[%get3A_1005, %get3A_1006] {strides = array<i32>} : memref<448x128xf32, #tpu.memory_space<vmem>>, vector<1x16xf32>,
        %get3A_1008 = vector.shape_cast %get3A_1007 : vector<1x16xf32> to vector<16xf32>
        %add3A_1009 = arith.constant 3 : i32
        %add3A_1010 = arith.addi %add3A_824, %add3A_1009 : i32
        %get3A_1011 = arith.index_cast %add3A_1010 : i32 to index
        %get3A_1012 = arith.constant 48 : index
        %get3A_1013 = tpu.vector_load %arg8[%get3A_1011, %get3A_1012] {strides = array<i32>} : memref<448x128xf32, #tpu.memory_space<vmem>>, vector<1x16xf32>,
        %get3A_1014 = vector.shape_cast %get3A_1013 : vector<1x16xf32> to vector<16xf32>
        %add3A_1015 = arith.constant 4 : i32
        %add3A_1016 = arith.addi %add3A_824, %add3A_1015 : i32
        %get3A_1017 = arith.index_cast %add3A_1016 : i32 to index
        %get3A_1018 = arith.constant 48 : index
        %get3A_1019 = tpu.vector_load %arg8[%get3A_1017, %get3A_1018] {strides = array<i32>} : memref<448x128xf32, #tpu.memory_space<vmem>>, vector<1x16xf32>,
        %get3A_1020 = vector.shape_cast %get3A_1019 : vector<1x16xf32> to vector<16xf32>
        %add3A_1021 = arith.constant 5 : i32
        %add3A_1022 = arith.addi %add3A_824, %add3A_1021 : i32
        %get3A_1023 = arith.index_cast %add3A_1022 : i32 to index
        %get3A_1024 = arith.constant 48 : index
        %get3A_1025 = tpu.vector_load %arg8[%get3A_1023, %get3A_1024] {strides = array<i32>} : memref<448x128xf32, #tpu.memory_space<vmem>>, vector<1x16xf32>,
        %get3A_1026 = vector.shape_cast %get3A_1025 : vector<1x16xf32> to vector<16xf32>
        %add3A_1027 = arith.constant 6 : i32
        %add3A_1028 = arith.addi %add3A_824, %add3A_1027 : i32
        %get3A_1029 = arith.index_cast %add3A_1028 : i32 to index
        %get3A_1030 = arith.constant 48 : index
        %get3A_1031 = tpu.vector_load %arg8[%get3A_1029, %get3A_1030] {strides = array<i32>} : memref<448x128xf32, #tpu.memory_space<vmem>>, vector<1x16xf32>,
        %get3A_1032 = vector.shape_cast %get3A_1031 : vector<1x16xf32> to vector<16xf32>
        %add3A_1033 = arith.addf %get3A_996, %get3A_1002 : vector<16xf32>
        %add3A_1034 = arith.addf %get3A_1008, %get3A_1014 : vector<16xf32>
        %add3A_1035 = arith.addf %get3A_1020, %get3A_1026 : vector<16xf32>
        %add3A_1036 = arith.addf %get3A_1032, %get3A_16 : vector<16xf32>
        %add3A_1037 = arith.addf %add3A_1033, %add3A_1034 : vector<16xf32>
        %add3A_1038 = arith.addf %add3A_1035, %add3A_1036 : vector<16xf32>
        %add3A_1039 = arith.addf %add3A_1037, %add3A_1038 : vector<16xf32>
        %swap3A_1040 = arith.index_cast %add3A_828 : i32 to index
        %swap3A_1041 = arith.constant 48 : index
        %swap3A_1042 = tpu.vector_load %arg9[%swap3A_1040, %swap3A_1041] {strides = array<i32>} : memref<32x128xf32, #tpu.memory_space<vmem>>, vector<1x16xf32>,
        %swap3A_1043 = vector.shape_cast %swap3A_1042 : vector<1x16xf32> to vector<16xf32>
        %swap3A_1044 = vector.shape_cast %add3A_1039 : vector<16xf32> to vector<1x16xf32>
        tpu.vector_store %arg9[%swap3A_1040, %swap3A_1041], %swap3A_1044 {strides = array<i32>} : memref<32x128xf32, #tpu.memory_space<vmem>>, vector<1x16xf32>,
        %add3A_1045 = arith.constant 0 : i32
        %add3A_1046 = arith.addi %add3A_824, %add3A_1045 : i32
        %get3A_1047 = arith.index_cast %add3A_1046 : i32 to index
        %get3A_1048 = arith.constant 64 : index
        %get3A_1049 = tpu.vector_load %arg8[%get3A_1047, %get3A_1048] {strides = array<i32>} : memref<448x128xf32, #tpu.memory_space<vmem>>, vector<1x16xf32>,
        %get3A_1050 = vector.shape_cast %get3A_1049 : vector<1x16xf32> to vector<16xf32>
        %add3A_1051 = arith.constant 1 : i32
        %add3A_1052 = arith.addi %add3A_824, %add3A_1051 : i32
        %get3A_1053 = arith.index_cast %add3A_1052 : i32 to index
        %get3A_1054 = arith.constant 64 : index
        %get3A_1055 = tpu.vector_load %arg8[%get3A_1053, %get3A_1054] {strides = array<i32>} : memref<448x128xf32, #tpu.memory_space<vmem>>, vector<1x16xf32>,
        %get3A_1056 = vector.shape_cast %get3A_1055 : vector<1x16xf32> to vector<16xf32>
        %add3A_1057 = arith.constant 2 : i32
        %add3A_1058 = arith.addi %add3A_824, %add3A_1057 : i32
        %get3A_1059 = arith.index_cast %add3A_1058 : i32 to index
        %get3A_1060 = arith.constant 64 : index
        %get3A_1061 = tpu.vector_load %arg8[%get3A_1059, %get3A_1060] {strides = array<i32>} : memref<448x128xf32, #tpu.memory_space<vmem>>, vector<1x16xf32>,
        %get3A_1062 = vector.shape_cast %get3A_1061 : vector<1x16xf32> to vector<16xf32>
        %add3A_1063 = arith.constant 3 : i32
        %add3A_1064 = arith.addi %add3A_824, %add3A_1063 : i32
        %get3A_1065 = arith.index_cast %add3A_1064 : i32 to index
        %get3A_1066 = arith.constant 64 : index
        %get3A_1067 = tpu.vector_load %arg8[%get3A_1065, %get3A_1066] {strides = array<i32>} : memref<448x128xf32, #tpu.memory_space<vmem>>, vector<1x16xf32>,
        %get3A_1068 = vector.shape_cast %get3A_1067 : vector<1x16xf32> to vector<16xf32>
        %add3A_1069 = arith.constant 4 : i32
        %add3A_1070 = arith.addi %add3A_824, %add3A_1069 : i32
        %get3A_1071 = arith.index_cast %add3A_1070 : i32 to index
        %get3A_1072 = arith.constant 64 : index
        %get3A_1073 = tpu.vector_load %arg8[%get3A_1071, %get3A_1072] {strides = array<i32>} : memref<448x128xf32, #tpu.memory_space<vmem>>, vector<1x16xf32>,
        %get3A_1074 = vector.shape_cast %get3A_1073 : vector<1x16xf32> to vector<16xf32>
        %add3A_1075 = arith.constant 5 : i32
        %add3A_1076 = arith.addi %add3A_824, %add3A_1075 : i32
        %get3A_1077 = arith.index_cast %add3A_1076 : i32 to index
        %get3A_1078 = arith.constant 64 : index
        %get3A_1079 = tpu.vector_load %arg8[%get3A_1077, %get3A_1078] {strides = array<i32>} : memref<448x128xf32, #tpu.memory_space<vmem>>, vector<1x16xf32>,
        %get3A_1080 = vector.shape_cast %get3A_1079 : vector<1x16xf32> to vector<16xf32>
        %add3A_1081 = arith.constant 6 : i32
        %add3A_1082 = arith.addi %add3A_824, %add3A_1081 : i32
        %get3A_1083 = arith.index_cast %add3A_1082 : i32 to index
        %get3A_1084 = arith.constant 64 : index
        %get3A_1085 = tpu.vector_load %arg8[%get3A_1083, %get3A_1084] {strides = array<i32>} : memref<448x128xf32, #tpu.memory_space<vmem>>, vector<1x16xf32>,
        %get3A_1086 = vector.shape_cast %get3A_1085 : vector<1x16xf32> to vector<16xf32>
        %add3A_1087 = arith.addf %get3A_1050, %get3A_1056 : vector<16xf32>
        %add3A_1088 = arith.addf %get3A_1062, %get3A_1068 : vector<16xf32>
        %add3A_1089 = arith.addf %get3A_1074, %get3A_1080 : vector<16xf32>
        %add3A_1090 = arith.addf %get3A_1086, %get3A_19 : vector<16xf32>
        %add3A_1091 = arith.addf %add3A_1087, %add3A_1088 : vector<16xf32>
        %add3A_1092 = arith.addf %add3A_1089, %add3A_1090 : vector<16xf32>
        %add3A_1093 = arith.addf %add3A_1091, %add3A_1092 : vector<16xf32>
        %swap3A_1094 = arith.index_cast %add3A_828 : i32 to index
        %swap3A_1095 = arith.constant 64 : index
        %swap3A_1096 = tpu.vector_load %arg9[%swap3A_1094, %swap3A_1095] {strides = array<i32>} : memref<32x128xf32, #tpu.memory_space<vmem>>, vector<1x16xf32>,
        %swap3A_1097 = vector.shape_cast %swap3A_1096 : vector<1x16xf32> to vector<16xf32>
        %swap3A_1098 = vector.shape_cast %add3A_1093 : vector<16xf32> to vector<1x16xf32>
        tpu.vector_store %arg9[%swap3A_1094, %swap3A_1095], %swap3A_1098 {strides = array<i32>} : memref<32x128xf32, #tpu.memory_space<vmem>>, vector<1x16xf32>,
        %add3A_1099 = arith.constant 0 : i32
        %add3A_1100 = arith.addi %add3A_824, %add3A_1099 : i32
        %get3A_1101 = arith.index_cast %add3A_1100 : i32 to index
        %get3A_1102 = arith.constant 80 : index
        %get3A_1103 = tpu.vector_load %arg8[%get3A_1101, %get3A_1102] {strides = array<i32>} : memref<448x128xf32, #tpu.memory_space<vmem>>, vector<1x16xf32>,
        %get3A_1104 = vector.shape_cast %get3A_1103 : vector<1x16xf32> to vector<16xf32>
        %add3A_1105 = arith.constant 1 : i32
        %add3A_1106 = arith.addi %add3A_824, %add3A_1105 : i32
        %get3A_1107 = arith.index_cast %add3A_1106 : i32 to index
        %get3A_1108 = arith.constant 80 : index
        %get3A_1109 = tpu.vector_load %arg8[%get3A_1107, %get3A_1108] {strides = array<i32>} : memref<448x128xf32, #tpu.memory_space<vmem>>, vector<1x16xf32>,
        %get3A_1110 = vector.shape_cast %get3A_1109 : vector<1x16xf32> to vector<16xf32>
        %add3A_1111 = arith.constant 2 : i32
        %add3A_1112 = arith.addi %add3A_824, %add3A_1111 : i32
        %get3A_1113 = arith.index_cast %add3A_1112 : i32 to index
        %get3A_1114 = arith.constant 80 : index
        %get3A_1115 = tpu.vector_load %arg8[%get3A_1113, %get3A_1114] {strides = array<i32>} : memref<448x128xf32, #tpu.memory_space<vmem>>, vector<1x16xf32>,
        %get3A_1116 = vector.shape_cast %get3A_1115 : vector<1x16xf32> to vector<16xf32>
        %add3A_1117 = arith.constant 3 : i32
        %add3A_1118 = arith.addi %add3A_824, %add3A_1117 : i32
        %get3A_1119 = arith.index_cast %add3A_1118 : i32 to index
        %get3A_1120 = arith.constant 80 : index
        %get3A_1121 = tpu.vector_load %arg8[%get3A_1119, %get3A_1120] {strides = array<i32>} : memref<448x128xf32, #tpu.memory_space<vmem>>, vector<1x16xf32>,
        %get3A_1122 = vector.shape_cast %get3A_1121 : vector<1x16xf32> to vector<16xf32>
        %add3A_1123 = arith.constant 4 : i32
        %add3A_1124 = arith.addi %add3A_824, %add3A_1123 : i32
        %get3A_1125 = arith.index_cast %add3A_1124 : i32 to index
        %get3A_1126 = arith.constant 80 : index
        %get3A_1127 = tpu.vector_load %arg8[%get3A_1125, %get3A_1126] {strides = array<i32>} : memref<448x128xf32, #tpu.memory_space<vmem>>, vector<1x16xf32>,
        %get3A_1128 = vector.shape_cast %get3A_1127 : vector<1x16xf32> to vector<16xf32>
        %add3A_1129 = arith.constant 5 : i32
        %add3A_1130 = arith.addi %add3A_824, %add3A_1129 : i32
        %get3A_1131 = arith.index_cast %add3A_1130 : i32 to index
        %get3A_1132 = arith.constant 80 : index
        %get3A_1133 = tpu.vector_load %arg8[%get3A_1131, %get3A_1132] {strides = array<i32>} : memref<448x128xf32, #tpu.memory_space<vmem>>, vector<1x16xf32>,
        %get3A_1134 = vector.shape_cast %get3A_1133 : vector<1x16xf32> to vector<16xf32>
        %add3A_1135 = arith.constant 6 : i32
        %add3A_1136 = arith.addi %add3A_824, %add3A_1135 : i32
        %get3A_1137 = arith.index_cast %add3A_1136 : i32 to index
        %get3A_1138 = arith.constant 80 : index
        %get3A_1139 = tpu.vector_load %arg8[%get3A_1137, %get3A_1138] {strides = array<i32>} : memref<448x128xf32, #tpu.memory_space<vmem>>, vector<1x16xf32>,
        %get3A_1140 = vector.shape_cast %get3A_1139 : vector<1x16xf32> to vector<16xf32>
        %add3A_1141 = arith.addf %get3A_1104, %get3A_1110 : vector<16xf32>
        %add3A_1142 = arith.addf %get3A_1116, %get3A_1122 : vector<16xf32>
        %add3A_1143 = arith.addf %get3A_1128, %get3A_1134 : vector<16xf32>
        %add3A_1144 = arith.addf %get3A_1140, %get3A_22 : vector<16xf32>
        %add3A_1145 = arith.addf %add3A_1141, %add3A_1142 : vector<16xf32>
        %add3A_1146 = arith.addf %add3A_1143, %add3A_1144 : vector<16xf32>
        %add3A_1147 = arith.addf %add3A_1145, %add3A_1146 : vector<16xf32>
        %swap3A_1148 = arith.index_cast %add3A_828 : i32 to index
        %swap3A_1149 = arith.constant 80 : index
        %swap3A_1150 = tpu.vector_load %arg9[%swap3A_1148, %swap3A_1149] {strides = array<i32>} : memref<32x128xf32, #tpu.memory_space<vmem>>, vector<1x16xf32>,
        %swap3A_1151 = vector.shape_cast %swap3A_1150 : vector<1x16xf32> to vector<16xf32>
        %swap3A_1152 = vector.shape_cast %add3A_1147 : vector<16xf32> to vector<1x16xf32>
        tpu.vector_store %arg9[%swap3A_1148, %swap3A_1149], %swap3A_1152 {strides = array<i32>} : memref<32x128xf32, #tpu.memory_space<vmem>>, vector<1x16xf32>,
        %add3A_1153 = arith.constant 0 : i32
        %add3A_1154 = arith.addi %add3A_824, %add3A_1153 : i32
        %get3A_1155 = arith.index_cast %add3A_1154 : i32 to index
        %get3A_1156 = arith.constant 96 : index
        %get3A_1157 = tpu.vector_load %arg8[%get3A_1155, %get3A_1156] {strides = array<i32>} : memref<448x128xf32, #tpu.memory_space<vmem>>, vector<1x16xf32>,
        %get3A_1158 = vector.shape_cast %get3A_1157 : vector<1x16xf32> to vector<16xf32>
        %add3A_1159 = arith.constant 1 : i32
        %add3A_1160 = arith.addi %add3A_824, %add3A_1159 : i32
        %get3A_1161 = arith.index_cast %add3A_1160 : i32 to index
        %get3A_1162 = arith.constant 96 : index
        %get3A_1163 = tpu.vector_load %arg8[%get3A_1161, %get3A_1162] {strides = array<i32>} : memref<448x128xf32, #tpu.memory_space<vmem>>, vector<1x16xf32>,
        %get3A_1164 = vector.shape_cast %get3A_1163 : vector<1x16xf32> to vector<16xf32>
        %add3A_1165 = arith.constant 2 : i32
        %add3A_1166 = arith.addi %add3A_824, %add3A_1165 : i32
        %get3A_1167 = arith.index_cast %add3A_1166 : i32 to index
        %get3A_1168 = arith.constant 96 : index
        %get3A_1169 = tpu.vector_load %arg8[%get3A_1167, %get3A_1168] {strides = array<i32>} : memref<448x128xf32, #tpu.memory_space<vmem>>, vector<1x16xf32>,
        %get3A_1170 = vector.shape_cast %get3A_1169 : vector<1x16xf32> to vector<16xf32>
        %add3A_1171 = arith.constant 3 : i32
        %add3A_1172 = arith.addi %add3A_824, %add3A_1171 : i32
        %get3A_1173 = arith.index_cast %add3A_1172 : i32 to index
        %get3A_1174 = arith.constant 96 : index
        %get3A_1175 = tpu.vector_load %arg8[%get3A_1173, %get3A_1174] {strides = array<i32>} : memref<448x128xf32, #tpu.memory_space<vmem>>, vector<1x16xf32>,
        %get3A_1176 = vector.shape_cast %get3A_1175 : vector<1x16xf32> to vector<16xf32>
        %add3A_1177 = arith.constant 4 : i32
        %add3A_1178 = arith.addi %add3A_824, %add3A_1177 : i32
        %get3A_1179 = arith.index_cast %add3A_1178 : i32 to index
        %get3A_1180 = arith.constant 96 : index
        %get3A_1181 = tpu.vector_load %arg8[%get3A_1179, %get3A_1180] {strides = array<i32>} : memref<448x128xf32, #tpu.memory_space<vmem>>, vector<1x16xf32>,
        %get3A_1182 = vector.shape_cast %get3A_1181 : vector<1x16xf32> to vector<16xf32>
        %add3A_1183 = arith.constant 5 : i32
        %add3A_1184 = arith.addi %add3A_824, %add3A_1183 : i32
        %get3A_1185 = arith.index_cast %add3A_1184 : i32 to index
        %get3A_1186 = arith.constant 96 : index
        %get3A_1187 = tpu.vector_load %arg8[%get3A_1185, %get3A_1186] {strides = array<i32>} : memref<448x128xf32, #tpu.memory_space<vmem>>, vector<1x16xf32>,
        %get3A_1188 = vector.shape_cast %get3A_1187 : vector<1x16xf32> to vector<16xf32>
        %add3A_1189 = arith.constant 6 : i32
        %add3A_1190 = arith.addi %add3A_824, %add3A_1189 : i32
        %get3A_1191 = arith.index_cast %add3A_1190 : i32 to index
        %get3A_1192 = arith.constant 96 : index
        %get3A_1193 = tpu.vector_load %arg8[%get3A_1191, %get3A_1192] {strides = array<i32>} : memref<448x128xf32, #tpu.memory_space<vmem>>, vector<1x16xf32>,
        %get3A_1194 = vector.shape_cast %get3A_1193 : vector<1x16xf32> to vector<16xf32>
        %add3A_1195 = arith.addf %get3A_1158, %get3A_1164 : vector<16xf32>
        %add3A_1196 = arith.addf %get3A_1170, %get3A_1176 : vector<16xf32>
        %add3A_1197 = arith.addf %get3A_1182, %get3A_1188 : vector<16xf32>
        %add3A_1198 = arith.addf %get3A_1194, %get3A_25 : vector<16xf32>
        %add3A_1199 = arith.addf %add3A_1195, %add3A_1196 : vector<16xf32>
        %add3A_1200 = arith.addf %add3A_1197, %add3A_1198 : vector<16xf32>
        %add3A_1201 = arith.addf %add3A_1199, %add3A_1200 : vector<16xf32>
        %swap3A_1202 = arith.index_cast %add3A_828 : i32 to index
        %swap3A_1203 = arith.constant 96 : index
        %swap3A_1204 = tpu.vector_load %arg9[%swap3A_1202, %swap3A_1203] {strides = array<i32>} : memref<32x128xf32, #tpu.memory_space<vmem>>, vector<1x16xf32>,
        %swap3A_1205 = vector.shape_cast %swap3A_1204 : vector<1x16xf32> to vector<16xf32>
        %swap3A_1206 = vector.shape_cast %add3A_1201 : vector<16xf32> to vector<1x16xf32>
        tpu.vector_store %arg9[%swap3A_1202, %swap3A_1203], %swap3A_1206 {strides = array<i32>} : memref<32x128xf32, #tpu.memory_space<vmem>>, vector<1x16xf32>,
        %add3A_1207 = arith.constant 0 : i32
        %add3A_1208 = arith.addi %add3A_824, %add3A_1207 : i32
        %get3A_1209 = arith.index_cast %add3A_1208 : i32 to index
        %get3A_1210 = arith.constant 112 : index
        %get3A_1211 = tpu.vector_load %arg8[%get3A_1209, %get3A_1210] {strides = array<i32>} : memref<448x128xf32, #tpu.memory_space<vmem>>, vector<1x16xf32>,
        %get3A_1212 = vector.shape_cast %get3A_1211 : vector<1x16xf32> to vector<16xf32>
        %add3A_1213 = arith.constant 1 : i32
        %add3A_1214 = arith.addi %add3A_824, %add3A_1213 : i32
        %get3A_1215 = arith.index_cast %add3A_1214 : i32 to index
        %get3A_1216 = arith.constant 112 : index
        %get3A_1217 = tpu.vector_load %arg8[%get3A_1215, %get3A_1216] {strides = array<i32>} : memref<448x128xf32, #tpu.memory_space<vmem>>, vector<1x16xf32>,
        %get3A_1218 = vector.shape_cast %get3A_1217 : vector<1x16xf32> to vector<16xf32>
        %add3A_1219 = arith.constant 2 : i32
        %add3A_1220 = arith.addi %add3A_824, %add3A_1219 : i32
        %get3A_1221 = arith.index_cast %add3A_1220 : i32 to index
        %get3A_1222 = arith.constant 112 : index
        %get3A_1223 = tpu.vector_load %arg8[%get3A_1221, %get3A_1222] {strides = array<i32>} : memref<448x128xf32, #tpu.memory_space<vmem>>, vector<1x16xf32>,
        %get3A_1224 = vector.shape_cast %get3A_1223 : vector<1x16xf32> to vector<16xf32>
        %add3A_1225 = arith.constant 3 : i32
        %add3A_1226 = arith.addi %add3A_824, %add3A_1225 : i32
        %get3A_1227 = arith.index_cast %add3A_1226 : i32 to index
        %get3A_1228 = arith.constant 112 : index
        %get3A_1229 = tpu.vector_load %arg8[%get3A_1227, %get3A_1228] {strides = array<i32>} : memref<448x128xf32, #tpu.memory_space<vmem>>, vector<1x16xf32>,
        %get3A_1230 = vector.shape_cast %get3A_1229 : vector<1x16xf32> to vector<16xf32>
        %add3A_1231 = arith.constant 4 : i32
        %add3A_1232 = arith.addi %add3A_824, %add3A_1231 : i32
        %get3A_1233 = arith.index_cast %add3A_1232 : i32 to index
        %get3A_1234 = arith.constant 112 : index
        %get3A_1235 = tpu.vector_load %arg8[%get3A_1233, %get3A_1234] {strides = array<i32>} : memref<448x128xf32, #tpu.memory_space<vmem>>, vector<1x16xf32>,
        %get3A_1236 = vector.shape_cast %get3A_1235 : vector<1x16xf32> to vector<16xf32>
        %add3A_1237 = arith.constant 5 : i32
        %add3A_1238 = arith.addi %add3A_824, %add3A_1237 : i32
        %get3A_1239 = arith.index_cast %add3A_1238 : i32 to index
        %get3A_1240 = arith.constant 112 : index
        %get3A_1241 = tpu.vector_load %arg8[%get3A_1239, %get3A_1240] {strides = array<i32>} : memref<448x128xf32, #tpu.memory_space<vmem>>, vector<1x16xf32>,
        %get3A_1242 = vector.shape_cast %get3A_1241 : vector<1x16xf32> to vector<16xf32>
        %add3A_1243 = arith.constant 6 : i32
        %add3A_1244 = arith.addi %add3A_824, %add3A_1243 : i32
        %get3A_1245 = arith.index_cast %add3A_1244 : i32 to index
        %get3A_1246 = arith.constant 112 : index
        %get3A_1247 = tpu.vector_load %arg8[%get3A_1245, %get3A_1246] {strides = array<i32>} : memref<448x128xf32, #tpu.memory_space<vmem>>, vector<1x16xf32>,
        %get3A_1248 = vector.shape_cast %get3A_1247 : vector<1x16xf32> to vector<16xf32>
        %add3A_1249 = arith.addf %get3A_1212, %get3A_1218 : vector<16xf32>
        %add3A_1250 = arith.addf %get3A_1224, %get3A_1230 : vector<16xf32>
        %add3A_1251 = arith.addf %get3A_1236, %get3A_1242 : vector<16xf32>
        %add3A_1252 = arith.addf %get3A_1248, %get3A_28 : vector<16xf32>
        %add3A_1253 = arith.addf %add3A_1249, %add3A_1250 : vector<16xf32>
        %add3A_1254 = arith.addf %add3A_1251, %add3A_1252 : vector<16xf32>
        %add3A_1255 = arith.addf %add3A_1253, %add3A_1254 : vector<16xf32>
        %swap3A_1256 = arith.index_cast %add3A_828 : i32 to index
        %swap3A_1257 = arith.constant 112 : index
        %swap3A_1258 = tpu.vector_load %arg9[%swap3A_1256, %swap3A_1257] {strides = array<i32>} : memref<32x128xf32, #tpu.memory_space<vmem>>, vector<1x16xf32>,
        %swap3A_1259 = vector.shape_cast %swap3A_1258 : vector<1x16xf32> to vector<16xf32>
        %swap3A_1260 = vector.shape_cast %add3A_1255 : vector<16xf32> to vector<1x16xf32>
        tpu.vector_store %arg9[%swap3A_1256, %swap3A_1257], %swap3A_1260 {strides = array<i32>} : memref<32x128xf32, #tpu.memory_space<vmem>>, vector<1x16xf32>,
        %mul3A_1261 = arith.constant 4 : i32
        %mul3A_1262 = arith.muli %scan3A_816, %mul3A_1261 : i32
        %add3A_1263 = arith.constant 1 : i32
        %add3A_1264 = arith.addi %mul3A_1262, %add3A_1263 : i32
        %mul3A_1265 = arith.constant 7 : i32
        %mul3A_1266 = arith.muli %add3A_1264, %mul3A_1265 : i32
        %add3A_1267 = arith.constant 224 : i32
        %add3A_1268 = arith.addi %add3A_1267, %mul3A_1266 : i32
        %mul3A_1269 = arith.constant 4 : i32
        %mul3A_1270 = arith.muli %scan3A_816, %mul3A_1269 : i32
        %add3A_1271 = arith.constant 1 : i32
        %add3A_1272 = arith.addi %mul3A_1270, %add3A_1271 : i32
        %add3A_1273 = arith.constant 0 : i32
        %add3A_1274 = arith.addi %add3A_1268, %add3A_1273 : i32
        %get3A_1275 = arith.index_cast %add3A_1274 : i32 to index
        %get3A_1276 = arith.constant 0 : index
        %get3A_1277 = tpu.vector_load %arg8[%get3A_1275, %get3A_1276] {strides = array<i32>} : memref<448x128xf32, #tpu.memory_space<vmem>>, vector<1x16xf32>,
        %get3A_1278 = vector.shape_cast %get3A_1277 : vector<1x16xf32> to vector<16xf32>
        %add3A_1279 = arith.constant 1 : i32
        %add3A_1280 = arith.addi %add3A_1268, %add3A_1279 : i32
        %get3A_1281 = arith.index_cast %add3A_1280 : i32 to index
        %get3A_1282 = arith.constant 0 : index
        %get3A_1283 = tpu.vector_load %arg8[%get3A_1281, %get3A_1282] {strides = array<i32>} : memref<448x128xf32, #tpu.memory_space<vmem>>, vector<1x16xf32>,
        %get3A_1284 = vector.shape_cast %get3A_1283 : vector<1x16xf32> to vector<16xf32>
        %add3A_1285 = arith.constant 2 : i32
        %add3A_1286 = arith.addi %add3A_1268, %add3A_1285 : i32
        %get3A_1287 = arith.index_cast %add3A_1286 : i32 to index
        %get3A_1288 = arith.constant 0 : index
        %get3A_1289 = tpu.vector_load %arg8[%get3A_1287, %get3A_1288] {strides = array<i32>} : memref<448x128xf32, #tpu.memory_space<vmem>>, vector<1x16xf32>,
        %get3A_1290 = vector.shape_cast %get3A_1289 : vector<1x16xf32> to vector<16xf32>
        %add3A_1291 = arith.constant 3 : i32
        %add3A_1292 = arith.addi %add3A_1268, %add3A_1291 : i32
        %get3A_1293 = arith.index_cast %add3A_1292 : i32 to index
        %get3A_1294 = arith.constant 0 : index
        %get3A_1295 = tpu.vector_load %arg8[%get3A_1293, %get3A_1294] {strides = array<i32>} : memref<448x128xf32, #tpu.memory_space<vmem>>, vector<1x16xf32>,
        %get3A_1296 = vector.shape_cast %get3A_1295 : vector<1x16xf32> to vector<16xf32>
        %add3A_1297 = arith.constant 4 : i32
        %add3A_1298 = arith.addi %add3A_1268, %add3A_1297 : i32
        %get3A_1299 = arith.index_cast %add3A_1298 : i32 to index
        %get3A_1300 = arith.constant 0 : index
        %get3A_1301 = tpu.vector_load %arg8[%get3A_1299, %get3A_1300] {strides = array<i32>} : memref<448x128xf32, #tpu.memory_space<vmem>>, vector<1x16xf32>,
        %get3A_1302 = vector.shape_cast %get3A_1301 : vector<1x16xf32> to vector<16xf32>
        %add3A_1303 = arith.constant 5 : i32
        %add3A_1304 = arith.addi %add3A_1268, %add3A_1303 : i32
        %get3A_1305 = arith.index_cast %add3A_1304 : i32 to index
        %get3A_1306 = arith.constant 0 : index
        %get3A_1307 = tpu.vector_load %arg8[%get3A_1305, %get3A_1306] {strides = array<i32>} : memref<448x128xf32, #tpu.memory_space<vmem>>, vector<1x16xf32>,
        %get3A_1308 = vector.shape_cast %get3A_1307 : vector<1x16xf32> to vector<16xf32>
        %add3A_1309 = arith.constant 6 : i32
        %add3A_1310 = arith.addi %add3A_1268, %add3A_1309 : i32
        %get3A_1311 = arith.index_cast %add3A_1310 : i32 to index
        %get3A_1312 = arith.constant 0 : index
        %get3A_1313 = tpu.vector_load %arg8[%get3A_1311, %get3A_1312] {strides = array<i32>} : memref<448x128xf32, #tpu.memory_space<vmem>>, vector<1x16xf32>,
        %get3A_1314 = vector.shape_cast %get3A_1313 : vector<1x16xf32> to vector<16xf32>
        %add3A_1315 = arith.addf %get3A_1278, %get3A_1284 : vector<16xf32>
        %add3A_1316 = arith.addf %get3A_1290, %get3A_1296 : vector<16xf32>
        %add3A_1317 = arith.addf %get3A_1302, %get3A_1308 : vector<16xf32>
        %add3A_1318 = arith.addf %get3A_1314, %get3A_7 : vector<16xf32>
        %add3A_1319 = arith.addf %add3A_1315, %add3A_1316 : vector<16xf32>
        %add3A_1320 = arith.addf %add3A_1317, %add3A_1318 : vector<16xf32>
        %add3A_1321 = arith.addf %add3A_1319, %add3A_1320 : vector<16xf32>
        %swap3A_1322 = arith.index_cast %add3A_1272 : i32 to index
        %swap3A_1323 = arith.constant 0 : index
        %swap3A_1324 = tpu.vector_load %arg9[%swap3A_1322, %swap3A_1323] {strides = array<i32>} : memref<32x128xf32, #tpu.memory_space<vmem>>, vector<1x16xf32>,
        %swap3A_1325 = vector.shape_cast %swap3A_1324 : vector<1x16xf32> to vector<16xf32>
        %swap3A_1326 = vector.shape_cast %add3A_1321 : vector<16xf32> to vector<1x16xf32>
        tpu.vector_store %arg9[%swap3A_1322, %swap3A_1323], %swap3A_1326 {strides = array<i32>} : memref<32x128xf32, #tpu.memory_space<vmem>>, vector<1x16xf32>,
        %add3A_1327 = arith.constant 0 : i32
        %add3A_1328 = arith.addi %add3A_1268, %add3A_1327 : i32
        %get3A_1329 = arith.index_cast %add3A_1328 : i32 to index
        %get3A_1330 = arith.constant 16 : index
        %get3A_1331 = tpu.vector_load %arg8[%get3A_1329, %get3A_1330] {strides = array<i32>} : memref<448x128xf32, #tpu.memory_space<vmem>>, vector<1x16xf32>,
        %get3A_1332 = vector.shape_cast %get3A_1331 : vector<1x16xf32> to vector<16xf32>
        %add3A_1333 = arith.constant 1 : i32
        %add3A_1334 = arith.addi %add3A_1268, %add3A_1333 : i32
        %get3A_1335 = arith.index_cast %add3A_1334 : i32 to index
        %get3A_1336 = arith.constant 16 : index
        %get3A_1337 = tpu.vector_load %arg8[%get3A_1335, %get3A_1336] {strides = array<i32>} : memref<448x128xf32, #tpu.memory_space<vmem>>, vector<1x16xf32>,
        %get3A_1338 = vector.shape_cast %get3A_1337 : vector<1x16xf32> to vector<16xf32>
        %add3A_1339 = arith.constant 2 : i32
        %add3A_1340 = arith.addi %add3A_1268, %add3A_1339 : i32
        %get3A_1341 = arith.index_cast %add3A_1340 : i32 to index
        %get3A_1342 = arith.constant 16 : index
        %get3A_1343 = tpu.vector_load %arg8[%get3A_1341, %get3A_1342] {strides = array<i32>} : memref<448x128xf32, #tpu.memory_space<vmem>>, vector<1x16xf32>,
        %get3A_1344 = vector.shape_cast %get3A_1343 : vector<1x16xf32> to vector<16xf32>
        %add3A_1345 = arith.constant 3 : i32
        %add3A_1346 = arith.addi %add3A_1268, %add3A_1345 : i32
        %get3A_1347 = arith.index_cast %add3A_1346 : i32 to index
        %get3A_1348 = arith.constant 16 : index
        %get3A_1349 = tpu.vector_load %arg8[%get3A_1347, %get3A_1348] {strides = array<i32>} : memref<448x128xf32, #tpu.memory_space<vmem>>, vector<1x16xf32>,
        %get3A_1350 = vector.shape_cast %get3A_1349 : vector<1x16xf32> to vector<16xf32>
        %add3A_1351 = arith.constant 4 : i32
        %add3A_1352 = arith.addi %add3A_1268, %add3A_1351 : i32
        %get3A_1353 = arith.index_cast %add3A_1352 : i32 to index
        %get3A_1354 = arith.constant 16 : index
        %get3A_1355 = tpu.vector_load %arg8[%get3A_1353, %get3A_1354] {strides = array<i32>} : memref<448x128xf32, #tpu.memory_space<vmem>>, vector<1x16xf32>,
        %get3A_1356 = vector.shape_cast %get3A_1355 : vector<1x16xf32> to vector<16xf32>
        %add3A_1357 = arith.constant 5 : i32
        %add3A_1358 = arith.addi %add3A_1268, %add3A_1357 : i32
        %get3A_1359 = arith.index_cast %add3A_1358 : i32 to index
        %get3A_1360 = arith.constant 16 : index
        %get3A_1361 = tpu.vector_load %arg8[%get3A_1359, %get3A_1360] {strides = array<i32>} : memref<448x128xf32, #tpu.memory_space<vmem>>, vector<1x16xf32>,
        %get3A_1362 = vector.shape_cast %get3A_1361 : vector<1x16xf32> to vector<16xf32>
        %add3A_1363 = arith.constant 6 : i32
        %add3A_1364 = arith.addi %add3A_1268, %add3A_1363 : i32
        %get3A_1365 = arith.index_cast %add3A_1364 : i32 to index
        %get3A_1366 = arith.constant 16 : index
        %get3A_1367 = tpu.vector_load %arg8[%get3A_1365, %get3A_1366] {strides = array<i32>} : memref<448x128xf32, #tpu.memory_space<vmem>>, vector<1x16xf32>,
        %get3A_1368 = vector.shape_cast %get3A_1367 : vector<1x16xf32> to vector<16xf32>
        %add3A_1369 = arith.addf %get3A_1332, %get3A_1338 : vector<16xf32>
        %add3A_1370 = arith.addf %get3A_1344, %get3A_1350 : vector<16xf32>
        %add3A_1371 = arith.addf %get3A_1356, %get3A_1362 : vector<16xf32>
        %add3A_1372 = arith.addf %get3A_1368, %get3A_10 : vector<16xf32>
        %add3A_1373 = arith.addf %add3A_1369, %add3A_1370 : vector<16xf32>
        %add3A_1374 = arith.addf %add3A_1371, %add3A_1372 : vector<16xf32>
        %add3A_1375 = arith.addf %add3A_1373, %add3A_1374 : vector<16xf32>
        %swap3A_1376 = arith.index_cast %add3A_1272 : i32 to index
        %swap3A_1377 = arith.constant 16 : index
        %swap3A_1378 = tpu.vector_load %arg9[%swap3A_1376, %swap3A_1377] {strides = array<i32>} : memref<32x128xf32, #tpu.memory_space<vmem>>, vector<1x16xf32>,
        %swap3A_1379 = vector.shape_cast %swap3A_1378 : vector<1x16xf32> to vector<16xf32>
        %swap3A_1380 = vector.shape_cast %add3A_1375 : vector<16xf32> to vector<1x16xf32>
        tpu.vector_store %arg9[%swap3A_1376, %swap3A_1377], %swap3A_1380 {strides = array<i32>} : memref<32x128xf32, #tpu.memory_space<vmem>>, vector<1x16xf32>,
        %add3A_1381 = arith.constant 0 : i32
        %add3A_1382 = arith.addi %add3A_1268, %add3A_1381 : i32
        %get3A_1383 = arith.index_cast %add3A_1382 : i32 to index
        %get3A_1384 = arith.constant 32 : index
        %get3A_1385 = tpu.vector_load %arg8[%get3A_1383, %get3A_1384] {strides = array<i32>} : memref<448x128xf32, #tpu.memory_space<vmem>>, vector<1x16xf32>,
        %get3A_1386 = vector.shape_cast %get3A_1385 : vector<1x16xf32> to vector<16xf32>
        %add3A_1387 = arith.constant 1 : i32
        %add3A_1388 = arith.addi %add3A_1268, %add3A_1387 : i32
        %get3A_1389 = arith.index_cast %add3A_1388 : i32 to index
        %get3A_1390 = arith.constant 32 : index
        %get3A_1391 = tpu.vector_load %arg8[%get3A_1389, %get3A_1390] {strides = array<i32>} : memref<448x128xf32, #tpu.memory_space<vmem>>, vector<1x16xf32>,
        %get3A_1392 = vector.shape_cast %get3A_1391 : vector<1x16xf32> to vector<16xf32>
        %add3A_1393 = arith.constant 2 : i32
        %add3A_1394 = arith.addi %add3A_1268, %add3A_1393 : i32
        %get3A_1395 = arith.index_cast %add3A_1394 : i32 to index
        %get3A_1396 = arith.constant 32 : index
        %get3A_1397 = tpu.vector_load %arg8[%get3A_1395, %get3A_1396] {strides = array<i32>} : memref<448x128xf32, #tpu.memory_space<vmem>>, vector<1x16xf32>,
        %get3A_1398 = vector.shape_cast %get3A_1397 : vector<1x16xf32> to vector<16xf32>
        %add3A_1399 = arith.constant 3 : i32
        %add3A_1400 = arith.addi %add3A_1268, %add3A_1399 : i32
        %get3A_1401 = arith.index_cast %add3A_1400 : i32 to index
        %get3A_1402 = arith.constant 32 : index
        %get3A_1403 = tpu.vector_load %arg8[%get3A_1401, %get3A_1402] {strides = array<i32>} : memref<448x128xf32, #tpu.memory_space<vmem>>, vector<1x16xf32>,
        %get3A_1404 = vector.shape_cast %get3A_1403 : vector<1x16xf32> to vector<16xf32>
        %add3A_1405 = arith.constant 4 : i32
        %add3A_1406 = arith.addi %add3A_1268, %add3A_1405 : i32
        %get3A_1407 = arith.index_cast %add3A_1406 : i32 to index
        %get3A_1408 = arith.constant 32 : index
        %get3A_1409 = tpu.vector_load %arg8[%get3A_1407, %get3A_1408] {strides = array<i32>} : memref<448x128xf32, #tpu.memory_space<vmem>>, vector<1x16xf32>,
        %get3A_1410 = vector.shape_cast %get3A_1409 : vector<1x16xf32> to vector<16xf32>
        %add3A_1411 = arith.constant 5 : i32
        %add3A_1412 = arith.addi %add3A_1268, %add3A_1411 : i32
        %get3A_1413 = arith.index_cast %add3A_1412 : i32 to index
        %get3A_1414 = arith.constant 32 : index
        %get3A_1415 = tpu.vector_load %arg8[%get3A_1413, %get3A_1414] {strides = array<i32>} : memref<448x128xf32, #tpu.memory_space<vmem>>, vector<1x16xf32>,
        %get3A_1416 = vector.shape_cast %get3A_1415 : vector<1x16xf32> to vector<16xf32>
        %add3A_1417 = arith.constant 6 : i32
        %add3A_1418 = arith.addi %add3A_1268, %add3A_1417 : i32
        %get3A_1419 = arith.index_cast %add3A_1418 : i32 to index
        %get3A_1420 = arith.constant 32 : index
        %get3A_1421 = tpu.vector_load %arg8[%get3A_1419, %get3A_1420] {strides = array<i32>} : memref<448x128xf32, #tpu.memory_space<vmem>>, vector<1x16xf32>,
        %get3A_1422 = vector.shape_cast %get3A_1421 : vector<1x16xf32> to vector<16xf32>
        %add3A_1423 = arith.addf %get3A_1386, %get3A_1392 : vector<16xf32>
        %add3A_1424 = arith.addf %get3A_1398, %get3A_1404 : vector<16xf32>
        %add3A_1425 = arith.addf %get3A_1410, %get3A_1416 : vector<16xf32>
        %add3A_1426 = arith.addf %get3A_1422, %get3A_13 : vector<16xf32>
        %add3A_1427 = arith.addf %add3A_1423, %add3A_1424 : vector<16xf32>
        %add3A_1428 = arith.addf %add3A_1425, %add3A_1426 : vector<16xf32>
        %add3A_1429 = arith.addf %add3A_1427, %add3A_1428 : vector<16xf32>
        %swap3A_1430 = arith.index_cast %add3A_1272 : i32 to index
        %swap3A_1431 = arith.constant 32 : index
        %swap3A_1432 = tpu.vector_load %arg9[%swap3A_1430, %swap3A_1431] {strides = array<i32>} : memref<32x128xf32, #tpu.memory_space<vmem>>, vector<1x16xf32>,
        %swap3A_1433 = vector.shape_cast %swap3A_1432 : vector<1x16xf32> to vector<16xf32>
        %swap3A_1434 = vector.shape_cast %add3A_1429 : vector<16xf32> to vector<1x16xf32>
        tpu.vector_store %arg9[%swap3A_1430, %swap3A_1431], %swap3A_1434 {strides = array<i32>} : memref<32x128xf32, #tpu.memory_space<vmem>>, vector<1x16xf32>,
        %add3A_1435 = arith.constant 0 : i32
        %add3A_1436 = arith.addi %add3A_1268, %add3A_1435 : i32
        %get3A_1437 = arith.index_cast %add3A_1436 : i32 to index
        %get3A_1438 = arith.constant 48 : index
        %get3A_1439 = tpu.vector_load %arg8[%get3A_1437, %get3A_1438] {strides = array<i32>} : memref<448x128xf32, #tpu.memory_space<vmem>>, vector<1x16xf32>,
        %get3A_1440 = vector.shape_cast %get3A_1439 : vector<1x16xf32> to vector<16xf32>
        %add3A_1441 = arith.constant 1 : i32
        %add3A_1442 = arith.addi %add3A_1268, %add3A_1441 : i32
        %get3A_1443 = arith.index_cast %add3A_1442 : i32 to index
        %get3A_1444 = arith.constant 48 : index
        %get3A_1445 = tpu.vector_load %arg8[%get3A_1443, %get3A_1444] {strides = array<i32>} : memref<448x128xf32, #tpu.memory_space<vmem>>, vector<1x16xf32>,
        %get3A_1446 = vector.shape_cast %get3A_1445 : vector<1x16xf32> to vector<16xf32>
        %add3A_1447 = arith.constant 2 : i32
        %add3A_1448 = arith.addi %add3A_1268, %add3A_1447 : i32
        %get3A_1449 = arith.index_cast %add3A_1448 : i32 to index
        %get3A_1450 = arith.constant 48 : index
        %get3A_1451 = tpu.vector_load %arg8[%get3A_1449, %get3A_1450] {strides = array<i32>} : memref<448x128xf32, #tpu.memory_space<vmem>>, vector<1x16xf32>,
        %get3A_1452 = vector.shape_cast %get3A_1451 : vector<1x16xf32> to vector<16xf32>
        %add3A_1453 = arith.constant 3 : i32
        %add3A_1454 = arith.addi %add3A_1268, %add3A_1453 : i32
        %get3A_1455 = arith.index_cast %add3A_1454 : i32 to index
        %get3A_1456 = arith.constant 48 : index
        %get3A_1457 = tpu.vector_load %arg8[%get3A_1455, %get3A_1456] {strides = array<i32>} : memref<448x128xf32, #tpu.memory_space<vmem>>, vector<1x16xf32>,
        %get3A_1458 = vector.shape_cast %get3A_1457 : vector<1x16xf32> to vector<16xf32>
        %add3A_1459 = arith.constant 4 : i32
        %add3A_1460 = arith.addi %add3A_1268, %add3A_1459 : i32
        %get3A_1461 = arith.index_cast %add3A_1460 : i32 to index
        %get3A_1462 = arith.constant 48 : index
        %get3A_1463 = tpu.vector_load %arg8[%get3A_1461, %get3A_1462] {strides = array<i32>} : memref<448x128xf32, #tpu.memory_space<vmem>>, vector<1x16xf32>,
        %get3A_1464 = vector.shape_cast %get3A_1463 : vector<1x16xf32> to vector<16xf32>
        %add3A_1465 = arith.constant 5 : i32
        %add3A_1466 = arith.addi %add3A_1268, %add3A_1465 : i32
        %get3A_1467 = arith.index_cast %add3A_1466 : i32 to index
        %get3A_1468 = arith.constant 48 : index
        %get3A_1469 = tpu.vector_load %arg8[%get3A_1467, %get3A_1468] {strides = array<i32>} : memref<448x128xf32, #tpu.memory_space<vmem>>, vector<1x16xf32>,
        %get3A_1470 = vector.shape_cast %get3A_1469 : vector<1x16xf32> to vector<16xf32>
        %add3A_1471 = arith.constant 6 : i32
        %add3A_1472 = arith.addi %add3A_1268, %add3A_1471 : i32
        %get3A_1473 = arith.index_cast %add3A_1472 : i32 to index
        %get3A_1474 = arith.constant 48 : index
        %get3A_1475 = tpu.vector_load %arg8[%get3A_1473, %get3A_1474] {strides = array<i32>} : memref<448x128xf32, #tpu.memory_space<vmem>>, vector<1x16xf32>,
        %get3A_1476 = vector.shape_cast %get3A_1475 : vector<1x16xf32> to vector<16xf32>
        %add3A_1477 = arith.addf %get3A_1440, %get3A_1446 : vector<16xf32>
        %add3A_1478 = arith.addf %get3A_1452, %get3A_1458 : vector<16xf32>
        %add3A_1479 = arith.addf %get3A_1464, %get3A_1470 : vector<16xf32>
        %add3A_1480 = arith.addf %get3A_1476, %get3A_16 : vector<16xf32>
        %add3A_1481 = arith.addf %add3A_1477, %add3A_1478 : vector<16xf32>
        %add3A_1482 = arith.addf %add3A_1479, %add3A_1480 : vector<16xf32>
        %add3A_1483 = arith.addf %add3A_1481, %add3A_1482 : vector<16xf32>
        %swap3A_1484 = arith.index_cast %add3A_1272 : i32 to index
        %swap3A_1485 = arith.constant 48 : index
        %swap3A_1486 = tpu.vector_load %arg9[%swap3A_1484, %swap3A_1485] {strides = array<i32>} : memref<32x128xf32, #tpu.memory_space<vmem>>, vector<1x16xf32>,
        %swap3A_1487 = vector.shape_cast %swap3A_1486 : vector<1x16xf32> to vector<16xf32>
        %swap3A_1488 = vector.shape_cast %add3A_1483 : vector<16xf32> to vector<1x16xf32>
        tpu.vector_store %arg9[%swap3A_1484, %swap3A_1485], %swap3A_1488 {strides = array<i32>} : memref<32x128xf32, #tpu.memory_space<vmem>>, vector<1x16xf32>,
        %add3A_1489 = arith.constant 0 : i32
        %add3A_1490 = arith.addi %add3A_1268, %add3A_1489 : i32
        %get3A_1491 = arith.index_cast %add3A_1490 : i32 to index
        %get3A_1492 = arith.constant 64 : index
        %get3A_1493 = tpu.vector_load %arg8[%get3A_1491, %get3A_1492] {strides = array<i32>} : memref<448x128xf32, #tpu.memory_space<vmem>>, vector<1x16xf32>,
        %get3A_1494 = vector.shape_cast %get3A_1493 : vector<1x16xf32> to vector<16xf32>
        %add3A_1495 = arith.constant 1 : i32
        %add3A_1496 = arith.addi %add3A_1268, %add3A_1495 : i32
        %get3A_1497 = arith.index_cast %add3A_1496 : i32 to index
        %get3A_1498 = arith.constant 64 : index
        %get3A_1499 = tpu.vector_load %arg8[%get3A_1497, %get3A_1498] {strides = array<i32>} : memref<448x128xf32, #tpu.memory_space<vmem>>, vector<1x16xf32>,
        %get3A_1500 = vector.shape_cast %get3A_1499 : vector<1x16xf32> to vector<16xf32>
        %add3A_1501 = arith.constant 2 : i32
        %add3A_1502 = arith.addi %add3A_1268, %add3A_1501 : i32
        %get3A_1503 = arith.index_cast %add3A_1502 : i32 to index
        %get3A_1504 = arith.constant 64 : index
        %get3A_1505 = tpu.vector_load %arg8[%get3A_1503, %get3A_1504] {strides = array<i32>} : memref<448x128xf32, #tpu.memory_space<vmem>>, vector<1x16xf32>,
        %get3A_1506 = vector.shape_cast %get3A_1505 : vector<1x16xf32> to vector<16xf32>
        %add3A_1507 = arith.constant 3 : i32
        %add3A_1508 = arith.addi %add3A_1268, %add3A_1507 : i32
        %get3A_1509 = arith.index_cast %add3A_1508 : i32 to index
        %get3A_1510 = arith.constant 64 : index
        %get3A_1511 = tpu.vector_load %arg8[%get3A_1509, %get3A_1510] {strides = array<i32>} : memref<448x128xf32, #tpu.memory_space<vmem>>, vector<1x16xf32>,
        %get3A_1512 = vector.shape_cast %get3A_1511 : vector<1x16xf32> to vector<16xf32>
        %add3A_1513 = arith.constant 4 : i32
        %add3A_1514 = arith.addi %add3A_1268, %add3A_1513 : i32
        %get3A_1515 = arith.index_cast %add3A_1514 : i32 to index
        %get3A_1516 = arith.constant 64 : index
        %get3A_1517 = tpu.vector_load %arg8[%get3A_1515, %get3A_1516] {strides = array<i32>} : memref<448x128xf32, #tpu.memory_space<vmem>>, vector<1x16xf32>,
        %get3A_1518 = vector.shape_cast %get3A_1517 : vector<1x16xf32> to vector<16xf32>
        %add3A_1519 = arith.constant 5 : i32
        %add3A_1520 = arith.addi %add3A_1268, %add3A_1519 : i32
        %get3A_1521 = arith.index_cast %add3A_1520 : i32 to index
        %get3A_1522 = arith.constant 64 : index
        %get3A_1523 = tpu.vector_load %arg8[%get3A_1521, %get3A_1522] {strides = array<i32>} : memref<448x128xf32, #tpu.memory_space<vmem>>, vector<1x16xf32>,
        %get3A_1524 = vector.shape_cast %get3A_1523 : vector<1x16xf32> to vector<16xf32>
        %add3A_1525 = arith.constant 6 : i32
        %add3A_1526 = arith.addi %add3A_1268, %add3A_1525 : i32
        %get3A_1527 = arith.index_cast %add3A_1526 : i32 to index
        %get3A_1528 = arith.constant 64 : index
        %get3A_1529 = tpu.vector_load %arg8[%get3A_1527, %get3A_1528] {strides = array<i32>} : memref<448x128xf32, #tpu.memory_space<vmem>>, vector<1x16xf32>,
        %get3A_1530 = vector.shape_cast %get3A_1529 : vector<1x16xf32> to vector<16xf32>
        %add3A_1531 = arith.addf %get3A_1494, %get3A_1500 : vector<16xf32>
        %add3A_1532 = arith.addf %get3A_1506, %get3A_1512 : vector<16xf32>
        %add3A_1533 = arith.addf %get3A_1518, %get3A_1524 : vector<16xf32>
        %add3A_1534 = arith.addf %get3A_1530, %get3A_19 : vector<16xf32>
        %add3A_1535 = arith.addf %add3A_1531, %add3A_1532 : vector<16xf32>
        %add3A_1536 = arith.addf %add3A_1533, %add3A_1534 : vector<16xf32>
        %add3A_1537 = arith.addf %add3A_1535, %add3A_1536 : vector<16xf32>
        %swap3A_1538 = arith.index_cast %add3A_1272 : i32 to index
        %swap3A_1539 = arith.constant 64 : index
        %swap3A_1540 = tpu.vector_load %arg9[%swap3A_1538, %swap3A_1539] {strides = array<i32>} : memref<32x128xf32, #tpu.memory_space<vmem>>, vector<1x16xf32>,
        %swap3A_1541 = vector.shape_cast %swap3A_1540 : vector<1x16xf32> to vector<16xf32>
        %swap3A_1542 = vector.shape_cast %add3A_1537 : vector<16xf32> to vector<1x16xf32>
        tpu.vector_store %arg9[%swap3A_1538, %swap3A_1539], %swap3A_1542 {strides = array<i32>} : memref<32x128xf32, #tpu.memory_space<vmem>>, vector<1x16xf32>,
        %add3A_1543 = arith.constant 0 : i32
        %add3A_1544 = arith.addi %add3A_1268, %add3A_1543 : i32
        %get3A_1545 = arith.index_cast %add3A_1544 : i32 to index
        %get3A_1546 = arith.constant 80 : index
        %get3A_1547 = tpu.vector_load %arg8[%get3A_1545, %get3A_1546] {strides = array<i32>} : memref<448x128xf32, #tpu.memory_space<vmem>>, vector<1x16xf32>,
        %get3A_1548 = vector.shape_cast %get3A_1547 : vector<1x16xf32> to vector<16xf32>
        %add3A_1549 = arith.constant 1 : i32
        %add3A_1550 = arith.addi %add3A_1268, %add3A_1549 : i32
        %get3A_1551 = arith.index_cast %add3A_1550 : i32 to index
        %get3A_1552 = arith.constant 80 : index
        %get3A_1553 = tpu.vector_load %arg8[%get3A_1551, %get3A_1552] {strides = array<i32>} : memref<448x128xf32, #tpu.memory_space<vmem>>, vector<1x16xf32>,
        %get3A_1554 = vector.shape_cast %get3A_1553 : vector<1x16xf32> to vector<16xf32>
        %add3A_1555 = arith.constant 2 : i32
        %add3A_1556 = arith.addi %add3A_1268, %add3A_1555 : i32
        %get3A_1557 = arith.index_cast %add3A_1556 : i32 to index
        %get3A_1558 = arith.constant 80 : index
        %get3A_1559 = tpu.vector_load %arg8[%get3A_1557, %get3A_1558] {strides = array<i32>} : memref<448x128xf32, #tpu.memory_space<vmem>>, vector<1x16xf32>,
        %get3A_1560 = vector.shape_cast %get3A_1559 : vector<1x16xf32> to vector<16xf32>
        %add3A_1561 = arith.constant 3 : i32
        %add3A_1562 = arith.addi %add3A_1268, %add3A_1561 : i32
        %get3A_1563 = arith.index_cast %add3A_1562 : i32 to index
        %get3A_1564 = arith.constant 80 : index
        %get3A_1565 = tpu.vector_load %arg8[%get3A_1563, %get3A_1564] {strides = array<i32>} : memref<448x128xf32, #tpu.memory_space<vmem>>, vector<1x16xf32>,
        %get3A_1566 = vector.shape_cast %get3A_1565 : vector<1x16xf32> to vector<16xf32>
        %add3A_1567 = arith.constant 4 : i32
        %add3A_1568 = arith.addi %add3A_1268, %add3A_1567 : i32
        %get3A_1569 = arith.index_cast %add3A_1568 : i32 to index
        %get3A_1570 = arith.constant 80 : index
        %get3A_1571 = tpu.vector_load %arg8[%get3A_1569, %get3A_1570] {strides = array<i32>} : memref<448x128xf32, #tpu.memory_space<vmem>>, vector<1x16xf32>,
        %get3A_1572 = vector.shape_cast %get3A_1571 : vector<1x16xf32> to vector<16xf32>
        %add3A_1573 = arith.constant 5 : i32
        %add3A_1574 = arith.addi %add3A_1268, %add3A_1573 : i32
        %get3A_1575 = arith.index_cast %add3A_1574 : i32 to index
        %get3A_1576 = arith.constant 80 : index
        %get3A_1577 = tpu.vector_load %arg8[%get3A_1575, %get3A_1576] {strides = array<i32>} : memref<448x128xf32, #tpu.memory_space<vmem>>, vector<1x16xf32>,
        %get3A_1578 = vector.shape_cast %get3A_1577 : vector<1x16xf32> to vector<16xf32>
        %add3A_1579 = arith.constant 6 : i32
        %add3A_1580 = arith.addi %add3A_1268, %add3A_1579 : i32
        %get3A_1581 = arith.index_cast %add3A_1580 : i32 to index
        %get3A_1582 = arith.constant 80 : index
        %get3A_1583 = tpu.vector_load %arg8[%get3A_1581, %get3A_1582] {strides = array<i32>} : memref<448x128xf32, #tpu.memory_space<vmem>>, vector<1x16xf32>,
        %get3A_1584 = vector.shape_cast %get3A_1583 : vector<1x16xf32> to vector<16xf32>
        %add3A_1585 = arith.addf %get3A_1548, %get3A_1554 : vector<16xf32>
        %add3A_1586 = arith.addf %get3A_1560, %get3A_1566 : vector<16xf32>
        %add3A_1587 = arith.addf %get3A_1572, %get3A_1578 : vector<16xf32>
        %add3A_1588 = arith.addf %get3A_1584, %get3A_22 : vector<16xf32>
        %add3A_1589 = arith.addf %add3A_1585, %add3A_1586 : vector<16xf32>
        %add3A_1590 = arith.addf %add3A_1587, %add3A_1588 : vector<16xf32>
        %add3A_1591 = arith.addf %add3A_1589, %add3A_1590 : vector<16xf32>
        %swap3A_1592 = arith.index_cast %add3A_1272 : i32 to index
        %swap3A_1593 = arith.constant 80 : index
        %swap3A_1594 = tpu.vector_load %arg9[%swap3A_1592, %swap3A_1593] {strides = array<i32>} : memref<32x128xf32, #tpu.memory_space<vmem>>, vector<1x16xf32>,
        %swap3A_1595 = vector.shape_cast %swap3A_1594 : vector<1x16xf32> to vector<16xf32>
        %swap3A_1596 = vector.shape_cast %add3A_1591 : vector<16xf32> to vector<1x16xf32>
        tpu.vector_store %arg9[%swap3A_1592, %swap3A_1593], %swap3A_1596 {strides = array<i32>} : memref<32x128xf32, #tpu.memory_space<vmem>>, vector<1x16xf32>,
        %add3A_1597 = arith.constant 0 : i32
        %add3A_1598 = arith.addi %add3A_1268, %add3A_1597 : i32
        %get3A_1599 = arith.index_cast %add3A_1598 : i32 to index
        %get3A_1600 = arith.constant 96 : index
        %get3A_1601 = tpu.vector_load %arg8[%get3A_1599, %get3A_1600] {strides = array<i32>} : memref<448x128xf32, #tpu.memory_space<vmem>>, vector<1x16xf32>,
        %get3A_1602 = vector.shape_cast %get3A_1601 : vector<1x16xf32> to vector<16xf32>
        %add3A_1603 = arith.constant 1 : i32
        %add3A_1604 = arith.addi %add3A_1268, %add3A_1603 : i32
        %get3A_1605 = arith.index_cast %add3A_1604 : i32 to index
        %get3A_1606 = arith.constant 96 : index
        %get3A_1607 = tpu.vector_load %arg8[%get3A_1605, %get3A_1606] {strides = array<i32>} : memref<448x128xf32, #tpu.memory_space<vmem>>, vector<1x16xf32>,
        %get3A_1608 = vector.shape_cast %get3A_1607 : vector<1x16xf32> to vector<16xf32>
        %add3A_1609 = arith.constant 2 : i32
        %add3A_1610 = arith.addi %add3A_1268, %add3A_1609 : i32
        %get3A_1611 = arith.index_cast %add3A_1610 : i32 to index
        %get3A_1612 = arith.constant 96 : index
        %get3A_1613 = tpu.vector_load %arg8[%get3A_1611, %get3A_1612] {strides = array<i32>} : memref<448x128xf32, #tpu.memory_space<vmem>>, vector<1x16xf32>,
        %get3A_1614 = vector.shape_cast %get3A_1613 : vector<1x16xf32> to vector<16xf32>
        %add3A_1615 = arith.constant 3 : i32
        %add3A_1616 = arith.addi %add3A_1268, %add3A_1615 : i32
        %get3A_1617 = arith.index_cast %add3A_1616 : i32 to index
        %get3A_1618 = arith.constant 96 : index
        %get3A_1619 = tpu.vector_load %arg8[%get3A_1617, %get3A_1618] {strides = array<i32>} : memref<448x128xf32, #tpu.memory_space<vmem>>, vector<1x16xf32>,
        %get3A_1620 = vector.shape_cast %get3A_1619 : vector<1x16xf32> to vector<16xf32>
        %add3A_1621 = arith.constant 4 : i32
        %add3A_1622 = arith.addi %add3A_1268, %add3A_1621 : i32
        %get3A_1623 = arith.index_cast %add3A_1622 : i32 to index
        %get3A_1624 = arith.constant 96 : index
        %get3A_1625 = tpu.vector_load %arg8[%get3A_1623, %get3A_1624] {strides = array<i32>} : memref<448x128xf32, #tpu.memory_space<vmem>>, vector<1x16xf32>,
        %get3A_1626 = vector.shape_cast %get3A_1625 : vector<1x16xf32> to vector<16xf32>
        %add3A_1627 = arith.constant 5 : i32
        %add3A_1628 = arith.addi %add3A_1268, %add3A_1627 : i32
        %get3A_1629 = arith.index_cast %add3A_1628 : i32 to index
        %get3A_1630 = arith.constant 96 : index
        %get3A_1631 = tpu.vector_load %arg8[%get3A_1629, %get3A_1630] {strides = array<i32>} : memref<448x128xf32, #tpu.memory_space<vmem>>, vector<1x16xf32>,
        %get3A_1632 = vector.shape_cast %get3A_1631 : vector<1x16xf32> to vector<16xf32>
        %add3A_1633 = arith.constant 6 : i32
        %add3A_1634 = arith.addi %add3A_1268, %add3A_1633 : i32
        %get3A_1635 = arith.index_cast %add3A_1634 : i32 to index
        %get3A_1636 = arith.constant 96 : index
        %get3A_1637 = tpu.vector_load %arg8[%get3A_1635, %get3A_1636] {strides = array<i32>} : memref<448x128xf32, #tpu.memory_space<vmem>>, vector<1x16xf32>,
        %get3A_1638 = vector.shape_cast %get3A_1637 : vector<1x16xf32> to vector<16xf32>
        %add3A_1639 = arith.addf %get3A_1602, %get3A_1608 : vector<16xf32>
        %add3A_1640 = arith.addf %get3A_1614, %get3A_1620 : vector<16xf32>
        %add3A_1641 = arith.addf %get3A_1626, %get3A_1632 : vector<16xf32>
        %add3A_1642 = arith.addf %get3A_1638, %get3A_25 : vector<16xf32>
        %add3A_1643 = arith.addf %add3A_1639, %add3A_1640 : vector<16xf32>
        %add3A_1644 = arith.addf %add3A_1641, %add3A_1642 : vector<16xf32>
        %add3A_1645 = arith.addf %add3A_1643, %add3A_1644 : vector<16xf32>
        %swap3A_1646 = arith.index_cast %add3A_1272 : i32 to index
        %swap3A_1647 = arith.constant 96 : index
        %swap3A_1648 = tpu.vector_load %arg9[%swap3A_1646, %swap3A_1647] {strides = array<i32>} : memref<32x128xf32, #tpu.memory_space<vmem>>, vector<1x16xf32>,
        %swap3A_1649 = vector.shape_cast %swap3A_1648 : vector<1x16xf32> to vector<16xf32>
        %swap3A_1650 = vector.shape_cast %add3A_1645 : vector<16xf32> to vector<1x16xf32>
        tpu.vector_store %arg9[%swap3A_1646, %swap3A_1647], %swap3A_1650 {strides = array<i32>} : memref<32x128xf32, #tpu.memory_space<vmem>>, vector<1x16xf32>,
        %add3A_1651 = arith.constant 0 : i32
        %add3A_1652 = arith.addi %add3A_1268, %add3A_1651 : i32
        %get3A_1653 = arith.index_cast %add3A_1652 : i32 to index
        %get3A_1654 = arith.constant 112 : index
        %get3A_1655 = tpu.vector_load %arg8[%get3A_1653, %get3A_1654] {strides = array<i32>} : memref<448x128xf32, #tpu.memory_space<vmem>>, vector<1x16xf32>,
        %get3A_1656 = vector.shape_cast %get3A_1655 : vector<1x16xf32> to vector<16xf32>
        %add3A_1657 = arith.constant 1 : i32
        %add3A_1658 = arith.addi %add3A_1268, %add3A_1657 : i32
        %get3A_1659 = arith.index_cast %add3A_1658 : i32 to index
        %get3A_1660 = arith.constant 112 : index
        %get3A_1661 = tpu.vector_load %arg8[%get3A_1659, %get3A_1660] {strides = array<i32>} : memref<448x128xf32, #tpu.memory_space<vmem>>, vector<1x16xf32>,
        %get3A_1662 = vector.shape_cast %get3A_1661 : vector<1x16xf32> to vector<16xf32>
        %add3A_1663 = arith.constant 2 : i32
        %add3A_1664 = arith.addi %add3A_1268, %add3A_1663 : i32
        %get3A_1665 = arith.index_cast %add3A_1664 : i32 to index
        %get3A_1666 = arith.constant 112 : index
        %get3A_1667 = tpu.vector_load %arg8[%get3A_1665, %get3A_1666] {strides = array<i32>} : memref<448x128xf32, #tpu.memory_space<vmem>>, vector<1x16xf32>,
        %get3A_1668 = vector.shape_cast %get3A_1667 : vector<1x16xf32> to vector<16xf32>
        %add3A_1669 = arith.constant 3 : i32
        %add3A_1670 = arith.addi %add3A_1268, %add3A_1669 : i32
        %get3A_1671 = arith.index_cast %add3A_1670 : i32 to index
        %get3A_1672 = arith.constant 112 : index
        %get3A_1673 = tpu.vector_load %arg8[%get3A_1671, %get3A_1672] {strides = array<i32>} : memref<448x128xf32, #tpu.memory_space<vmem>>, vector<1x16xf32>,
        %get3A_1674 = vector.shape_cast %get3A_1673 : vector<1x16xf32> to vector<16xf32>
        %add3A_1675 = arith.constant 4 : i32
        %add3A_1676 = arith.addi %add3A_1268, %add3A_1675 : i32
        %get3A_1677 = arith.index_cast %add3A_1676 : i32 to index
        %get3A_1678 = arith.constant 112 : index
        %get3A_1679 = tpu.vector_load %arg8[%get3A_1677, %get3A_1678] {strides = array<i32>} : memref<448x128xf32, #tpu.memory_space<vmem>>, vector<1x16xf32>,
        %get3A_1680 = vector.shape_cast %get3A_1679 : vector<1x16xf32> to vector<16xf32>
        %add3A_1681 = arith.constant 5 : i32
        %add3A_1682 = arith.addi %add3A_1268, %add3A_1681 : i32
        %get3A_1683 = arith.index_cast %add3A_1682 : i32 to index
        %get3A_1684 = arith.constant 112 : index
        %get3A_1685 = tpu.vector_load %arg8[%get3A_1683, %get3A_1684] {strides = array<i32>} : memref<448x128xf32, #tpu.memory_space<vmem>>, vector<1x16xf32>,
        %get3A_1686 = vector.shape_cast %get3A_1685 : vector<1x16xf32> to vector<16xf32>
        %add3A_1687 = arith.constant 6 : i32
        %add3A_1688 = arith.addi %add3A_1268, %add3A_1687 : i32
        %get3A_1689 = arith.index_cast %add3A_1688 : i32 to index
        %get3A_1690 = arith.constant 112 : index
        %get3A_1691 = tpu.vector_load %arg8[%get3A_1689, %get3A_1690] {strides = array<i32>} : memref<448x128xf32, #tpu.memory_space<vmem>>, vector<1x16xf32>,
        %get3A_1692 = vector.shape_cast %get3A_1691 : vector<1x16xf32> to vector<16xf32>
        %add3A_1693 = arith.addf %get3A_1656, %get3A_1662 : vector<16xf32>
        %add3A_1694 = arith.addf %get3A_1668, %get3A_1674 : vector<16xf32>
        %add3A_1695 = arith.addf %get3A_1680, %get3A_1686 : vector<16xf32>
        %add3A_1696 = arith.addf %get3A_1692, %get3A_28 : vector<16xf32>
        %add3A_1697 = arith.addf %add3A_1693, %add3A_1694 : vector<16xf32>
        %add3A_1698 = arith.addf %add3A_1695, %add3A_1696 : vector<16xf32>
        %add3A_1699 = arith.addf %add3A_1697, %add3A_1698 : vector<16xf32>
        %swap3A_1700 = arith.index_cast %add3A_1272 : i32 to index
        %swap3A_1701 = arith.constant 112 : index
        %swap3A_1702 = tpu.vector_load %arg9[%swap3A_1700, %swap3A_1701] {strides = array<i32>} : memref<32x128xf32, #tpu.memory_space<vmem>>, vector<1x16xf32>,
        %swap3A_1703 = vector.shape_cast %swap3A_1702 : vector<1x16xf32> to vector<16xf32>
        %swap3A_1704 = vector.shape_cast %add3A_1699 : vector<16xf32> to vector<1x16xf32>
        tpu.vector_store %arg9[%swap3A_1700, %swap3A_1701], %swap3A_1704 {strides = array<i32>} : memref<32x128xf32, #tpu.memory_space<vmem>>, vector<1x16xf32>,
        %mul3A_1705 = arith.constant 4 : i32
        %mul3A_1706 = arith.muli %scan3A_816, %mul3A_1705 : i32
        %add3A_1707 = arith.constant 2 : i32
        %add3A_1708 = arith.addi %mul3A_1706, %add3A_1707 : i32
        %mul3A_1709 = arith.constant 7 : i32
        %mul3A_1710 = arith.muli %add3A_1708, %mul3A_1709 : i32
        %add3A_1711 = arith.constant 224 : i32
        %add3A_1712 = arith.addi %add3A_1711, %mul3A_1710 : i32
        %mul3A_1713 = arith.constant 4 : i32
        %mul3A_1714 = arith.muli %scan3A_816, %mul3A_1713 : i32
        %add3A_1715 = arith.constant 2 : i32
        %add3A_1716 = arith.addi %mul3A_1714, %add3A_1715 : i32
        %add3A_1717 = arith.constant 0 : i32
        %add3A_1718 = arith.addi %add3A_1712, %add3A_1717 : i32
        %get3A_1719 = arith.index_cast %add3A_1718 : i32 to index
        %get3A_1720 = arith.constant 0 : index
        %get3A_1721 = tpu.vector_load %arg8[%get3A_1719, %get3A_1720] {strides = array<i32>} : memref<448x128xf32, #tpu.memory_space<vmem>>, vector<1x16xf32>,
        %get3A_1722 = vector.shape_cast %get3A_1721 : vector<1x16xf32> to vector<16xf32>
        %add3A_1723 = arith.constant 1 : i32
        %add3A_1724 = arith.addi %add3A_1712, %add3A_1723 : i32
        %get3A_1725 = arith.index_cast %add3A_1724 : i32 to index
        %get3A_1726 = arith.constant 0 : index
        %get3A_1727 = tpu.vector_load %arg8[%get3A_1725, %get3A_1726] {strides = array<i32>} : memref<448x128xf32, #tpu.memory_space<vmem>>, vector<1x16xf32>,
        %get3A_1728 = vector.shape_cast %get3A_1727 : vector<1x16xf32> to vector<16xf32>
        %add3A_1729 = arith.constant 2 : i32
        %add3A_1730 = arith.addi %add3A_1712, %add3A_1729 : i32
        %get3A_1731 = arith.index_cast %add3A_1730 : i32 to index
        %get3A_1732 = arith.constant 0 : index
        %get3A_1733 = tpu.vector_load %arg8[%get3A_1731, %get3A_1732] {strides = array<i32>} : memref<448x128xf32, #tpu.memory_space<vmem>>, vector<1x16xf32>,
        %get3A_1734 = vector.shape_cast %get3A_1733 : vector<1x16xf32> to vector<16xf32>
        %add3A_1735 = arith.constant 3 : i32
        %add3A_1736 = arith.addi %add3A_1712, %add3A_1735 : i32
        %get3A_1737 = arith.index_cast %add3A_1736 : i32 to index
        %get3A_1738 = arith.constant 0 : index
        %get3A_1739 = tpu.vector_load %arg8[%get3A_1737, %get3A_1738] {strides = array<i32>} : memref<448x128xf32, #tpu.memory_space<vmem>>, vector<1x16xf32>,
        %get3A_1740 = vector.shape_cast %get3A_1739 : vector<1x16xf32> to vector<16xf32>
        %add3A_1741 = arith.constant 4 : i32
        %add3A_1742 = arith.addi %add3A_1712, %add3A_1741 : i32
        %get3A_1743 = arith.index_cast %add3A_1742 : i32 to index
        %get3A_1744 = arith.constant 0 : index
        %get3A_1745 = tpu.vector_load %arg8[%get3A_1743, %get3A_1744] {strides = array<i32>} : memref<448x128xf32, #tpu.memory_space<vmem>>, vector<1x16xf32>,
        %get3A_1746 = vector.shape_cast %get3A_1745 : vector<1x16xf32> to vector<16xf32>
        %add3A_1747 = arith.constant 5 : i32
        %add3A_1748 = arith.addi %add3A_1712, %add3A_1747 : i32
        %get3A_1749 = arith.index_cast %add3A_1748 : i32 to index
        %get3A_1750 = arith.constant 0 : index
        %get3A_1751 = tpu.vector_load %arg8[%get3A_1749, %get3A_1750] {strides = array<i32>} : memref<448x128xf32, #tpu.memory_space<vmem>>, vector<1x16xf32>,
        %get3A_1752 = vector.shape_cast %get3A_1751 : vector<1x16xf32> to vector<16xf32>
        %add3A_1753 = arith.constant 6 : i32
        %add3A_1754 = arith.addi %add3A_1712, %add3A_1753 : i32
        %get3A_1755 = arith.index_cast %add3A_1754 : i32 to index
        %get3A_1756 = arith.constant 0 : index
        %get3A_1757 = tpu.vector_load %arg8[%get3A_1755, %get3A_1756] {strides = array<i32>} : memref<448x128xf32, #tpu.memory_space<vmem>>, vector<1x16xf32>,
        %get3A_1758 = vector.shape_cast %get3A_1757 : vector<1x16xf32> to vector<16xf32>
        %add3A_1759 = arith.addf %get3A_1722, %get3A_1728 : vector<16xf32>
        %add3A_1760 = arith.addf %get3A_1734, %get3A_1740 : vector<16xf32>
        %add3A_1761 = arith.addf %get3A_1746, %get3A_1752 : vector<16xf32>
        %add3A_1762 = arith.addf %get3A_1758, %get3A_7 : vector<16xf32>
        %add3A_1763 = arith.addf %add3A_1759, %add3A_1760 : vector<16xf32>
        %add3A_1764 = arith.addf %add3A_1761, %add3A_1762 : vector<16xf32>
        %add3A_1765 = arith.addf %add3A_1763, %add3A_1764 : vector<16xf32>
        %swap3A_1766 = arith.index_cast %add3A_1716 : i32 to index
        %swap3A_1767 = arith.constant 0 : index
        %swap3A_1768 = tpu.vector_load %arg9[%swap3A_1766, %swap3A_1767] {strides = array<i32>} : memref<32x128xf32, #tpu.memory_space<vmem>>, vector<1x16xf32>,
        %swap3A_1769 = vector.shape_cast %swap3A_1768 : vector<1x16xf32> to vector<16xf32>
        %swap3A_1770 = vector.shape_cast %add3A_1765 : vector<16xf32> to vector<1x16xf32>
        tpu.vector_store %arg9[%swap3A_1766, %swap3A_1767], %swap3A_1770 {strides = array<i32>} : memref<32x128xf32, #tpu.memory_space<vmem>>, vector<1x16xf32>,
        %add3A_1771 = arith.constant 0 : i32
        %add3A_1772 = arith.addi %add3A_1712, %add3A_1771 : i32
        %get3A_1773 = arith.index_cast %add3A_1772 : i32 to index
        %get3A_1774 = arith.constant 16 : index
        %get3A_1775 = tpu.vector_load %arg8[%get3A_1773, %get3A_1774] {strides = array<i32>} : memref<448x128xf32, #tpu.memory_space<vmem>>, vector<1x16xf32>,
        %get3A_1776 = vector.shape_cast %get3A_1775 : vector<1x16xf32> to vector<16xf32>
        %add3A_1777 = arith.constant 1 : i32
        %add3A_1778 = arith.addi %add3A_1712, %add3A_1777 : i32
        %get3A_1779 = arith.index_cast %add3A_1778 : i32 to index
        %get3A_1780 = arith.constant 16 : index
        %get3A_1781 = tpu.vector_load %arg8[%get3A_1779, %get3A_1780] {strides = array<i32>} : memref<448x128xf32, #tpu.memory_space<vmem>>, vector<1x16xf32>,
        %get3A_1782 = vector.shape_cast %get3A_1781 : vector<1x16xf32> to vector<16xf32>
        %add3A_1783 = arith.constant 2 : i32
        %add3A_1784 = arith.addi %add3A_1712, %add3A_1783 : i32
        %get3A_1785 = arith.index_cast %add3A_1784 : i32 to index
        %get3A_1786 = arith.constant 16 : index
        %get3A_1787 = tpu.vector_load %arg8[%get3A_1785, %get3A_1786] {strides = array<i32>} : memref<448x128xf32, #tpu.memory_space<vmem>>, vector<1x16xf32>,
        %get3A_1788 = vector.shape_cast %get3A_1787 : vector<1x16xf32> to vector<16xf32>
        %add3A_1789 = arith.constant 3 : i32
        %add3A_1790 = arith.addi %add3A_1712, %add3A_1789 : i32
        %get3A_1791 = arith.index_cast %add3A_1790 : i32 to index
        %get3A_1792 = arith.constant 16 : index
        %get3A_1793 = tpu.vector_load %arg8[%get3A_1791, %get3A_1792] {strides = array<i32>} : memref<448x128xf32, #tpu.memory_space<vmem>>, vector<1x16xf32>,
        %get3A_1794 = vector.shape_cast %get3A_1793 : vector<1x16xf32> to vector<16xf32>
        %add3A_1795 = arith.constant 4 : i32
        %add3A_1796 = arith.addi %add3A_1712, %add3A_1795 : i32
        %get3A_1797 = arith.index_cast %add3A_1796 : i32 to index
        %get3A_1798 = arith.constant 16 : index
        %get3A_1799 = tpu.vector_load %arg8[%get3A_1797, %get3A_1798] {strides = array<i32>} : memref<448x128xf32, #tpu.memory_space<vmem>>, vector<1x16xf32>,
        %get3A_1800 = vector.shape_cast %get3A_1799 : vector<1x16xf32> to vector<16xf32>
        %add3A_1801 = arith.constant 5 : i32
        %add3A_1802 = arith.addi %add3A_1712, %add3A_1801 : i32
        %get3A_1803 = arith.index_cast %add3A_1802 : i32 to index
        %get3A_1804 = arith.constant 16 : index
        %get3A_1805 = tpu.vector_load %arg8[%get3A_1803, %get3A_1804] {strides = array<i32>} : memref<448x128xf32, #tpu.memory_space<vmem>>, vector<1x16xf32>,
        %get3A_1806 = vector.shape_cast %get3A_1805 : vector<1x16xf32> to vector<16xf32>
        %add3A_1807 = arith.constant 6 : i32
        %add3A_1808 = arith.addi %add3A_1712, %add3A_1807 : i32
        %get3A_1809 = arith.index_cast %add3A_1808 : i32 to index
        %get3A_1810 = arith.constant 16 : index
        %get3A_1811 = tpu.vector_load %arg8[%get3A_1809, %get3A_1810] {strides = array<i32>} : memref<448x128xf32, #tpu.memory_space<vmem>>, vector<1x16xf32>,
        %get3A_1812 = vector.shape_cast %get3A_1811 : vector<1x16xf32> to vector<16xf32>
        %add3A_1813 = arith.addf %get3A_1776, %get3A_1782 : vector<16xf32>
        %add3A_1814 = arith.addf %get3A_1788, %get3A_1794 : vector<16xf32>
        %add3A_1815 = arith.addf %get3A_1800, %get3A_1806 : vector<16xf32>
        %add3A_1816 = arith.addf %get3A_1812, %get3A_10 : vector<16xf32>
        %add3A_1817 = arith.addf %add3A_1813, %add3A_1814 : vector<16xf32>
        %add3A_1818 = arith.addf %add3A_1815, %add3A_1816 : vector<16xf32>
        %add3A_1819 = arith.addf %add3A_1817, %add3A_1818 : vector<16xf32>
        %swap3A_1820 = arith.index_cast %add3A_1716 : i32 to index
        %swap3A_1821 = arith.constant 16 : index
        %swap3A_1822 = tpu.vector_load %arg9[%swap3A_1820, %swap3A_1821] {strides = array<i32>} : memref<32x128xf32, #tpu.memory_space<vmem>>, vector<1x16xf32>,
        %swap3A_1823 = vector.shape_cast %swap3A_1822 : vector<1x16xf32> to vector<16xf32>
        %swap3A_1824 = vector.shape_cast %add3A_1819 : vector<16xf32> to vector<1x16xf32>
        tpu.vector_store %arg9[%swap3A_1820, %swap3A_1821], %swap3A_1824 {strides = array<i32>} : memref<32x128xf32, #tpu.memory_space<vmem>>, vector<1x16xf32>,
        %add3A_1825 = arith.constant 0 : i32
        %add3A_1826 = arith.addi %add3A_1712, %add3A_1825 : i32
        %get3A_1827 = arith.index_cast %add3A_1826 : i32 to index
        %get3A_1828 = arith.constant 32 : index
        %get3A_1829 = tpu.vector_load %arg8[%get3A_1827, %get3A_1828] {strides = array<i32>} : memref<448x128xf32, #tpu.memory_space<vmem>>, vector<1x16xf32>,
        %get3A_1830 = vector.shape_cast %get3A_1829 : vector<1x16xf32> to vector<16xf32>
        %add3A_1831 = arith.constant 1 : i32
        %add3A_1832 = arith.addi %add3A_1712, %add3A_1831 : i32
        %get3A_1833 = arith.index_cast %add3A_1832 : i32 to index
        %get3A_1834 = arith.constant 32 : index
        %get3A_1835 = tpu.vector_load %arg8[%get3A_1833, %get3A_1834] {strides = array<i32>} : memref<448x128xf32, #tpu.memory_space<vmem>>, vector<1x16xf32>,
        %get3A_1836 = vector.shape_cast %get3A_1835 : vector<1x16xf32> to vector<16xf32>
        %add3A_1837 = arith.constant 2 : i32
        %add3A_1838 = arith.addi %add3A_1712, %add3A_1837 : i32
        %get3A_1839 = arith.index_cast %add3A_1838 : i32 to index
        %get3A_1840 = arith.constant 32 : index
        %get3A_1841 = tpu.vector_load %arg8[%get3A_1839, %get3A_1840] {strides = array<i32>} : memref<448x128xf32, #tpu.memory_space<vmem>>, vector<1x16xf32>,
        %get3A_1842 = vector.shape_cast %get3A_1841 : vector<1x16xf32> to vector<16xf32>
        %add3A_1843 = arith.constant 3 : i32
        %add3A_1844 = arith.addi %add3A_1712, %add3A_1843 : i32
        %get3A_1845 = arith.index_cast %add3A_1844 : i32 to index
        %get3A_1846 = arith.constant 32 : index
        %get3A_1847 = tpu.vector_load %arg8[%get3A_1845, %get3A_1846] {strides = array<i32>} : memref<448x128xf32, #tpu.memory_space<vmem>>, vector<1x16xf32>,
        %get3A_1848 = vector.shape_cast %get3A_1847 : vector<1x16xf32> to vector<16xf32>
        %add3A_1849 = arith.constant 4 : i32
        %add3A_1850 = arith.addi %add3A_1712, %add3A_1849 : i32
        %get3A_1851 = arith.index_cast %add3A_1850 : i32 to index
        %get3A_1852 = arith.constant 32 : index
        %get3A_1853 = tpu.vector_load %arg8[%get3A_1851, %get3A_1852] {strides = array<i32>} : memref<448x128xf32, #tpu.memory_space<vmem>>, vector<1x16xf32>,
        %get3A_1854 = vector.shape_cast %get3A_1853 : vector<1x16xf32> to vector<16xf32>
        %add3A_1855 = arith.constant 5 : i32
        %add3A_1856 = arith.addi %add3A_1712, %add3A_1855 : i32
        %get3A_1857 = arith.index_cast %add3A_1856 : i32 to index
        %get3A_1858 = arith.constant 32 : index
        %get3A_1859 = tpu.vector_load %arg8[%get3A_1857, %get3A_1858] {strides = array<i32>} : memref<448x128xf32, #tpu.memory_space<vmem>>, vector<1x16xf32>,
        %get3A_1860 = vector.shape_cast %get3A_1859 : vector<1x16xf32> to vector<16xf32>
        %add3A_1861 = arith.constant 6 : i32
        %add3A_1862 = arith.addi %add3A_1712, %add3A_1861 : i32
        %get3A_1863 = arith.index_cast %add3A_1862 : i32 to index
        %get3A_1864 = arith.constant 32 : index
        %get3A_1865 = tpu.vector_load %arg8[%get3A_1863, %get3A_1864] {strides = array<i32>} : memref<448x128xf32, #tpu.memory_space<vmem>>, vector<1x16xf32>,
        %get3A_1866 = vector.shape_cast %get3A_1865 : vector<1x16xf32> to vector<16xf32>
        %add3A_1867 = arith.addf %get3A_1830, %get3A_1836 : vector<16xf32>
        %add3A_1868 = arith.addf %get3A_1842, %get3A_1848 : vector<16xf32>
        %add3A_1869 = arith.addf %get3A_1854, %get3A_1860 : vector<16xf32>
        %add3A_1870 = arith.addf %get3A_1866, %get3A_13 : vector<16xf32>
        %add3A_1871 = arith.addf %add3A_1867, %add3A_1868 : vector<16xf32>
        %add3A_1872 = arith.addf %add3A_1869, %add3A_1870 : vector<16xf32>
        %add3A_1873 = arith.addf %add3A_1871, %add3A_1872 : vector<16xf32>
        %swap3A_1874 = arith.index_cast %add3A_1716 : i32 to index
        %swap3A_1875 = arith.constant 32 : index
        %swap3A_1876 = tpu.vector_load %arg9[%swap3A_1874, %swap3A_1875] {strides = array<i32>} : memref<32x128xf32, #tpu.memory_space<vmem>>, vector<1x16xf32>,
        %swap3A_1877 = vector.shape_cast %swap3A_1876 : vector<1x16xf32> to vector<16xf32>
        %swap3A_1878 = vector.shape_cast %add3A_1873 : vector<16xf32> to vector<1x16xf32>
        tpu.vector_store %arg9[%swap3A_1874, %swap3A_1875], %swap3A_1878 {strides = array<i32>} : memref<32x128xf32, #tpu.memory_space<vmem>>, vector<1x16xf32>,
        %add3A_1879 = arith.constant 0 : i32
        %add3A_1880 = arith.addi %add3A_1712, %add3A_1879 : i32
        %get3A_1881 = arith.index_cast %add3A_1880 : i32 to index
        %get3A_1882 = arith.constant 48 : index
        %get3A_1883 = tpu.vector_load %arg8[%get3A_1881, %get3A_1882] {strides = array<i32>} : memref<448x128xf32, #tpu.memory_space<vmem>>, vector<1x16xf32>,
        %get3A_1884 = vector.shape_cast %get3A_1883 : vector<1x16xf32> to vector<16xf32>
        %add3A_1885 = arith.constant 1 : i32
        %add3A_1886 = arith.addi %add3A_1712, %add3A_1885 : i32
        %get3A_1887 = arith.index_cast %add3A_1886 : i32 to index
        %get3A_1888 = arith.constant 48 : index
        %get3A_1889 = tpu.vector_load %arg8[%get3A_1887, %get3A_1888] {strides = array<i32>} : memref<448x128xf32, #tpu.memory_space<vmem>>, vector<1x16xf32>,
        %get3A_1890 = vector.shape_cast %get3A_1889 : vector<1x16xf32> to vector<16xf32>
        %add3A_1891 = arith.constant 2 : i32
        %add3A_1892 = arith.addi %add3A_1712, %add3A_1891 : i32
        %get3A_1893 = arith.index_cast %add3A_1892 : i32 to index
        %get3A_1894 = arith.constant 48 : index
        %get3A_1895 = tpu.vector_load %arg8[%get3A_1893, %get3A_1894] {strides = array<i32>} : memref<448x128xf32, #tpu.memory_space<vmem>>, vector<1x16xf32>,
        %get3A_1896 = vector.shape_cast %get3A_1895 : vector<1x16xf32> to vector<16xf32>
        %add3A_1897 = arith.constant 3 : i32
        %add3A_1898 = arith.addi %add3A_1712, %add3A_1897 : i32
        %get3A_1899 = arith.index_cast %add3A_1898 : i32 to index
        %get3A_1900 = arith.constant 48 : index
        %get3A_1901 = tpu.vector_load %arg8[%get3A_1899, %get3A_1900] {strides = array<i32>} : memref<448x128xf32, #tpu.memory_space<vmem>>, vector<1x16xf32>,
        %get3A_1902 = vector.shape_cast %get3A_1901 : vector<1x16xf32> to vector<16xf32>
        %add3A_1903 = arith.constant 4 : i32
        %add3A_1904 = arith.addi %add3A_1712, %add3A_1903 : i32
        %get3A_1905 = arith.index_cast %add3A_1904 : i32 to index
        %get3A_1906 = arith.constant 48 : index
        %get3A_1907 = tpu.vector_load %arg8[%get3A_1905, %get3A_1906] {strides = array<i32>} : memref<448x128xf32, #tpu.memory_space<vmem>>, vector<1x16xf32>,
        %get3A_1908 = vector.shape_cast %get3A_1907 : vector<1x16xf32> to vector<16xf32>
        %add3A_1909 = arith.constant 5 : i32
        %add3A_1910 = arith.addi %add3A_1712, %add3A_1909 : i32
        %get3A_1911 = arith.index_cast %add3A_1910 : i32 to index
        %get3A_1912 = arith.constant 48 : index
        %get3A_1913 = tpu.vector_load %arg8[%get3A_1911, %get3A_1912] {strides = array<i32>} : memref<448x128xf32, #tpu.memory_space<vmem>>, vector<1x16xf32>,
        %get3A_1914 = vector.shape_cast %get3A_1913 : vector<1x16xf32> to vector<16xf32>
        %add3A_1915 = arith.constant 6 : i32
        %add3A_1916 = arith.addi %add3A_1712, %add3A_1915 : i32
        %get3A_1917 = arith.index_cast %add3A_1916 : i32 to index
        %get3A_1918 = arith.constant 48 : index
        %get3A_1919 = tpu.vector_load %arg8[%get3A_1917, %get3A_1918] {strides = array<i32>} : memref<448x128xf32, #tpu.memory_space<vmem>>, vector<1x16xf32>,
        %get3A_1920 = vector.shape_cast %get3A_1919 : vector<1x16xf32> to vector<16xf32>
        %add3A_1921 = arith.addf %get3A_1884, %get3A_1890 : vector<16xf32>
        %add3A_1922 = arith.addf %get3A_1896, %get3A_1902 : vector<16xf32>
        %add3A_1923 = arith.addf %get3A_1908, %get3A_1914 : vector<16xf32>
        %add3A_1924 = arith.addf %get3A_1920, %get3A_16 : vector<16xf32>
        %add3A_1925 = arith.addf %add3A_1921, %add3A_1922 : vector<16xf32>
        %add3A_1926 = arith.addf %add3A_1923, %add3A_1924 : vector<16xf32>
        %add3A_1927 = arith.addf %add3A_1925, %add3A_1926 : vector<16xf32>
        %swap3A_1928 = arith.index_cast %add3A_1716 : i32 to index
        %swap3A_1929 = arith.constant 48 : index
        %swap3A_1930 = tpu.vector_load %arg9[%swap3A_1928, %swap3A_1929] {strides = array<i32>} : memref<32x128xf32, #tpu.memory_space<vmem>>, vector<1x16xf32>,
        %swap3A_1931 = vector.shape_cast %swap3A_1930 : vector<1x16xf32> to vector<16xf32>
        %swap3A_1932 = vector.shape_cast %add3A_1927 : vector<16xf32> to vector<1x16xf32>
        tpu.vector_store %arg9[%swap3A_1928, %swap3A_1929], %swap3A_1932 {strides = array<i32>} : memref<32x128xf32, #tpu.memory_space<vmem>>, vector<1x16xf32>,
        %add3A_1933 = arith.constant 0 : i32
        %add3A_1934 = arith.addi %add3A_1712, %add3A_1933 : i32
        %get3A_1935 = arith.index_cast %add3A_1934 : i32 to index
        %get3A_1936 = arith.constant 64 : index
        %get3A_1937 = tpu.vector_load %arg8[%get3A_1935, %get3A_1936] {strides = array<i32>} : memref<448x128xf32, #tpu.memory_space<vmem>>, vector<1x16xf32>,
        %get3A_1938 = vector.shape_cast %get3A_1937 : vector<1x16xf32> to vector<16xf32>
        %add3A_1939 = arith.constant 1 : i32
        %add3A_1940 = arith.addi %add3A_1712, %add3A_1939 : i32
        %get3A_1941 = arith.index_cast %add3A_1940 : i32 to index
        %get3A_1942 = arith.constant 64 : index
        %get3A_1943 = tpu.vector_load %arg8[%get3A_1941, %get3A_1942] {strides = array<i32>} : memref<448x128xf32, #tpu.memory_space<vmem>>, vector<1x16xf32>,
        %get3A_1944 = vector.shape_cast %get3A_1943 : vector<1x16xf32> to vector<16xf32>
        %add3A_1945 = arith.constant 2 : i32
        %add3A_1946 = arith.addi %add3A_1712, %add3A_1945 : i32
        %get3A_1947 = arith.index_cast %add3A_1946 : i32 to index
        %get3A_1948 = arith.constant 64 : index
        %get3A_1949 = tpu.vector_load %arg8[%get3A_1947, %get3A_1948] {strides = array<i32>} : memref<448x128xf32, #tpu.memory_space<vmem>>, vector<1x16xf32>,
        %get3A_1950 = vector.shape_cast %get3A_1949 : vector<1x16xf32> to vector<16xf32>
        %add3A_1951 = arith.constant 3 : i32
        %add3A_1952 = arith.addi %add3A_1712, %add3A_1951 : i32
        %get3A_1953 = arith.index_cast %add3A_1952 : i32 to index
        %get3A_1954 = arith.constant 64 : index
        %get3A_1955 = tpu.vector_load %arg8[%get3A_1953, %get3A_1954] {strides = array<i32>} : memref<448x128xf32, #tpu.memory_space<vmem>>, vector<1x16xf32>,
        %get3A_1956 = vector.shape_cast %get3A_1955 : vector<1x16xf32> to vector<16xf32>
        %add3A_1957 = arith.constant 4 : i32
        %add3A_1958 = arith.addi %add3A_1712, %add3A_1957 : i32
        %get3A_1959 = arith.index_cast %add3A_1958 : i32 to index
        %get3A_1960 = arith.constant 64 : index
        %get3A_1961 = tpu.vector_load %arg8[%get3A_1959, %get3A_1960] {strides = array<i32>} : memref<448x128xf32, #tpu.memory_space<vmem>>, vector<1x16xf32>,
        %get3A_1962 = vector.shape_cast %get3A_1961 : vector<1x16xf32> to vector<16xf32>
        %add3A_1963 = arith.constant 5 : i32
        %add3A_1964 = arith.addi %add3A_1712, %add3A_1963 : i32
        %get3A_1965 = arith.index_cast %add3A_1964 : i32 to index
        %get3A_1966 = arith.constant 64 : index
        %get3A_1967 = tpu.vector_load %arg8[%get3A_1965, %get3A_1966] {strides = array<i32>} : memref<448x128xf32, #tpu.memory_space<vmem>>, vector<1x16xf32>,
        %get3A_1968 = vector.shape_cast %get3A_1967 : vector<1x16xf32> to vector<16xf32>
        %add3A_1969 = arith.constant 6 : i32
        %add3A_1970 = arith.addi %add3A_1712, %add3A_1969 : i32
        %get3A_1971 = arith.index_cast %add3A_1970 : i32 to index
        %get3A_1972 = arith.constant 64 : index
        %get3A_1973 = tpu.vector_load %arg8[%get3A_1971, %get3A_1972] {strides = array<i32>} : memref<448x128xf32, #tpu.memory_space<vmem>>, vector<1x16xf32>,
        %get3A_1974 = vector.shape_cast %get3A_1973 : vector<1x16xf32> to vector<16xf32>
        %add3A_1975 = arith.addf %get3A_1938, %get3A_1944 : vector<16xf32>
        %add3A_1976 = arith.addf %get3A_1950, %get3A_1956 : vector<16xf32>
        %add3A_1977 = arith.addf %get3A_1962, %get3A_1968 : vector<16xf32>
        %add3A_1978 = arith.addf %get3A_1974, %get3A_19 : vector<16xf32>
        %add3A_1979 = arith.addf %add3A_1975, %add3A_1976 : vector<16xf32>
        %add3A_1980 = arith.addf %add3A_1977, %add3A_1978 : vector<16xf32>
        %add3A_1981 = arith.addf %add3A_1979, %add3A_1980 : vector<16xf32>
        %swap3A_1982 = arith.index_cast %add3A_1716 : i32 to index
        %swap3A_1983 = arith.constant 64 : index
        %swap3A_1984 = tpu.vector_load %arg9[%swap3A_1982, %swap3A_1983] {strides = array<i32>} : memref<32x128xf32, #tpu.memory_space<vmem>>, vector<1x16xf32>,
        %swap3A_1985 = vector.shape_cast %swap3A_1984 : vector<1x16xf32> to vector<16xf32>
        %swap3A_1986 = vector.shape_cast %add3A_1981 : vector<16xf32> to vector<1x16xf32>
        tpu.vector_store %arg9[%swap3A_1982, %swap3A_1983], %swap3A_1986 {strides = array<i32>} : memref<32x128xf32, #tpu.memory_space<vmem>>, vector<1x16xf32>,
        %add3A_1987 = arith.constant 0 : i32
        %add3A_1988 = arith.addi %add3A_1712, %add3A_1987 : i32
        %get3A_1989 = arith.index_cast %add3A_1988 : i32 to index
        %get3A_1990 = arith.constant 80 : index
        %get3A_1991 = tpu.vector_load %arg8[%get3A_1989, %get3A_1990] {strides = array<i32>} : memref<448x128xf32, #tpu.memory_space<vmem>>, vector<1x16xf32>,
        %get3A_1992 = vector.shape_cast %get3A_1991 : vector<1x16xf32> to vector<16xf32>
        %add3A_1993 = arith.constant 1 : i32
        %add3A_1994 = arith.addi %add3A_1712, %add3A_1993 : i32
        %get3A_1995 = arith.index_cast %add3A_1994 : i32 to index
        %get3A_1996 = arith.constant 80 : index
        %get3A_1997 = tpu.vector_load %arg8[%get3A_1995, %get3A_1996] {strides = array<i32>} : memref<448x128xf32, #tpu.memory_space<vmem>>, vector<1x16xf32>,
        %get3A_1998 = vector.shape_cast %get3A_1997 : vector<1x16xf32> to vector<16xf32>
        %add3A_1999 = arith.constant 2 : i32
        %add3A_2000 = arith.addi %add3A_1712, %add3A_1999 : i32
        %get3A_2001 = arith.index_cast %add3A_2000 : i32 to index
        %get3A_2002 = arith.constant 80 : index
        %get3A_2003 = tpu.vector_load %arg8[%get3A_2001, %get3A_2002] {strides = array<i32>} : memref<448x128xf32, #tpu.memory_space<vmem>>, vector<1x16xf32>,
        %get3A_2004 = vector.shape_cast %get3A_2003 : vector<1x16xf32> to vector<16xf32>
        %add3A_2005 = arith.constant 3 : i32
        %add3A_2006 = arith.addi %add3A_1712, %add3A_2005 : i32
        %get3A_2007 = arith.index_cast %add3A_2006 : i32 to index
        %get3A_2008 = arith.constant 80 : index
        %get3A_2009 = tpu.vector_load %arg8[%get3A_2007, %get3A_2008] {strides = array<i32>} : memref<448x128xf32, #tpu.memory_space<vmem>>, vector<1x16xf32>,
        %get3A_2010 = vector.shape_cast %get3A_2009 : vector<1x16xf32> to vector<16xf32>
        %add3A_2011 = arith.constant 4 : i32
        %add3A_2012 = arith.addi %add3A_1712, %add3A_2011 : i32
        %get3A_2013 = arith.index_cast %add3A_2012 : i32 to index
        %get3A_2014 = arith.constant 80 : index
        %get3A_2015 = tpu.vector_load %arg8[%get3A_2013, %get3A_2014] {strides = array<i32>} : memref<448x128xf32, #tpu.memory_space<vmem>>, vector<1x16xf32>,
        %get3A_2016 = vector.shape_cast %get3A_2015 : vector<1x16xf32> to vector<16xf32>
        %add3A_2017 = arith.constant 5 : i32
        %add3A_2018 = arith.addi %add3A_1712, %add3A_2017 : i32
        %get3A_2019 = arith.index_cast %add3A_2018 : i32 to index
        %get3A_2020 = arith.constant 80 : index
        %get3A_2021 = tpu.vector_load %arg8[%get3A_2019, %get3A_2020] {strides = array<i32>} : memref<448x128xf32, #tpu.memory_space<vmem>>, vector<1x16xf32>,
        %get3A_2022 = vector.shape_cast %get3A_2021 : vector<1x16xf32> to vector<16xf32>
        %add3A_2023 = arith.constant 6 : i32
        %add3A_2024 = arith.addi %add3A_1712, %add3A_2023 : i32
        %get3A_2025 = arith.index_cast %add3A_2024 : i32 to index
        %get3A_2026 = arith.constant 80 : index
        %get3A_2027 = tpu.vector_load %arg8[%get3A_2025, %get3A_2026] {strides = array<i32>} : memref<448x128xf32, #tpu.memory_space<vmem>>, vector<1x16xf32>,
        %get3A_2028 = vector.shape_cast %get3A_2027 : vector<1x16xf32> to vector<16xf32>
        %add3A_2029 = arith.addf %get3A_1992, %get3A_1998 : vector<16xf32>
        %add3A_2030 = arith.addf %get3A_2004, %get3A_2010 : vector<16xf32>
        %add3A_2031 = arith.addf %get3A_2016, %get3A_2022 : vector<16xf32>
        %add3A_2032 = arith.addf %get3A_2028, %get3A_22 : vector<16xf32>
        %add3A_2033 = arith.addf %add3A_2029, %add3A_2030 : vector<16xf32>
        %add3A_2034 = arith.addf %add3A_2031, %add3A_2032 : vector<16xf32>
        %add3A_2035 = arith.addf %add3A_2033, %add3A_2034 : vector<16xf32>
        %swap3A_2036 = arith.index_cast %add3A_1716 : i32 to index
        %swap3A_2037 = arith.constant 80 : index
        %swap3A_2038 = tpu.vector_load %arg9[%swap3A_2036, %swap3A_2037] {strides = array<i32>} : memref<32x128xf32, #tpu.memory_space<vmem>>, vector<1x16xf32>,
        %swap3A_2039 = vector.shape_cast %swap3A_2038 : vector<1x16xf32> to vector<16xf32>
        %swap3A_2040 = vector.shape_cast %add3A_2035 : vector<16xf32> to vector<1x16xf32>
        tpu.vector_store %arg9[%swap3A_2036, %swap3A_2037], %swap3A_2040 {strides = array<i32>} : memref<32x128xf32, #tpu.memory_space<vmem>>, vector<1x16xf32>,
        %add3A_2041 = arith.constant 0 : i32
        %add3A_2042 = arith.addi %add3A_1712, %add3A_2041 : i32
        %get3A_2043 = arith.index_cast %add3A_2042 : i32 to index
        %get3A_2044 = arith.constant 96 : index
        %get3A_2045 = tpu.vector_load %arg8[%get3A_2043, %get3A_2044] {strides = array<i32>} : memref<448x128xf32, #tpu.memory_space<vmem>>, vector<1x16xf32>,
        %get3A_2046 = vector.shape_cast %get3A_2045 : vector<1x16xf32> to vector<16xf32>
        %add3A_2047 = arith.constant 1 : i32
        %add3A_2048 = arith.addi %add3A_1712, %add3A_2047 : i32
        %get3A_2049 = arith.index_cast %add3A_2048 : i32 to index
        %get3A_2050 = arith.constant 96 : index
        %get3A_2051 = tpu.vector_load %arg8[%get3A_2049, %get3A_2050] {strides = array<i32>} : memref<448x128xf32, #tpu.memory_space<vmem>>, vector<1x16xf32>,
        %get3A_2052 = vector.shape_cast %get3A_2051 : vector<1x16xf32> to vector<16xf32>
        %add3A_2053 = arith.constant 2 : i32
        %add3A_2054 = arith.addi %add3A_1712, %add3A_2053 : i32
        %get3A_2055 = arith.index_cast %add3A_2054 : i32 to index
        %get3A_2056 = arith.constant 96 : index
        %get3A_2057 = tpu.vector_load %arg8[%get3A_2055, %get3A_2056] {strides = array<i32>} : memref<448x128xf32, #tpu.memory_space<vmem>>, vector<1x16xf32>,
        %get3A_2058 = vector.shape_cast %get3A_2057 : vector<1x16xf32> to vector<16xf32>
        %add3A_2059 = arith.constant 3 : i32
        %add3A_2060 = arith.addi %add3A_1712, %add3A_2059 : i32
        %get3A_2061 = arith.index_cast %add3A_2060 : i32 to index
        %get3A_2062 = arith.constant 96 : index
        %get3A_2063 = tpu.vector_load %arg8[%get3A_2061, %get3A_2062] {strides = array<i32>} : memref<448x128xf32, #tpu.memory_space<vmem>>, vector<1x16xf32>,
        %get3A_2064 = vector.shape_cast %get3A_2063 : vector<1x16xf32> to vector<16xf32>
        %add3A_2065 = arith.constant 4 : i32
        %add3A_2066 = arith.addi %add3A_1712, %add3A_2065 : i32
        %get3A_2067 = arith.index_cast %add3A_2066 : i32 to index
        %get3A_2068 = arith.constant 96 : index
        %get3A_2069 = tpu.vector_load %arg8[%get3A_2067, %get3A_2068] {strides = array<i32>} : memref<448x128xf32, #tpu.memory_space<vmem>>, vector<1x16xf32>,
        %get3A_2070 = vector.shape_cast %get3A_2069 : vector<1x16xf32> to vector<16xf32>
        %add3A_2071 = arith.constant 5 : i32
        %add3A_2072 = arith.addi %add3A_1712, %add3A_2071 : i32
        %get3A_2073 = arith.index_cast %add3A_2072 : i32 to index
        %get3A_2074 = arith.constant 96 : index
        %get3A_2075 = tpu.vector_load %arg8[%get3A_2073, %get3A_2074] {strides = array<i32>} : memref<448x128xf32, #tpu.memory_space<vmem>>, vector<1x16xf32>,
        %get3A_2076 = vector.shape_cast %get3A_2075 : vector<1x16xf32> to vector<16xf32>
        %add3A_2077 = arith.constant 6 : i32
        %add3A_2078 = arith.addi %add3A_1712, %add3A_2077 : i32
        %get3A_2079 = arith.index_cast %add3A_2078 : i32 to index
        %get3A_2080 = arith.constant 96 : index
        %get3A_2081 = tpu.vector_load %arg8[%get3A_2079, %get3A_2080] {strides = array<i32>} : memref<448x128xf32, #tpu.memory_space<vmem>>, vector<1x16xf32>,
        %get3A_2082 = vector.shape_cast %get3A_2081 : vector<1x16xf32> to vector<16xf32>
        %add3A_2083 = arith.addf %get3A_2046, %get3A_2052 : vector<16xf32>
        %add3A_2084 = arith.addf %get3A_2058, %get3A_2064 : vector<16xf32>
        %add3A_2085 = arith.addf %get3A_2070, %get3A_2076 : vector<16xf32>
        %add3A_2086 = arith.addf %get3A_2082, %get3A_25 : vector<16xf32>
        %add3A_2087 = arith.addf %add3A_2083, %add3A_2084 : vector<16xf32>
        %add3A_2088 = arith.addf %add3A_2085, %add3A_2086 : vector<16xf32>
        %add3A_2089 = arith.addf %add3A_2087, %add3A_2088 : vector<16xf32>
        %swap3A_2090 = arith.index_cast %add3A_1716 : i32 to index
        %swap3A_2091 = arith.constant 96 : index
        %swap3A_2092 = tpu.vector_load %arg9[%swap3A_2090, %swap3A_2091] {strides = array<i32>} : memref<32x128xf32, #tpu.memory_space<vmem>>, vector<1x16xf32>,
        %swap3A_2093 = vector.shape_cast %swap3A_2092 : vector<1x16xf32> to vector<16xf32>
        %swap3A_2094 = vector.shape_cast %add3A_2089 : vector<16xf32> to vector<1x16xf32>
        tpu.vector_store %arg9[%swap3A_2090, %swap3A_2091], %swap3A_2094 {strides = array<i32>} : memref<32x128xf32, #tpu.memory_space<vmem>>, vector<1x16xf32>,
        %add3A_2095 = arith.constant 0 : i32
        %add3A_2096 = arith.addi %add3A_1712, %add3A_2095 : i32
        %get3A_2097 = arith.index_cast %add3A_2096 : i32 to index
        %get3A_2098 = arith.constant 112 : index
        %get3A_2099 = tpu.vector_load %arg8[%get3A_2097, %get3A_2098] {strides = array<i32>} : memref<448x128xf32, #tpu.memory_space<vmem>>, vector<1x16xf32>,
        %get3A_2100 = vector.shape_cast %get3A_2099 : vector<1x16xf32> to vector<16xf32>
        %add3A_2101 = arith.constant 1 : i32
        %add3A_2102 = arith.addi %add3A_1712, %add3A_2101 : i32
        %get3A_2103 = arith.index_cast %add3A_2102 : i32 to index
        %get3A_2104 = arith.constant 112 : index
        %get3A_2105 = tpu.vector_load %arg8[%get3A_2103, %get3A_2104] {strides = array<i32>} : memref<448x128xf32, #tpu.memory_space<vmem>>, vector<1x16xf32>,
        %get3A_2106 = vector.shape_cast %get3A_2105 : vector<1x16xf32> to vector<16xf32>
        %add3A_2107 = arith.constant 2 : i32
        %add3A_2108 = arith.addi %add3A_1712, %add3A_2107 : i32
        %get3A_2109 = arith.index_cast %add3A_2108 : i32 to index
        %get3A_2110 = arith.constant 112 : index
        %get3A_2111 = tpu.vector_load %arg8[%get3A_2109, %get3A_2110] {strides = array<i32>} : memref<448x128xf32, #tpu.memory_space<vmem>>, vector<1x16xf32>,
        %get3A_2112 = vector.shape_cast %get3A_2111 : vector<1x16xf32> to vector<16xf32>
        %add3A_2113 = arith.constant 3 : i32
        %add3A_2114 = arith.addi %add3A_1712, %add3A_2113 : i32
        %get3A_2115 = arith.index_cast %add3A_2114 : i32 to index
        %get3A_2116 = arith.constant 112 : index
        %get3A_2117 = tpu.vector_load %arg8[%get3A_2115, %get3A_2116] {strides = array<i32>} : memref<448x128xf32, #tpu.memory_space<vmem>>, vector<1x16xf32>,
        %get3A_2118 = vector.shape_cast %get3A_2117 : vector<1x16xf32> to vector<16xf32>
        %add3A_2119 = arith.constant 4 : i32
        %add3A_2120 = arith.addi %add3A_1712, %add3A_2119 : i32
        %get3A_2121 = arith.index_cast %add3A_2120 : i32 to index
        %get3A_2122 = arith.constant 112 : index
        %get3A_2123 = tpu.vector_load %arg8[%get3A_2121, %get3A_2122] {strides = array<i32>} : memref<448x128xf32, #tpu.memory_space<vmem>>, vector<1x16xf32>,
        %get3A_2124 = vector.shape_cast %get3A_2123 : vector<1x16xf32> to vector<16xf32>
        %add3A_2125 = arith.constant 5 : i32
        %add3A_2126 = arith.addi %add3A_1712, %add3A_2125 : i32
        %get3A_2127 = arith.index_cast %add3A_2126 : i32 to index
        %get3A_2128 = arith.constant 112 : index
        %get3A_2129 = tpu.vector_load %arg8[%get3A_2127, %get3A_2128] {strides = array<i32>} : memref<448x128xf32, #tpu.memory_space<vmem>>, vector<1x16xf32>,
        %get3A_2130 = vector.shape_cast %get3A_2129 : vector<1x16xf32> to vector<16xf32>
        %add3A_2131 = arith.constant 6 : i32
        %add3A_2132 = arith.addi %add3A_1712, %add3A_2131 : i32
        %get3A_2133 = arith.index_cast %add3A_2132 : i32 to index
        %get3A_2134 = arith.constant 112 : index
        %get3A_2135 = tpu.vector_load %arg8[%get3A_2133, %get3A_2134] {strides = array<i32>} : memref<448x128xf32, #tpu.memory_space<vmem>>, vector<1x16xf32>,
        %get3A_2136 = vector.shape_cast %get3A_2135 : vector<1x16xf32> to vector<16xf32>
        %add3A_2137 = arith.addf %get3A_2100, %get3A_2106 : vector<16xf32>
        %add3A_2138 = arith.addf %get3A_2112, %get3A_2118 : vector<16xf32>
        %add3A_2139 = arith.addf %get3A_2124, %get3A_2130 : vector<16xf32>
        %add3A_2140 = arith.addf %get3A_2136, %get3A_28 : vector<16xf32>
        %add3A_2141 = arith.addf %add3A_2137, %add3A_2138 : vector<16xf32>
        %add3A_2142 = arith.addf %add3A_2139, %add3A_2140 : vector<16xf32>
        %add3A_2143 = arith.addf %add3A_2141, %add3A_2142 : vector<16xf32>
        %swap3A_2144 = arith.index_cast %add3A_1716 : i32 to index
        %swap3A_2145 = arith.constant 112 : index
        %swap3A_2146 = tpu.vector_load %arg9[%swap3A_2144, %swap3A_2145] {strides = array<i32>} : memref<32x128xf32, #tpu.memory_space<vmem>>, vector<1x16xf32>,
        %swap3A_2147 = vector.shape_cast %swap3A_2146 : vector<1x16xf32> to vector<16xf32>
        %swap3A_2148 = vector.shape_cast %add3A_2143 : vector<16xf32> to vector<1x16xf32>
        tpu.vector_store %arg9[%swap3A_2144, %swap3A_2145], %swap3A_2148 {strides = array<i32>} : memref<32x128xf32, #tpu.memory_space<vmem>>, vector<1x16xf32>,
        %mul3A_2149 = arith.constant 4 : i32
        %mul3A_2150 = arith.muli %scan3A_816, %mul3A_2149 : i32
        %add3A_2151 = arith.constant 3 : i32
        %add3A_2152 = arith.addi %mul3A_2150, %add3A_2151 : i32
        %mul3A_2153 = arith.constant 7 : i32
        %mul3A_2154 = arith.muli %add3A_2152, %mul3A_2153 : i32
        %add3A_2155 = arith.constant 224 : i32
        %add3A_2156 = arith.addi %add3A_2155, %mul3A_2154 : i32
        %mul3A_2157 = arith.constant 4 : i32
        %mul3A_2158 = arith.muli %scan3A_816, %mul3A_2157 : i32
        %add3A_2159 = arith.constant 3 : i32
        %add3A_2160 = arith.addi %mul3A_2158, %add3A_2159 : i32
        %add3A_2161 = arith.constant 0 : i32
        %add3A_2162 = arith.addi %add3A_2156, %add3A_2161 : i32
        %get3A_2163 = arith.index_cast %add3A_2162 : i32 to index
        %get3A_2164 = arith.constant 0 : index
        %get3A_2165 = tpu.vector_load %arg8[%get3A_2163, %get3A_2164] {strides = array<i32>} : memref<448x128xf32, #tpu.memory_space<vmem>>, vector<1x16xf32>,
        %get3A_2166 = vector.shape_cast %get3A_2165 : vector<1x16xf32> to vector<16xf32>
        %add3A_2167 = arith.constant 1 : i32
        %add3A_2168 = arith.addi %add3A_2156, %add3A_2167 : i32
        %get3A_2169 = arith.index_cast %add3A_2168 : i32 to index
        %get3A_2170 = arith.constant 0 : index
        %get3A_2171 = tpu.vector_load %arg8[%get3A_2169, %get3A_2170] {strides = array<i32>} : memref<448x128xf32, #tpu.memory_space<vmem>>, vector<1x16xf32>,
        %get3A_2172 = vector.shape_cast %get3A_2171 : vector<1x16xf32> to vector<16xf32>
        %add3A_2173 = arith.constant 2 : i32
        %add3A_2174 = arith.addi %add3A_2156, %add3A_2173 : i32
        %get3A_2175 = arith.index_cast %add3A_2174 : i32 to index
        %get3A_2176 = arith.constant 0 : index
        %get3A_2177 = tpu.vector_load %arg8[%get3A_2175, %get3A_2176] {strides = array<i32>} : memref<448x128xf32, #tpu.memory_space<vmem>>, vector<1x16xf32>,
        %get3A_2178 = vector.shape_cast %get3A_2177 : vector<1x16xf32> to vector<16xf32>
        %add3A_2179 = arith.constant 3 : i32
        %add3A_2180 = arith.addi %add3A_2156, %add3A_2179 : i32
        %get3A_2181 = arith.index_cast %add3A_2180 : i32 to index
        %get3A_2182 = arith.constant 0 : index
        %get3A_2183 = tpu.vector_load %arg8[%get3A_2181, %get3A_2182] {strides = array<i32>} : memref<448x128xf32, #tpu.memory_space<vmem>>, vector<1x16xf32>,
        %get3A_2184 = vector.shape_cast %get3A_2183 : vector<1x16xf32> to vector<16xf32>
        %add3A_2185 = arith.constant 4 : i32
        %add3A_2186 = arith.addi %add3A_2156, %add3A_2185 : i32
        %get3A_2187 = arith.index_cast %add3A_2186 : i32 to index
        %get3A_2188 = arith.constant 0 : index
        %get3A_2189 = tpu.vector_load %arg8[%get3A_2187, %get3A_2188] {strides = array<i32>} : memref<448x128xf32, #tpu.memory_space<vmem>>, vector<1x16xf32>,
        %get3A_2190 = vector.shape_cast %get3A_2189 : vector<1x16xf32> to vector<16xf32>
        %add3A_2191 = arith.constant 5 : i32
        %add3A_2192 = arith.addi %add3A_2156, %add3A_2191 : i32
        %get3A_2193 = arith.index_cast %add3A_2192 : i32 to index
        %get3A_2194 = arith.constant 0 : index
        %get3A_2195 = tpu.vector_load %arg8[%get3A_2193, %get3A_2194] {strides = array<i32>} : memref<448x128xf32, #tpu.memory_space<vmem>>, vector<1x16xf32>,
        %get3A_2196 = vector.shape_cast %get3A_2195 : vector<1x16xf32> to vector<16xf32>
        %add3A_2197 = arith.constant 6 : i32
        %add3A_2198 = arith.addi %add3A_2156, %add3A_2197 : i32
        %get3A_2199 = arith.index_cast %add3A_2198 : i32 to index
        %get3A_2200 = arith.constant 0 : index
        %get3A_2201 = tpu.vector_load %arg8[%get3A_2199, %get3A_2200] {strides = array<i32>} : memref<448x128xf32, #tpu.memory_space<vmem>>, vector<1x16xf32>,
        %get3A_2202 = vector.shape_cast %get3A_2201 : vector<1x16xf32> to vector<16xf32>
        %add3A_2203 = arith.addf %get3A_2166, %get3A_2172 : vector<16xf32>
        %add3A_2204 = arith.addf %get3A_2178, %get3A_2184 : vector<16xf32>
        %add3A_2205 = arith.addf %get3A_2190, %get3A_2196 : vector<16xf32>
        %add3A_2206 = arith.addf %get3A_2202, %get3A_7 : vector<16xf32>
        %add3A_2207 = arith.addf %add3A_2203, %add3A_2204 : vector<16xf32>
        %add3A_2208 = arith.addf %add3A_2205, %add3A_2206 : vector<16xf32>
        %add3A_2209 = arith.addf %add3A_2207, %add3A_2208 : vector<16xf32>
        %swap3A_2210 = arith.index_cast %add3A_2160 : i32 to index
        %swap3A_2211 = arith.constant 0 : index
        %swap3A_2212 = tpu.vector_load %arg9[%swap3A_2210, %swap3A_2211] {strides = array<i32>} : memref<32x128xf32, #tpu.memory_space<vmem>>, vector<1x16xf32>,
        %swap3A_2213 = vector.shape_cast %swap3A_2212 : vector<1x16xf32> to vector<16xf32>
        %swap3A_2214 = vector.shape_cast %add3A_2209 : vector<16xf32> to vector<1x16xf32>
        tpu.vector_store %arg9[%swap3A_2210, %swap3A_2211], %swap3A_2214 {strides = array<i32>} : memref<32x128xf32, #tpu.memory_space<vmem>>, vector<1x16xf32>,
        %add3A_2215 = arith.constant 0 : i32
        %add3A_2216 = arith.addi %add3A_2156, %add3A_2215 : i32
        %get3A_2217 = arith.index_cast %add3A_2216 : i32 to index
        %get3A_2218 = arith.constant 16 : index
        %get3A_2219 = tpu.vector_load %arg8[%get3A_2217, %get3A_2218] {strides = array<i32>} : memref<448x128xf32, #tpu.memory_space<vmem>>, vector<1x16xf32>,
        %get3A_2220 = vector.shape_cast %get3A_2219 : vector<1x16xf32> to vector<16xf32>
        %add3A_2221 = arith.constant 1 : i32
        %add3A_2222 = arith.addi %add3A_2156, %add3A_2221 : i32
        %get3A_2223 = arith.index_cast %add3A_2222 : i32 to index
        %get3A_2224 = arith.constant 16 : index
        %get3A_2225 = tpu.vector_load %arg8[%get3A_2223, %get3A_2224] {strides = array<i32>} : memref<448x128xf32, #tpu.memory_space<vmem>>, vector<1x16xf32>,
        %get3A_2226 = vector.shape_cast %get3A_2225 : vector<1x16xf32> to vector<16xf32>
        %add3A_2227 = arith.constant 2 : i32
        %add3A_2228 = arith.addi %add3A_2156, %add3A_2227 : i32
        %get3A_2229 = arith.index_cast %add3A_2228 : i32 to index
        %get3A_2230 = arith.constant 16 : index
        %get3A_2231 = tpu.vector_load %arg8[%get3A_2229, %get3A_2230] {strides = array<i32>} : memref<448x128xf32, #tpu.memory_space<vmem>>, vector<1x16xf32>,
        %get3A_2232 = vector.shape_cast %get3A_2231 : vector<1x16xf32> to vector<16xf32>
        %add3A_2233 = arith.constant 3 : i32
        %add3A_2234 = arith.addi %add3A_2156, %add3A_2233 : i32
        %get3A_2235 = arith.index_cast %add3A_2234 : i32 to index
        %get3A_2236 = arith.constant 16 : index
        %get3A_2237 = tpu.vector_load %arg8[%get3A_2235, %get3A_2236] {strides = array<i32>} : memref<448x128xf32, #tpu.memory_space<vmem>>, vector<1x16xf32>,
        %get3A_2238 = vector.shape_cast %get3A_2237 : vector<1x16xf32> to vector<16xf32>
        %add3A_2239 = arith.constant 4 : i32
        %add3A_2240 = arith.addi %add3A_2156, %add3A_2239 : i32
        %get3A_2241 = arith.index_cast %add3A_2240 : i32 to index
        %get3A_2242 = arith.constant 16 : index
        %get3A_2243 = tpu.vector_load %arg8[%get3A_2241, %get3A_2242] {strides = array<i32>} : memref<448x128xf32, #tpu.memory_space<vmem>>, vector<1x16xf32>,
        %get3A_2244 = vector.shape_cast %get3A_2243 : vector<1x16xf32> to vector<16xf32>
        %add3A_2245 = arith.constant 5 : i32
        %add3A_2246 = arith.addi %add3A_2156, %add3A_2245 : i32
        %get3A_2247 = arith.index_cast %add3A_2246 : i32 to index
        %get3A_2248 = arith.constant 16 : index
        %get3A_2249 = tpu.vector_load %arg8[%get3A_2247, %get3A_2248] {strides = array<i32>} : memref<448x128xf32, #tpu.memory_space<vmem>>, vector<1x16xf32>,
        %get3A_2250 = vector.shape_cast %get3A_2249 : vector<1x16xf32> to vector<16xf32>
        %add3A_2251 = arith.constant 6 : i32
        %add3A_2252 = arith.addi %add3A_2156, %add3A_2251 : i32
        %get3A_2253 = arith.index_cast %add3A_2252 : i32 to index
        %get3A_2254 = arith.constant 16 : index
        %get3A_2255 = tpu.vector_load %arg8[%get3A_2253, %get3A_2254] {strides = array<i32>} : memref<448x128xf32, #tpu.memory_space<vmem>>, vector<1x16xf32>,
        %get3A_2256 = vector.shape_cast %get3A_2255 : vector<1x16xf32> to vector<16xf32>
        %add3A_2257 = arith.addf %get3A_2220, %get3A_2226 : vector<16xf32>
        %add3A_2258 = arith.addf %get3A_2232, %get3A_2238 : vector<16xf32>
        %add3A_2259 = arith.addf %get3A_2244, %get3A_2250 : vector<16xf32>
        %add3A_2260 = arith.addf %get3A_2256, %get3A_10 : vector<16xf32>
        %add3A_2261 = arith.addf %add3A_2257, %add3A_2258 : vector<16xf32>
        %add3A_2262 = arith.addf %add3A_2259, %add3A_2260 : vector<16xf32>
        %add3A_2263 = arith.addf %add3A_2261, %add3A_2262 : vector<16xf32>
        %swap3A_2264 = arith.index_cast %add3A_2160 : i32 to index
        %swap3A_2265 = arith.constant 16 : index
        %swap3A_2266 = tpu.vector_load %arg9[%swap3A_2264, %swap3A_2265] {strides = array<i32>} : memref<32x128xf32, #tpu.memory_space<vmem>>, vector<1x16xf32>,
        %swap3A_2267 = vector.shape_cast %swap3A_2266 : vector<1x16xf32> to vector<16xf32>
        %swap3A_2268 = vector.shape_cast %add3A_2263 : vector<16xf32> to vector<1x16xf32>
        tpu.vector_store %arg9[%swap3A_2264, %swap3A_2265], %swap3A_2268 {strides = array<i32>} : memref<32x128xf32, #tpu.memory_space<vmem>>, vector<1x16xf32>,
        %add3A_2269 = arith.constant 0 : i32
        %add3A_2270 = arith.addi %add3A_2156, %add3A_2269 : i32
        %get3A_2271 = arith.index_cast %add3A_2270 : i32 to index
        %get3A_2272 = arith.constant 32 : index
        %get3A_2273 = tpu.vector_load %arg8[%get3A_2271, %get3A_2272] {strides = array<i32>} : memref<448x128xf32, #tpu.memory_space<vmem>>, vector<1x16xf32>,
        %get3A_2274 = vector.shape_cast %get3A_2273 : vector<1x16xf32> to vector<16xf32>
        %add3A_2275 = arith.constant 1 : i32
        %add3A_2276 = arith.addi %add3A_2156, %add3A_2275 : i32
        %get3A_2277 = arith.index_cast %add3A_2276 : i32 to index
        %get3A_2278 = arith.constant 32 : index
        %get3A_2279 = tpu.vector_load %arg8[%get3A_2277, %get3A_2278] {strides = array<i32>} : memref<448x128xf32, #tpu.memory_space<vmem>>, vector<1x16xf32>,
        %get3A_2280 = vector.shape_cast %get3A_2279 : vector<1x16xf32> to vector<16xf32>
        %add3A_2281 = arith.constant 2 : i32
        %add3A_2282 = arith.addi %add3A_2156, %add3A_2281 : i32
        %get3A_2283 = arith.index_cast %add3A_2282 : i32 to index
        %get3A_2284 = arith.constant 32 : index
        %get3A_2285 = tpu.vector_load %arg8[%get3A_2283, %get3A_2284] {strides = array<i32>} : memref<448x128xf32, #tpu.memory_space<vmem>>, vector<1x16xf32>,
        %get3A_2286 = vector.shape_cast %get3A_2285 : vector<1x16xf32> to vector<16xf32>
        %add3A_2287 = arith.constant 3 : i32
        %add3A_2288 = arith.addi %add3A_2156, %add3A_2287 : i32
        %get3A_2289 = arith.index_cast %add3A_2288 : i32 to index
        %get3A_2290 = arith.constant 32 : index
        %get3A_2291 = tpu.vector_load %arg8[%get3A_2289, %get3A_2290] {strides = array<i32>} : memref<448x128xf32, #tpu.memory_space<vmem>>, vector<1x16xf32>,
        %get3A_2292 = vector.shape_cast %get3A_2291 : vector<1x16xf32> to vector<16xf32>
        %add3A_2293 = arith.constant 4 : i32
        %add3A_2294 = arith.addi %add3A_2156, %add3A_2293 : i32
        %get3A_2295 = arith.index_cast %add3A_2294 : i32 to index
        %get3A_2296 = arith.constant 32 : index
        %get3A_2297 = tpu.vector_load %arg8[%get3A_2295, %get3A_2296] {strides = array<i32>} : memref<448x128xf32, #tpu.memory_space<vmem>>, vector<1x16xf32>,
        %get3A_2298 = vector.shape_cast %get3A_2297 : vector<1x16xf32> to vector<16xf32>
        %add3A_2299 = arith.constant 5 : i32
        %add3A_2300 = arith.addi %add3A_2156, %add3A_2299 : i32
        %get3A_2301 = arith.index_cast %add3A_2300 : i32 to index
        %get3A_2302 = arith.constant 32 : index
        %get3A_2303 = tpu.vector_load %arg8[%get3A_2301, %get3A_2302] {strides = array<i32>} : memref<448x128xf32, #tpu.memory_space<vmem>>, vector<1x16xf32>,
        %get3A_2304 = vector.shape_cast %get3A_2303 : vector<1x16xf32> to vector<16xf32>
        %add3A_2305 = arith.constant 6 : i32
        %add3A_2306 = arith.addi %add3A_2156, %add3A_2305 : i32
        %get3A_2307 = arith.index_cast %add3A_2306 : i32 to index
        %get3A_2308 = arith.constant 32 : index
        %get3A_2309 = tpu.vector_load %arg8[%get3A_2307, %get3A_2308] {strides = array<i32>} : memref<448x128xf32, #tpu.memory_space<vmem>>, vector<1x16xf32>,
        %get3A_2310 = vector.shape_cast %get3A_2309 : vector<1x16xf32> to vector<16xf32>
        %add3A_2311 = arith.addf %get3A_2274, %get3A_2280 : vector<16xf32>
        %add3A_2312 = arith.addf %get3A_2286, %get3A_2292 : vector<16xf32>
        %add3A_2313 = arith.addf %get3A_2298, %get3A_2304 : vector<16xf32>
        %add3A_2314 = arith.addf %get3A_2310, %get3A_13 : vector<16xf32>
        %add3A_2315 = arith.addf %add3A_2311, %add3A_2312 : vector<16xf32>
        %add3A_2316 = arith.addf %add3A_2313, %add3A_2314 : vector<16xf32>
        %add3A_2317 = arith.addf %add3A_2315, %add3A_2316 : vector<16xf32>
        %swap3A_2318 = arith.index_cast %add3A_2160 : i32 to index
        %swap3A_2319 = arith.constant 32 : index
        %swap3A_2320 = tpu.vector_load %arg9[%swap3A_2318, %swap3A_2319] {strides = array<i32>} : memref<32x128xf32, #tpu.memory_space<vmem>>, vector<1x16xf32>,
        %swap3A_2321 = vector.shape_cast %swap3A_2320 : vector<1x16xf32> to vector<16xf32>
        %swap3A_2322 = vector.shape_cast %add3A_2317 : vector<16xf32> to vector<1x16xf32>
        tpu.vector_store %arg9[%swap3A_2318, %swap3A_2319], %swap3A_2322 {strides = array<i32>} : memref<32x128xf32, #tpu.memory_space<vmem>>, vector<1x16xf32>,
        %add3A_2323 = arith.constant 0 : i32
        %add3A_2324 = arith.addi %add3A_2156, %add3A_2323 : i32
        %get3A_2325 = arith.index_cast %add3A_2324 : i32 to index
        %get3A_2326 = arith.constant 48 : index
        %get3A_2327 = tpu.vector_load %arg8[%get3A_2325, %get3A_2326] {strides = array<i32>} : memref<448x128xf32, #tpu.memory_space<vmem>>, vector<1x16xf32>,
        %get3A_2328 = vector.shape_cast %get3A_2327 : vector<1x16xf32> to vector<16xf32>
        %add3A_2329 = arith.constant 1 : i32
        %add3A_2330 = arith.addi %add3A_2156, %add3A_2329 : i32
        %get3A_2331 = arith.index_cast %add3A_2330 : i32 to index
        %get3A_2332 = arith.constant 48 : index
        %get3A_2333 = tpu.vector_load %arg8[%get3A_2331, %get3A_2332] {strides = array<i32>} : memref<448x128xf32, #tpu.memory_space<vmem>>, vector<1x16xf32>,
        %get3A_2334 = vector.shape_cast %get3A_2333 : vector<1x16xf32> to vector<16xf32>
        %add3A_2335 = arith.constant 2 : i32
        %add3A_2336 = arith.addi %add3A_2156, %add3A_2335 : i32
        %get3A_2337 = arith.index_cast %add3A_2336 : i32 to index
        %get3A_2338 = arith.constant 48 : index
        %get3A_2339 = tpu.vector_load %arg8[%get3A_2337, %get3A_2338] {strides = array<i32>} : memref<448x128xf32, #tpu.memory_space<vmem>>, vector<1x16xf32>,
        %get3A_2340 = vector.shape_cast %get3A_2339 : vector<1x16xf32> to vector<16xf32>
        %add3A_2341 = arith.constant 3 : i32
        %add3A_2342 = arith.addi %add3A_2156, %add3A_2341 : i32
        %get3A_2343 = arith.index_cast %add3A_2342 : i32 to index
        %get3A_2344 = arith.constant 48 : index
        %get3A_2345 = tpu.vector_load %arg8[%get3A_2343, %get3A_2344] {strides = array<i32>} : memref<448x128xf32, #tpu.memory_space<vmem>>, vector<1x16xf32>,
        %get3A_2346 = vector.shape_cast %get3A_2345 : vector<1x16xf32> to vector<16xf32>
        %add3A_2347 = arith.constant 4 : i32
        %add3A_2348 = arith.addi %add3A_2156, %add3A_2347 : i32
        %get3A_2349 = arith.index_cast %add3A_2348 : i32 to index
        %get3A_2350 = arith.constant 48 : index
        %get3A_2351 = tpu.vector_load %arg8[%get3A_2349, %get3A_2350] {strides = array<i32>} : memref<448x128xf32, #tpu.memory_space<vmem>>, vector<1x16xf32>,
        %get3A_2352 = vector.shape_cast %get3A_2351 : vector<1x16xf32> to vector<16xf32>
        %add3A_2353 = arith.constant 5 : i32
        %add3A_2354 = arith.addi %add3A_2156, %add3A_2353 : i32
        %get3A_2355 = arith.index_cast %add3A_2354 : i32 to index
        %get3A_2356 = arith.constant 48 : index
        %get3A_2357 = tpu.vector_load %arg8[%get3A_2355, %get3A_2356] {strides = array<i32>} : memref<448x128xf32, #tpu.memory_space<vmem>>, vector<1x16xf32>,
        %get3A_2358 = vector.shape_cast %get3A_2357 : vector<1x16xf32> to vector<16xf32>
        %add3A_2359 = arith.constant 6 : i32
        %add3A_2360 = arith.addi %add3A_2156, %add3A_2359 : i32
        %get3A_2361 = arith.index_cast %add3A_2360 : i32 to index
        %get3A_2362 = arith.constant 48 : index
        %get3A_2363 = tpu.vector_load %arg8[%get3A_2361, %get3A_2362] {strides = array<i32>} : memref<448x128xf32, #tpu.memory_space<vmem>>, vector<1x16xf32>,
        %get3A_2364 = vector.shape_cast %get3A_2363 : vector<1x16xf32> to vector<16xf32>
        %add3A_2365 = arith.addf %get3A_2328, %get3A_2334 : vector<16xf32>
        %add3A_2366 = arith.addf %get3A_2340, %get3A_2346 : vector<16xf32>
        %add3A_2367 = arith.addf %get3A_2352, %get3A_2358 : vector<16xf32>
        %add3A_2368 = arith.addf %get3A_2364, %get3A_16 : vector<16xf32>
        %add3A_2369 = arith.addf %add3A_2365, %add3A_2366 : vector<16xf32>
        %add3A_2370 = arith.addf %add3A_2367, %add3A_2368 : vector<16xf32>
        %add3A_2371 = arith.addf %add3A_2369, %add3A_2370 : vector<16xf32>
        %swap3A_2372 = arith.index_cast %add3A_2160 : i32 to index
        %swap3A_2373 = arith.constant 48 : index
        %swap3A_2374 = tpu.vector_load %arg9[%swap3A_2372, %swap3A_2373] {strides = array<i32>} : memref<32x128xf32, #tpu.memory_space<vmem>>, vector<1x16xf32>,
        %swap3A_2375 = vector.shape_cast %swap3A_2374 : vector<1x16xf32> to vector<16xf32>
        %swap3A_2376 = vector.shape_cast %add3A_2371 : vector<16xf32> to vector<1x16xf32>
        tpu.vector_store %arg9[%swap3A_2372, %swap3A_2373], %swap3A_2376 {strides = array<i32>} : memref<32x128xf32, #tpu.memory_space<vmem>>, vector<1x16xf32>,
        %add3A_2377 = arith.constant 0 : i32
        %add3A_2378 = arith.addi %add3A_2156, %add3A_2377 : i32
        %get3A_2379 = arith.index_cast %add3A_2378 : i32 to index
        %get3A_2380 = arith.constant 64 : index
        %get3A_2381 = tpu.vector_load %arg8[%get3A_2379, %get3A_2380] {strides = array<i32>} : memref<448x128xf32, #tpu.memory_space<vmem>>, vector<1x16xf32>,
        %get3A_2382 = vector.shape_cast %get3A_2381 : vector<1x16xf32> to vector<16xf32>
        %add3A_2383 = arith.constant 1 : i32
        %add3A_2384 = arith.addi %add3A_2156, %add3A_2383 : i32
        %get3A_2385 = arith.index_cast %add3A_2384 : i32 to index
        %get3A_2386 = arith.constant 64 : index
        %get3A_2387 = tpu.vector_load %arg8[%get3A_2385, %get3A_2386] {strides = array<i32>} : memref<448x128xf32, #tpu.memory_space<vmem>>, vector<1x16xf32>,
        %get3A_2388 = vector.shape_cast %get3A_2387 : vector<1x16xf32> to vector<16xf32>
        %add3A_2389 = arith.constant 2 : i32
        %add3A_2390 = arith.addi %add3A_2156, %add3A_2389 : i32
        %get3A_2391 = arith.index_cast %add3A_2390 : i32 to index
        %get3A_2392 = arith.constant 64 : index
        %get3A_2393 = tpu.vector_load %arg8[%get3A_2391, %get3A_2392] {strides = array<i32>} : memref<448x128xf32, #tpu.memory_space<vmem>>, vector<1x16xf32>,
        %get3A_2394 = vector.shape_cast %get3A_2393 : vector<1x16xf32> to vector<16xf32>
        %add3A_2395 = arith.constant 3 : i32
        %add3A_2396 = arith.addi %add3A_2156, %add3A_2395 : i32
        %get3A_2397 = arith.index_cast %add3A_2396 : i32 to index
        %get3A_2398 = arith.constant 64 : index
        %get3A_2399 = tpu.vector_load %arg8[%get3A_2397, %get3A_2398] {strides = array<i32>} : memref<448x128xf32, #tpu.memory_space<vmem>>, vector<1x16xf32>,
        %get3A_2400 = vector.shape_cast %get3A_2399 : vector<1x16xf32> to vector<16xf32>
        %add3A_2401 = arith.constant 4 : i32
        %add3A_2402 = arith.addi %add3A_2156, %add3A_2401 : i32
        %get3A_2403 = arith.index_cast %add3A_2402 : i32 to index
        %get3A_2404 = arith.constant 64 : index
        %get3A_2405 = tpu.vector_load %arg8[%get3A_2403, %get3A_2404] {strides = array<i32>} : memref<448x128xf32, #tpu.memory_space<vmem>>, vector<1x16xf32>,
        %get3A_2406 = vector.shape_cast %get3A_2405 : vector<1x16xf32> to vector<16xf32>
        %add3A_2407 = arith.constant 5 : i32
        %add3A_2408 = arith.addi %add3A_2156, %add3A_2407 : i32
        %get3A_2409 = arith.index_cast %add3A_2408 : i32 to index
        %get3A_2410 = arith.constant 64 : index
        %get3A_2411 = tpu.vector_load %arg8[%get3A_2409, %get3A_2410] {strides = array<i32>} : memref<448x128xf32, #tpu.memory_space<vmem>>, vector<1x16xf32>,
        %get3A_2412 = vector.shape_cast %get3A_2411 : vector<1x16xf32> to vector<16xf32>
        %add3A_2413 = arith.constant 6 : i32
        %add3A_2414 = arith.addi %add3A_2156, %add3A_2413 : i32
        %get3A_2415 = arith.index_cast %add3A_2414 : i32 to index
        %get3A_2416 = arith.constant 64 : index
        %get3A_2417 = tpu.vector_load %arg8[%get3A_2415, %get3A_2416] {strides = array<i32>} : memref<448x128xf32, #tpu.memory_space<vmem>>, vector<1x16xf32>,
        %get3A_2418 = vector.shape_cast %get3A_2417 : vector<1x16xf32> to vector<16xf32>
        %add3A_2419 = arith.addf %get3A_2382, %get3A_2388 : vector<16xf32>
        %add3A_2420 = arith.addf %get3A_2394, %get3A_2400 : vector<16xf32>
        %add3A_2421 = arith.addf %get3A_2406, %get3A_2412 : vector<16xf32>
        %add3A_2422 = arith.addf %get3A_2418, %get3A_19 : vector<16xf32>
        %add3A_2423 = arith.addf %add3A_2419, %add3A_2420 : vector<16xf32>
        %add3A_2424 = arith.addf %add3A_2421, %add3A_2422 : vector<16xf32>
        %add3A_2425 = arith.addf %add3A_2423, %add3A_2424 : vector<16xf32>
        %swap3A_2426 = arith.index_cast %add3A_2160 : i32 to index
        %swap3A_2427 = arith.constant 64 : index
        %swap3A_2428 = tpu.vector_load %arg9[%swap3A_2426, %swap3A_2427] {strides = array<i32>} : memref<32x128xf32, #tpu.memory_space<vmem>>, vector<1x16xf32>,
        %swap3A_2429 = vector.shape_cast %swap3A_2428 : vector<1x16xf32> to vector<16xf32>
        %swap3A_2430 = vector.shape_cast %add3A_2425 : vector<16xf32> to vector<1x16xf32>
        tpu.vector_store %arg9[%swap3A_2426, %swap3A_2427], %swap3A_2430 {strides = array<i32>} : memref<32x128xf32, #tpu.memory_space<vmem>>, vector<1x16xf32>,
        %add3A_2431 = arith.constant 0 : i32
        %add3A_2432 = arith.addi %add3A_2156, %add3A_2431 : i32
        %get3A_2433 = arith.index_cast %add3A_2432 : i32 to index
        %get3A_2434 = arith.constant 80 : index
        %get3A_2435 = tpu.vector_load %arg8[%get3A_2433, %get3A_2434] {strides = array<i32>} : memref<448x128xf32, #tpu.memory_space<vmem>>, vector<1x16xf32>,
        %get3A_2436 = vector.shape_cast %get3A_2435 : vector<1x16xf32> to vector<16xf32>
        %add3A_2437 = arith.constant 1 : i32
        %add3A_2438 = arith.addi %add3A_2156, %add3A_2437 : i32
        %get3A_2439 = arith.index_cast %add3A_2438 : i32 to index
        %get3A_2440 = arith.constant 80 : index
        %get3A_2441 = tpu.vector_load %arg8[%get3A_2439, %get3A_2440] {strides = array<i32>} : memref<448x128xf32, #tpu.memory_space<vmem>>, vector<1x16xf32>,
        %get3A_2442 = vector.shape_cast %get3A_2441 : vector<1x16xf32> to vector<16xf32>
        %add3A_2443 = arith.constant 2 : i32
        %add3A_2444 = arith.addi %add3A_2156, %add3A_2443 : i32
        %get3A_2445 = arith.index_cast %add3A_2444 : i32 to index
        %get3A_2446 = arith.constant 80 : index
        %get3A_2447 = tpu.vector_load %arg8[%get3A_2445, %get3A_2446] {strides = array<i32>} : memref<448x128xf32, #tpu.memory_space<vmem>>, vector<1x16xf32>,
        %get3A_2448 = vector.shape_cast %get3A_2447 : vector<1x16xf32> to vector<16xf32>
        %add3A_2449 = arith.constant 3 : i32
        %add3A_2450 = arith.addi %add3A_2156, %add3A_2449 : i32
        %get3A_2451 = arith.index_cast %add3A_2450 : i32 to index
        %get3A_2452 = arith.constant 80 : index
        %get3A_2453 = tpu.vector_load %arg8[%get3A_2451, %get3A_2452] {strides = array<i32>} : memref<448x128xf32, #tpu.memory_space<vmem>>, vector<1x16xf32>,
        %get3A_2454 = vector.shape_cast %get3A_2453 : vector<1x16xf32> to vector<16xf32>
        %add3A_2455 = arith.constant 4 : i32
        %add3A_2456 = arith.addi %add3A_2156, %add3A_2455 : i32
        %get3A_2457 = arith.index_cast %add3A_2456 : i32 to index
        %get3A_2458 = arith.constant 80 : index
        %get3A_2459 = tpu.vector_load %arg8[%get3A_2457, %get3A_2458] {strides = array<i32>} : memref<448x128xf32, #tpu.memory_space<vmem>>, vector<1x16xf32>,
        %get3A_2460 = vector.shape_cast %get3A_2459 : vector<1x16xf32> to vector<16xf32>
        %add3A_2461 = arith.constant 5 : i32
        %add3A_2462 = arith.addi %add3A_2156, %add3A_2461 : i32
        %get3A_2463 = arith.index_cast %add3A_2462 : i32 to index
        %get3A_2464 = arith.constant 80 : index
        %get3A_2465 = tpu.vector_load %arg8[%get3A_2463, %get3A_2464] {strides = array<i32>} : memref<448x128xf32, #tpu.memory_space<vmem>>, vector<1x16xf32>,
        %get3A_2466 = vector.shape_cast %get3A_2465 : vector<1x16xf32> to vector<16xf32>
        %add3A_2467 = arith.constant 6 : i32
        %add3A_2468 = arith.addi %add3A_2156, %add3A_2467 : i32
        %get3A_2469 = arith.index_cast %add3A_2468 : i32 to index
        %get3A_2470 = arith.constant 80 : index
        %get3A_2471 = tpu.vector_load %arg8[%get3A_2469, %get3A_2470] {strides = array<i32>} : memref<448x128xf32, #tpu.memory_space<vmem>>, vector<1x16xf32>,
        %get3A_2472 = vector.shape_cast %get3A_2471 : vector<1x16xf32> to vector<16xf32>
        %add3A_2473 = arith.addf %get3A_2436, %get3A_2442 : vector<16xf32>
        %add3A_2474 = arith.addf %get3A_2448, %get3A_2454 : vector<16xf32>
        %add3A_2475 = arith.addf %get3A_2460, %get3A_2466 : vector<16xf32>
        %add3A_2476 = arith.addf %get3A_2472, %get3A_22 : vector<16xf32>
        %add3A_2477 = arith.addf %add3A_2473, %add3A_2474 : vector<16xf32>
        %add3A_2478 = arith.addf %add3A_2475, %add3A_2476 : vector<16xf32>
        %add3A_2479 = arith.addf %add3A_2477, %add3A_2478 : vector<16xf32>
        %swap3A_2480 = arith.index_cast %add3A_2160 : i32 to index
        %swap3A_2481 = arith.constant 80 : index
        %swap3A_2482 = tpu.vector_load %arg9[%swap3A_2480, %swap3A_2481] {strides = array<i32>} : memref<32x128xf32, #tpu.memory_space<vmem>>, vector<1x16xf32>,
        %swap3A_2483 = vector.shape_cast %swap3A_2482 : vector<1x16xf32> to vector<16xf32>
        %swap3A_2484 = vector.shape_cast %add3A_2479 : vector<16xf32> to vector<1x16xf32>
        tpu.vector_store %arg9[%swap3A_2480, %swap3A_2481], %swap3A_2484 {strides = array<i32>} : memref<32x128xf32, #tpu.memory_space<vmem>>, vector<1x16xf32>,
        %add3A_2485 = arith.constant 0 : i32
        %add3A_2486 = arith.addi %add3A_2156, %add3A_2485 : i32
        %get3A_2487 = arith.index_cast %add3A_2486 : i32 to index
        %get3A_2488 = arith.constant 96 : index
        %get3A_2489 = tpu.vector_load %arg8[%get3A_2487, %get3A_2488] {strides = array<i32>} : memref<448x128xf32, #tpu.memory_space<vmem>>, vector<1x16xf32>,
        %get3A_2490 = vector.shape_cast %get3A_2489 : vector<1x16xf32> to vector<16xf32>
        %add3A_2491 = arith.constant 1 : i32
        %add3A_2492 = arith.addi %add3A_2156, %add3A_2491 : i32
        %get3A_2493 = arith.index_cast %add3A_2492 : i32 to index
        %get3A_2494 = arith.constant 96 : index
        %get3A_2495 = tpu.vector_load %arg8[%get3A_2493, %get3A_2494] {strides = array<i32>} : memref<448x128xf32, #tpu.memory_space<vmem>>, vector<1x16xf32>,
        %get3A_2496 = vector.shape_cast %get3A_2495 : vector<1x16xf32> to vector<16xf32>
        %add3A_2497 = arith.constant 2 : i32
        %add3A_2498 = arith.addi %add3A_2156, %add3A_2497 : i32
        %get3A_2499 = arith.index_cast %add3A_2498 : i32 to index
        %get3A_2500 = arith.constant 96 : index
        %get3A_2501 = tpu.vector_load %arg8[%get3A_2499, %get3A_2500] {strides = array<i32>} : memref<448x128xf32, #tpu.memory_space<vmem>>, vector<1x16xf32>,
        %get3A_2502 = vector.shape_cast %get3A_2501 : vector<1x16xf32> to vector<16xf32>
        %add3A_2503 = arith.constant 3 : i32
        %add3A_2504 = arith.addi %add3A_2156, %add3A_2503 : i32
        %get3A_2505 = arith.index_cast %add3A_2504 : i32 to index
        %get3A_2506 = arith.constant 96 : index
        %get3A_2507 = tpu.vector_load %arg8[%get3A_2505, %get3A_2506] {strides = array<i32>} : memref<448x128xf32, #tpu.memory_space<vmem>>, vector<1x16xf32>,
        %get3A_2508 = vector.shape_cast %get3A_2507 : vector<1x16xf32> to vector<16xf32>
        %add3A_2509 = arith.constant 4 : i32
        %add3A_2510 = arith.addi %add3A_2156, %add3A_2509 : i32
        %get3A_2511 = arith.index_cast %add3A_2510 : i32 to index
        %get3A_2512 = arith.constant 96 : index
        %get3A_2513 = tpu.vector_load %arg8[%get3A_2511, %get3A_2512] {strides = array<i32>} : memref<448x128xf32, #tpu.memory_space<vmem>>, vector<1x16xf32>,
        %get3A_2514 = vector.shape_cast %get3A_2513 : vector<1x16xf32> to vector<16xf32>
        %add3A_2515 = arith.constant 5 : i32
        %add3A_2516 = arith.addi %add3A_2156, %add3A_2515 : i32
        %get3A_2517 = arith.index_cast %add3A_2516 : i32 to index
        %get3A_2518 = arith.constant 96 : index
        %get3A_2519 = tpu.vector_load %arg8[%get3A_2517, %get3A_2518] {strides = array<i32>} : memref<448x128xf32, #tpu.memory_space<vmem>>, vector<1x16xf32>,
        %get3A_2520 = vector.shape_cast %get3A_2519 : vector<1x16xf32> to vector<16xf32>
        %add3A_2521 = arith.constant 6 : i32
        %add3A_2522 = arith.addi %add3A_2156, %add3A_2521 : i32
        %get3A_2523 = arith.index_cast %add3A_2522 : i32 to index
        %get3A_2524 = arith.constant 96 : index
        %get3A_2525 = tpu.vector_load %arg8[%get3A_2523, %get3A_2524] {strides = array<i32>} : memref<448x128xf32, #tpu.memory_space<vmem>>, vector<1x16xf32>,
        %get3A_2526 = vector.shape_cast %get3A_2525 : vector<1x16xf32> to vector<16xf32>
        %add3A_2527 = arith.addf %get3A_2490, %get3A_2496 : vector<16xf32>
        %add3A_2528 = arith.addf %get3A_2502, %get3A_2508 : vector<16xf32>
        %add3A_2529 = arith.addf %get3A_2514, %get3A_2520 : vector<16xf32>
        %add3A_2530 = arith.addf %get3A_2526, %get3A_25 : vector<16xf32>
        %add3A_2531 = arith.addf %add3A_2527, %add3A_2528 : vector<16xf32>
        %add3A_2532 = arith.addf %add3A_2529, %add3A_2530 : vector<16xf32>
        %add3A_2533 = arith.addf %add3A_2531, %add3A_2532 : vector<16xf32>
        %swap3A_2534 = arith.index_cast %add3A_2160 : i32 to index
        %swap3A_2535 = arith.constant 96 : index
        %swap3A_2536 = tpu.vector_load %arg9[%swap3A_2534, %swap3A_2535] {strides = array<i32>} : memref<32x128xf32, #tpu.memory_space<vmem>>, vector<1x16xf32>,
        %swap3A_2537 = vector.shape_cast %swap3A_2536 : vector<1x16xf32> to vector<16xf32>
        %swap3A_2538 = vector.shape_cast %add3A_2533 : vector<16xf32> to vector<1x16xf32>
        tpu.vector_store %arg9[%swap3A_2534, %swap3A_2535], %swap3A_2538 {strides = array<i32>} : memref<32x128xf32, #tpu.memory_space<vmem>>, vector<1x16xf32>,
        %add3A_2539 = arith.constant 0 : i32
        %add3A_2540 = arith.addi %add3A_2156, %add3A_2539 : i32
        %get3A_2541 = arith.index_cast %add3A_2540 : i32 to index
        %get3A_2542 = arith.constant 112 : index
        %get3A_2543 = tpu.vector_load %arg8[%get3A_2541, %get3A_2542] {strides = array<i32>} : memref<448x128xf32, #tpu.memory_space<vmem>>, vector<1x16xf32>,
        %get3A_2544 = vector.shape_cast %get3A_2543 : vector<1x16xf32> to vector<16xf32>
        %add3A_2545 = arith.constant 1 : i32
        %add3A_2546 = arith.addi %add3A_2156, %add3A_2545 : i32
        %get3A_2547 = arith.index_cast %add3A_2546 : i32 to index
        %get3A_2548 = arith.constant 112 : index
        %get3A_2549 = tpu.vector_load %arg8[%get3A_2547, %get3A_2548] {strides = array<i32>} : memref<448x128xf32, #tpu.memory_space<vmem>>, vector<1x16xf32>,
        %get3A_2550 = vector.shape_cast %get3A_2549 : vector<1x16xf32> to vector<16xf32>
        %add3A_2551 = arith.constant 2 : i32
        %add3A_2552 = arith.addi %add3A_2156, %add3A_2551 : i32
        %get3A_2553 = arith.index_cast %add3A_2552 : i32 to index
        %get3A_2554 = arith.constant 112 : index
        %get3A_2555 = tpu.vector_load %arg8[%get3A_2553, %get3A_2554] {strides = array<i32>} : memref<448x128xf32, #tpu.memory_space<vmem>>, vector<1x16xf32>,
        %get3A_2556 = vector.shape_cast %get3A_2555 : vector<1x16xf32> to vector<16xf32>
        %add3A_2557 = arith.constant 3 : i32
        %add3A_2558 = arith.addi %add3A_2156, %add3A_2557 : i32
        %get3A_2559 = arith.index_cast %add3A_2558 : i32 to index
        %get3A_2560 = arith.constant 112 : index
        %get3A_2561 = tpu.vector_load %arg8[%get3A_2559, %get3A_2560] {strides = array<i32>} : memref<448x128xf32, #tpu.memory_space<vmem>>, vector<1x16xf32>,
        %get3A_2562 = vector.shape_cast %get3A_2561 : vector<1x16xf32> to vector<16xf32>
        %add3A_2563 = arith.constant 4 : i32
        %add3A_2564 = arith.addi %add3A_2156, %add3A_2563 : i32
        %get3A_2565 = arith.index_cast %add3A_2564 : i32 to index
        %get3A_2566 = arith.constant 112 : index
        %get3A_2567 = tpu.vector_load %arg8[%get3A_2565, %get3A_2566] {strides = array<i32>} : memref<448x128xf32, #tpu.memory_space<vmem>>, vector<1x16xf32>,
        %get3A_2568 = vector.shape_cast %get3A_2567 : vector<1x16xf32> to vector<16xf32>
        %add3A_2569 = arith.constant 5 : i32
        %add3A_2570 = arith.addi %add3A_2156, %add3A_2569 : i32
        %get3A_2571 = arith.index_cast %add3A_2570 : i32 to index
        %get3A_2572 = arith.constant 112 : index
        %get3A_2573 = tpu.vector_load %arg8[%get3A_2571, %get3A_2572] {strides = array<i32>} : memref<448x128xf32, #tpu.memory_space<vmem>>, vector<1x16xf32>,
        %get3A_2574 = vector.shape_cast %get3A_2573 : vector<1x16xf32> to vector<16xf32>
        %add3A_2575 = arith.constant 6 : i32
        %add3A_2576 = arith.addi %add3A_2156, %add3A_2575 : i32
        %get3A_2577 = arith.index_cast %add3A_2576 : i32 to index
        %get3A_2578 = arith.constant 112 : index
        %get3A_2579 = tpu.vector_load %arg8[%get3A_2577, %get3A_2578] {strides = array<i32>} : memref<448x128xf32, #tpu.memory_space<vmem>>, vector<1x16xf32>,
        %get3A_2580 = vector.shape_cast %get3A_2579 : vector<1x16xf32> to vector<16xf32>
        %add3A_2581 = arith.addf %get3A_2544, %get3A_2550 : vector<16xf32>
        %add3A_2582 = arith.addf %get3A_2556, %get3A_2562 : vector<16xf32>
        %add3A_2583 = arith.addf %get3A_2568, %get3A_2574 : vector<16xf32>
        %add3A_2584 = arith.addf %get3A_2580, %get3A_28 : vector<16xf32>
        %add3A_2585 = arith.addf %add3A_2581, %add3A_2582 : vector<16xf32>
        %add3A_2586 = arith.addf %add3A_2583, %add3A_2584 : vector<16xf32>
        %add3A_2587 = arith.addf %add3A_2585, %add3A_2586 : vector<16xf32>
        %swap3A_2588 = arith.index_cast %add3A_2160 : i32 to index
        %swap3A_2589 = arith.constant 112 : index
        %swap3A_2590 = tpu.vector_load %arg9[%swap3A_2588, %swap3A_2589] {strides = array<i32>} : memref<32x128xf32, #tpu.memory_space<vmem>>, vector<1x16xf32>,
        %swap3A_2591 = vector.shape_cast %swap3A_2590 : vector<1x16xf32> to vector<16xf32>
        %swap3A_2592 = vector.shape_cast %add3A_2587 : vector<16xf32> to vector<1x16xf32>
        tpu.vector_store %arg9[%swap3A_2588, %swap3A_2589], %swap3A_2592 {strides = array<i32>} : memref<32x128xf32, #tpu.memory_space<vmem>>, vector<1x16xf32>,
      }
      %scan3A_812 = arith.constant 8 : i32
      %mul3A_813 = arith.constant 32 : i32
      %mul3A_814 = arith.muli %add3A_364, %mul3A_813 : i32
      %add3A_815 = arith.addi %min3A_3, %mul3A_814 : i32
      "tpu.region"() ({
        %run_scoped3A = tpu.sem_alloc : memref<!tpu.dma_semaphore, #tpu.memory_space<semaphore_mem>>
        %dma_start3A_816 = arith.constant 0 : i32
        %dma_start3A_817 = tpu.memref_slice %arg5[%add3A_815, %dma_start3A_816] : memref<50000x128xf32, #tpu.memory_space<hbm>> -> memref<32x128xf32, #tpu.memory_space<hbm>>
        %dma_start3A_818 = arith.constant 0 : i32
        %dma_start3A_819 = tpu.memref_slice %arg5[%add3A_815, %dma_start3A_818] : memref<50000x128xf32, #tpu.memory_space<hbm>> -> memref<32x128xf32, #tpu.memory_space<hbm>>
        tpu.enqueue_dma source(%arg9 : memref<32x128xf32, #tpu.memory_space<vmem>>) target(%dma_start3A_819 : memref<32x128xf32, #tpu.memory_space<hbm>>) target_semaphore(%run_scoped3A : memref<!tpu.dma_semaphore, #tpu.memory_space<semaphore_mem>>)
        %dma_wait3A_820 = arith.constant 0 : i32
        %dma_wait3A_821 = tpu.memref_slice %arg5[%add3A_815, %dma_wait3A_820] : memref<50000x128xf32, #tpu.memory_space<hbm>> -> memref<32x128xf32, #tpu.memory_space<hbm>>
        %dma_wait3A_822 = arith.constant 0 : i32
        %dma_wait3A_823 = tpu.memref_slice %arg5[%add3A_815, %dma_wait3A_822] : memref<50000x128xf32, #tpu.memory_space<hbm>> -> memref<32x128xf32, #tpu.memory_space<hbm>>
        tpu.wait_dma2 semaphore(%run_scoped3A : memref<!tpu.dma_semaphore, #tpu.memory_space<semaphore_mem>>) src(%arg9 : memref<32x128xf32, #tpu.memory_space<vmem>>) dst(%dma_wait3A_823 : memref<32x128xf32, #tpu.memory_space<hbm>>)
        tpu.yield
      }) : () -> ()
    }
    %scan3A_359 = arith.constant 25 : i32
    return
  }
}

module attributes {stable_mosaic.version = 14 : i64} {
  func.func @_tc_matmul_body(%arg0: i32, %arg1: memref<2000x128xf32, #tpu.memory_space<vmem>>, %arg2: memref<7x128x128xf32, #tpu.memory_space<vmem>>, %arg3: memref<7x2000x128xf32, #tpu.memory_space<vmem>>) attributes {dimension_semantics = [#tpu.dimension_semantics<arbitrary>], iteration_bounds = array<i64: 25>, scalar_prefetch = 0 : i64, scratch_operands = 0 : i64, tpu.core_type = #tpu.core_type<tc>, window_params = [{transform_indices = @transform_0, window_bounds = array<i64: 2000, 128>}, {pipeline_mode = #tpu.pipeline_mode<synchronous>, transform_indices = @transform_1, window_bounds = array<i64: 7, 128, 128>}, {transform_indices = @transform_2, window_bounds = array<i64: 7, 2000, 128>}]} {
    %get3A = arith.constant 0 : index
    %get3A_0 = arith.constant 0 : index
    %get3A_1 = vector.load %arg1[%get3A, %get3A_0] : memref<2000x128xf32, #tpu.memory_space<vmem>>, vector<2000x128xf32>
    %get3A_2 = arith.constant 0 : index
    %get3A_3 = arith.constant 0 : index
    %get3A_4 = arith.constant 0 : index
    %get3A_5 = vector.load %arg2[%get3A_2, %get3A_3, %get3A_4] : memref<7x128x128xf32, #tpu.memory_space<vmem>>, vector<1x128x128xf32>
    %get3A_6 = vector.shape_cast %get3A_5 : vector<1x128x128xf32> to vector<128x128xf32>
    %dot_general3A = arith.constant dense<0.000000e+00> : vector<2000x128xf32>
    %dot_general3A_7 = tpu.matmul %get3A_1, %get3A_6, %dot_general3A {dimension_numbers = #tpu.dot_dimension_numbers<[1], [0], [0], [1], [0, 0, 1, 1], [], []>, transpose_lhs_hint = false} : vector<2000x128xf32>, vector<128x128xf32>, vector<2000x128xf32> -> vector<2000x128xf32>
    %swap3A = arith.constant 0 : index
    %swap3A_8 = arith.constant 0 : index
    %swap3A_9 = arith.constant 0 : index
    %swap3A_10 = vector.load %arg3[%swap3A, %swap3A_8, %swap3A_9] : memref<7x2000x128xf32, #tpu.memory_space<vmem>>, vector<1x2000x128xf32>
    %swap3A_11 = vector.shape_cast %swap3A_10 : vector<1x2000x128xf32> to vector<2000x128xf32>
    %swap3A_12 = vector.shape_cast %dot_general3A_7 : vector<2000x128xf32> to vector<1x2000x128xf32>
    tpu.vector_store %arg3[%swap3A, %swap3A_8, %swap3A_9], %swap3A_12 {strides = array<i32>} : memref<7x2000x128xf32, #tpu.memory_space<vmem>>, vector<1x2000x128xf32>,
    %get3A_13 = arith.constant 1 : index
    %get3A_14 = arith.constant 0 : index
    %get3A_15 = arith.constant 0 : index
    %get3A_16 = vector.load %arg2[%get3A_13, %get3A_14, %get3A_15] : memref<7x128x128xf32, #tpu.memory_space<vmem>>, vector<1x128x128xf32>
    %get3A_17 = vector.shape_cast %get3A_16 : vector<1x128x128xf32> to vector<128x128xf32>
    %dot_general3A_18 = arith.constant dense<0.000000e+00> : vector<2000x128xf32>
    %dot_general3A_19 = tpu.matmul %get3A_1, %get3A_17, %dot_general3A_18 {dimension_numbers = #tpu.dot_dimension_numbers<[1], [0], [0], [1], [0, 0, 1, 1], [], []>, transpose_lhs_hint = false} : vector<2000x128xf32>, vector<128x128xf32>, vector<2000x128xf32> -> vector<2000x128xf32>
    %swap3A_20 = arith.constant 1 : index
    %swap3A_21 = arith.constant 0 : index
    %swap3A_22 = arith.constant 0 : index
    %swap3A_23 = vector.load %arg3[%swap3A_20, %swap3A_21, %swap3A_22] : memref<7x2000x128xf32, #tpu.memory_space<vmem>>, vector<1x2000x128xf32>
    %swap3A_24 = vector.shape_cast %swap3A_23 : vector<1x2000x128xf32> to vector<2000x128xf32>
    %swap3A_25 = vector.shape_cast %dot_general3A_19 : vector<2000x128xf32> to vector<1x2000x128xf32>
    tpu.vector_store %arg3[%swap3A_20, %swap3A_21, %swap3A_22], %swap3A_25 {strides = array<i32>} : memref<7x2000x128xf32, #tpu.memory_space<vmem>>, vector<1x2000x128xf32>,
    %get3A_26 = arith.constant 2 : index
    %get3A_27 = arith.constant 0 : index
    %get3A_28 = arith.constant 0 : index
    %get3A_29 = vector.load %arg2[%get3A_26, %get3A_27, %get3A_28] : memref<7x128x128xf32, #tpu.memory_space<vmem>>, vector<1x128x128xf32>
    %get3A_30 = vector.shape_cast %get3A_29 : vector<1x128x128xf32> to vector<128x128xf32>
    %dot_general3A_31 = arith.constant dense<0.000000e+00> : vector<2000x128xf32>
    %dot_general3A_32 = tpu.matmul %get3A_1, %get3A_30, %dot_general3A_31 {dimension_numbers = #tpu.dot_dimension_numbers<[1], [0], [0], [1], [0, 0, 1, 1], [], []>, transpose_lhs_hint = false} : vector<2000x128xf32>, vector<128x128xf32>, vector<2000x128xf32> -> vector<2000x128xf32>
    %swap3A_33 = arith.constant 2 : index
    %swap3A_34 = arith.constant 0 : index
    %swap3A_35 = arith.constant 0 : index
    %swap3A_36 = vector.load %arg3[%swap3A_33, %swap3A_34, %swap3A_35] : memref<7x2000x128xf32, #tpu.memory_space<vmem>>, vector<1x2000x128xf32>
    %swap3A_37 = vector.shape_cast %swap3A_36 : vector<1x2000x128xf32> to vector<2000x128xf32>
    %swap3A_38 = vector.shape_cast %dot_general3A_32 : vector<2000x128xf32> to vector<1x2000x128xf32>
    tpu.vector_store %arg3[%swap3A_33, %swap3A_34, %swap3A_35], %swap3A_38 {strides = array<i32>} : memref<7x2000x128xf32, #tpu.memory_space<vmem>>, vector<1x2000x128xf32>,
    %get3A_39 = arith.constant 3 : index
    %get3A_40 = arith.constant 0 : index
    %get3A_41 = arith.constant 0 : index
    %get3A_42 = vector.load %arg2[%get3A_39, %get3A_40, %get3A_41] : memref<7x128x128xf32, #tpu.memory_space<vmem>>, vector<1x128x128xf32>
    %get3A_43 = vector.shape_cast %get3A_42 : vector<1x128x128xf32> to vector<128x128xf32>
    %dot_general3A_44 = arith.constant dense<0.000000e+00> : vector<2000x128xf32>
    %dot_general3A_45 = tpu.matmul %get3A_1, %get3A_43, %dot_general3A_44 {dimension_numbers = #tpu.dot_dimension_numbers<[1], [0], [0], [1], [0, 0, 1, 1], [], []>, transpose_lhs_hint = false} : vector<2000x128xf32>, vector<128x128xf32>, vector<2000x128xf32> -> vector<2000x128xf32>
    %swap3A_46 = arith.constant 3 : index
    %swap3A_47 = arith.constant 0 : index
    %swap3A_48 = arith.constant 0 : index
    %swap3A_49 = vector.load %arg3[%swap3A_46, %swap3A_47, %swap3A_48] : memref<7x2000x128xf32, #tpu.memory_space<vmem>>, vector<1x2000x128xf32>
    %swap3A_50 = vector.shape_cast %swap3A_49 : vector<1x2000x128xf32> to vector<2000x128xf32>
    %swap3A_51 = vector.shape_cast %dot_general3A_45 : vector<2000x128xf32> to vector<1x2000x128xf32>
    tpu.vector_store %arg3[%swap3A_46, %swap3A_47, %swap3A_48], %swap3A_51 {strides = array<i32>} : memref<7x2000x128xf32, #tpu.memory_space<vmem>>, vector<1x2000x128xf32>,
    %get3A_52 = arith.constant 4 : index
    %get3A_53 = arith.constant 0 : index
    %get3A_54 = arith.constant 0 : index
    %get3A_55 = vector.load %arg2[%get3A_52, %get3A_53, %get3A_54] : memref<7x128x128xf32, #tpu.memory_space<vmem>>, vector<1x128x128xf32>
    %get3A_56 = vector.shape_cast %get3A_55 : vector<1x128x128xf32> to vector<128x128xf32>
    %dot_general3A_57 = arith.constant dense<0.000000e+00> : vector<2000x128xf32>
    %dot_general3A_58 = tpu.matmul %get3A_1, %get3A_56, %dot_general3A_57 {dimension_numbers = #tpu.dot_dimension_numbers<[1], [0], [0], [1], [0, 0, 1, 1], [], []>, transpose_lhs_hint = false} : vector<2000x128xf32>, vector<128x128xf32>, vector<2000x128xf32> -> vector<2000x128xf32>
    %swap3A_59 = arith.constant 4 : index
    %swap3A_60 = arith.constant 0 : index
    %swap3A_61 = arith.constant 0 : index
    %swap3A_62 = vector.load %arg3[%swap3A_59, %swap3A_60, %swap3A_61] : memref<7x2000x128xf32, #tpu.memory_space<vmem>>, vector<1x2000x128xf32>
    %swap3A_63 = vector.shape_cast %swap3A_62 : vector<1x2000x128xf32> to vector<2000x128xf32>
    %swap3A_64 = vector.shape_cast %dot_general3A_58 : vector<2000x128xf32> to vector<1x2000x128xf32>
    tpu.vector_store %arg3[%swap3A_59, %swap3A_60, %swap3A_61], %swap3A_64 {strides = array<i32>} : memref<7x2000x128xf32, #tpu.memory_space<vmem>>, vector<1x2000x128xf32>,
    %get3A_65 = arith.constant 5 : index
    %get3A_66 = arith.constant 0 : index
    %get3A_67 = arith.constant 0 : index
    %get3A_68 = vector.load %arg2[%get3A_65, %get3A_66, %get3A_67] : memref<7x128x128xf32, #tpu.memory_space<vmem>>, vector<1x128x128xf32>
    %get3A_69 = vector.shape_cast %get3A_68 : vector<1x128x128xf32> to vector<128x128xf32>
    %dot_general3A_70 = arith.constant dense<0.000000e+00> : vector<2000x128xf32>
    %dot_general3A_71 = tpu.matmul %get3A_1, %get3A_69, %dot_general3A_70 {dimension_numbers = #tpu.dot_dimension_numbers<[1], [0], [0], [1], [0, 0, 1, 1], [], []>, transpose_lhs_hint = false} : vector<2000x128xf32>, vector<128x128xf32>, vector<2000x128xf32> -> vector<2000x128xf32>
    %swap3A_72 = arith.constant 5 : index
    %swap3A_73 = arith.constant 0 : index
    %swap3A_74 = arith.constant 0 : index
    %swap3A_75 = vector.load %arg3[%swap3A_72, %swap3A_73, %swap3A_74] : memref<7x2000x128xf32, #tpu.memory_space<vmem>>, vector<1x2000x128xf32>
    %swap3A_76 = vector.shape_cast %swap3A_75 : vector<1x2000x128xf32> to vector<2000x128xf32>
    %swap3A_77 = vector.shape_cast %dot_general3A_71 : vector<2000x128xf32> to vector<1x2000x128xf32>
    tpu.vector_store %arg3[%swap3A_72, %swap3A_73, %swap3A_74], %swap3A_77 {strides = array<i32>} : memref<7x2000x128xf32, #tpu.memory_space<vmem>>, vector<1x2000x128xf32>,
    %get3A_78 = arith.constant 6 : index
    %get3A_79 = arith.constant 0 : index
    %get3A_80 = arith.constant 0 : index
    %get3A_81 = vector.load %arg2[%get3A_78, %get3A_79, %get3A_80] : memref<7x128x128xf32, #tpu.memory_space<vmem>>, vector<1x128x128xf32>
    %get3A_82 = vector.shape_cast %get3A_81 : vector<1x128x128xf32> to vector<128x128xf32>
    %dot_general3A_83 = arith.constant dense<0.000000e+00> : vector<2000x128xf32>
    %dot_general3A_84 = tpu.matmul %get3A_1, %get3A_82, %dot_general3A_83 {dimension_numbers = #tpu.dot_dimension_numbers<[1], [0], [0], [1], [0, 0, 1, 1], [], []>, transpose_lhs_hint = false} : vector<2000x128xf32>, vector<128x128xf32>, vector<2000x128xf32> -> vector<2000x128xf32>
    %swap3A_85 = arith.constant 6 : index
    %swap3A_86 = arith.constant 0 : index
    %swap3A_87 = arith.constant 0 : index
    %swap3A_88 = vector.load %arg3[%swap3A_85, %swap3A_86, %swap3A_87] : memref<7x2000x128xf32, #tpu.memory_space<vmem>>, vector<1x2000x128xf32>
    %swap3A_89 = vector.shape_cast %swap3A_88 : vector<1x2000x128xf32> to vector<2000x128xf32>
    %swap3A_90 = vector.shape_cast %dot_general3A_84 : vector<2000x128xf32> to vector<1x2000x128xf32>
    tpu.vector_store %arg3[%swap3A_85, %swap3A_86, %swap3A_87], %swap3A_90 {strides = array<i32>} : memref<7x2000x128xf32, #tpu.memory_space<vmem>>, vector<1x2000x128xf32>,
    return
  }
  func.func @transform_0(%arg0: i32) -> (i32, i32) {
    %c0_i32 = arith.constant 0 : i32
    %c0_i32_0 = arith.constant 0 : i32
    return %arg0, %c0_i32 : i32, i32
  }
  func.func @transform_1(%arg0: i32) -> (i32, i32, i32) {
    %c0_i32 = arith.constant 0 : i32
    %c0_i32_0 = arith.constant 0 : i32
    %c0_i32_1 = arith.constant 0 : i32
    %c0_i32_2 = arith.constant 0 : i32
    return %c0_i32, %c0_i32_0, %c0_i32_1 : i32, i32, i32
  }
  func.func @transform_2(%arg0: i32) -> (i32, i32, i32) {
    %c0_i32 = arith.constant 0 : i32
    %c0_i32_0 = arith.constant 0 : i32
    %c0_i32_1 = arith.constant 0 : i32
    return %c0_i32, %arg0, %c0_i32_0 : i32, i32, i32
  }
}

</mosaic_0001>

<sc_bundles>
// kernel: kernel.4.cloned.1.call-start
scs
__scs_entry_jumppad:
0x0: {  	(pc) =	sbr.rel $0x88, $3  }
0x1: {  	(tag) =	ssettag $0x0;
	lr =	simm.s32 $0x1  }
0x2: {  	[smem:$0x3F9D] =	sst lr;
	_ =	strace $0xD0000000  }
0x3: {  	_ = 	snop  }
0x4: {  	_ = 	snop  }
0x5: {  	_ = 	snop  }
0x6: {  	_ = 	snop  }
0x7: {  	_ = 	snop  }
__scs_overlays_trampoline_lowered:
0x8: {  	[smem:$0x3FAC] =	sst s0  }
0x9: {  	[smem:$0x3FAD] =	sst s1  }
0xa: {  	[smem:$0x3FAE] =	sst s2  }
0xb: {  	[smem:$0x3FAF] =	sst s3  }
0xc: {  	[smem:$0x3FB0] =	sst s4  }
0xd: {  	[smem:$0x3FB1] =	sst s5  }
0xe: {  	[smem:$0x3FB2] =	sst s6  }
0xf: {  	[smem:$0x3FB3] =	sst s7  }
0x10: {  	[smem:$0x3FB4] =	sst s8  }
0x11: {  	[smem:$0x3FB5] =	sst s9;
	s0 =	simm.s32 @!p0 $0x0  }
0x12: {  	s1 =	sld [smem:$0x3F9B];
	s0 =	simm.s32 @p0 $0x1  }
0x13: {  	[smem:$0x3FB6] =	sst s0;
	s0 =	simm.s32 @!p1 $0x0  }
0x14: {  	s2 =	sld [smem:$0x3F9A];
	s0 =	simm.s32 @p1 $0x1  }
0x15: {  	[smem:$0x3FB7] =	sst s0;
	s0 =	simm.s32 @!p2 $0x0  }
0x16: {  	s3 =	sld [smem:$0x3FDB];
	s0 =	simm.s32 @p2 $0x1  }
0x17: {  	s4 =	simm.s32 $0x1BF5;
	[smem:$0x3FB9] =	sst s0  }
0x18: {  	s0 =	sld [smem:$0x3F9C];
	_ =	swait.ge [sflag:s4], $0x0  }
0x19: {  	s7 =	sld [smem:$0x3F9D]  }
0x1a: {  	s8 =	sadd.s32 $0xFFFFE003, lr  }
0x1b: {  	s9 =	sadd.s32 $0xFFFFFEF7, lr;
	s5 =	simm.s32 $0xFFFFFFFF;
	p2 =	slt.u32 s8, $0xFFFFF086  }
0x1c: {  	p1 =	slt.u32 s9, $0xF7A;
	s5 =	simm.s32 @!p2 $0x0  }
0x1d: {  	s5 =	simm.s32 @p1 $0x1;
	p0 =	seq.s32 s7, s2  }
0x1e: {  	s7 =	smul.u32 @!p0 $0xF7A, s2;
	p2 =	seq.s32 @!p0 s5, $0x0  }
0x1f: {  	s9 =	smul.u32 $0xF7A, s1;
	s8 =	simm.s32 @!p0 $0x1BF5;
	p2 =	por !p2, p0  }
0x20: {  	[sflag:s8] =	ssyncset.s32 @!p0 $0xFFFFF086;
	s6 =	sadd.s32 @!p0 s3, s7;
	s7 =	simm.s32 @!p0 $0x108  }
0x21: {  	s3 =	sadd.s32 s3, s9;
	s6 =	sadd.s32 @!p0 $0x88, s6;
	s7 =	simm.s32 @p2 $0x1082  }
0x22: {  	[simem:s7], [sflag:s8] =	dma.local @!p0 [hbm:s6], $0xF7A  }
0x23: {  	s9 =	sor.u32 $0xD0000000, s2;
	s6 =	simm.s32 $0x108;
	_ =	swait.ge @!p0 [sflag:s8], $0x0  }
0x24: {  	s3 =	sadd.s32 $0x88, s3;
	s6 =	simm.s32 @!p1 $0x1082;
	[sflag:s4] =	ssyncset.s32 $0xFFFFF086  }
0x25: {  	[simem:s6], [sflag:s4] =	dma.local [hbm:s3], $0xF7A  }
0x26: {  	[smem:$0x3F9D] =	sst s1;
	(tag) =	ssettag s2;
	_ =	strace s9  }
0x27: {  	s1 =	sld [smem:$0x3FAD]  }
0x28: {  	s2 =	sld [smem:$0x3FAE]  }
0x29: {  	s4 =	sld [smem:$0x3FB0]  }
0x2a: {  	p0 =	seq.s32 s5, $0x0;
	s5 =	sld [smem:$0x3FB1]  }
0x2b: {  	s6 =	sld [smem:$0x3FB2]  }
0x2c: {  	s7 =	sld [smem:$0x3FB3]  }
0x2d: {  	s3 =	simm.s32 $0x108;
	s8 =	sld [smem:$0x3FB4]  }
0x2e: {  	s3 =	simm.s32 @!p0 $0x1082;
	s9 =	sld [smem:$0x3FB5]  }
0x2f: {  	lr =	sadd.s32 s0, s3;
	s0 =	sld [smem:$0x3FAC]  }
0x30: {  	s3 =	sld [smem:$0x3FAF]  }
0x31: {  	[smem:$0x3FB8] =	sst s10  }
0x32: {  	s10 =	sld [smem:$0x3FB6];
	_ =	sdelay $0x3  }
0x33: {  	p0 =	seq.s32 s10, $0x1;
	s10 =	sld [smem:$0x3FB8];
	_ =	sdelay $0x3  }
0x34: {  	[smem:$0x3FB8] =	sst s10  }
0x35: {  	s10 =	sld [smem:$0x3FB7];
	_ =	sdelay $0x3  }
0x36: {  	p1 =	seq.s32 s10, $0x1;
	s10 =	sld [smem:$0x3FB8];
	_ =	sdelay $0x3  }
0x37: {  	[smem:$0x3FB8] =	sst s10  }
0x38: {  	s10 =	sld [smem:$0x3FB9]  }
0x39: {  	_ = 	snop;
	(pc) =	sbr.ind lr, $3  }
0x3a: {  	_ = 	snop  }
0x3b: {  	_ = 	snop  }
0x3c: {  	p2 =	seq.s32 s10, $0x1;
	s10 =	sld [smem:$0x3FB8]  }
0x3d: {  	_ =	shalt  }
0x3e: {  	_ =	shalt  }
0x3f: {  	_ =	shalt  }
0x40: {  	_ =	shalt  }
0x41: {  	_ =	shalt  }
0x42: {  	_ =	shalt  }
0x43: {  	_ =	shalt  }
0x44: {  	_ =	shalt  }
0x45: {  	_ =	shalt  }
0x46: {  	_ =	shalt  }
0x47: {  	_ =	shalt  }
0x48: {  	_ =	shalt  }
0x49: {  	_ =	shalt  }
0x4a: {  	_ =	shalt  }
0x4b: {  	_ =	shalt  }
0x4c: {  	_ =	shalt  }
0x4d: {  	_ =	shalt  }
0x4e: {  	_ =	shalt  }
0x4f: {  	_ =	shalt  }
0x50: {  	_ =	shalt  }
0x51: {  	_ =	shalt  }
0x52: {  	_ =	shalt  }
0x53: {  	_ =	shalt  }
0x54: {  	_ =	shalt  }
0x55: {  	_ =	shalt  }
0x56: {  	_ =	shalt  }
0x57: {  	_ =	shalt  }
0x58: {  	_ =	shalt  }
0x59: {  	_ =	shalt  }
0x5a: {  	_ =	shalt  }
0x5b: {  	_ =	shalt  }
0x5c: {  	_ =	shalt  }
0x5d: {  	_ =	shalt  }
0x5e: {  	_ =	shalt  }
0x5f: {  	_ =	shalt  }
0x60: {  	_ =	shalt  }
0x61: {  	_ =	shalt  }
0x62: {  	_ =	shalt  }
0x63: {  	_ =	shalt  }
0x64: {  	_ =	shalt  }
0x65: {  	_ =	shalt  }
0x66: {  	_ =	shalt  }
0x67: {  	_ =	shalt  }
0x68: {  	_ =	shalt  }
0x69: {  	_ =	shalt  }
0x6a: {  	_ =	shalt  }
0x6b: {  	_ =	shalt  }
0x6c: {  	_ =	shalt  }
0x6d: {  	_ =	shalt  }
0x6e: {  	_ =	shalt  }
0x6f: {  	_ =	shalt  }
0x70: {  	_ =	shalt  }
0x71: {  	_ =	shalt  }
0x72: {  	_ =	shalt  }
0x73: {  	_ =	shalt  }
0x74: {  	_ =	shalt  }
0x75: {  	_ =	shalt  }
0x76: {  	_ =	shalt  }
0x77: {  	_ =	shalt  }
0x78: {  	_ =	shalt  }
0x79: {  	_ =	shalt  }
0x7a: {  	_ =	shalt  }
0x7b: {  	_ =	shalt  }
0x7c: {  	_ =	shalt  }
0x7d: {  	_ =	shalt  }
0x7e: {  	_ =	shalt  }
0x7f: {  	_ =	shalt  }
0x80: {  	_ =	shalt  }
0x81: {  	_ =	shalt  }
0x82: {  	_ =	shalt  }
0x83: {  	_ =	shalt  }
0x84: {  	_ =	shalt  }
0x85: {  	_ =	shalt  }
0x86: {  	_ =	shalt  }
0x87: {  	_ =	shalt  }
.Lfunc_end0:
.L_simem_size_0:
called_computation_lowered:
.L_overlay_start_0:
0x88: {  	s2 =	sld [smem:$0x3FD9]  }
0x89: {  	s3 =	sld [smem:$0x3FFE];
	_ =	sdelay $0x1  }
0x8a: {  	s1 =	srdreg.scid  }
0x8b: {  	s0 =	sand.u32 $0x1, s1  }
0x8c: {  	s17 =	sshll.u32 s0, $0xA;
	s2 =	sadd.s32 s3, s2  }
0x8d: {  	s2 =	sadd.s32 s2, s17  }
0x8e: {  	[smem:$0x3FC4] =	sst s2  }
0x8f: {  	_ = 	snop  }
0x90: {  	s2 =	sld [smem:$0x3FC8]  }
0x91: {  	s18 =	sld [smem:$0x3FC6]  }
0x92: {  	s4 =	sld [smem:$0x3FD0];
	(tm) =	ssettm $0x1  }
0x93: {  	s5 =	sld [smem:$0x3FFB];
	_ =	sdelay $0x3  }
0x94: {  	_ =	strace s5  }
0x95: {  	s5 =	sld [smem:$0x3FFC];
	_ =	sdelay $0x3  }
0x96: {  	_ =	strace s5  }
0x97: {  	s5 =	sld [smem:$0x3FFD];
	_ =	sdelay $0x3  }
0x98: {  	_ =	strace s5  }
0x99: {  	_ =	strace $0x8FFFFFFF  }
0x9a: {  	s19 =	sld [smem:$0x3FDB];
	_ =	sdelay $0x1  }
0x9b: {  	s6 =	simm.s32 $_scs_section_size  }
0x9c: {  	s7 =	simm.s32 $_size__tile_overlayer_lowered;
	s8 =	simm.s32 $_tile_overlayer_lowered  }
0x9d: {  	s22 =	simm.s32 $0x1BFF;
	s21 =	sshll.u32 s8, $0x1;
	s5 =	sadd.s32 s6, s19  }
0x9e: {  	s9 =	simm.s32 $0x0;
	s20 =	sshll.u32 s7, $0x1;
	s7 =	sadd.s32 s21, s5  }
0x9f: {  	[timem:s9], [sflag:s22] =	dma.local [hbm:s7], s20  }
0xa0: {  	_ =	swait.ge [sflag:s22], s20  }
0xa1: {  	s6 =	ssub.s32 $0x0, s20;
	[sflag:s22] =	ssyncset.done $0x0  }
0xa2: {  	[sflag:s22] =	ssyncadd.s32 s6;
	_ =	sdelay $0x1  }
0xa3: {  	s23 =	simm.s32 $0x1B8B  }
0xa4: {  	_ =	swait.ge [sflag:s23], $0x1  }
0xa5: {  	[sflag:s23] =	ssyncset.done $0x0  }
0xa6: {  	s25 =	simm.s32 $0x1B8E;
	s24 =	sld [smem:$0x3FFE];
	[sflag:s23] =	ssyncadd.s32 $0xFFFFFFFF  }
0xa7: {  	s26 =	simm.s32 $execute0_lowered;
	[smem:$0x3FD2] =	sst s25  }
0xa8: {  	s7 =	sshll.u32 s26, $0x1;
	_ =	strace $0x80000046;
	[dreg:$0x1] =	wrdreg $0xFFFFFFFF  }
0xa9: {  	s28 =	simm.s32 $_size_execute0_lowered;
	s5 =	sadd.s32 s5, s7;
	[dreg:$0x0] =	wrdreg $0x0  }
0xaa: {  	s7 =	sshll.u32 s28, $0x1;
	[dreg:$0x2] =	wrdreg s5  }
0xab: {  	[dreg:$0x3] =	wrdreg s7  }
0xac: {  	[dreg:$0x4] =	wrdreg $0xC0  }
0xad: {  	_ =	task [dreg:s9], $0x5FFFF  }
0xae: {  	[dreg:$0x1] =	wrdreg $0xFFFFFFFF  }
0xaf: {  	[dreg:$0x0] =	wrdreg $0x60  }
0xb0: {  	[dreg:$0x2] =	wrdreg s24  }
0xb1: {  	[dreg:$0x3] =	wrdreg s2  }
0xb2: {  	[dreg:$0x4] =	wrdreg s18  }
0xb3: {  	[dreg:$0x5] =	wrdreg s4  }
0xb4: {  	[dreg:$0x6] =	wrdreg $0x9  }
0xb5: {  	_ =	task.clear_ibuf [dreg:s9], $0x7FFFF;
	_ =	strace $0x90000046  }
0xb6: {  	s29 =	simm.s32 $0x9;
	_ =	strace $0x80000048  }
0xb7: {  	_ =	swait.ge [sflag:s29], $0x1  }
0xb8: {  	[sflag:s29] =	ssyncadd.s32 $0xFFFFFFFF  }
0xb9: {  	_ =	strace $0x90000048  }
0xba: {  	_ =	sfence  }
0xbb: {  	s30 =	sld [smem:$0x0];
	_ =	sdelay $0x2  }
0xbc: {  	s31 =	sshll.u32 s1, $0xD;
	s1 =	sshrl.u32 s1, $0x2  }
0xbd: {  	s3 =	sand.u32 $0x4000, s31;
	s1 =	sadd.s32 s1, s30  }
0xbe: {  	s0 =	sor.u32 s3, s0;
	s1 =	sshll.u32 s1, $0x11  }
0xbf: {  	s0 =	sor.u32 s1, s0  }
0xc0: {  	s0 =	sadd.s32 $0x8F2B, s0  }
0xc1: {  	[sflag:s0] =	ssyncadd.remote.s32 $0x1  }
0xc2: {  	_ =	sfence.sel $0xFFFF  }
0xc3: {  	[dreg:$0x0] =	wrdreg $0xFFFFFFFF;
	(pc) =	sbr.abs _section_cstart, $3  }
0xc4: {  	[dreg:$0x1] =	wrdreg $0xFFFFFFFF  }
0xc5: {  	_ =	task.clear_ibuf [dreg:s9], $0x2FFFF;
	_ =	strace $0x9FFFFFFF  }
0xc6: {  	(tm) =	ssettm $0x7FFFFFFF  }
0xc7: {  	_ =	shalt  }
tec
execute0_lowered:
.L_overlay_start_1:
0x0: {  	(tag) =	ssettag $0x1  }
0x1: {  	vm12 =	vcmask $0x300;
	v0 =	vimm.s32 $0xC350;
	vm11 =	vcmask $0xB08  }
0x2: {  	vm10 =	vcmask $0xF0C;
	vm9 =	vcmask $0x1310;
	vm8 =	vcmask $0x1714  }
0x3: {  	vm7 =	vcmask $0x1B18;
	vm6 =	vcmask $0x1F1C;
	vm5 =	vcmask $0x2724  }
0x4: {  	vm4 =	vcmask $0x2B28;
	vm3 =	vcmask $0x2F2C;
	vm2 =	vcmask $0x3330  }
0x5: {  	vm1 =	vcmask $0x3734;
	vm0 =	vcmask $0x3B38;
	v1 =	vimm.s32 $0x249F0  }
0x6: {  	v2 =	vimm.s32 $0x3D090;
	v3 =	vimm.s32 $0x0;
	v4 =	vimm.s32 $0x186A0  }
0x7: {  	v5 =	vimm.s32 $0x30D40;
	v6 =	vimm.s32 $0x493E0;
	v0 =	vsel vm12, $0x0, v0  }
0x8: {  	v1 =	vsel vm12, $0x186A0, v1;
	v2 =	vsel vm12, $0x30D40, v2;
	v3 =	vsel vm12, $0x493E0, v3  }
0x9: {  	v4 =	vsel vm12, $0xC350, v4;
	v5 =	vsel vm12, $0x249F0, v5;
	v6 =	vsel vm12, $0x3D090, v6  }
0xa: {  	v0 =	vsel vm11, $0x186A0, v0;
	v1 =	vsel vm11, $0x30D40, v1;
	v2 =	vsel vm11, $0x493E0, v2  }
0xb: {  	v3 =	vsel vm11, $0xC350, v3;
	v4 =	vsel vm11, $0x249F0, v4;
	v5 =	vsel vm11, $0x3D090, v5  }
0xc: {  	v6 =	vsel vm11, $0x0, v6;
	v0 =	vsel vm10, $0x249F0, v0;
	v1 =	vsel vm10, $0x3D090, v1  }
0xd: {  	v2 =	vsel vm10, $0x0, v2;
	v3 =	vsel vm10, $0x186A0, v3;
	v4 =	vsel vm10, $0x30D40, v4  }
0xe: {  	v5 =	vsel vm10, $0x493E0, v5;
	v6 =	vsel vm10, $0xC350, v6;
	v0 =	vsel vm9, $0x30D40, v0  }
0xf: {  	v1 =	vsel vm9, $0x493E0, v1;
	v2 =	vsel vm9, $0xC350, v2;
	v3 =	vsel vm9, $0x249F0, v3  }
0x10: {  	v4 =	vsel vm9, $0x3D090, v4;
	v5 =	vsel vm9, $0x0, v5;
	v6 =	vsel vm9, $0x186A0, v6  }
0x11: {  	v0 =	vsel vm8, $0x3D090, v0;
	v1 =	vsel vm8, $0x0, v1;
	v2 =	vsel vm8, $0x186A0, v2  }
0x12: {  	v3 =	vsel vm8, $0x30D40, v3;
	v4 =	vsel vm8, $0x493E0, v4;
	v5 =	vsel vm8, $0xC350, v5  }
0x13: {  	v6 =	vsel vm8, $0x249F0, v6;
	v0 =	vsel vm7, $0x493E0, v0;
	v1 =	vsel vm7, $0xC350, v1  }
0x14: {  	v2 =	vsel vm7, $0x249F0, v2;
	v3 =	vsel vm7, $0x3D090, v3;
	v4 =	vsel vm7, $0x0, v4  }
0x15: {  	v5 =	vsel vm7, $0x186A0, v5;
	v6 =	vsel vm7, $0x30D40, v6;
	v0 =	vsel vm6, $0x0, v0  }
0x16: {  	v1 =	vsel vm6, $0x186A0, v1;
	v2 =	vsel vm6, $0x30D40, v2;
	v3 =	vsel vm6, $0x493E0, v3  }
0x17: {  	v4 =	vsel vm6, $0xC350, v4;
	v5 =	vsel vm6, $0x249F0, v5;
	v6 =	vsel vm6, $0x3D090, v6  }
0x18: {  	s4 =	rddreg [dreg:$0x0];
	v0 =	vsel vm5, $0x186A0, v0;
	v1 =	vsel vm5, $0x30D40, v1;
	v2 =	vsel vm5, $0x493E0, v2  }
0x19: {  	s1 =	srdreg.scid;
	s6 =	rddreg [dreg:$0x1];
	v3 =	vsel vm5, $0xC350, v3;
	v4 =	vsel vm5, $0x249F0, v4;
	v5 =	vsel vm5, $0x3D090, v5  }
0x1a: {  	s0 =	stileid.u32;
	s8 =	rddreg [dreg:$0x3];
	s3 =	simm.s32 $0x0;
	v6 =	vsel vm5, $0x0, v6;
	v0 =	vsel vm4, $0x249F0, v0;
	v1 =	vsel vm4, $0x3D090, v1  }
0x1b: {  	s11 =	simm.s32 $0x2C00;
	s12 =	simm.s32 $0x2E00;
	s13 =	simm.s32 $0x2C80;
	v2 =	vsel vm4, $0x0, v2;
	v3 =	vsel vm4, $0x186A0, v3;
	v4 =	vsel vm4, $0x30D40, v4  }
0x1c: {  	s14 =	simm.s32 $0x6600;
	s5 =	sand.u32 $0x1, s1;
	s31 =	sshll.u32 s0, $0x1;
	v5 =	vsel vm4, $0x493E0, v5;
	v6 =	vsel vm4, $0xC350, v6;
	v0 =	vsel vm3, $0x30D40, v0  }
0x1d: {  	s15 =	simm.s32 $0x2D00;
	s16 =	simm.s32 $0x9E00;
	s2 =	sor.u32 s5, s31;
	v1 =	vsel vm3, $0x493E0, v1;
	v2 =	vsel vm3, $0xC350, v2;
	v3 =	vsel vm3, $0x249F0, v3  }
0x1e: {  	s17 =	simm.s32 $0x2D80;
	s18 =	simm.s32 $0xD600;
	s7 =	smul.u32 $0x640, s2;
	v4 =	vsel vm3, $0x3D090, v4;
	v5 =	vsel vm3, $0x0, v5;
	v6 =	vsel vm3, $0x186A0, v6  }
0x1f: {  	s19 =	simm.s32 $0x1;
	s20 =	simm.s32 $0x10E00;
	s1 =	rddreg [dreg:$0x2];
	v0 =	vsel vm2, $0x3D090, v0;
	v1 =	vsel vm2, $0x0, v1;
	v2 =	vsel vm2, $0x186A0, v2  }
0x20: {  	s21 =	simm.s32 $0x0;
	[smem:$0x7FF] =	sst s3;
	s7 =	smin.u32 s7, $0xBD10;
	v3 =	vsel vm2, $0x30D40, v3;
	v4 =	vsel vm2, $0x493E0, v4;
	v5 =	vsel vm2, $0xC350, v5  }
0x21: {  	s4 =	sadd.s32 $0x400, s4;
	s5 =	ssub.s32 $0x2, s5;
	s9 =	smul.u32 $0x7, s7;
	v6 =	vsel vm2, $0x249F0, v6;
	v0 =	vsel vm1, $0x493E0, v0;
	v1 =	vsel vm1, $0xC350, v1  }
0x22: {  	s2 =	rddreg [dreg:$0x4];
	_ =	strace $0x80000047;
	s10 =	sshrl.u32 s5, $0x1;
	v2 =	vsel vm1, $0x249F0, v2;
	v3 =	vsel vm1, $0x3D090, v3;
	v4 =	vsel vm1, $0x0, v4  }
0x23: {  	s10 =	ssub.s32 s5, s10;
	s7 =	sshll.u32 s7, $0x4;
	s9 =	sshrl.u32 s9, $0x3;
	v5 =	vsel vm1, $0x186A0, v5;
	v6 =	vsel vm1, $0x30D40, v6;
	v0 =	vsel vm0, $0x0, v0  }
0x24: {  	s5 =	sadd.s32 s6, s9;
	s6 =	sadd.s32 s8, s7;
	s7 =	smax.u32 s10, $0x1;
	v1 =	vsel vm0, $0x186A0, v1;
	v2 =	vsel vm0, $0x30D40, v2;
	v3 =	vsel vm0, $0x493E0, v3  }
0x25: {  	s8 =	simm.s32 $0x2;
	s9 =	simm.s32 $0x11E00;
	s10 =	simm.s32 $0x70;
	v4 =	vsel vm0, $0xC350, v4;
	v5 =	vsel vm0, $0x249F0, v5;
	v6 =	vsel vm0, $0x3D090, v6  }
.LBB2_1:
0x26: {  	[tilespmem:s3], [sflag:$0x2] =	stream.linear.gather [hbm4b:s5+s3], $0x2BC0, $0x38;
	[tilespmem:$0x11E80] =	vst v63  }
0x27: {  	_ =	swait.ge [sflag:s8], $0x2BC0  }
0x28: {  	[sflag:s8] =	ssyncset.done $0x0  }
0x29: {  	[sflag:s8] =	ssyncadd.s32 $0xFFFFD440  }
0x2a: {  	[tilespmem:s9], [sflag:$0x2] =	stream.linear.gather [hbm4b:s1+s3], $0x80, $0x38;
	[tilespmem:$0x11E80] =	vst v63  }
0x2b: {  	_ =	swait.ge [sflag:s8], $0x80  }
0x2c: {  	[sflag:s8] =	ssyncset.done $0x0  }
0x2d: {  	[sflag:s8] =	ssyncadd.s32 $0xFFFFFF80  }
0x2e: {  	v7 =	vld [tilespmem:$0x11E00]  }
0x2f: {  	v9 =	vld [tilespmem:$0x0]  }
0x30: {  	v10 =	vld [tilespmem:$0x10]  }
0x31: {  	v11 =	vld [tilespmem:$0x20]  }
0x32: {  	v12 =	vld [tilespmem:$0x30]  }
0x33: {  	v13 =	vld [tilespmem:$0x40]  }
0x34: {  	v14 =	vld [tilespmem:$0x50];
	v9 =	vadd.s32 v0, v9  }
0x35: {  	[tilespmem:$0x2C00] =	vst v9;
	v9 =	vadd.s32 v1, v10;
	v10 =	vld [tilespmem:$0x60]  }
0x36: {  	[tilespmem:$0x2C10] =	vst v9;
	v9 =	vadd.s32 v2, v11;
	v11 =	vld [tilespmem:$0x70]  }
0x37: {  	[tilespmem:$0x2C20] =	vst v9;
	v9 =	vadd.s32 v3, v12;
	v12 =	vld [tilespmem:$0x80]  }
0x38: {  	[tilespmem:$0x2C30] =	vst v9;
	v9 =	vadd.s32 v4, v13;
	v13 =	vld [tilespmem:$0x90]  }
0x39: {  	v15 =	vld [tilespmem:$0xB0];
	[tilespmem:$0x2C40] =	vst v9;
	v9 =	vadd.s32 v5, v14  }
0x3a: {  	v17 =	vld [tilespmem:$0xD0];
	[tilespmem:$0x2C50] =	vst v9;
	v9 =	vadd.s32 v6, v10  }
0x3b: {  	v14 =	vld [tilespmem:$0xA0];
	[tilespmem:$0x2C60] =	vst v9;
	v9 =	vadd.s32 v0, v11  }
0x3c: {  	v16 =	vld [tilespmem:$0xC0];
	[tilespmem:$0x2C80] =	vst v9;
	v10 =	vadd.s32 v1, v12  }
0x3d: {  	v8 =	vld [tilespmem:$0x11E10];
	[tilespmem:$0x2C90] =	vst v10;
	v11 =	vadd.s32 v2, v13  }
0x3e: {  	v9 =	vld [tilespmem:$0x11E20];
	v13 =	vadd.s32 v4, v15;
	[tilespmem:$0x2CA0] =	vst v11  }
0x3f: {  	v10 =	vld [tilespmem:$0x11E30];
	v15 =	vadd.s32 v6, v17;
	[tilespmem:$0x2CC0] =	vst v13  }
0x40: {  	v12 =	vadd.s32 v3, v14;
	v11 =	vld [tilespmem:$0x11E40];
	[tilespmem:$0x2CE0] =	vst v15  }
0x41: {  	v14 =	vadd.s32 v5, v16;
	v13 =	vld [tilespmem:$0x11E60];
	[tilespmem:$0x2CB0] =	vst v12  }
0x42: {  	v12 =	vld [tilespmem:$0x11E50];
	[tilespmem:$0x2CD0] =	vst v14  }
0x43: {  	v14 =	vld [tilespmem:$0x11E70];
	[tilespmem:s12], [sflag:$0x1] =	stream.indirect.gather [hbm4b:s4+s10], $0x80, s11, s10, $0xb8  }
0x44: {  	s22 =	simm.s32 $0x0  }
0x45: {  	[tilespmem:s14], [sflag:$0x1] =	stream.indirect.gather [hbm4b:s4+s10], $0x80, s13, s10, $0xb8;
	[tilespmem:$0x11E80] =	vst v63  }
.LBB2_2:
0x46: {  	s23 =	sshllo.u32 s22, $0x1  }
0x47: {  	s24 =	smul.u32 $0xE0, s23;
	_ =	sdelay $0x1  }
0x48: {  	v15 =	vld [tilespmem:s24+$0x0];
	_ =	sdelay $0x4  }
0x49: {  	v15 =	vadd.s32 v0, v15  }
0x4a: {  	[tilespmem:$0x2D00] =	vst v15  }
0x4b: {  	v15 =	vld [tilespmem:s24+$0x10];
	_ =	sdelay $0x4  }
0x4c: {  	v15 =	vadd.s32 v1, v15  }
0x4d: {  	[tilespmem:$0x2D10] =	vst v15  }
0x4e: {  	v15 =	vld [tilespmem:s24+$0x20];
	_ =	sdelay $0x4  }
0x4f: {  	v15 =	vadd.s32 v2, v15  }
0x50: {  	[tilespmem:$0x2D20] =	vst v15  }
0x51: {  	v15 =	vld [tilespmem:s24+$0x30];
	_ =	sdelay $0x4  }
0x52: {  	v15 =	vadd.s32 v3, v15  }
0x53: {  	[tilespmem:$0x2D30] =	vst v15  }
0x54: {  	v15 =	vld [tilespmem:s24+$0x40];
	_ =	sdelay $0x4  }
0x55: {  	v15 =	vadd.s32 v4, v15  }
0x56: {  	[tilespmem:$0x2D40] =	vst v15  }
0x57: {  	v15 =	vld [tilespmem:s24+$0x50];
	_ =	sdelay $0x4  }
0x58: {  	v15 =	vadd.s32 v5, v15  }
0x59: {  	[tilespmem:$0x2D50] =	vst v15  }
0x5a: {  	v15 =	vld [tilespmem:s24+$0x60];
	_ =	sdelay $0x4  }
0x5b: {  	v15 =	vadd.s32 v6, v15  }
0x5c: {  	[tilespmem:$0x2D60] =	vst v15  }
0x5d: {  	v15 =	vld [tilespmem:s24+$0x70];
	_ =	sdelay $0x4  }
0x5e: {  	v15 =	vadd.s32 v0, v15  }
0x5f: {  	s25 =	sand.u32 $0x3FE0, s24;
	[tilespmem:$0x2D80] =	vst v15  }
0x60: {  	v15 =	vld [tilespmem:s25+$0x80];
	_ =	sdelay $0x4  }
0x61: {  	v15 =	vadd.s32 v1, v15  }
0x62: {  	[tilespmem:$0x2D90] =	vst v15  }
0x63: {  	v15 =	vld [tilespmem:s24+$0x90];
	_ =	sdelay $0x4  }
0x64: {  	v15 =	vadd.s32 v2, v15  }
0x65: {  	[tilespmem:$0x2DA0] =	vst v15  }
0x66: {  	v15 =	vld [tilespmem:s24+$0xA0];
	_ =	sdelay $0x4  }
0x67: {  	v15 =	vadd.s32 v3, v15  }
0x68: {  	[tilespmem:$0x2DB0] =	vst v15  }
0x69: {  	v15 =	vld [tilespmem:s24+$0xB0];
	_ =	sdelay $0x4  }
0x6a: {  	v15 =	vadd.s32 v4, v15  }
0x6b: {  	[tilespmem:$0x2DC0] =	vst v15  }
0x6c: {  	v15 =	vld [tilespmem:s24+$0xC0];
	_ =	sdelay $0x4  }
0x6d: {  	v15 =	vadd.s32 v5, v15  }
0x6e: {  	[tilespmem:$0x2DD0] =	vst v15  }
0x6f: {  	v15 =	vld [tilespmem:s24+$0xD0];
	_ =	sdelay $0x4  }
0x70: {  	v15 =	vadd.s32 v6, v15  }
0x71: {  	[tilespmem:$0x2DE0] =	vst v15  }
0x72: {  	[tilespmem:s16], [sflag:$0x1] =	stream.indirect.gather [hbm4b:s4+s10], $0x80, s15, s10, $0xb8;
	[tilespmem:$0x11E80] =	vst v63  }
0x73: {  	_ = 	snop  }
0x74: {  	[tilespmem:s18], [sflag:$0x1] =	stream.indirect.gather [hbm4b:s4+s10], $0x80, s17, s10, $0xb8;
	[tilespmem:$0x11E80] =	vst v63  }
0x75: {  	_ =	swait.ge [sflag:s19], $0x3800  }
0x76: {  	[sflag:s19] =	ssyncset.done $0x0  }
0x77: {  	[sflag:s19] =	ssyncadd.s32 $0xFFFFC800  }
0x78: {  	_ =	swait.ge [sflag:s19], $0x3800  }
0x79: {  	[sflag:s19] =	ssyncset.done $0x0  }
0x7a: {  	s24 =	simm.s32 $0x0;
	[sflag:s19] =	ssyncadd.s32 $0xFFFFC800  }
.LBB2_3:
0x7b: {  	s25 =	smul.u32 $0x3800, s24;
	_ =	sdelay $0x1  }
0x7c: {  	s25 =	sshra.s32 s25, $0x2  }
0x7d: {  	v15 =	vld [tilespmem:s25+$0x2E00]  }
0x7e: {  	v16 =	vld [tilespmem:s25+$0x2E80]  }
0x7f: {  	v17 =	vld [tilespmem:s25+$0x2F00]  }
0x80: {  	v18 =	vld [tilespmem:s25+$0x2F80]  }
0x81: {  	v19 =	vld [tilespmem:s25+$0x3000]  }
0x82: {  	v20 =	vld [tilespmem:s25+$0x3080]  }
0x83: {  	v21 =	vld [tilespmem:s25+$0x3100];
	_ =	sdelay $0x3  }
0x84: {  	v15 =	vadd.f32 v16, v15;
	v34 =	vadd.f32 v18, v17  }
0x85: {  	v35 =	vadd.f32 v20, v19;
	v36 =	vadd.f32 v21, v7;
	_ =	sdelay $0x1  }
0x86: {  	v15 =	vadd.f32 v34, v15;
	v37 =	vadd.f32 v36, v35;
	_ =	sdelay $0x1  }
0x87: {  	s26 =	sshll.u32 s24, $0x9;
	v15 =	vadd.f32 v37, v15  }
0x88: {  	s26 =	sand.u32 $0x3FFFFE00, s26  }
0x89: {  	[tilespmem:s26+$0x10E00] =	vst v15  }
0x8a: {  	v15 =	vld [tilespmem:s25+$0x2E10]  }
0x8b: {  	v38 =	vld [tilespmem:s25+$0x2E90]  }
0x8c: {  	v39 =	vld [tilespmem:s25+$0x2F10]  }
0x8d: {  	v40 =	vld [tilespmem:s25+$0x2F90]  }
0x8e: {  	v41 =	vld [tilespmem:s25+$0x3010]  }
0x8f: {  	v42 =	vld [tilespmem:s25+$0x3090]  }
0x90: {  	v43 =	vld [tilespmem:s25+$0x3110];
	_ =	sdelay $0x3  }
0x91: {  	v15 =	vadd.f32 v38, v15;
	v44 =	vadd.f32 v40, v39  }
0x92: {  	v45 =	vadd.f32 v42, v41;
	v46 =	vadd.f32 v43, v8;
	_ =	sdelay $0x1  }
0x93: {  	v15 =	vadd.f32 v44, v15;
	v47 =	vadd.f32 v46, v45;
	_ =	sdelay $0x1  }
0x94: {  	v15 =	vadd.f32 v47, v15;
	_ =	sdelay $0x1  }
0x95: {  	[tilespmem:s26+$0x10E10] =	vst v15  }
0x96: {  	v15 =	vld [tilespmem:s25+$0x2E20]  }
0x97: {  	v48 =	vld [tilespmem:s25+$0x2EA0]  }
0x98: {  	v49 =	vld [tilespmem:s25+$0x2F20]  }
0x99: {  	v50 =	vld [tilespmem:s25+$0x2FA0]  }
0x9a: {  	v51 =	vld [tilespmem:s25+$0x3020]  }
0x9b: {  	v52 =	vld [tilespmem:s25+$0x30A0]  }
0x9c: {  	v53 =	vld [tilespmem:s25+$0x3120];
	_ =	sdelay $0x3  }
0x9d: {  	v15 =	vadd.f32 v48, v15;
	v54 =	vadd.f32 v50, v49  }
0x9e: {  	v55 =	vadd.f32 v52, v51;
	v56 =	vadd.f32 v53, v9;
	_ =	sdelay $0x1  }
0x9f: {  	v15 =	vadd.f32 v54, v15;
	v57 =	vadd.f32 v56, v55;
	_ =	sdelay $0x1  }
0xa0: {  	v15 =	vadd.f32 v57, v15;
	_ =	sdelay $0x1  }
0xa1: {  	[tilespmem:s26+$0x10E20] =	vst v15  }
0xa2: {  	v15 =	vld [tilespmem:s25+$0x2E30]  }
0xa3: {  	v58 =	vld [tilespmem:s25+$0x2EB0]  }
0xa4: {  	v59 =	vld [tilespmem:s25+$0x2F30]  }
0xa5: {  	v60 =	vld [tilespmem:s25+$0x2FB0]  }
0xa6: {  	v61 =	vld [tilespmem:s25+$0x3030]  }
0xa7: {  	v62 =	vld [tilespmem:s25+$0x30B0]  }
0xa8: {  	v63 =	vld [tilespmem:s25+$0x3130];
	_ =	sdelay $0x3  }
0xa9: {  	v15 =	vadd.f32 v58, v15;
	v24 =	vadd.f32 v60, v59  }
0xaa: {  	v25 =	vadd.f32 v62, v61;
	v26 =	vadd.f32 v63, v10;
	_ =	sdelay $0x1  }
0xab: {  	v15 =	vadd.f32 v24, v15;
	v27 =	vadd.f32 v26, v25;
	_ =	sdelay $0x1  }
0xac: {  	v15 =	vadd.f32 v27, v15;
	_ =	sdelay $0x1  }
0xad: {  	[tilespmem:s26+$0x10E30] =	vst v15  }
0xae: {  	v15 =	vld [tilespmem:s25+$0x2E40]  }
0xaf: {  	v28 =	vld [tilespmem:s25+$0x2EC0]  }
0xb0: {  	v29 =	vld [tilespmem:s25+$0x2F40]  }
0xb1: {  	v30 =	vld [tilespmem:s25+$0x2FC0]  }
0xb2: {  	v31 =	vld [tilespmem:s25+$0x3040]  }
0xb3: {  	v32 =	vld [tilespmem:s25+$0x30C0]  }
0xb4: {  	v33 =	vld [tilespmem:s25+$0x3140];
	_ =	sdelay $0x3  }
0xb5: {  	v15 =	vadd.f32 v28, v15;
	v34 =	vadd.f32 v30, v29  }
0xb6: {  	v35 =	vadd.f32 v32, v31;
	v36 =	vadd.f32 v33, v11;
	_ =	sdelay $0x1  }
0xb7: {  	v15 =	vadd.f32 v34, v15;
	v37 =	vadd.f32 v36, v35;
	_ =	sdelay $0x1  }
0xb8: {  	v15 =	vadd.f32 v37, v15;
	_ =	sdelay $0x1  }
0xb9: {  	[tilespmem:s26+$0x10E40] =	vst v15  }
0xba: {  	v15 =	vld [tilespmem:s25+$0x2E50]  }
0xbb: {  	v38 =	vld [tilespmem:s25+$0x2ED0]  }
0xbc: {  	v39 =	vld [tilespmem:s25+$0x2F50]  }
0xbd: {  	v40 =	vld [tilespmem:s25+$0x2FD0]  }
0xbe: {  	v41 =	vld [tilespmem:s25+$0x3050]  }
0xbf: {  	v42 =	vld [tilespmem:s25+$0x30D0]  }
0xc0: {  	v43 =	vld [tilespmem:s25+$0x3150];
	_ =	sdelay $0x3  }
0xc1: {  	v15 =	vadd.f32 v38, v15;
	v44 =	vadd.f32 v40, v39  }
0xc2: {  	v45 =	vadd.f32 v42, v41;
	v46 =	vadd.f32 v43, v12;
	_ =	sdelay $0x1  }
0xc3: {  	v15 =	vadd.f32 v44, v15;
	v47 =	vadd.f32 v46, v45;
	_ =	sdelay $0x1  }
0xc4: {  	v15 =	vadd.f32 v47, v15;
	_ =	sdelay $0x1  }
0xc5: {  	[tilespmem:s26+$0x10E50] =	vst v15  }
0xc6: {  	v15 =	vld [tilespmem:s25+$0x2E60]  }
0xc7: {  	v48 =	vld [tilespmem:s25+$0x2EE0]  }
0xc8: {  	v49 =	vld [tilespmem:s25+$0x2F60]  }
0xc9: {  	v50 =	vld [tilespmem:s25+$0x2FE0]  }
0xca: {  	v51 =	vld [tilespmem:s25+$0x3060]  }
0xcb: {  	v52 =	vld [tilespmem:s25+$0x30E0]  }
0xcc: {  	v53 =	vld [tilespmem:s25+$0x3160];
	_ =	sdelay $0x3  }
0xcd: {  	v15 =	vadd.f32 v48, v15;
	v54 =	vadd.f32 v50, v49  }
0xce: {  	v55 =	vadd.f32 v52, v51;
	v56 =	vadd.f32 v53, v13;
	_ =	sdelay $0x1  }
0xcf: {  	v15 =	vadd.f32 v54, v15;
	v57 =	vadd.f32 v56, v55;
	_ =	sdelay $0x1  }
0xd0: {  	v15 =	vadd.f32 v57, v15;
	_ =	sdelay $0x1  }
0xd1: {  	[tilespmem:s26+$0x10E60] =	vst v15  }
0xd2: {  	v15 =	vld [tilespmem:s25+$0x2E70]  }
0xd3: {  	v58 =	vld [tilespmem:s25+$0x2EF0]  }
0xd4: {  	v59 =	vld [tilespmem:s25+$0x2F70]  }
0xd5: {  	v60 =	vld [tilespmem:s25+$0x2FF0]  }
0xd6: {  	v61 =	vld [tilespmem:s25+$0x3070]  }
0xd7: {  	v62 =	vld [tilespmem:s25+$0x30F0]  }
0xd8: {  	v63 =	vld [tilespmem:s25+$0x3170];
	_ =	sdelay $0x3  }
0xd9: {  	v15 =	vadd.f32 v58, v15;
	v24 =	vadd.f32 v60, v59  }
0xda: {  	v25 =	vadd.f32 v62, v61;
	v26 =	vadd.f32 v63, v14;
	_ =	sdelay $0x1  }
0xdb: {  	s31 =	sshll.u32 s24, $0x2;
	v15 =	vadd.f32 v24, v15;
	v27 =	vadd.f32 v26, v25  }
0xdc: {  	s28 =	sor.u32 $0x1, s31  }
0xdd: {  	s29 =	smul.u32 $0xE00, s28;
	v15 =	vadd.f32 v27, v15;
	_ =	sdelay $0x1  }
0xde: {  	s30 =	sshra.s32 s29, $0x2;
	[tilespmem:s26+$0x10E70] =	vst v15  }
0xdf: {  	v15 =	vld [tilespmem:s30+$0x2E00]  }
0xe0: {  	v28 =	vld [tilespmem:s30+$0x2E80]  }
0xe1: {  	v29 =	vld [tilespmem:s30+$0x2F00]  }
0xe2: {  	v30 =	vld [tilespmem:s30+$0x2F80]  }
0xe3: {  	v31 =	vld [tilespmem:s30+$0x3000]  }
0xe4: {  	v32 =	vld [tilespmem:s30+$0x3080]  }
0xe5: {  	v33 =	vld [tilespmem:s30+$0x3100];
	_ =	sdelay $0x3  }
0xe6: {  	v15 =	vadd.f32 v28, v15;
	v34 =	vadd.f32 v30, v29  }
0xe7: {  	v35 =	vadd.f32 v32, v31;
	v36 =	vadd.f32 v33, v7;
	_ =	sdelay $0x1  }
0xe8: {  	v15 =	vadd.f32 v34, v15;
	v37 =	vadd.f32 v36, v35;
	_ =	sdelay $0x1  }
0xe9: {  	s28 =	sshll.u32 s28, $0x7;
	v15 =	vadd.f32 v37, v15  }
0xea: {  	s28 =	sand.u32 $0x3FFFFE80, s28  }
0xeb: {  	[tilespmem:s28+$0x10E00] =	vst v15  }
0xec: {  	v15 =	vld [tilespmem:s30+$0x2E10]  }
0xed: {  	v38 =	vld [tilespmem:s30+$0x2E90]  }
0xee: {  	v39 =	vld [tilespmem:s30+$0x2F10]  }
0xef: {  	v40 =	vld [tilespmem:s30+$0x2F90]  }
0xf0: {  	v41 =	vld [tilespmem:s30+$0x3010]  }
0xf1: {  	v42 =	vld [tilespmem:s30+$0x3090]  }
0xf2: {  	v43 =	vld [tilespmem:s30+$0x3110];
	_ =	sdelay $0x3  }
0xf3: {  	v15 =	vadd.f32 v38, v15;
	v44 =	vadd.f32 v40, v39  }
0xf4: {  	v45 =	vadd.f32 v42, v41;
	v46 =	vadd.f32 v43, v8;
	_ =	sdelay $0x1  }
0xf5: {  	v15 =	vadd.f32 v44, v15;
	v47 =	vadd.f32 v46, v45;
	_ =	sdelay $0x1  }
0xf6: {  	v15 =	vadd.f32 v47, v15;
	_ =	sdelay $0x1  }
0xf7: {  	[tilespmem:s28+$0x10E10] =	vst v15  }
0xf8: {  	v15 =	vld [tilespmem:s30+$0x2E20]  }
0xf9: {  	v48 =	vld [tilespmem:s30+$0x2EA0]  }
0xfa: {  	v49 =	vld [tilespmem:s30+$0x2F20]  }
0xfb: {  	v50 =	vld [tilespmem:s30+$0x2FA0]  }
0xfc: {  	v51 =	vld [tilespmem:s30+$0x3020]  }
0xfd: {  	v52 =	vld [tilespmem:s30+$0x30A0]  }
0xfe: {  	v53 =	vld [tilespmem:s30+$0x3120];
	_ =	sdelay $0x3  }
0xff: {  	v15 =	vadd.f32 v48, v15;
	v54 =	vadd.f32 v50, v49  }
0x100: {  	v55 =	vadd.f32 v52, v51;
	v56 =	vadd.f32 v53, v9;
	_ =	sdelay $0x1  }
0x101: {  	v15 =	vadd.f32 v54, v15;
	v57 =	vadd.f32 v56, v55;
	_ =	sdelay $0x1  }
0x102: {  	v15 =	vadd.f32 v57, v15;
	_ =	sdelay $0x1  }
0x103: {  	[tilespmem:s28+$0x10E20] =	vst v15  }
0x104: {  	v15 =	vld [tilespmem:s30+$0x2E30]  }
0x105: {  	v58 =	vld [tilespmem:s30+$0x2EB0]  }
0x106: {  	v59 =	vld [tilespmem:s30+$0x2F30]  }
0x107: {  	v60 =	vld [tilespmem:s30+$0x2FB0]  }
0x108: {  	v61 =	vld [tilespmem:s30+$0x3030]  }
0x109: {  	v62 =	vld [tilespmem:s30+$0x30B0]  }
0x10a: {  	v63 =	vld [tilespmem:s30+$0x3130];
	_ =	sdelay $0x3  }
0x10b: {  	v15 =	vadd.f32 v58, v15;
	v24 =	vadd.f32 v60, v59  }
0x10c: {  	v25 =	vadd.f32 v62, v61;
	v26 =	vadd.f32 v63, v10;
	_ =	sdelay $0x1  }
0x10d: {  	v15 =	vadd.f32 v24, v15;
	v27 =	vadd.f32 v26, v25;
	_ =	sdelay $0x1  }
0x10e: {  	v15 =	vadd.f32 v27, v15;
	_ =	sdelay $0x1  }
0x10f: {  	[tilespmem:s28+$0x10E30] =	vst v15  }
0x110: {  	v15 =	vld [tilespmem:s30+$0x2E40]  }
0x111: {  	v28 =	vld [tilespmem:s30+$0x2EC0]  }
0x112: {  	v29 =	vld [tilespmem:s30+$0x2F40]  }
0x113: {  	v30 =	vld [tilespmem:s30+$0x2FC0]  }
0x114: {  	v31 =	vld [tilespmem:s30+$0x3040]  }
0x115: {  	v32 =	vld [tilespmem:s30+$0x30C0]  }
0x116: {  	v33 =	vld [tilespmem:s30+$0x3140];
	_ =	sdelay $0x3  }
0x117: {  	v15 =	vadd.f32 v28, v15;
	v34 =	vadd.f32 v30, v29  }
0x118: {  	v35 =	vadd.f32 v32, v31;
	v36 =	vadd.f32 v33, v11;
	_ =	sdelay $0x1  }
0x119: {  	v15 =	vadd.f32 v34, v15;
	v37 =	vadd.f32 v36, v35;
	_ =	sdelay $0x1  }
0x11a: {  	v15 =	vadd.f32 v37, v15;
	_ =	sdelay $0x1  }
0x11b: {  	[tilespmem:s28+$0x10E40] =	vst v15  }
0x11c: {  	v15 =	vld [tilespmem:s30+$0x2E50]  }
0x11d: {  	v38 =	vld [tilespmem:s30+$0x2ED0]  }
0x11e: {  	v39 =	vld [tilespmem:s30+$0x2F50]  }
0x11f: {  	v40 =	vld [tilespmem:s30+$0x2FD0]  }
0x120: {  	v41 =	vld [tilespmem:s30+$0x3050]  }
0x121: {  	v42 =	vld [tilespmem:s30+$0x30D0]  }
0x122: {  	v43 =	vld [tilespmem:s30+$0x3150];
	_ =	sdelay $0x3  }
0x123: {  	v15 =	vadd.f32 v38, v15;
	v44 =	vadd.f32 v40, v39  }
0x124: {  	v45 =	vadd.f32 v42, v41;
	v46 =	vadd.f32 v43, v12;
	_ =	sdelay $0x1  }
0x125: {  	v15 =	vadd.f32 v44, v15;
	v47 =	vadd.f32 v46, v45;
	_ =	sdelay $0x1  }
0x126: {  	v15 =	vadd.f32 v47, v15;
	_ =	sdelay $0x1  }
0x127: {  	[tilespmem:s28+$0x10E50] =	vst v15  }
0x128: {  	v15 =	vld [tilespmem:s30+$0x2E60]  }
0x129: {  	v48 =	vld [tilespmem:s30+$0x2EE0]  }
0x12a: {  	v49 =	vld [tilespmem:s30+$0x2F60]  }
0x12b: {  	v50 =	vld [tilespmem:s30+$0x2FE0]  }
0x12c: {  	v51 =	vld [tilespmem:s30+$0x3060]  }
0x12d: {  	v52 =	vld [tilespmem:s30+$0x30E0]  }
0x12e: {  	v53 =	vld [tilespmem:s30+$0x3160];
	_ =	sdelay $0x3  }
0x12f: {  	v15 =	vadd.f32 v48, v15;
	v54 =	vadd.f32 v50, v49  }
0x130: {  	v55 =	vadd.f32 v52, v51;
	v56 =	vadd.f32 v53, v13;
	_ =	sdelay $0x1  }
0x131: {  	v15 =	vadd.f32 v54, v15;
	v57 =	vadd.f32 v56, v55;
	_ =	sdelay $0x1  }
0x132: {  	v15 =	vadd.f32 v57, v15;
	_ =	sdelay $0x1  }
0x133: {  	[tilespmem:s28+$0x10E60] =	vst v15  }
0x134: {  	v15 =	vld [tilespmem:s30+$0x2E70]  }
0x135: {  	v58 =	vld [tilespmem:s30+$0x2EF0]  }
0x136: {  	v59 =	vld [tilespmem:s30+$0x2F70]  }
0x137: {  	v60 =	vld [tilespmem:s30+$0x2FF0]  }
0x138: {  	v61 =	vld [tilespmem:s30+$0x3070]  }
0x139: {  	v62 =	vld [tilespmem:s30+$0x30F0]  }
0x13a: {  	v63 =	vld [tilespmem:s30+$0x3170];
	_ =	sdelay $0x3  }
0x13b: {  	v15 =	vadd.f32 v58, v15;
	v24 =	vadd.f32 v60, v59  }
0x13c: {  	v25 =	vadd.f32 v62, v61;
	v26 =	vadd.f32 v63, v14;
	_ =	sdelay $0x1  }
0x13d: {  	v15 =	vadd.f32 v24, v15;
	v27 =	vadd.f32 v26, v25  }
0x13e: {  	s31 =	sor.u32 $0x2, s31  }
0x13f: {  	s25 =	smul.u32 $0xE00, s31;
	v15 =	vadd.f32 v27, v15;
	_ =	sdelay $0x1  }
0x140: {  	s25 =	sshra.s32 s25, $0x2;
	[tilespmem:s28+$0x10E70] =	vst v15  }
0x141: {  	v15 =	vld [tilespmem:s25+$0x2E00]  }
0x142: {  	v28 =	vld [tilespmem:s25+$0x2E80]  }
0x143: {  	v29 =	vld [tilespmem:s25+$0x2F00]  }
0x144: {  	v30 =	vld [tilespmem:s25+$0x2F80]  }
0x145: {  	v31 =	vld [tilespmem:s25+$0x3000]  }
0x146: {  	v32 =	vld [tilespmem:s25+$0x3080]  }
0x147: {  	v33 =	vld [tilespmem:s25+$0x3100];
	_ =	sdelay $0x3  }
0x148: {  	v15 =	vadd.f32 v28, v15;
	v34 =	vadd.f32 v30, v29  }
0x149: {  	v35 =	vadd.f32 v32, v31;
	v36 =	vadd.f32 v33, v7;
	_ =	sdelay $0x1  }
0x14a: {  	v15 =	vadd.f32 v34, v15;
	v37 =	vadd.f32 v36, v35;
	_ =	sdelay $0x1  }
0x14b: {  	s26 =	sshll.u32 s31, $0x7;
	v15 =	vadd.f32 v37, v15  }
0x14c: {  	s26 =	sand.u32 $0x3FFFFF00, s26  }
0x14d: {  	[tilespmem:s26+$0x10E00] =	vst v15  }
0x14e: {  	v15 =	vld [tilespmem:s25+$0x2E10]  }
0x14f: {  	v38 =	vld [tilespmem:s25+$0x2E90]  }
0x150: {  	v39 =	vld [tilespmem:s25+$0x2F10]  }
0x151: {  	v40 =	vld [tilespmem:s25+$0x2F90]  }
0x152: {  	v41 =	vld [tilespmem:s25+$0x3010]  }
0x153: {  	v42 =	vld [tilespmem:s25+$0x3090]  }
0x154: {  	v43 =	vld [tilespmem:s25+$0x3110];
	_ =	sdelay $0x3  }
0x155: {  	v15 =	vadd.f32 v38, v15;
	v44 =	vadd.f32 v40, v39  }
0x156: {  	v45 =	vadd.f32 v42, v41;
	v46 =	vadd.f32 v43, v8;
	_ =	sdelay $0x1  }
0x157: {  	v15 =	vadd.f32 v44, v15;
	v47 =	vadd.f32 v46, v45;
	_ =	sdelay $0x1  }
0x158: {  	v15 =	vadd.f32 v47, v15;
	_ =	sdelay $0x1  }
0x159: {  	[tilespmem:s26+$0x10E10] =	vst v15  }
0x15a: {  	v15 =	vld [tilespmem:s25+$0x2E20]  }
0x15b: {  	v48 =	vld [tilespmem:s25+$0x2EA0]  }
0x15c: {  	v49 =	vld [tilespmem:s25+$0x2F20]  }
0x15d: {  	v50 =	vld [tilespmem:s25+$0x2FA0]  }
0x15e: {  	v51 =	vld [tilespmem:s25+$0x3020]  }
0x15f: {  	v52 =	vld [tilespmem:s25+$0x30A0]  }
0x160: {  	v53 =	vld [tilespmem:s25+$0x3120];
	_ =	sdelay $0x3  }
0x161: {  	v15 =	vadd.f32 v48, v15;
	v54 =	vadd.f32 v50, v49  }
0x162: {  	v55 =	vadd.f32 v52, v51;
	v56 =	vadd.f32 v53, v9;
	_ =	sdelay $0x1  }
0x163: {  	v15 =	vadd.f32 v54, v15;
	v57 =	vadd.f32 v56, v55;
	_ =	sdelay $0x1  }
0x164: {  	v15 =	vadd.f32 v57, v15;
	_ =	sdelay $0x1  }
0x165: {  	[tilespmem:s26+$0x10E20] =	vst v15  }
0x166: {  	v15 =	vld [tilespmem:s25+$0x2E30]  }
0x167: {  	v58 =	vld [tilespmem:s25+$0x2EB0]  }
0x168: {  	v59 =	vld [tilespmem:s25+$0x2F30]  }
0x169: {  	v60 =	vld [tilespmem:s25+$0x2FB0]  }
0x16a: {  	v61 =	vld [tilespmem:s25+$0x3030]  }
0x16b: {  	v62 =	vld [tilespmem:s25+$0x30B0]  }
0x16c: {  	v63 =	vld [tilespmem:s25+$0x3130];
	_ =	sdelay $0x3  }
0x16d: {  	v15 =	vadd.f32 v58, v15;
	v24 =	vadd.f32 v60, v59  }
0x16e: {  	v25 =	vadd.f32 v62, v61;
	v26 =	vadd.f32 v63, v10;
	_ =	sdelay $0x1  }
0x16f: {  	v15 =	vadd.f32 v24, v15;
	v27 =	vadd.f32 v26, v25;
	_ =	sdelay $0x1  }
0x170: {  	v15 =	vadd.f32 v27, v15;
	_ =	sdelay $0x1  }
0x171: {  	[tilespmem:s26+$0x10E30] =	vst v15  }
0x172: {  	v15 =	vld [tilespmem:s25+$0x2E40]  }
0x173: {  	v28 =	vld [tilespmem:s25+$0x2EC0]  }
0x174: {  	v29 =	vld [tilespmem:s25+$0x2F40]  }
0x175: {  	v30 =	vld [tilespmem:s25+$0x2FC0]  }
0x176: {  	v31 =	vld [tilespmem:s25+$0x3040]  }
0x177: {  	v32 =	vld [tilespmem:s25+$0x30C0]  }
0x178: {  	v33 =	vld [tilespmem:s25+$0x3140];
	_ =	sdelay $0x3  }
0x179: {  	v15 =	vadd.f32 v28, v15;
	v34 =	vadd.f32 v30, v29  }
0x17a: {  	v35 =	vadd.f32 v32, v31;
	v36 =	vadd.f32 v33, v11;
	_ =	sdelay $0x1  }
0x17b: {  	v15 =	vadd.f32 v34, v15;
	v37 =	vadd.f32 v36, v35;
	_ =	sdelay $0x1  }
0x17c: {  	v15 =	vadd.f32 v37, v15;
	_ =	sdelay $0x1  }
0x17d: {  	[tilespmem:s26+$0x10E40] =	vst v15  }
0x17e: {  	v15 =	vld [tilespmem:s25+$0x2E50]  }
0x17f: {  	v38 =	vld [tilespmem:s25+$0x2ED0]  }
0x180: {  	v39 =	vld [tilespmem:s25+$0x2F50]  }
0x181: {  	v40 =	vld [tilespmem:s25+$0x2FD0]  }
0x182: {  	v41 =	vld [tilespmem:s25+$0x3050]  }
0x183: {  	v42 =	vld [tilespmem:s25+$0x30D0]  }
0x184: {  	v43 =	vld [tilespmem:s25+$0x3150];
	_ =	sdelay $0x3  }
0x185: {  	v15 =	vadd.f32 v38, v15;
	v44 =	vadd.f32 v40, v39  }
0x186: {  	v45 =	vadd.f32 v42, v41;
	v46 =	vadd.f32 v43, v12;
	_ =	sdelay $0x1  }
0x187: {  	v15 =	vadd.f32 v44, v15;
	v47 =	vadd.f32 v46, v45;
	_ =	sdelay $0x1  }
0x188: {  	v15 =	vadd.f32 v47, v15;
	_ =	sdelay $0x1  }
0x189: {  	[tilespmem:s26+$0x10E50] =	vst v15  }
0x18a: {  	v15 =	vld [tilespmem:s25+$0x2E60]  }
0x18b: {  	v48 =	vld [tilespmem:s25+$0x2EE0]  }
0x18c: {  	v49 =	vld [tilespmem:s25+$0x2F60]  }
0x18d: {  	v50 =	vld [tilespmem:s25+$0x2FE0]  }
0x18e: {  	v51 =	vld [tilespmem:s25+$0x3060]  }
0x18f: {  	v52 =	vld [tilespmem:s25+$0x30E0]  }
0x190: {  	v53 =	vld [tilespmem:s25+$0x3160];
	_ =	sdelay $0x3  }
0x191: {  	v15 =	vadd.f32 v48, v15;
	v54 =	vadd.f32 v50, v49  }
0x192: {  	v55 =	vadd.f32 v52, v51;
	v56 =	vadd.f32 v53, v13;
	_ =	sdelay $0x1  }
0x193: {  	v15 =	vadd.f32 v54, v15;
	v57 =	vadd.f32 v56, v55;
	_ =	sdelay $0x1  }
0x194: {  	v15 =	vadd.f32 v57, v15;
	_ =	sdelay $0x1  }
0x195: {  	[tilespmem:s26+$0x10E60] =	vst v15  }
0x196: {  	v15 =	vld [tilespmem:s25+$0x2E70]  }
0x197: {  	v58 =	vld [tilespmem:s25+$0x2EF0]  }
0x198: {  	v59 =	vld [tilespmem:s25+$0x2F70]  }
0x199: {  	v60 =	vld [tilespmem:s25+$0x2FF0]  }
0x19a: {  	v61 =	vld [tilespmem:s25+$0x3070]  }
0x19b: {  	v62 =	vld [tilespmem:s25+$0x30F0]  }
0x19c: {  	v63 =	vld [tilespmem:s25+$0x3170];
	_ =	sdelay $0x3  }
0x19d: {  	v15 =	vadd.f32 v58, v15;
	v22 =	vadd.f32 v60, v59  }
0x19e: {  	v23 =	vadd.f32 v62, v61;
	v24 =	vadd.f32 v63, v14;
	_ =	sdelay $0x1  }
0x19f: {  	v15 =	vadd.f32 v22, v15;
	v25 =	vadd.f32 v24, v23  }
0x1a0: {  	s29 =	sshllo.u32 s24, $0x2  }
0x1a1: {  	s30 =	smul.u32 $0xE00, s29;
	v15 =	vadd.f32 v25, v15;
	_ =	sdelay $0x1  }
0x1a2: {  	s25 =	sshra.s32 s30, $0x2;
	[tilespmem:s26+$0x10E70] =	vst v15  }
0x1a3: {  	v15 =	vld [tilespmem:s25+$0x2E00]  }
0x1a4: {  	v26 =	vld [tilespmem:s25+$0x2E80]  }
0x1a5: {  	v27 =	vld [tilespmem:s25+$0x2F00]  }
0x1a6: {  	v28 =	vld [tilespmem:s25+$0x2F80]  }
0x1a7: {  	v29 =	vld [tilespmem:s25+$0x3000]  }
0x1a8: {  	v30 =	vld [tilespmem:s25+$0x3080]  }
0x1a9: {  	v31 =	vld [tilespmem:s25+$0x3100];
	_ =	sdelay $0x3  }
0x1aa: {  	v15 =	vadd.f32 v26, v15;
	v32 =	vadd.f32 v28, v27  }
0x1ab: {  	v33 =	vadd.f32 v30, v29;
	v34 =	vadd.f32 v31, v7;
	_ =	sdelay $0x1  }
0x1ac: {  	v15 =	vadd.f32 v32, v15;
	v35 =	vadd.f32 v34, v33;
	_ =	sdelay $0x1  }
0x1ad: {  	s31 =	sshll.u32 s29, $0x7;
	v15 =	vadd.f32 v35, v15  }
0x1ae: {  	s26 =	sand.u32 $0x3FFFFF80, s31  }
0x1af: {  	[tilespmem:s26+$0x10E00] =	vst v15  }
0x1b0: {  	v15 =	vld [tilespmem:s25+$0x2E10]  }
0x1b1: {  	v36 =	vld [tilespmem:s25+$0x2E90]  }
0x1b2: {  	v37 =	vld [tilespmem:s25+$0x2F10]  }
0x1b3: {  	v38 =	vld [tilespmem:s25+$0x2F90]  }
0x1b4: {  	v39 =	vld [tilespmem:s25+$0x3010]  }
0x1b5: {  	v40 =	vld [tilespmem:s25+$0x3090]  }
0x1b6: {  	v41 =	vld [tilespmem:s25+$0x3110];
	_ =	sdelay $0x3  }
0x1b7: {  	v15 =	vadd.f32 v36, v15;
	v42 =	vadd.f32 v38, v37  }
0x1b8: {  	v43 =	vadd.f32 v40, v39;
	v44 =	vadd.f32 v41, v8;
	_ =	sdelay $0x1  }
0x1b9: {  	v15 =	vadd.f32 v42, v15;
	v45 =	vadd.f32 v44, v43;
	_ =	sdelay $0x1  }
0x1ba: {  	v15 =	vadd.f32 v45, v15;
	_ =	sdelay $0x1  }
0x1bb: {  	[tilespmem:s26+$0x10E10] =	vst v15  }
0x1bc: {  	v15 =	vld [tilespmem:s25+$0x2E20]  }
0x1bd: {  	v46 =	vld [tilespmem:s25+$0x2EA0]  }
0x1be: {  	v47 =	vld [tilespmem:s25+$0x2F20]  }
0x1bf: {  	v48 =	vld [tilespmem:s25+$0x2FA0]  }
0x1c0: {  	v49 =	vld [tilespmem:s25+$0x3020]  }
0x1c1: {  	v50 =	vld [tilespmem:s25+$0x30A0]  }
0x1c2: {  	v51 =	vld [tilespmem:s25+$0x3120];
	_ =	sdelay $0x3  }
0x1c3: {  	v15 =	vadd.f32 v46, v15;
	v52 =	vadd.f32 v48, v47  }
0x1c4: {  	v53 =	vadd.f32 v50, v49;
	v54 =	vadd.f32 v51, v9;
	_ =	sdelay $0x1  }
0x1c5: {  	v15 =	vadd.f32 v52, v15;
	v55 =	vadd.f32 v54, v53;
	_ =	sdelay $0x1  }
0x1c6: {  	v15 =	vadd.f32 v55, v15;
	_ =	sdelay $0x1  }
0x1c7: {  	[tilespmem:s26+$0x10E20] =	vst v15  }
0x1c8: {  	v15 =	vld [tilespmem:s25+$0x2E30]  }
0x1c9: {  	v56 =	vld [tilespmem:s25+$0x2EB0]  }
0x1ca: {  	v57 =	vld [tilespmem:s25+$0x2F30]  }
0x1cb: {  	v58 =	vld [tilespmem:s25+$0x2FB0]  }
0x1cc: {  	v59 =	vld [tilespmem:s25+$0x3030]  }
0x1cd: {  	v60 =	vld [tilespmem:s25+$0x30B0]  }
0x1ce: {  	v61 =	vld [tilespmem:s25+$0x3130];
	_ =	sdelay $0x3  }
0x1cf: {  	v15 =	vadd.f32 v56, v15;
	v62 =	vadd.f32 v58, v57  }
0x1d0: {  	v63 =	vadd.f32 v60, v59;
	v22 =	vadd.f32 v61, v10;
	_ =	sdelay $0x1  }
0x1d1: {  	v15 =	vadd.f32 v62, v15;
	v23 =	vadd.f32 v22, v63;
	_ =	sdelay $0x1  }
0x1d2: {  	v15 =	vadd.f32 v23, v15;
	_ =	sdelay $0x1  }
0x1d3: {  	[tilespmem:s26+$0x10E30] =	vst v15  }
0x1d4: {  	v15 =	vld [tilespmem:s25+$0x2E40]  }
0x1d5: {  	v24 =	vld [tilespmem:s25+$0x2EC0]  }
0x1d6: {  	v25 =	vld [tilespmem:s25+$0x2F40]  }
0x1d7: {  	v26 =	vld [tilespmem:s25+$0x2FC0]  }
0x1d8: {  	v27 =	vld [tilespmem:s25+$0x3040]  }
0x1d9: {  	v28 =	vld [tilespmem:s25+$0x30C0]  }
0x1da: {  	v29 =	vld [tilespmem:s25+$0x3140];
	_ =	sdelay $0x3  }
0x1db: {  	v15 =	vadd.f32 v24, v15;
	v30 =	vadd.f32 v26, v25  }
0x1dc: {  	v31 =	vadd.f32 v28, v27;
	v32 =	vadd.f32 v29, v11;
	_ =	sdelay $0x1  }
0x1dd: {  	v15 =	vadd.f32 v30, v15;
	v33 =	vadd.f32 v32, v31;
	_ =	sdelay $0x1  }
0x1de: {  	v15 =	vadd.f32 v33, v15;
	_ =	sdelay $0x1  }
0x1df: {  	[tilespmem:s26+$0x10E40] =	vst v15  }
0x1e0: {  	v15 =	vld [tilespmem:s25+$0x2E50]  }
0x1e1: {  	v34 =	vld [tilespmem:s25+$0x2ED0]  }
0x1e2: {  	v35 =	vld [tilespmem:s25+$0x2F50]  }
0x1e3: {  	v36 =	vld [tilespmem:s25+$0x2FD0]  }
0x1e4: {  	v37 =	vld [tilespmem:s25+$0x3050]  }
0x1e5: {  	v38 =	vld [tilespmem:s25+$0x30D0]  }
0x1e6: {  	v39 =	vld [tilespmem:s25+$0x3150];
	_ =	sdelay $0x3  }
0x1e7: {  	v15 =	vadd.f32 v34, v15;
	v40 =	vadd.f32 v36, v35  }
0x1e8: {  	v41 =	vadd.f32 v38, v37;
	v42 =	vadd.f32 v39, v12;
	_ =	sdelay $0x1  }
0x1e9: {  	v15 =	vadd.f32 v40, v15;
	v43 =	vadd.f32 v42, v41;
	_ =	sdelay $0x1  }
0x1ea: {  	v15 =	vadd.f32 v43, v15;
	_ =	sdelay $0x1  }
0x1eb: {  	[tilespmem:s26+$0x10E50] =	vst v15  }
0x1ec: {  	v15 =	vld [tilespmem:s25+$0x2E60]  }
0x1ed: {  	v44 =	vld [tilespmem:s25+$0x2EE0]  }
0x1ee: {  	v45 =	vld [tilespmem:s25+$0x2F60]  }
0x1ef: {  	v46 =	vld [tilespmem:s25+$0x2FE0]  }
0x1f0: {  	v47 =	vld [tilespmem:s25+$0x3060]  }
0x1f1: {  	v48 =	vld [tilespmem:s25+$0x30E0]  }
0x1f2: {  	v49 =	vld [tilespmem:s25+$0x3160];
	_ =	sdelay $0x3  }
0x1f3: {  	v15 =	vadd.f32 v44, v15;
	v50 =	vadd.f32 v46, v45  }
0x1f4: {  	v51 =	vadd.f32 v48, v47;
	v52 =	vadd.f32 v49, v13;
	_ =	sdelay $0x1  }
0x1f5: {  	v15 =	vadd.f32 v50, v15;
	v53 =	vadd.f32 v52, v51;
	_ =	sdelay $0x1  }
0x1f6: {  	v15 =	vadd.f32 v53, v15;
	_ =	sdelay $0x1  }
0x1f7: {  	[tilespmem:s26+$0x10E60] =	vst v15  }
0x1f8: {  	v15 =	vld [tilespmem:s25+$0x2E70]  }
0x1f9: {  	v54 =	vld [tilespmem:s25+$0x2EF0]  }
0x1fa: {  	v55 =	vld [tilespmem:s25+$0x2F70]  }
0x1fb: {  	v56 =	vld [tilespmem:s25+$0x2FF0]  }
0x1fc: {  	v57 =	vld [tilespmem:s25+$0x3070]  }
0x1fd: {  	v58 =	vld [tilespmem:s25+$0x30F0]  }
0x1fe: {  	v59 =	vld [tilespmem:s25+$0x3170];
	_ =	sdelay $0x3  }
0x1ff: {  	v15 =	vadd.f32 v54, v15;
	v60 =	vadd.f32 v56, v55  }
0x200: {  	v61 =	vadd.f32 v58, v57;
	v62 =	vadd.f32 v59, v14  }
0x201: {  	p0 =	sne.s32 s24, $0x7  }
.Ltmp0:
0x202: {  	v15 =	vadd.f32 v60, v15;
	v63 =	vadd.f32 v62, v61;
	(pc) =	sbr.rel @p0 .LBB2_3-.Ltmp0, $3  }
0x203: {  	_ = 	snop  }
0x204: {  	v15 =	vadd.f32 v63, v15;
	_ =	sdelay $0x1  }
0x205: {  	s24 =	sadd.s32 $0x1, s24;
	[tilespmem:s26+$0x10E70] =	vst v15  }
0x206: {  	s24 =	sshll.u32 s22, $0xA  }
0x207: {  	s24 =	sadd.s32 s24, s6  }
0x208: {  	[hbm4b:s24+s3] =	stream.linear.scatter [tilespmem:s20], [sflag:$0x2], $0x1000, $0x38;
	[tilespmem:$0x11E80] =	vst v63  }
0x209: {  	p0 =	seq.s32 s22, $0x18;
	_ =	swait.ge [sflag:s8], $0x1000  }
0x20a: {  	s24 =	smul.u32 @!p0 $0x1C0, s22;
	[sflag:s8] =	ssyncset.done $0x0  }
0x20b: {  	[sflag:s8] =	ssyncadd.s32 $0xFFFFF000  }
0x20c: {  	v15 =	vld @!p0 [tilespmem:s24+$0x1C0];
	_ =	sdelay $0x4  }
0x20d: {  	v15 =	vadd.s32 @!p0 v0, v15  }
0x20e: {  	[tilespmem:$0x2C00] =	vst @!p0 v15  }
0x20f: {  	v15 =	vld @!p0 [tilespmem:s24+$0x1D0];
	_ =	sdelay $0x4  }
0x210: {  	v15 =	vadd.s32 @!p0 v1, v15  }
0x211: {  	[tilespmem:$0x2C10] =	vst @!p0 v15  }
0x212: {  	v15 =	vld @!p0 [tilespmem:s24+$0x1E0];
	_ =	sdelay $0x4  }
0x213: {  	v15 =	vadd.s32 @!p0 v2, v15  }
0x214: {  	[tilespmem:$0x2C20] =	vst @!p0 v15  }
0x215: {  	v15 =	vld @!p0 [tilespmem:s24+$0x1F0];
	_ =	sdelay $0x4  }
0x216: {  	v15 =	vadd.s32 @!p0 v3, v15  }
0x217: {  	[tilespmem:$0x2C30] =	vst @!p0 v15  }
0x218: {  	v15 =	vld @!p0 [tilespmem:s24+$0x200];
	_ =	sdelay $0x4  }
0x219: {  	v15 =	vadd.s32 @!p0 v4, v15  }
0x21a: {  	[tilespmem:$0x2C40] =	vst @!p0 v15  }
0x21b: {  	v15 =	vld @!p0 [tilespmem:s24+$0x210];
	_ =	sdelay $0x4  }
0x21c: {  	v15 =	vadd.s32 @!p0 v5, v15  }
0x21d: {  	[tilespmem:$0x2C50] =	vst @!p0 v15  }
0x21e: {  	v15 =	vld @!p0 [tilespmem:s24+$0x220];
	_ =	sdelay $0x4  }
0x21f: {  	v15 =	vadd.s32 @!p0 v6, v15  }
0x220: {  	[tilespmem:$0x2C60] =	vst @!p0 v15  }
0x221: {  	v15 =	vld @!p0 [tilespmem:s24+$0x230];
	_ =	sdelay $0x4  }
0x222: {  	s25 =	sadd.s32 @!p0 $0x1C0, s24;
	v15 =	vadd.s32 @!p0 v0, v15  }
0x223: {  	s25 =	sand.u32 @!p0 $0x7FC0, s25;
	[tilespmem:$0x2C80] =	vst @!p0 v15  }
0x224: {  	v15 =	vld @!p0 [tilespmem:s25+$0x80];
	_ =	sdelay $0x4  }
0x225: {  	v15 =	vadd.s32 @!p0 v1, v15  }
0x226: {  	[tilespmem:$0x2C90] =	vst @!p0 v15  }
0x227: {  	v15 =	vld @!p0 [tilespmem:s24+$0x250];
	_ =	sdelay $0x4  }
0x228: {  	v15 =	vadd.s32 @!p0 v2, v15  }
0x229: {  	[tilespmem:$0x2CA0] =	vst @!p0 v15  }
0x22a: {  	v15 =	vld @!p0 [tilespmem:s24+$0x260];
	_ =	sdelay $0x4  }
0x22b: {  	v15 =	vadd.s32 @!p0 v3, v15  }
0x22c: {  	[tilespmem:$0x2CB0] =	vst @!p0 v15  }
0x22d: {  	v15 =	vld @!p0 [tilespmem:s24+$0x270];
	_ =	sdelay $0x4  }
0x22e: {  	v15 =	vadd.s32 @!p0 v4, v15  }
0x22f: {  	[tilespmem:$0x2CC0] =	vst @!p0 v15  }
0x230: {  	v15 =	vld @!p0 [tilespmem:s24+$0x280];
	_ =	sdelay $0x4  }
0x231: {  	v15 =	vadd.s32 @!p0 v5, v15  }
0x232: {  	[tilespmem:$0x2CD0] =	vst @!p0 v15  }
0x233: {  	v15 =	vld @!p0 [tilespmem:s24+$0x290];
	_ =	sdelay $0x4  }
0x234: {  	v15 =	vadd.s32 @!p0 v6, v15  }
0x235: {  	[tilespmem:$0x2CE0] =	vst @!p0 v15  }
0x236: {  	[tilespmem:s12], [sflag:$0x1] =	stream.indirect.gather @!p0 [hbm4b:s4+s10], $0x80, s11, s10, $0xb8;
	[tilespmem:$0x11E80] =	vst v63  }
0x237: {  	_ = 	snop  }
0x238: {  	[tilespmem:s14], [sflag:$0x1] =	stream.indirect.gather @!p0 [hbm4b:s4+s10], $0x80, s13, s10, $0xb8;
	[tilespmem:$0x11E80] =	vst v63  }
0x239: {  	_ =	swait.ge [sflag:s19], $0x3800  }
0x23a: {  	[sflag:s19] =	ssyncset.done $0x0  }
0x23b: {  	[sflag:s19] =	ssyncadd.s32 $0xFFFFC800  }
0x23c: {  	_ =	swait.ge [sflag:s19], $0x3800  }
0x23d: {  	[sflag:s19] =	ssyncset.done $0x0  }
0x23e: {  	s24 =	simm.s32 $0x0;
	[sflag:s19] =	ssyncadd.s32 $0xFFFFC800  }
.LBB2_5:
0x23f: {  	s25 =	smul.u32 $0x3800, s24;
	_ =	sdelay $0x1  }
0x240: {  	s25 =	sshra.s32 s25, $0x2  }
0x241: {  	v15 =	vld [tilespmem:s25+$0x9E00]  }
0x242: {  	v16 =	vld [tilespmem:s25+$0x9E80]  }
0x243: {  	v17 =	vld [tilespmem:s25+$0x9F00]  }
0x244: {  	v18 =	vld [tilespmem:s25+$0x9F80]  }
0x245: {  	v19 =	vld [tilespmem:s25+$0xA000]  }
0x246: {  	v20 =	vld [tilespmem:s25+$0xA080]  }
0x247: {  	v21 =	vld [tilespmem:s25+$0xA100];
	_ =	sdelay $0x3  }
0x248: {  	v15 =	vadd.f32 v16, v15;
	v34 =	vadd.f32 v18, v17  }
0x249: {  	v35 =	vadd.f32 v20, v19;
	v36 =	vadd.f32 v21, v7;
	_ =	sdelay $0x1  }
0x24a: {  	v15 =	vadd.f32 v34, v15;
	v37 =	vadd.f32 v36, v35;
	_ =	sdelay $0x1  }
0x24b: {  	s26 =	sshll.u32 s24, $0x9;
	v15 =	vadd.f32 v37, v15  }
0x24c: {  	s26 =	sand.u32 $0x3FFFFE00, s26  }
0x24d: {  	[tilespmem:s26+$0x10E00] =	vst v15  }
0x24e: {  	v15 =	vld [tilespmem:s25+$0x9E10]  }
0x24f: {  	v38 =	vld [tilespmem:s25+$0x9E90]  }
0x250: {  	v39 =	vld [tilespmem:s25+$0x9F10]  }
0x251: {  	v40 =	vld [tilespmem:s25+$0x9F90]  }
0x252: {  	v41 =	vld [tilespmem:s25+$0xA010]  }
0x253: {  	v42 =	vld [tilespmem:s25+$0xA090]  }
0x254: {  	v43 =	vld [tilespmem:s25+$0xA110];
	_ =	sdelay $0x3  }
0x255: {  	v15 =	vadd.f32 v38, v15;
	v44 =	vadd.f32 v40, v39  }
0x256: {  	v45 =	vadd.f32 v42, v41;
	v46 =	vadd.f32 v43, v8;
	_ =	sdelay $0x1  }
0x257: {  	v15 =	vadd.f32 v44, v15;
	v47 =	vadd.f32 v46, v45;
	_ =	sdelay $0x1  }
0x258: {  	v15 =	vadd.f32 v47, v15;
	_ =	sdelay $0x1  }
0x259: {  	[tilespmem:s26+$0x10E10] =	vst v15  }
0x25a: {  	v15 =	vld [tilespmem:s25+$0x9E20]  }
0x25b: {  	v48 =	vld [tilespmem:s25+$0x9EA0]  }
0x25c: {  	v49 =	vld [tilespmem:s25+$0x9F20]  }
0x25d: {  	v50 =	vld [tilespmem:s25+$0x9FA0]  }
0x25e: {  	v51 =	vld [tilespmem:s25+$0xA020]  }
0x25f: {  	v52 =	vld [tilespmem:s25+$0xA0A0]  }
0x260: {  	v53 =	vld [tilespmem:s25+$0xA120];
	_ =	sdelay $0x3  }
0x261: {  	v15 =	vadd.f32 v48, v15;
	v54 =	vadd.f32 v50, v49  }
0x262: {  	v55 =	vadd.f32 v52, v51;
	v56 =	vadd.f32 v53, v9;
	_ =	sdelay $0x1  }
0x263: {  	v15 =	vadd.f32 v54, v15;
	v57 =	vadd.f32 v56, v55;
	_ =	sdelay $0x1  }
0x264: {  	v15 =	vadd.f32 v57, v15;
	_ =	sdelay $0x1  }
0x265: {  	[tilespmem:s26+$0x10E20] =	vst v15  }
0x266: {  	v15 =	vld [tilespmem:s25+$0x9E30]  }
0x267: {  	v58 =	vld [tilespmem:s25+$0x9EB0]  }
0x268: {  	v59 =	vld [tilespmem:s25+$0x9F30]  }
0x269: {  	v60 =	vld [tilespmem:s25+$0x9FB0]  }
0x26a: {  	v61 =	vld [tilespmem:s25+$0xA030]  }
0x26b: {  	v62 =	vld [tilespmem:s25+$0xA0B0]  }
0x26c: {  	v63 =	vld [tilespmem:s25+$0xA130];
	_ =	sdelay $0x3  }
0x26d: {  	v15 =	vadd.f32 v58, v15;
	v24 =	vadd.f32 v60, v59  }
0x26e: {  	v25 =	vadd.f32 v62, v61;
	v26 =	vadd.f32 v63, v10;
	_ =	sdelay $0x1  }
0x26f: {  	v15 =	vadd.f32 v24, v15;
	v27 =	vadd.f32 v26, v25;
	_ =	sdelay $0x1  }
0x270: {  	v15 =	vadd.f32 v27, v15;
	_ =	sdelay $0x1  }
0x271: {  	[tilespmem:s26+$0x10E30] =	vst v15  }
0x272: {  	v15 =	vld [tilespmem:s25+$0x9E40]  }
0x273: {  	v28 =	vld [tilespmem:s25+$0x9EC0]  }
0x274: {  	v29 =	vld [tilespmem:s25+$0x9F40]  }
0x275: {  	v30 =	vld [tilespmem:s25+$0x9FC0]  }
0x276: {  	v31 =	vld [tilespmem:s25+$0xA040]  }
0x277: {  	v32 =	vld [tilespmem:s25+$0xA0C0]  }
0x278: {  	v33 =	vld [tilespmem:s25+$0xA140];
	_ =	sdelay $0x3  }
0x279: {  	v15 =	vadd.f32 v28, v15;
	v34 =	vadd.f32 v30, v29  }
0x27a: {  	v35 =	vadd.f32 v32, v31;
	v36 =	vadd.f32 v33, v11;
	_ =	sdelay $0x1  }
0x27b: {  	v15 =	vadd.f32 v34, v15;
	v37 =	vadd.f32 v36, v35;
	_ =	sdelay $0x1  }
0x27c: {  	v15 =	vadd.f32 v37, v15;
	_ =	sdelay $0x1  }
0x27d: {  	[tilespmem:s26+$0x10E40] =	vst v15  }
0x27e: {  	v15 =	vld [tilespmem:s25+$0x9E50]  }
0x27f: {  	v38 =	vld [tilespmem:s25+$0x9ED0]  }
0x280: {  	v39 =	vld [tilespmem:s25+$0x9F50]  }
0x281: {  	v40 =	vld [tilespmem:s25+$0x9FD0]  }
0x282: {  	v41 =	vld [tilespmem:s25+$0xA050]  }
0x283: {  	v42 =	vld [tilespmem:s25+$0xA0D0]  }
0x284: {  	v43 =	vld [tilespmem:s25+$0xA150];
	_ =	sdelay $0x3  }
0x285: {  	v15 =	vadd.f32 v38, v15;
	v44 =	vadd.f32 v40, v39  }
0x286: {  	v45 =	vadd.f32 v42, v41;
	v46 =	vadd.f32 v43, v12;
	_ =	sdelay $0x1  }
0x287: {  	v15 =	vadd.f32 v44, v15;
	v47 =	vadd.f32 v46, v45;
	_ =	sdelay $0x1  }
0x288: {  	v15 =	vadd.f32 v47, v15;
	_ =	sdelay $0x1  }
0x289: {  	[tilespmem:s26+$0x10E50] =	vst v15  }
0x28a: {  	v15 =	vld [tilespmem:s25+$0x9E60]  }
0x28b: {  	v48 =	vld [tilespmem:s25+$0x9EE0]  }
0x28c: {  	v49 =	vld [tilespmem:s25+$0x9F60]  }
0x28d: {  	v50 =	vld [tilespmem:s25+$0x9FE0]  }
0x28e: {  	v51 =	vld [tilespmem:s25+$0xA060]  }
0x28f: {  	v52 =	vld [tilespmem:s25+$0xA0E0]  }
0x290: {  	v53 =	vld [tilespmem:s25+$0xA160];
	_ =	sdelay $0x3  }
0x291: {  	v15 =	vadd.f32 v48, v15;
	v54 =	vadd.f32 v50, v49  }
0x292: {  	v55 =	vadd.f32 v52, v51;
	v56 =	vadd.f32 v53, v13;
	_ =	sdelay $0x1  }
0x293: {  	v15 =	vadd.f32 v54, v15;
	v57 =	vadd.f32 v56, v55;
	_ =	sdelay $0x1  }
0x294: {  	v15 =	vadd.f32 v57, v15;
	_ =	sdelay $0x1  }
0x295: {  	[tilespmem:s26+$0x10E60] =	vst v15  }
0x296: {  	v15 =	vld [tilespmem:s25+$0x9E70]  }
0x297: {  	v58 =	vld [tilespmem:s25+$0x9EF0]  }
0x298: {  	v59 =	vld [tilespmem:s25+$0x9F70]  }
0x299: {  	v60 =	vld [tilespmem:s25+$0x9FF0]  }
0x29a: {  	v61 =	vld [tilespmem:s25+$0xA070]  }
0x29b: {  	v62 =	vld [tilespmem:s25+$0xA0F0]  }
0x29c: {  	v63 =	vld [tilespmem:s25+$0xA170];
	_ =	sdelay $0x3  }
0x29d: {  	v15 =	vadd.f32 v58, v15;
	v24 =	vadd.f32 v60, v59  }
0x29e: {  	v25 =	vadd.f32 v62, v61;
	v26 =	vadd.f32 v63, v14;
	_ =	sdelay $0x1  }
0x29f: {  	s31 =	sshll.u32 s24, $0x2;
	v15 =	vadd.f32 v24, v15;
	v27 =	vadd.f32 v26, v25  }
0x2a0: {  	s28 =	sor.u32 $0x1, s31  }
0x2a1: {  	s29 =	smul.u32 $0xE00, s28;
	v15 =	vadd.f32 v27, v15;
	_ =	sdelay $0x1  }
0x2a2: {  	s30 =	sshra.s32 s29, $0x2;
	[tilespmem:s26+$0x10E70] =	vst v15  }
0x2a3: {  	v15 =	vld [tilespmem:s30+$0x9E00]  }
0x2a4: {  	v28 =	vld [tilespmem:s30+$0x9E80]  }
0x2a5: {  	v29 =	vld [tilespmem:s30+$0x9F00]  }
0x2a6: {  	v30 =	vld [tilespmem:s30+$0x9F80]  }
0x2a7: {  	v31 =	vld [tilespmem:s30+$0xA000]  }
0x2a8: {  	v32 =	vld [tilespmem:s30+$0xA080]  }
0x2a9: {  	v33 =	vld [tilespmem:s30+$0xA100];
	_ =	sdelay $0x3  }
0x2aa: {  	v15 =	vadd.f32 v28, v15;
	v34 =	vadd.f32 v30, v29  }
0x2ab: {  	v35 =	vadd.f32 v32, v31;
	v36 =	vadd.f32 v33, v7;
	_ =	sdelay $0x1  }
0x2ac: {  	v15 =	vadd.f32 v34, v15;
	v37 =	vadd.f32 v36, v35;
	_ =	sdelay $0x1  }
0x2ad: {  	s28 =	sshll.u32 s28, $0x7;
	v15 =	vadd.f32 v37, v15  }
0x2ae: {  	s28 =	sand.u32 $0x3FFFFE80, s28  }
0x2af: {  	[tilespmem:s28+$0x10E00] =	vst v15  }
0x2b0: {  	v15 =	vld [tilespmem:s30+$0x9E10]  }
0x2b1: {  	v38 =	vld [tilespmem:s30+$0x9E90]  }
0x2b2: {  	v39 =	vld [tilespmem:s30+$0x9F10]  }
0x2b3: {  	v40 =	vld [tilespmem:s30+$0x9F90]  }
0x2b4: {  	v41 =	vld [tilespmem:s30+$0xA010]  }
0x2b5: {  	v42 =	vld [tilespmem:s30+$0xA090]  }
0x2b6: {  	v43 =	vld [tilespmem:s30+$0xA110];
	_ =	sdelay $0x3  }
0x2b7: {  	v15 =	vadd.f32 v38, v15;
	v44 =	vadd.f32 v40, v39  }
0x2b8: {  	v45 =	vadd.f32 v42, v41;
	v46 =	vadd.f32 v43, v8;
	_ =	sdelay $0x1  }
0x2b9: {  	v15 =	vadd.f32 v44, v15;
	v47 =	vadd.f32 v46, v45;
	_ =	sdelay $0x1  }
0x2ba: {  	v15 =	vadd.f32 v47, v15;
	_ =	sdelay $0x1  }
0x2bb: {  	[tilespmem:s28+$0x10E10] =	vst v15  }
0x2bc: {  	v15 =	vld [tilespmem:s30+$0x9E20]  }
0x2bd: {  	v48 =	vld [tilespmem:s30+$0x9EA0]  }
0x2be: {  	v49 =	vld [tilespmem:s30+$0x9F20]  }
0x2bf: {  	v50 =	vld [tilespmem:s30+$0x9FA0]  }
0x2c0: {  	v51 =	vld [tilespmem:s30+$0xA020]  }
0x2c1: {  	v52 =	vld [tilespmem:s30+$0xA0A0]  }
0x2c2: {  	v53 =	vld [tilespmem:s30+$0xA120];
	_ =	sdelay $0x3  }
0x2c3: {  	v15 =	vadd.f32 v48, v15;
	v54 =	vadd.f32 v50, v49  }
0x2c4: {  	v55 =	vadd.f32 v52, v51;
	v56 =	vadd.f32 v53, v9;
	_ =	sdelay $0x1  }
0x2c5: {  	v15 =	vadd.f32 v54, v15;
	v57 =	vadd.f32 v56, v55;
	_ =	sdelay $0x1  }
0x2c6: {  	v15 =	vadd.f32 v57, v15;
	_ =	sdelay $0x1  }
0x2c7: {  	[tilespmem:s28+$0x10E20] =	vst v15  }
0x2c8: {  	v15 =	vld [tilespmem:s30+$0x9E30]  }
0x2c9: {  	v58 =	vld [tilespmem:s30+$0x9EB0]  }
0x2ca: {  	v59 =	vld [tilespmem:s30+$0x9F30]  }
0x2cb: {  	v60 =	vld [tilespmem:s30+$0x9FB0]  }
0x2cc: {  	v61 =	vld [tilespmem:s30+$0xA030]  }
0x2cd: {  	v62 =	vld [tilespmem:s30+$0xA0B0]  }
0x2ce: {  	v63 =	vld [tilespmem:s30+$0xA130];
	_ =	sdelay $0x3  }
0x2cf: {  	v15 =	vadd.f32 v58, v15;
	v24 =	vadd.f32 v60, v59  }
0x2d0: {  	v25 =	vadd.f32 v62, v61;
	v26 =	vadd.f32 v63, v10;
	_ =	sdelay $0x1  }
0x2d1: {  	v15 =	vadd.f32 v24, v15;
	v27 =	vadd.f32 v26, v25;
	_ =	sdelay $0x1  }
0x2d2: {  	v15 =	vadd.f32 v27, v15;
	_ =	sdelay $0x1  }
0x2d3: {  	[tilespmem:s28+$0x10E30] =	vst v15  }
0x2d4: {  	v15 =	vld [tilespmem:s30+$0x9E40]  }
0x2d5: {  	v28 =	vld [tilespmem:s30+$0x9EC0]  }
0x2d6: {  	v29 =	vld [tilespmem:s30+$0x9F40]  }
0x2d7: {  	v30 =	vld [tilespmem:s30+$0x9FC0]  }
0x2d8: {  	v31 =	vld [tilespmem:s30+$0xA040]  }
0x2d9: {  	v32 =	vld [tilespmem:s30+$0xA0C0]  }
0x2da: {  	v33 =	vld [tilespmem:s30+$0xA140];
	_ =	sdelay $0x3  }
0x2db: {  	v15 =	vadd.f32 v28, v15;
	v34 =	vadd.f32 v30, v29  }
0x2dc: {  	v35 =	vadd.f32 v32, v31;
	v36 =	vadd.f32 v33, v11;
	_ =	sdelay $0x1  }
0x2dd: {  	v15 =	vadd.f32 v34, v15;
	v37 =	vadd.f32 v36, v35;
	_ =	sdelay $0x1  }
0x2de: {  	v15 =	vadd.f32 v37, v15;
	_ =	sdelay $0x1  }
0x2df: {  	[tilespmem:s28+$0x10E40] =	vst v15  }
0x2e0: {  	v15 =	vld [tilespmem:s30+$0x9E50]  }
0x2e1: {  	v38 =	vld [tilespmem:s30+$0x9ED0]  }
0x2e2: {  	v39 =	vld [tilespmem:s30+$0x9F50]  }
0x2e3: {  	v40 =	vld [tilespmem:s30+$0x9FD0]  }
0x2e4: {  	v41 =	vld [tilespmem:s30+$0xA050]  }
0x2e5: {  	v42 =	vld [tilespmem:s30+$0xA0D0]  }
0x2e6: {  	v43 =	vld [tilespmem:s30+$0xA150];
	_ =	sdelay $0x3  }
0x2e7: {  	v15 =	vadd.f32 v38, v15;
	v44 =	vadd.f32 v40, v39  }
0x2e8: {  	v45 =	vadd.f32 v42, v41;
	v46 =	vadd.f32 v43, v12;
	_ =	sdelay $0x1  }
0x2e9: {  	v15 =	vadd.f32 v44, v15;
	v47 =	vadd.f32 v46, v45;
	_ =	sdelay $0x1  }
0x2ea: {  	v15 =	vadd.f32 v47, v15;
	_ =	sdelay $0x1  }
0x2eb: {  	[tilespmem:s28+$0x10E50] =	vst v15  }
0x2ec: {  	v15 =	vld [tilespmem:s30+$0x9E60]  }
0x2ed: {  	v48 =	vld [tilespmem:s30+$0x9EE0]  }
0x2ee: {  	v49 =	vld [tilespmem:s30+$0x9F60]  }
0x2ef: {  	v50 =	vld [tilespmem:s30+$0x9FE0]  }
0x2f0: {  	v51 =	vld [tilespmem:s30+$0xA060]  }
0x2f1: {  	v52 =	vld [tilespmem:s30+$0xA0E0]  }
0x2f2: {  	v53 =	vld [tilespmem:s30+$0xA160];
	_ =	sdelay $0x3  }
0x2f3: {  	v15 =	vadd.f32 v48, v15;
	v54 =	vadd.f32 v50, v49  }
0x2f4: {  	v55 =	vadd.f32 v52, v51;
	v56 =	vadd.f32 v53, v13;
	_ =	sdelay $0x1  }
0x2f5: {  	v15 =	vadd.f32 v54, v15;
	v57 =	vadd.f32 v56, v55;
	_ =	sdelay $0x1  }
0x2f6: {  	v15 =	vadd.f32 v57, v15;
	_ =	sdelay $0x1  }
0x2f7: {  	[tilespmem:s28+$0x10E60] =	vst v15  }
0x2f8: {  	v15 =	vld [tilespmem:s30+$0x9E70]  }
0x2f9: {  	v58 =	vld [tilespmem:s30+$0x9EF0]  }
0x2fa: {  	v59 =	vld [tilespmem:s30+$0x9F70]  }
0x2fb: {  	v60 =	vld [tilespmem:s30+$0x9FF0]  }
0x2fc: {  	v61 =	vld [tilespmem:s30+$0xA070]  }
0x2fd: {  	v62 =	vld [tilespmem:s30+$0xA0F0]  }
0x2fe: {  	v63 =	vld [tilespmem:s30+$0xA170];
	_ =	sdelay $0x3  }
0x2ff: {  	v15 =	vadd.f32 v58, v15;
	v24 =	vadd.f32 v60, v59  }
0x300: {  	v25 =	vadd.f32 v62, v61;
	v26 =	vadd.f32 v63, v14;
	_ =	sdelay $0x1  }
0x301: {  	v15 =	vadd.f32 v24, v15;
	v27 =	vadd.f32 v26, v25  }
0x302: {  	s31 =	sor.u32 $0x2, s31  }
0x303: {  	s25 =	smul.u32 $0xE00, s31;
	v15 =	vadd.f32 v27, v15;
	_ =	sdelay $0x1  }
0x304: {  	s25 =	sshra.s32 s25, $0x2;
	[tilespmem:s28+$0x10E70] =	vst v15  }
0x305: {  	v15 =	vld [tilespmem:s25+$0x9E00]  }
0x306: {  	v28 =	vld [tilespmem:s25+$0x9E80]  }
0x307: {  	v29 =	vld [tilespmem:s25+$0x9F00]  }
0x308: {  	v30 =	vld [tilespmem:s25+$0x9F80]  }
0x309: {  	v31 =	vld [tilespmem:s25+$0xA000]  }
0x30a: {  	v32 =	vld [tilespmem:s25+$0xA080]  }
0x30b: {  	v33 =	vld [tilespmem:s25+$0xA100];
	_ =	sdelay $0x3  }
0x30c: {  	v15 =	vadd.f32 v28, v15;
	v34 =	vadd.f32 v30, v29  }
0x30d: {  	v35 =	vadd.f32 v32, v31;
	v36 =	vadd.f32 v33, v7;
	_ =	sdelay $0x1  }
0x30e: {  	v15 =	vadd.f32 v34, v15;
	v37 =	vadd.f32 v36, v35;
	_ =	sdelay $0x1  }
0x30f: {  	s26 =	sshll.u32 s31, $0x7;
	v15 =	vadd.f32 v37, v15  }
0x310: {  	s26 =	sand.u32 $0x3FFFFF00, s26  }
0x311: {  	[tilespmem:s26+$0x10E00] =	vst v15  }
0x312: {  	v15 =	vld [tilespmem:s25+$0x9E10]  }
0x313: {  	v38 =	vld [tilespmem:s25+$0x9E90]  }
0x314: {  	v39 =	vld [tilespmem:s25+$0x9F10]  }
0x315: {  	v40 =	vld [tilespmem:s25+$0x9F90]  }
0x316: {  	v41 =	vld [tilespmem:s25+$0xA010]  }
0x317: {  	v42 =	vld [tilespmem:s25+$0xA090]  }
0x318: {  	v43 =	vld [tilespmem:s25+$0xA110];
	_ =	sdelay $0x3  }
0x319: {  	v15 =	vadd.f32 v38, v15;
	v44 =	vadd.f32 v40, v39  }
0x31a: {  	v45 =	vadd.f32 v42, v41;
	v46 =	vadd.f32 v43, v8;
	_ =	sdelay $0x1  }
0x31b: {  	v15 =	vadd.f32 v44, v15;
	v47 =	vadd.f32 v46, v45;
	_ =	sdelay $0x1  }
0x31c: {  	v15 =	vadd.f32 v47, v15;
	_ =	sdelay $0x1  }
0x31d: {  	[tilespmem:s26+$0x10E10] =	vst v15  }
0x31e: {  	v15 =	vld [tilespmem:s25+$0x9E20]  }
0x31f: {  	v48 =	vld [tilespmem:s25+$0x9EA0]  }
0x320: {  	v49 =	vld [tilespmem:s25+$0x9F20]  }
0x321: {  	v50 =	vld [tilespmem:s25+$0x9FA0]  }
0x322: {  	v51 =	vld [tilespmem:s25+$0xA020]  }
0x323: {  	v52 =	vld [tilespmem:s25+$0xA0A0]  }
0x324: {  	v53 =	vld [tilespmem:s25+$0xA120];
	_ =	sdelay $0x3  }
0x325: {  	v15 =	vadd.f32 v48, v15;
	v54 =	vadd.f32 v50, v49  }
0x326: {  	v55 =	vadd.f32 v52, v51;
	v56 =	vadd.f32 v53, v9;
	_ =	sdelay $0x1  }
0x327: {  	v15 =	vadd.f32 v54, v15;
	v57 =	vadd.f32 v56, v55;
	_ =	sdelay $0x1  }
0x328: {  	v15 =	vadd.f32 v57, v15;
	_ =	sdelay $0x1  }
0x329: {  	[tilespmem:s26+$0x10E20] =	vst v15  }
0x32a: {  	v15 =	vld [tilespmem:s25+$0x9E30]  }
0x32b: {  	v58 =	vld [tilespmem:s25+$0x9EB0]  }
0x32c: {  	v59 =	vld [tilespmem:s25+$0x9F30]  }
0x32d: {  	v60 =	vld [tilespmem:s25+$0x9FB0]  }
0x32e: {  	v61 =	vld [tilespmem:s25+$0xA030]  }
0x32f: {  	v62 =	vld [tilespmem:s25+$0xA0B0]  }
0x330: {  	v63 =	vld [tilespmem:s25+$0xA130];
	_ =	sdelay $0x3  }
0x331: {  	v15 =	vadd.f32 v58, v15;
	v24 =	vadd.f32 v60, v59  }
0x332: {  	v25 =	vadd.f32 v62, v61;
	v26 =	vadd.f32 v63, v10;
	_ =	sdelay $0x1  }
0x333: {  	v15 =	vadd.f32 v24, v15;
	v27 =	vadd.f32 v26, v25;
	_ =	sdelay $0x1  }
0x334: {  	v15 =	vadd.f32 v27, v15;
	_ =	sdelay $0x1  }
0x335: {  	[tilespmem:s26+$0x10E30] =	vst v15  }
0x336: {  	v15 =	vld [tilespmem:s25+$0x9E40]  }
0x337: {  	v28 =	vld [tilespmem:s25+$0x9EC0]  }
0x338: {  	v29 =	vld [tilespmem:s25+$0x9F40]  }
0x339: {  	v30 =	vld [tilespmem:s25+$0x9FC0]  }
0x33a: {  	v31 =	vld [tilespmem:s25+$0xA040]  }
0x33b: {  	v32 =	vld [tilespmem:s25+$0xA0C0]  }
0x33c: {  	v33 =	vld [tilespmem:s25+$0xA140];
	_ =	sdelay $0x3  }
0x33d: {  	v15 =	vadd.f32 v28, v15;
	v34 =	vadd.f32 v30, v29  }
0x33e: {  	v35 =	vadd.f32 v32, v31;
	v36 =	vadd.f32 v33, v11;
	_ =	sdelay $0x1  }
0x33f: {  	v15 =	vadd.f32 v34, v15;
	v37 =	vadd.f32 v36, v35;
	_ =	sdelay $0x1  }
0x340: {  	v15 =	vadd.f32 v37, v15;
	_ =	sdelay $0x1  }
0x341: {  	[tilespmem:s26+$0x10E40] =	vst v15  }
0x342: {  	v15 =	vld [tilespmem:s25+$0x9E50]  }
0x343: {  	v38 =	vld [tilespmem:s25+$0x9ED0]  }
0x344: {  	v39 =	vld [tilespmem:s25+$0x9F50]  }
0x345: {  	v40 =	vld [tilespmem:s25+$0x9FD0]  }
0x346: {  	v41 =	vld [tilespmem:s25+$0xA050]  }
0x347: {  	v42 =	vld [tilespmem:s25+$0xA0D0]  }
0x348: {  	v43 =	vld [tilespmem:s25+$0xA150];
	_ =	sdelay $0x3  }
0x349: {  	v15 =	vadd.f32 v38, v15;
	v44 =	vadd.f32 v40, v39  }
0x34a: {  	v45 =	vadd.f32 v42, v41;
	v46 =	vadd.f32 v43, v12;
	_ =	sdelay $0x1  }
0x34b: {  	v15 =	vadd.f32 v44, v15;
	v47 =	vadd.f32 v46, v45;
	_ =	sdelay $0x1  }
0x34c: {  	v15 =	vadd.f32 v47, v15;
	_ =	sdelay $0x1  }
0x34d: {  	[tilespmem:s26+$0x10E50] =	vst v15  }
0x34e: {  	v15 =	vld [tilespmem:s25+$0x9E60]  }
0x34f: {  	v48 =	vld [tilespmem:s25+$0x9EE0]  }
0x350: {  	v49 =	vld [tilespmem:s25+$0x9F60]  }
0x351: {  	v50 =	vld [tilespmem:s25+$0x9FE0]  }
0x352: {  	v51 =	vld [tilespmem:s25+$0xA060]  }
0x353: {  	v52 =	vld [tilespmem:s25+$0xA0E0]  }
0x354: {  	v53 =	vld [tilespmem:s25+$0xA160];
	_ =	sdelay $0x3  }
0x355: {  	v15 =	vadd.f32 v48, v15;
	v54 =	vadd.f32 v50, v49  }
0x356: {  	v55 =	vadd.f32 v52, v51;
	v56 =	vadd.f32 v53, v13;
	_ =	sdelay $0x1  }
0x357: {  	v15 =	vadd.f32 v54, v15;
	v57 =	vadd.f32 v56, v55;
	_ =	sdelay $0x1  }
0x358: {  	v15 =	vadd.f32 v57, v15;
	_ =	sdelay $0x1  }
0x359: {  	[tilespmem:s26+$0x10E60] =	vst v15  }
0x35a: {  	v15 =	vld [tilespmem:s25+$0x9E70]  }
0x35b: {  	v58 =	vld [tilespmem:s25+$0x9EF0]  }
0x35c: {  	v59 =	vld [tilespmem:s25+$0x9F70]  }
0x35d: {  	v60 =	vld [tilespmem:s25+$0x9FF0]  }
0x35e: {  	v61 =	vld [tilespmem:s25+$0xA070]  }
0x35f: {  	v62 =	vld [tilespmem:s25+$0xA0F0]  }
0x360: {  	v63 =	vld [tilespmem:s25+$0xA170];
	_ =	sdelay $0x3  }
0x361: {  	v15 =	vadd.f32 v58, v15;
	v22 =	vadd.f32 v60, v59  }
0x362: {  	v23 =	vadd.f32 v62, v61;
	v24 =	vadd.f32 v63, v14;
	_ =	sdelay $0x1  }
0x363: {  	v15 =	vadd.f32 v22, v15;
	v25 =	vadd.f32 v24, v23  }
0x364: {  	s29 =	sshllo.u32 s24, $0x2  }
0x365: {  	s30 =	smul.u32 $0xE00, s29;
	v15 =	vadd.f32 v25, v15;
	_ =	sdelay $0x1  }
0x366: {  	s25 =	sshra.s32 s30, $0x2;
	[tilespmem:s26+$0x10E70] =	vst v15  }
0x367: {  	v15 =	vld [tilespmem:s25+$0x9E00]  }
0x368: {  	v26 =	vld [tilespmem:s25+$0x9E80]  }
0x369: {  	v27 =	vld [tilespmem:s25+$0x9F00]  }
0x36a: {  	v28 =	vld [tilespmem:s25+$0x9F80]  }
0x36b: {  	v29 =	vld [tilespmem:s25+$0xA000]  }
0x36c: {  	v30 =	vld [tilespmem:s25+$0xA080]  }
0x36d: {  	v31 =	vld [tilespmem:s25+$0xA100];
	_ =	sdelay $0x3  }
0x36e: {  	v15 =	vadd.f32 v26, v15;
	v32 =	vadd.f32 v28, v27  }
0x36f: {  	v33 =	vadd.f32 v30, v29;
	v34 =	vadd.f32 v31, v7;
	_ =	sdelay $0x1  }
0x370: {  	v15 =	vadd.f32 v32, v15;
	v35 =	vadd.f32 v34, v33;
	_ =	sdelay $0x1  }
0x371: {  	s31 =	sshll.u32 s29, $0x7;
	v15 =	vadd.f32 v35, v15  }
0x372: {  	s26 =	sand.u32 $0x3FFFFF80, s31  }
0x373: {  	[tilespmem:s26+$0x10E00] =	vst v15  }
0x374: {  	v15 =	vld [tilespmem:s25+$0x9E10]  }
0x375: {  	v36 =	vld [tilespmem:s25+$0x9E90]  }
0x376: {  	v37 =	vld [tilespmem:s25+$0x9F10]  }
0x377: {  	v38 =	vld [tilespmem:s25+$0x9F90]  }
0x378: {  	v39 =	vld [tilespmem:s25+$0xA010]  }
0x379: {  	v40 =	vld [tilespmem:s25+$0xA090]  }
0x37a: {  	v41 =	vld [tilespmem:s25+$0xA110];
	_ =	sdelay $0x3  }
0x37b: {  	v15 =	vadd.f32 v36, v15;
	v42 =	vadd.f32 v38, v37  }
0x37c: {  	v43 =	vadd.f32 v40, v39;
	v44 =	vadd.f32 v41, v8;
	_ =	sdelay $0x1  }
0x37d: {  	v15 =	vadd.f32 v42, v15;
	v45 =	vadd.f32 v44, v43;
	_ =	sdelay $0x1  }
0x37e: {  	v15 =	vadd.f32 v45, v15;
	_ =	sdelay $0x1  }
0x37f: {  	[tilespmem:s26+$0x10E10] =	vst v15  }
0x380: {  	v15 =	vld [tilespmem:s25+$0x9E20]  }
0x381: {  	v46 =	vld [tilespmem:s25+$0x9EA0]  }
0x382: {  	v47 =	vld [tilespmem:s25+$0x9F20]  }
0x383: {  	v48 =	vld [tilespmem:s25+$0x9FA0]  }
0x384: {  	v49 =	vld [tilespmem:s25+$0xA020]  }
0x385: {  	v50 =	vld [tilespmem:s25+$0xA0A0]  }
0x386: {  	v51 =	vld [tilespmem:s25+$0xA120];
	_ =	sdelay $0x3  }
0x387: {  	v15 =	vadd.f32 v46, v15;
	v52 =	vadd.f32 v48, v47  }
0x388: {  	v53 =	vadd.f32 v50, v49;
	v54 =	vadd.f32 v51, v9;
	_ =	sdelay $0x1  }
0x389: {  	v15 =	vadd.f32 v52, v15;
	v55 =	vadd.f32 v54, v53;
	_ =	sdelay $0x1  }
0x38a: {  	v15 =	vadd.f32 v55, v15;
	_ =	sdelay $0x1  }
0x38b: {  	[tilespmem:s26+$0x10E20] =	vst v15  }
0x38c: {  	v15 =	vld [tilespmem:s25+$0x9E30]  }
0x38d: {  	v56 =	vld [tilespmem:s25+$0x9EB0]  }
0x38e: {  	v57 =	vld [tilespmem:s25+$0x9F30]  }
0x38f: {  	v58 =	vld [tilespmem:s25+$0x9FB0]  }
0x390: {  	v59 =	vld [tilespmem:s25+$0xA030]  }
0x391: {  	v60 =	vld [tilespmem:s25+$0xA0B0]  }
0x392: {  	v61 =	vld [tilespmem:s25+$0xA130];
	_ =	sdelay $0x3  }
0x393: {  	v15 =	vadd.f32 v56, v15;
	v62 =	vadd.f32 v58, v57  }
0x394: {  	v63 =	vadd.f32 v60, v59;
	v22 =	vadd.f32 v61, v10;
	_ =	sdelay $0x1  }
0x395: {  	v15 =	vadd.f32 v62, v15;
	v23 =	vadd.f32 v22, v63;
	_ =	sdelay $0x1  }
0x396: {  	v15 =	vadd.f32 v23, v15;
	_ =	sdelay $0x1  }
0x397: {  	[tilespmem:s26+$0x10E30] =	vst v15  }
0x398: {  	v15 =	vld [tilespmem:s25+$0x9E40]  }
0x399: {  	v24 =	vld [tilespmem:s25+$0x9EC0]  }
0x39a: {  	v25 =	vld [tilespmem:s25+$0x9F40]  }
0x39b: {  	v26 =	vld [tilespmem:s25+$0x9FC0]  }
0x39c: {  	v27 =	vld [tilespmem:s25+$0xA040]  }
0x39d: {  	v28 =	vld [tilespmem:s25+$0xA0C0]  }
0x39e: {  	v29 =	vld [tilespmem:s25+$0xA140];
	_ =	sdelay $0x3  }
0x39f: {  	v15 =	vadd.f32 v24, v15;
	v30 =	vadd.f32 v26, v25  }
0x3a0: {  	v31 =	vadd.f32 v28, v27;
	v32 =	vadd.f32 v29, v11;
	_ =	sdelay $0x1  }
0x3a1: {  	v15 =	vadd.f32 v30, v15;
	v33 =	vadd.f32 v32, v31;
	_ =	sdelay $0x1  }
0x3a2: {  	v15 =	vadd.f32 v33, v15;
	_ =	sdelay $0x1  }
0x3a3: {  	[tilespmem:s26+$0x10E40] =	vst v15  }
0x3a4: {  	v15 =	vld [tilespmem:s25+$0x9E50]  }
0x3a5: {  	v34 =	vld [tilespmem:s25+$0x9ED0]  }
0x3a6: {  	v35 =	vld [tilespmem:s25+$0x9F50]  }
0x3a7: {  	v36 =	vld [tilespmem:s25+$0x9FD0]  }
0x3a8: {  	v37 =	vld [tilespmem:s25+$0xA050]  }
0x3a9: {  	v38 =	vld [tilespmem:s25+$0xA0D0]  }
0x3aa: {  	v39 =	vld [tilespmem:s25+$0xA150];
	_ =	sdelay $0x3  }
0x3ab: {  	v15 =	vadd.f32 v34, v15;
	v40 =	vadd.f32 v36, v35  }
0x3ac: {  	v41 =	vadd.f32 v38, v37;
	v42 =	vadd.f32 v39, v12;
	_ =	sdelay $0x1  }
0x3ad: {  	v15 =	vadd.f32 v40, v15;
	v43 =	vadd.f32 v42, v41;
	_ =	sdelay $0x1  }
0x3ae: {  	v15 =	vadd.f32 v43, v15;
	_ =	sdelay $0x1  }
0x3af: {  	[tilespmem:s26+$0x10E50] =	vst v15  }
0x3b0: {  	v15 =	vld [tilespmem:s25+$0x9E60]  }
0x3b1: {  	v44 =	vld [tilespmem:s25+$0x9EE0]  }
0x3b2: {  	v45 =	vld [tilespmem:s25+$0x9F60]  }
0x3b3: {  	v46 =	vld [tilespmem:s25+$0x9FE0]  }
0x3b4: {  	v47 =	vld [tilespmem:s25+$0xA060]  }
0x3b5: {  	v48 =	vld [tilespmem:s25+$0xA0E0]  }
0x3b6: {  	v49 =	vld [tilespmem:s25+$0xA160];
	_ =	sdelay $0x3  }
0x3b7: {  	v15 =	vadd.f32 v44, v15;
	v50 =	vadd.f32 v46, v45  }
0x3b8: {  	v51 =	vadd.f32 v48, v47;
	v52 =	vadd.f32 v49, v13;
	_ =	sdelay $0x1  }
0x3b9: {  	v15 =	vadd.f32 v50, v15;
	v53 =	vadd.f32 v52, v51;
	_ =	sdelay $0x1  }
0x3ba: {  	v15 =	vadd.f32 v53, v15;
	_ =	sdelay $0x1  }
0x3bb: {  	[tilespmem:s26+$0x10E60] =	vst v15  }
0x3bc: {  	v15 =	vld [tilespmem:s25+$0x9E70]  }
0x3bd: {  	v54 =	vld [tilespmem:s25+$0x9EF0]  }
0x3be: {  	v55 =	vld [tilespmem:s25+$0x9F70]  }
0x3bf: {  	v56 =	vld [tilespmem:s25+$0x9FF0]  }
0x3c0: {  	v57 =	vld [tilespmem:s25+$0xA070]  }
0x3c1: {  	v58 =	vld [tilespmem:s25+$0xA0F0]  }
0x3c2: {  	v59 =	vld [tilespmem:s25+$0xA170];
	_ =	sdelay $0x3  }
0x3c3: {  	v15 =	vadd.f32 v54, v15;
	v60 =	vadd.f32 v56, v55  }
0x3c4: {  	v61 =	vadd.f32 v58, v57;
	v62 =	vadd.f32 v59, v14  }
0x3c5: {  	p0 =	sne.s32 s24, $0x7  }
.Ltmp1:
0x3c6: {  	v15 =	vadd.f32 v60, v15;
	v63 =	vadd.f32 v62, v61;
	(pc) =	sbr.rel @p0 .LBB2_5-.Ltmp1, $3  }
0x3c7: {  	_ = 	snop  }
0x3c8: {  	v15 =	vadd.f32 v63, v15;
	_ =	sdelay $0x1  }
0x3c9: {  	s24 =	sadd.s32 $0x1, s24;
	[tilespmem:s26+$0x10E70] =	vst v15  }
0x3ca: {  	s22 =	sadd.s32 $0x1, s22  }
0x3cb: {  	s23 =	sshll.u32 s23, $0x9;
	p0 =	sne.s32 s22, $0x19  }
.Ltmp2:
0x3cc: {  	s23 =	sadd.s32 s23, s6;
	(pc) =	sbr.rel @p0 .LBB2_2-.Ltmp2, $4  }
0x3cd: {  	[hbm4b:s23+s3] =	stream.linear.scatter [tilespmem:s20], [sflag:$0x2], $0x1000, $0x38;
	[tilespmem:$0x11E80] =	vst v63  }
0x3ce: {  	_ =	swait.ge [sflag:s8], $0x1000  }
0x3cf: {  	[sflag:s8] =	ssyncset.done $0x0  }
0x3d0: {  	[sflag:s8] =	ssyncadd.s32 $0xFFFFF000  }
0x3d1: {  	s21 =	sadd.s32 $0x1, s21  }
0x3d2: {  	p0 =	sne.s32 s21, s7  }
.Ltmp3:
0x3d3: {  	_ = 	snop;
	(pc) =	sbr.rel @p0 .LBB2_1-.Ltmp3, $1  }
0x3d4: {  	_ =	sdelay $0x3  }
0x3d5: {  	_ =	sfence.sel $0x180000  }
0x3d6: {  	[bflag:$0x0] =	sbarrier.arrive $0xFFFF  }
0x3d7: {  	p0 =	sne.s32 s0, $0x0;
	_ =	strace $0x90000047  }
0x3d8: {  	s0 =	sadd.s32 @!p0 $0x100000, s2;
	[bflag:$0x2] =	sbarrier.arrive $0xFFFF  }
0x3d9: {  	[sflag:s0] =	ssyncadd.tile.s32 @!p0 $0x1;
	_ =	shalt  }
.Lfunc_end2:
_tile_overlayer_lowered:
.L_overlay_start_2:
0x3da: {  	(tag) =	ssettag $0x2  }
0x3db: {  	s0 =	rddreg [dreg:$0x0];
	s2 =	stileid.u32  }
0x3dc: {  	s1 =	rddreg [dreg:$0x1];
	p0 =	sne.s32 s2, $0x0  }
0x3dd: {  	s3 =	rddreg [dreg:$0x2];
	[bflag:$0x3] =	sbarrier.arrive $0xFFFF;
	s2 =	simm.s32 @!p0 $0x1C02  }
0x3de: {  	[timem:s3], [sflag:s2] =	dma.local @!p0 [hbm:s0], s1  }
0x3df: {  	s0 =	simm.s32 @!p0 $0x2  }
0x3e0: {  	_ =	swait.ge @!p0 [sflag:s0], s1  }
0x3e1: {  	s1 =	ssub.s32 @!p0 $0x0, s1;
	[sflag:s0] =	ssyncset.done @!p0 $0x0  }
0x3e2: {  	[sflag:s0] =	ssyncadd.s32 @!p0 s1  }
0x3e3: {  	[bflag:$0x3] =	sbarrier.arrive $0xFFFF  }
0x3e4: {  	_ =	shalt  }

</sc_bundles>
